<compile_context>
chip_gen: v7x
topology: tpu7x:2x2x1
jax: 0.10.2.dev20260603
libtpu: 0.0.44.dev20260713+nightly
codegen_flags: <defaults>
</compile_context>

<pallas_src>
import functools

import jax
import jax.numpy as jnp
from jax import lax
from jax.experimental import pallas as pl
from jax.experimental.pallas import tpu as pltpu
from jax.experimental.pallas import tpu_sc as plsc

V = 1000000
D = 64
R = 16
B = 16384
L = 20

NC = 2
NS = 16
NW = NC * NS
LANES = 16

B_PER_W = B // NW
NB = 256
SB = B_PER_W // NB
NBLK = L * SB


def _adapter_tc_body(idx_ref, table_ref, wd_ref, bd_ref, wu_ref, bu_ref,
                     out_ref, h_ref, sem):
    cps = [
        pltpu.make_async_copy(
            table_ref.at[pl.ds(idx_ref[l], 1)], h_ref.at[pl.ds(l, 1)], sem)
        for l in range(L)
    ]
    for cp in cps:
        cp.start()
    for cp in cps:
        cp.wait()
    h = h_ref[...]
    mid = jnp.maximum(
        jnp.dot(h, wd_ref[...], preferred_element_type=jnp.float32)
        + bd_ref[...], 0.0)
    out_ref[...] = (
        h + jnp.dot(mid, wu_ref[...], preferred_element_type=jnp.float32)
        + bu_ref[...])


def _adapter_tc(idx0, table, W_down, b_down, W_up, b_up):
    return pl.pallas_call(
        _adapter_tc_body,
        out_shape=jax.ShapeDtypeStruct((L, D), jnp.float32),
        in_specs=[
            pl.BlockSpec(memory_space=pltpu.SMEM),
            pl.BlockSpec(memory_space=pltpu.MemorySpace.HBM),
            pl.BlockSpec(memory_space=pltpu.VMEM),
            pl.BlockSpec(memory_space=pltpu.VMEM),
            pl.BlockSpec(memory_space=pltpu.VMEM),
            pl.BlockSpec(memory_space=pltpu.VMEM),
        ],
        out_specs=pl.BlockSpec(memory_space=pltpu.VMEM),
        scratch_shapes=[
            pltpu.VMEM((L, D), jnp.float32),
            pltpu.SemaphoreType.DMA,
        ],
    )(idx0, table, W_down, b_down.reshape(1, R), W_up, b_up.reshape(1, D))


def _sc_gather_body(idxT_hbm, table_hbm, a2_hbm, out_hbm,
                    idx_all, rows_0, rows_1, t_0, t_1, a_v,
                    g0, g1, o0, o1):
    wid = lax.axis_index("s") * NC + lax.axis_index("c")
    b0 = wid * B_PER_W
    pltpu.sync_copy(a2_hbm, a_v)
    pltpu.sync_copy(idxT_hbm.at[:, pl.ds(b0, B_PER_W)], idx_all)
    iota = lax.iota(jnp.int32, LANES)
    diags = [(iota + k) & (LANES - 1) for k in range(LANES)]

    def fire(t, rows_ref, sem):
        l = t // SB
        off = (t - l * SB) * NB

        def fj(jg, c):
            j0 = jg * LANES
            ivec = idx_all[l, pl.ds(off + j0, LANES)]
            for i in range(LANES):
                pltpu.async_copy(
                    table_hbm.at[pl.ds(ivec[i], 1)],
                    rows_ref.at[pl.ds(j0 + i, 1)], sem)
            return c

        lax.fori_loop(0, NB // LANES, fj, 0)

    def wait_g(rows_ref, sem):
        pltpu.make_async_copy(
            table_hbm.at[pl.ds(0, NB)], rows_ref, sem).wait()

    def out_dst(t):
        l = t // SB
        sb = t - l * SB
        return out_hbm.at[l, :, pl.ds(b0 + sb * NB, NB)]

    def consume(t, rows_ref, t_ref):
        l = t // SB
        lvec = jnp.full((LANES,), l, jnp.int32)
        av = [[plsc.load_gather(a_v, [lvec, q * LANES + diags[k]])
               for k in range(LANES)] for q in range(D // LANES)]

        def tj(jg, c):
            j0 = jg * LANES
            rvec = iota + j0
            for q in range(D // LANES):
                for k in range(LANES):
                    dvec = q * LANES + diags[k]
                    val = plsc.load_gather(rows_ref, [rvec, dvec])
                    plsc.store_scatter(t_ref, [dvec, rvec], val + av[q][k])
            return c

        lax.fori_loop(0, NB // LANES, tj, 0)

    fire(0, rows_0, g0)

    def step(u, c):
        t0 = 2 * u
        t1 = t0 + 1
        fire(t1, rows_1, g1)
        wait_g(rows_0, g0)

        @pl.when(u > 0)
        def _():
            pltpu.make_async_copy(t_0, out_dst(t0 - 2), o0).wait()

        consume(t0, rows_0, t_0)
        pltpu.async_copy(t_0, out_dst(t0), o0)

        @pl.when(u < NBLK // 2 - 1)
        def _():
            fire(t0 + 2, rows_0, g0)

        wait_g(rows_1, g1)

        @pl.when(u > 0)
        def _():
            pltpu.make_async_copy(t_1, out_dst(t1 - 2), o1).wait()

        consume(t1, rows_1, t_1)
        pltpu.async_copy(t_1, out_dst(t1), o1)
        return c

    lax.fori_loop(0, NBLK // 2, step, 0)
    pltpu.make_async_copy(t_0, out_dst(NBLK - 2), o0).wait()
    pltpu.make_async_copy(t_1, out_dst(NBLK - 1), o1).wait()


_sc_gather = functools.partial(
    pl.kernel,
    mesh=plsc.VectorSubcoreMesh(core_axis_name="c", subcore_axis_name="s"),
    out_type=jax.ShapeDtypeStruct((L, D, B), jnp.float32),
    scratch_types=[
        pltpu.VMEM((L, B_PER_W), jnp.int32),
        pltpu.VMEM((NB, D), jnp.float32),
        pltpu.VMEM((NB, D), jnp.float32),
        pltpu.VMEM((D, NB), jnp.float32),
        pltpu.VMEM((D, NB), jnp.float32),
        pltpu.VMEM((L, D), jnp.float32),
        pltpu.SemaphoreType.DMA,
        pltpu.SemaphoreType.DMA,
        pltpu.SemaphoreType.DMA,
        pltpu.SemaphoreType.DMA,
    ],
    compiler_params=pltpu.CompilerParams(
        use_tc_tiling_on_sc=True, needs_layout_passes=False),
)(_sc_gather_body)


@jax.jit
def kernel(indices, table, W_down, b_down, W_up, b_up):
    a2 = _adapter_tc(indices[0], table, W_down, b_down, W_up, b_up)
    out3 = _sc_gather(indices.T, table, a2)
    return out3.transpose(2, 0, 1)

# --- scband reference (transcript-rebuilt; emitter-appended) ---
"""Pipeline reference for scband-embedding-adaptered-24326694764679 (READ-ONLY COPY).

The authoritative reference and input builder live on the scoring server;
editing this copy changes nothing except your own understanding.
"""

import jax, jax.numpy as jnp
import numpy as np

V = 1000000   # num_embeddings
D = 64        # embedding_dim
R = 16        # adapter bottleneck dim
B = 16384     # batch
L = 20        # hist_len


def setup_inputs(seed: int = 0) -> dict:
    key = jax.random.key(seed)
    k1, k2, k3, k4, k5 = jax.random.split(key, 5)
    indices = jax.random.randint(k1, (B, L), 0, V, dtype=jnp.int32)
    table = jax.random.normal(k2, (V, D), dtype=jnp.float32) * 0.02
    W_down = jax.random.normal(k3, (D, R), dtype=jnp.float32) * 0.02
    b_down = jnp.zeros((R,), dtype=jnp.float32)
    W_up = jax.random.normal(k4, (R, D), dtype=jnp.float32) * 0.02
    b_up = jnp.zeros((D,), dtype=jnp.float32)
    return {
        'indices': indices,
        'table': table,
        'W_down': W_down,
        'b_down': b_down,
        'W_up': W_up,
        'b_up': b_up,
    }


def _adapter(h, W_down, b_down, W_up, b_up):
    # bottleneck adapter with residual: h + up(relu(down(h)))
    mid = jax.nn.relu(jnp.einsum('bld,dr->blr', h, W_down) + b_down)
    return h + jnp.einsum('blr,rd->bld', mid, W_up) + b_up


def reference(indices, table, W_down, b_down, W_up, b_up):
    # embed_out = self.embed_layer(*x)  -> gather rows
    emb = jnp.take(table, indices, axis=0)                 # [B, L, D]
    # adapter applied to first batch element unsqueezed, then re-squeezed
    h = emb[0][None, :, :]                                 # [1, L, D]
    adapter_out = _adapter(h, W_down, b_down, W_up, b_up)[0]  # [L, D]
    # out = embed_out + adapter_out  (broadcast over batch)
    out = emb + adapter_out
    return out

if __name__ == "__main__":
    import jax
    _d = setup_inputs()
    print(jax.jit(kernel)(*tuple(_d.values())))

</pallas_src>

<mosaic_0001>
#map = affine_map<(d0, d1) -> (0, 0)>
#map1 = affine_map<(d0, d1) -> (0, 0, 0)>
module attributes {stable_mosaic.version = 14 : i64} {
  func.func @_sc_gather_body(%arg0: i32, %arg1: i32, %arg2: memref<20x16384xi32, #tpu.memory_space<hbm>>, %arg3: memref<1000000x64xf32, #tpu.memory_space<hbm>>, %arg4: memref<20x64xf32, #tpu.memory_space<hbm>>, %arg5: memref<20x64x16384xf32, #tpu.memory_space<hbm>>, %arg6: memref<20x512xi32, #tpu.memory_space<vmem>>, %arg7: memref<256x64xf32, #tpu.memory_space<vmem>>, %arg8: memref<256x64xf32, #tpu.memory_space<vmem>>, %arg9: memref<64x256xf32, #tpu.memory_space<vmem>>, %arg10: memref<64x256xf32, #tpu.memory_space<vmem>>, %arg11: memref<20x64xf32, #tpu.memory_space<vmem>>, %arg12: memref<!tpu.dma_semaphore, #tpu.memory_space<semaphore_mem>>, %arg13: memref<!tpu.dma_semaphore, #tpu.memory_space<semaphore_mem>>, %arg14: memref<!tpu.dma_semaphore, #tpu.memory_space<semaphore_mem>>, %arg15: memref<!tpu.dma_semaphore, #tpu.memory_space<semaphore_mem>>) attributes {dimension_semantics = [#tpu.dimension_semantics<core_parallel>, #tpu.dimension_semantics<subcore_parallel>], iteration_bounds = array<i64: 2, 16>, scalar_prefetch = 0 : i64, scratch_operands = 10 : i64, tpu.core_type = #tpu.core_type<sc_vector_subcore>, window_params = [{transform_indices = #map}, {transform_indices = #map}, {transform_indices = #map}, {transform_indices = #map1}]} {
    %mul3A = arith.constant 2 : i32
    %mul3A_0 = arith.muli %arg1, %mul3A : i32
    %add3A = arith.addi %mul3A_0, %arg0 : i32
    %mul3A_1 = arith.constant 512 : i32
    %mul3A_2 = arith.muli %add3A, %mul3A_1 : i32
    "tpu.region"() ({
      %run_scoped3A = tpu.sem_alloc : memref<!tpu.dma_semaphore, #tpu.memory_space<semaphore_mem>>
      tpu.enqueue_dma source(%arg4 : memref<20x64xf32, #tpu.memory_space<hbm>>) target(%arg11 : memref<20x64xf32, #tpu.memory_space<vmem>>) target_semaphore(%run_scoped3A : memref<!tpu.dma_semaphore, #tpu.memory_space<semaphore_mem>>)
      tpu.wait_dma2 semaphore(%run_scoped3A : memref<!tpu.dma_semaphore, #tpu.memory_space<semaphore_mem>>) src(%arg4 : memref<20x64xf32, #tpu.memory_space<hbm>>) dst(%arg11 : memref<20x64xf32, #tpu.memory_space<vmem>>)
      tpu.yield
    }) : () -> ()
    "tpu.region"() ({
      %run_scoped3A = tpu.sem_alloc : memref<!tpu.dma_semaphore, #tpu.memory_space<semaphore_mem>>
      %dma_start3A = arith.constant 0 : i32
      %dma_start3A_126 = tpu.memref_slice %arg2[%dma_start3A, %mul3A_2] : memref<20x16384xi32, #tpu.memory_space<hbm>> -> memref<20x512xi32, #tpu.memory_space<hbm>>
      %dma_start3A_127 = arith.constant 0 : i32
      %dma_start3A_128 = tpu.memref_slice %arg2[%dma_start3A_127, %mul3A_2] : memref<20x16384xi32, #tpu.memory_space<hbm>> -> memref<20x512xi32, #tpu.memory_space<hbm>>
      tpu.enqueue_dma source(%dma_start3A_128 : memref<20x512xi32, #tpu.memory_space<hbm>>) target(%arg6 : memref<20x512xi32, #tpu.memory_space<vmem>>) target_semaphore(%run_scoped3A : memref<!tpu.dma_semaphore, #tpu.memory_space<semaphore_mem>>)
      %dma_wait3A_129 = arith.constant 0 : i32
      %dma_wait3A_130 = tpu.memref_slice %arg2[%dma_wait3A_129, %mul3A_2] : memref<20x16384xi32, #tpu.memory_space<hbm>> -> memref<20x512xi32, #tpu.memory_space<hbm>>
      %dma_wait3A_131 = arith.constant 0 : i32
      %dma_wait3A_132 = tpu.memref_slice %arg2[%dma_wait3A_131, %mul3A_2] : memref<20x16384xi32, #tpu.memory_space<hbm>> -> memref<20x512xi32, #tpu.memory_space<hbm>>
      tpu.wait_dma2 semaphore(%run_scoped3A : memref<!tpu.dma_semaphore, #tpu.memory_space<semaphore_mem>>) src(%dma_wait3A_132 : memref<20x512xi32, #tpu.memory_space<hbm>>) dst(%arg6 : memref<20x512xi32, #tpu.memory_space<vmem>>)
      tpu.yield
    }) : () -> ()
    %iota3A = tpu.iota {dimensions = array<i32: 0>} : vector<16xi32>
    %add3A_3 = arith.constant 0 : i32
    %add3A_4 = vector.broadcast %add3A_3 : i32 to vector<16xi32>
    %add3A_5 = arith.addi %iota3A, %add3A_4 : vector<16xi32>
    %and3A = arith.constant 15 : i32
    %and3A_6 = vector.broadcast %and3A : i32 to vector<16xi32>
    %and3A_7 = arith.andi %add3A_5, %and3A_6 : vector<16xi32>
    %add3A_8 = arith.constant 1 : i32
    %add3A_9 = vector.broadcast %add3A_8 : i32 to vector<16xi32>
    %add3A_10 = arith.addi %iota3A, %add3A_9 : vector<16xi32>
    %and3A_11 = arith.constant 15 : i32
    %and3A_12 = vector.broadcast %and3A_11 : i32 to vector<16xi32>
    %and3A_13 = arith.andi %add3A_10, %and3A_12 : vector<16xi32>
    %add3A_14 = arith.constant 2 : i32
    %add3A_15 = vector.broadcast %add3A_14 : i32 to vector<16xi32>
    %add3A_16 = arith.addi %iota3A, %add3A_15 : vector<16xi32>
    %and3A_17 = arith.constant 15 : i32
    %and3A_18 = vector.broadcast %and3A_17 : i32 to vector<16xi32>
    %and3A_19 = arith.andi %add3A_16, %and3A_18 : vector<16xi32>
    %add3A_20 = arith.constant 3 : i32
    %add3A_21 = vector.broadcast %add3A_20 : i32 to vector<16xi32>
    %add3A_22 = arith.addi %iota3A, %add3A_21 : vector<16xi32>
    %and3A_23 = arith.constant 15 : i32
    %and3A_24 = vector.broadcast %and3A_23 : i32 to vector<16xi32>
    %and3A_25 = arith.andi %add3A_22, %and3A_24 : vector<16xi32>
    %add3A_26 = arith.constant 4 : i32
    %add3A_27 = vector.broadcast %add3A_26 : i32 to vector<16xi32>
    %add3A_28 = arith.addi %iota3A, %add3A_27 : vector<16xi32>
    %and3A_29 = arith.constant 15 : i32
    %and3A_30 = vector.broadcast %and3A_29 : i32 to vector<16xi32>
    %and3A_31 = arith.andi %add3A_28, %and3A_30 : vector<16xi32>
    %add3A_32 = arith.constant 5 : i32
    %add3A_33 = vector.broadcast %add3A_32 : i32 to vector<16xi32>
    %add3A_34 = arith.addi %iota3A, %add3A_33 : vector<16xi32>
    %and3A_35 = arith.constant 15 : i32
    %and3A_36 = vector.broadcast %and3A_35 : i32 to vector<16xi32>
    %and3A_37 = arith.andi %add3A_34, %and3A_36 : vector<16xi32>
    %add3A_38 = arith.constant 6 : i32
    %add3A_39 = vector.broadcast %add3A_38 : i32 to vector<16xi32>
    %add3A_40 = arith.addi %iota3A, %add3A_39 : vector<16xi32>
    %and3A_41 = arith.constant 15 : i32
    %and3A_42 = vector.broadcast %and3A_41 : i32 to vector<16xi32>
    %and3A_43 = arith.andi %add3A_40, %and3A_42 : vector<16xi32>
    %add3A_44 = arith.constant 7 : i32
    %add3A_45 = vector.broadcast %add3A_44 : i32 to vector<16xi32>
    %add3A_46 = arith.addi %iota3A, %add3A_45 : vector<16xi32>
    %and3A_47 = arith.constant 15 : i32
    %and3A_48 = vector.broadcast %and3A_47 : i32 to vector<16xi32>
    %and3A_49 = arith.andi %add3A_46, %and3A_48 : vector<16xi32>
    %add3A_50 = arith.constant 8 : i32
    %add3A_51 = vector.broadcast %add3A_50 : i32 to vector<16xi32>
    %add3A_52 = arith.addi %iota3A, %add3A_51 : vector<16xi32>
    %and3A_53 = arith.constant 15 : i32
    %and3A_54 = vector.broadcast %and3A_53 : i32 to vector<16xi32>
    %and3A_55 = arith.andi %add3A_52, %and3A_54 : vector<16xi32>
    %add3A_56 = arith.constant 9 : i32
    %add3A_57 = vector.broadcast %add3A_56 : i32 to vector<16xi32>
    %add3A_58 = arith.addi %iota3A, %add3A_57 : vector<16xi32>
    %and3A_59 = arith.constant 15 : i32
    %and3A_60 = vector.broadcast %and3A_59 : i32 to vector<16xi32>
    %and3A_61 = arith.andi %add3A_58, %and3A_60 : vector<16xi32>
    %add3A_62 = arith.constant 10 : i32
    %add3A_63 = vector.broadcast %add3A_62 : i32 to vector<16xi32>
    %add3A_64 = arith.addi %iota3A, %add3A_63 : vector<16xi32>
    %and3A_65 = arith.constant 15 : i32
    %and3A_66 = vector.broadcast %and3A_65 : i32 to vector<16xi32>
    %and3A_67 = arith.andi %add3A_64, %and3A_66 : vector<16xi32>
    %add3A_68 = arith.constant 11 : i32
    %add3A_69 = vector.broadcast %add3A_68 : i32 to vector<16xi32>
    %add3A_70 = arith.addi %iota3A, %add3A_69 : vector<16xi32>
    %and3A_71 = arith.constant 15 : i32
    %and3A_72 = vector.broadcast %and3A_71 : i32 to vector<16xi32>
    %and3A_73 = arith.andi %add3A_70, %and3A_72 : vector<16xi32>
    %add3A_74 = arith.constant 12 : i32
    %add3A_75 = vector.broadcast %add3A_74 : i32 to vector<16xi32>
    %add3A_76 = arith.addi %iota3A, %add3A_75 : vector<16xi32>
    %and3A_77 = arith.constant 15 : i32
    %and3A_78 = vector.broadcast %and3A_77 : i32 to vector<16xi32>
    %and3A_79 = arith.andi %add3A_76, %and3A_78 : vector<16xi32>
    %add3A_80 = arith.constant 13 : i32
    %add3A_81 = vector.broadcast %add3A_80 : i32 to vector<16xi32>
    %add3A_82 = arith.addi %iota3A, %add3A_81 : vector<16xi32>
    %and3A_83 = arith.constant 15 : i32
    %and3A_84 = vector.broadcast %and3A_83 : i32 to vector<16xi32>
    %and3A_85 = arith.andi %add3A_82, %and3A_84 : vector<16xi32>
    %add3A_86 = arith.constant 14 : i32
    %add3A_87 = vector.broadcast %add3A_86 : i32 to vector<16xi32>
    %add3A_88 = arith.addi %iota3A, %add3A_87 : vector<16xi32>
    %and3A_89 = arith.constant 15 : i32
    %and3A_90 = vector.broadcast %and3A_89 : i32 to vector<16xi32>
    %and3A_91 = arith.andi %add3A_88, %and3A_90 : vector<16xi32>
    %add3A_92 = arith.constant 15 : i32
    %add3A_93 = vector.broadcast %add3A_92 : i32 to vector<16xi32>
    %add3A_94 = arith.addi %iota3A, %add3A_93 : vector<16xi32>
    %and3A_95 = arith.constant 15 : i32
    %and3A_96 = vector.broadcast %and3A_95 : i32 to vector<16xi32>
    %and3A_97 = arith.andi %add3A_94, %and3A_96 : vector<16xi32>
    %scan3A = arith.constant 0 : i32
    %scan3A_98 = arith.constant 0 : i32
    %scan3A_99 = arith.constant 16 : i32
    %scan3A_100 = arith.addi %scan3A_98, %scan3A_99 : i32
    %scan3A_101 = arith.constant 1 : i32
    scf.for %scan3A_126 = %scan3A_98 to %scan3A_100 step %scan3A_101  : i32 {
      %mul3A_127 = arith.constant 16 : i32
      %mul3A_128 = arith.muli %scan3A_126, %mul3A_127 : i32
      %add3A_129 = arith.constant 0 : i32
      %add3A_130 = arith.addi %add3A_129, %mul3A_128 : i32
      %get3A = arith.constant 0 : i32
      %get3A_131 = arith.index_cast %get3A : i32 to index
      %get3A_132 = arith.index_cast %add3A_130 : i32 to index
      %get3A_133 = tpu.vector_load %arg6[%get3A_131, %get3A_132] {strides = array<i32>} : memref<20x512xi32, #tpu.memory_space<vmem>>, vector<16xi32>,
      %slice3A = vector.extract_strided_slice %get3A_133 {offsets = [0], sizes = [1], strides = [1]} : vector<16xi32> to vector<1xi32>
      %squeeze3A = vector.extract %slice3A[0] : i32 from vector<1xi32>
      %add3A_134 = arith.constant 0 : i32
      %add3A_135 = arith.addi %mul3A_128, %add3A_134 : i32
      %dma_start3A = arith.constant 0 : i32
      %dma_start3A_136 = tpu.memref_slice %arg7[%add3A_135, %dma_start3A] : memref<256x64xf32, #tpu.memory_space<vmem>> -> memref<1x64xf32, #tpu.memory_space<vmem>>
      %dma_start3A_137 = arith.constant 0 : i32
      %dma_start3A_138 = tpu.memref_slice %arg3[%squeeze3A, %dma_start3A_137] : memref<1000000x64xf32, #tpu.memory_space<hbm>> -> memref<1x64xf32, #tpu.memory_space<hbm>>
      %dma_start3A_139 = arith.constant 0 : i32
      %dma_start3A_140 = tpu.memref_slice %arg7[%add3A_135, %dma_start3A_139] : memref<256x64xf32, #tpu.memory_space<vmem>> -> memref<1x64xf32, #tpu.memory_space<vmem>>
      %dma_start3A_141 = arith.constant 0 : i32
      %dma_start3A_142 = tpu.memref_slice %arg3[%squeeze3A, %dma_start3A_141] : memref<1000000x64xf32, #tpu.memory_space<hbm>> -> memref<1x64xf32, #tpu.memory_space<hbm>>
      tpu.enqueue_dma source(%dma_start3A_142 : memref<1x64xf32, #tpu.memory_space<hbm>>) target(%dma_start3A_140 : memref<1x64xf32, #tpu.memory_space<vmem>>) target_semaphore(%arg12 : memref<!tpu.dma_semaphore, #tpu.memory_space<semaphore_mem>>)
      %slice3A_143 = vector.extract_strided_slice %get3A_133 {offsets = [1], sizes = [1], strides = [1]} : vector<16xi32> to vector<1xi32>
      %squeeze3A_144 = vector.extract %slice3A_143[0] : i32 from vector<1xi32>
      %add3A_145 = arith.constant 1 : i32
      %add3A_146 = arith.addi %mul3A_128, %add3A_145 : i32
      %dma_start3A_147 = arith.constant 0 : i32
      %dma_start3A_148 = tpu.memref_slice %arg7[%add3A_146, %dma_start3A_147] : memref<256x64xf32, #tpu.memory_space<vmem>> -> memref<1x64xf32, #tpu.memory_space<vmem>>
      %dma_start3A_149 = arith.constant 0 : i32
      %dma_start3A_150 = tpu.memref_slice %arg3[%squeeze3A_144, %dma_start3A_149] : memref<1000000x64xf32, #tpu.memory_space<hbm>> -> memref<1x64xf32, #tpu.memory_space<hbm>>
      %dma_start3A_151 = arith.constant 0 : i32
      %dma_start3A_152 = tpu.memref_slice %arg7[%add3A_146, %dma_start3A_151] : memref<256x64xf32, #tpu.memory_space<vmem>> -> memref<1x64xf32, #tpu.memory_space<vmem>>
      %dma_start3A_153 = arith.constant 0 : i32
      %dma_start3A_154 = tpu.memref_slice %arg3[%squeeze3A_144, %dma_start3A_153] : memref<1000000x64xf32, #tpu.memory_space<hbm>> -> memref<1x64xf32, #tpu.memory_space<hbm>>
      tpu.enqueue_dma source(%dma_start3A_154 : memref<1x64xf32, #tpu.memory_space<hbm>>) target(%dma_start3A_152 : memref<1x64xf32, #tpu.memory_space<vmem>>) target_semaphore(%arg12 : memref<!tpu.dma_semaphore, #tpu.memory_space<semaphore_mem>>)
      %slice3A_155 = vector.extract_strided_slice %get3A_133 {offsets = [2], sizes = [1], strides = [1]} : vector<16xi32> to vector<1xi32>
      %squeeze3A_156 = vector.extract %slice3A_155[0] : i32 from vector<1xi32>
      %add3A_157 = arith.constant 2 : i32
      %add3A_158 = arith.addi %mul3A_128, %add3A_157 : i32
      %dma_start3A_159 = arith.constant 0 : i32
      %dma_start3A_160 = tpu.memref_slice %arg7[%add3A_158, %dma_start3A_159] : memref<256x64xf32, #tpu.memory_space<vmem>> -> memref<1x64xf32, #tpu.memory_space<vmem>>
      %dma_start3A_161 = arith.constant 0 : i32
      %dma_start3A_162 = tpu.memref_slice %arg3[%squeeze3A_156, %dma_start3A_161] : memref<1000000x64xf32, #tpu.memory_space<hbm>> -> memref<1x64xf32, #tpu.memory_space<hbm>>
      %dma_start3A_163 = arith.constant 0 : i32
      %dma_start3A_164 = tpu.memref_slice %arg7[%add3A_158, %dma_start3A_163] : memref<256x64xf32, #tpu.memory_space<vmem>> -> memref<1x64xf32, #tpu.memory_space<vmem>>
      %dma_start3A_165 = arith.constant 0 : i32
      %dma_start3A_166 = tpu.memref_slice %arg3[%squeeze3A_156, %dma_start3A_165] : memref<1000000x64xf32, #tpu.memory_space<hbm>> -> memref<1x64xf32, #tpu.memory_space<hbm>>
      tpu.enqueue_dma source(%dma_start3A_166 : memref<1x64xf32, #tpu.memory_space<hbm>>) target(%dma_start3A_164 : memref<1x64xf32, #tpu.memory_space<vmem>>) target_semaphore(%arg12 : memref<!tpu.dma_semaphore, #tpu.memory_space<semaphore_mem>>)
      %slice3A_167 = vector.extract_strided_slice %get3A_133 {offsets = [3], sizes = [1], strides = [1]} : vector<16xi32> to vector<1xi32>
      %squeeze3A_168 = vector.extract %slice3A_167[0] : i32 from vector<1xi32>
      %add3A_169 = arith.constant 3 : i32
      %add3A_170 = arith.addi %mul3A_128, %add3A_169 : i32
      %dma_start3A_171 = arith.constant 0 : i32
      %dma_start3A_172 = tpu.memref_slice %arg7[%add3A_170, %dma_start3A_171] : memref<256x64xf32, #tpu.memory_space<vmem>> -> memref<1x64xf32, #tpu.memory_space<vmem>>
      %dma_start3A_173 = arith.constant 0 : i32
      %dma_start3A_174 = tpu.memref_slice %arg3[%squeeze3A_168, %dma_start3A_173] : memref<1000000x64xf32, #tpu.memory_space<hbm>> -> memref<1x64xf32, #tpu.memory_space<hbm>>
      %dma_start3A_175 = arith.constant 0 : i32
      %dma_start3A_176 = tpu.memref_slice %arg7[%add3A_170, %dma_start3A_175] : memref<256x64xf32, #tpu.memory_space<vmem>> -> memref<1x64xf32, #tpu.memory_space<vmem>>
      %dma_start3A_177 = arith.constant 0 : i32
      %dma_start3A_178 = tpu.memref_slice %arg3[%squeeze3A_168, %dma_start3A_177] : memref<1000000x64xf32, #tpu.memory_space<hbm>> -> memref<1x64xf32, #tpu.memory_space<hbm>>
      tpu.enqueue_dma source(%dma_start3A_178 : memref<1x64xf32, #tpu.memory_space<hbm>>) target(%dma_start3A_176 : memref<1x64xf32, #tpu.memory_space<vmem>>) target_semaphore(%arg12 : memref<!tpu.dma_semaphore, #tpu.memory_space<semaphore_mem>>)
      %slice3A_179 = vector.extract_strided_slice %get3A_133 {offsets = [4], sizes = [1], strides = [1]} : vector<16xi32> to vector<1xi32>
      %squeeze3A_180 = vector.extract %slice3A_179[0] : i32 from vector<1xi32>
      %add3A_181 = arith.constant 4 : i32
      %add3A_182 = arith.addi %mul3A_128, %add3A_181 : i32
      %dma_start3A_183 = arith.constant 0 : i32
      %dma_start3A_184 = tpu.memref_slice %arg7[%add3A_182, %dma_start3A_183] : memref<256x64xf32, #tpu.memory_space<vmem>> -> memref<1x64xf32, #tpu.memory_space<vmem>>
      %dma_start3A_185 = arith.constant 0 : i32
      %dma_start3A_186 = tpu.memref_slice %arg3[%squeeze3A_180, %dma_start3A_185] : memref<1000000x64xf32, #tpu.memory_space<hbm>> -> memref<1x64xf32, #tpu.memory_space<hbm>>
      %dma_start3A_187 = arith.constant 0 : i32
      %dma_start3A_188 = tpu.memref_slice %arg7[%add3A_182, %dma_start3A_187] : memref<256x64xf32, #tpu.memory_space<vmem>> -> memref<1x64xf32, #tpu.memory_space<vmem>>
      %dma_start3A_189 = arith.constant 0 : i32
      %dma_start3A_190 = tpu.memref_slice %arg3[%squeeze3A_180, %dma_start3A_189] : memref<1000000x64xf32, #tpu.memory_space<hbm>> -> memref<1x64xf32, #tpu.memory_space<hbm>>
      tpu.enqueue_dma source(%dma_start3A_190 : memref<1x64xf32, #tpu.memory_space<hbm>>) target(%dma_start3A_188 : memref<1x64xf32, #tpu.memory_space<vmem>>) target_semaphore(%arg12 : memref<!tpu.dma_semaphore, #tpu.memory_space<semaphore_mem>>)
      %slice3A_191 = vector.extract_strided_slice %get3A_133 {offsets = [5], sizes = [1], strides = [1]} : vector<16xi32> to vector<1xi32>
      %squeeze3A_192 = vector.extract %slice3A_191[0] : i32 from vector<1xi32>
      %add3A_193 = arith.constant 5 : i32
      %add3A_194 = arith.addi %mul3A_128, %add3A_193 : i32
      %dma_start3A_195 = arith.constant 0 : i32
      %dma_start3A_196 = tpu.memref_slice %arg7[%add3A_194, %dma_start3A_195] : memref<256x64xf32, #tpu.memory_space<vmem>> -> memref<1x64xf32, #tpu.memory_space<vmem>>
      %dma_start3A_197 = arith.constant 0 : i32
      %dma_start3A_198 = tpu.memref_slice %arg3[%squeeze3A_192, %dma_start3A_197] : memref<1000000x64xf32, #tpu.memory_space<hbm>> -> memref<1x64xf32, #tpu.memory_space<hbm>>
      %dma_start3A_199 = arith.constant 0 : i32
      %dma_start3A_200 = tpu.memref_slice %arg7[%add3A_194, %dma_start3A_199] : memref<256x64xf32, #tpu.memory_space<vmem>> -> memref<1x64xf32, #tpu.memory_space<vmem>>
      %dma_start3A_201 = arith.constant 0 : i32
      %dma_start3A_202 = tpu.memref_slice %arg3[%squeeze3A_192, %dma_start3A_201] : memref<1000000x64xf32, #tpu.memory_space<hbm>> -> memref<1x64xf32, #tpu.memory_space<hbm>>
      tpu.enqueue_dma source(%dma_start3A_202 : memref<1x64xf32, #tpu.memory_space<hbm>>) target(%dma_start3A_200 : memref<1x64xf32, #tpu.memory_space<vmem>>) target_semaphore(%arg12 : memref<!tpu.dma_semaphore, #tpu.memory_space<semaphore_mem>>)
      %slice3A_203 = vector.extract_strided_slice %get3A_133 {offsets = [6], sizes = [1], strides = [1]} : vector<16xi32> to vector<1xi32>
      %squeeze3A_204 = vector.extract %slice3A_203[0] : i32 from vector<1xi32>
      %add3A_205 = arith.constant 6 : i32
      %add3A_206 = arith.addi %mul3A_128, %add3A_205 : i32
      %dma_start3A_207 = arith.constant 0 : i32
      %dma_start3A_208 = tpu.memref_slice %arg7[%add3A_206, %dma_start3A_207] : memref<256x64xf32, #tpu.memory_space<vmem>> -> memref<1x64xf32, #tpu.memory_space<vmem>>
      %dma_start3A_209 = arith.constant 0 : i32
      %dma_start3A_210 = tpu.memref_slice %arg3[%squeeze3A_204, %dma_start3A_209] : memref<1000000x64xf32, #tpu.memory_space<hbm>> -> memref<1x64xf32, #tpu.memory_space<hbm>>
      %dma_start3A_211 = arith.constant 0 : i32
      %dma_start3A_212 = tpu.memref_slice %arg7[%add3A_206, %dma_start3A_211] : memref<256x64xf32, #tpu.memory_space<vmem>> -> memref<1x64xf32, #tpu.memory_space<vmem>>
      %dma_start3A_213 = arith.constant 0 : i32
      %dma_start3A_214 = tpu.memref_slice %arg3[%squeeze3A_204, %dma_start3A_213] : memref<1000000x64xf32, #tpu.memory_space<hbm>> -> memref<1x64xf32, #tpu.memory_space<hbm>>
      tpu.enqueue_dma source(%dma_start3A_214 : memref<1x64xf32, #tpu.memory_space<hbm>>) target(%dma_start3A_212 : memref<1x64xf32, #tpu.memory_space<vmem>>) target_semaphore(%arg12 : memref<!tpu.dma_semaphore, #tpu.memory_space<semaphore_mem>>)
      %slice3A_215 = vector.extract_strided_slice %get3A_133 {offsets = [7], sizes = [1], strides = [1]} : vector<16xi32> to vector<1xi32>
      %squeeze3A_216 = vector.extract %slice3A_215[0] : i32 from vector<1xi32>
      %add3A_217 = arith.constant 7 : i32
      %add3A_218 = arith.addi %mul3A_128, %add3A_217 : i32
      %dma_start3A_219 = arith.constant 0 : i32
      %dma_start3A_220 = tpu.memref_slice %arg7[%add3A_218, %dma_start3A_219] : memref<256x64xf32, #tpu.memory_space<vmem>> -> memref<1x64xf32, #tpu.memory_space<vmem>>
      %dma_start3A_221 = arith.constant 0 : i32
      %dma_start3A_222 = tpu.memref_slice %arg3[%squeeze3A_216, %dma_start3A_221] : memref<1000000x64xf32, #tpu.memory_space<hbm>> -> memref<1x64xf32, #tpu.memory_space<hbm>>
      %dma_start3A_223 = arith.constant 0 : i32
      %dma_start3A_224 = tpu.memref_slice %arg7[%add3A_218, %dma_start3A_223] : memref<256x64xf32, #tpu.memory_space<vmem>> -> memref<1x64xf32, #tpu.memory_space<vmem>>
      %dma_start3A_225 = arith.constant 0 : i32
      %dma_start3A_226 = tpu.memref_slice %arg3[%squeeze3A_216, %dma_start3A_225] : memref<1000000x64xf32, #tpu.memory_space<hbm>> -> memref<1x64xf32, #tpu.memory_space<hbm>>
      tpu.enqueue_dma source(%dma_start3A_226 : memref<1x64xf32, #tpu.memory_space<hbm>>) target(%dma_start3A_224 : memref<1x64xf32, #tpu.memory_space<vmem>>) target_semaphore(%arg12 : memref<!tpu.dma_semaphore, #tpu.memory_space<semaphore_mem>>)
      %slice3A_227 = vector.extract_strided_slice %get3A_133 {offsets = [8], sizes = [1], strides = [1]} : vector<16xi32> to vector<1xi32>
      %squeeze3A_228 = vector.extract %slice3A_227[0] : i32 from vector<1xi32>
      %add3A_229 = arith.constant 8 : i32
      %add3A_230 = arith.addi %mul3A_128, %add3A_229 : i32
      %dma_start3A_231 = arith.constant 0 : i32
      %dma_start3A_232 = tpu.memref_slice %arg7[%add3A_230, %dma_start3A_231] : memref<256x64xf32, #tpu.memory_space<vmem>> -> memref<1x64xf32, #tpu.memory_space<vmem>>
      %dma_start3A_233 = arith.constant 0 : i32
      %dma_start3A_234 = tpu.memref_slice %arg3[%squeeze3A_228, %dma_start3A_233] : memref<1000000x64xf32, #tpu.memory_space<hbm>> -> memref<1x64xf32, #tpu.memory_space<hbm>>
      %dma_start3A_235 = arith.constant 0 : i32
      %dma_start3A_236 = tpu.memref_slice %arg7[%add3A_230, %dma_start3A_235] : memref<256x64xf32, #tpu.memory_space<vmem>> -> memref<1x64xf32, #tpu.memory_space<vmem>>
      %dma_start3A_237 = arith.constant 0 : i32
      %dma_start3A_238 = tpu.memref_slice %arg3[%squeeze3A_228, %dma_start3A_237] : memref<1000000x64xf32, #tpu.memory_space<hbm>> -> memref<1x64xf32, #tpu.memory_space<hbm>>
      tpu.enqueue_dma source(%dma_start3A_238 : memref<1x64xf32, #tpu.memory_space<hbm>>) target(%dma_start3A_236 : memref<1x64xf32, #tpu.memory_space<vmem>>) target_semaphore(%arg12 : memref<!tpu.dma_semaphore, #tpu.memory_space<semaphore_mem>>)
      %slice3A_239 = vector.extract_strided_slice %get3A_133 {offsets = [9], sizes = [1], strides = [1]} : vector<16xi32> to vector<1xi32>
      %squeeze3A_240 = vector.extract %slice3A_239[0] : i32 from vector<1xi32>
      %add3A_241 = arith.constant 9 : i32
      %add3A_242 = arith.addi %mul3A_128, %add3A_241 : i32
      %dma_start3A_243 = arith.constant 0 : i32
      %dma_start3A_244 = tpu.memref_slice %arg7[%add3A_242, %dma_start3A_243] : memref<256x64xf32, #tpu.memory_space<vmem>> -> memref<1x64xf32, #tpu.memory_space<vmem>>
      %dma_start3A_245 = arith.constant 0 : i32
      %dma_start3A_246 = tpu.memref_slice %arg3[%squeeze3A_240, %dma_start3A_245] : memref<1000000x64xf32, #tpu.memory_space<hbm>> -> memref<1x64xf32, #tpu.memory_space<hbm>>
      %dma_start3A_247 = arith.constant 0 : i32
      %dma_start3A_248 = tpu.memref_slice %arg7[%add3A_242, %dma_start3A_247] : memref<256x64xf32, #tpu.memory_space<vmem>> -> memref<1x64xf32, #tpu.memory_space<vmem>>
      %dma_start3A_249 = arith.constant 0 : i32
      %dma_start3A_250 = tpu.memref_slice %arg3[%squeeze3A_240, %dma_start3A_249] : memref<1000000x64xf32, #tpu.memory_space<hbm>> -> memref<1x64xf32, #tpu.memory_space<hbm>>
      tpu.enqueue_dma source(%dma_start3A_250 : memref<1x64xf32, #tpu.memory_space<hbm>>) target(%dma_start3A_248 : memref<1x64xf32, #tpu.memory_space<vmem>>) target_semaphore(%arg12 : memref<!tpu.dma_semaphore, #tpu.memory_space<semaphore_mem>>)
      %slice3A_251 = vector.extract_strided_slice %get3A_133 {offsets = [10], sizes = [1], strides = [1]} : vector<16xi32> to vector<1xi32>
      %squeeze3A_252 = vector.extract %slice3A_251[0] : i32 from vector<1xi32>
      %add3A_253 = arith.constant 10 : i32
      %add3A_254 = arith.addi %mul3A_128, %add3A_253 : i32
      %dma_start3A_255 = arith.constant 0 : i32
      %dma_start3A_256 = tpu.memref_slice %arg7[%add3A_254, %dma_start3A_255] : memref<256x64xf32, #tpu.memory_space<vmem>> -> memref<1x64xf32, #tpu.memory_space<vmem>>
      %dma_start3A_257 = arith.constant 0 : i32
      %dma_start3A_258 = tpu.memref_slice %arg3[%squeeze3A_252, %dma_start3A_257] : memref<1000000x64xf32, #tpu.memory_space<hbm>> -> memref<1x64xf32, #tpu.memory_space<hbm>>
      %dma_start3A_259 = arith.constant 0 : i32
      %dma_start3A_260 = tpu.memref_slice %arg7[%add3A_254, %dma_start3A_259] : memref<256x64xf32, #tpu.memory_space<vmem>> -> memref<1x64xf32, #tpu.memory_space<vmem>>
      %dma_start3A_261 = arith.constant 0 : i32
      %dma_start3A_262 = tpu.memref_slice %arg3[%squeeze3A_252, %dma_start3A_261] : memref<1000000x64xf32, #tpu.memory_space<hbm>> -> memref<1x64xf32, #tpu.memory_space<hbm>>
      tpu.enqueue_dma source(%dma_start3A_262 : memref<1x64xf32, #tpu.memory_space<hbm>>) target(%dma_start3A_260 : memref<1x64xf32, #tpu.memory_space<vmem>>) target_semaphore(%arg12 : memref<!tpu.dma_semaphore, #tpu.memory_space<semaphore_mem>>)
      %slice3A_263 = vector.extract_strided_slice %get3A_133 {offsets = [11], sizes = [1], strides = [1]} : vector<16xi32> to vector<1xi32>
      %squeeze3A_264 = vector.extract %slice3A_263[0] : i32 from vector<1xi32>
      %add3A_265 = arith.constant 11 : i32
      %add3A_266 = arith.addi %mul3A_128, %add3A_265 : i32
      %dma_start3A_267 = arith.constant 0 : i32
      %dma_start3A_268 = tpu.memref_slice %arg7[%add3A_266, %dma_start3A_267] : memref<256x64xf32, #tpu.memory_space<vmem>> -> memref<1x64xf32, #tpu.memory_space<vmem>>
      %dma_start3A_269 = arith.constant 0 : i32
      %dma_start3A_270 = tpu.memref_slice %arg3[%squeeze3A_264, %dma_start3A_269] : memref<1000000x64xf32, #tpu.memory_space<hbm>> -> memref<1x64xf32, #tpu.memory_space<hbm>>
      %dma_start3A_271 = arith.constant 0 : i32
      %dma_start3A_272 = tpu.memref_slice %arg7[%add3A_266, %dma_start3A_271] : memref<256x64xf32, #tpu.memory_space<vmem>> -> memref<1x64xf32, #tpu.memory_space<vmem>>
      %dma_start3A_273 = arith.constant 0 : i32
      %dma_start3A_274 = tpu.memref_slice %arg3[%squeeze3A_264, %dma_start3A_273] : memref<1000000x64xf32, #tpu.memory_space<hbm>> -> memref<1x64xf32, #tpu.memory_space<hbm>>
      tpu.enqueue_dma source(%dma_start3A_274 : memref<1x64xf32, #tpu.memory_space<hbm>>) target(%dma_start3A_272 : memref<1x64xf32, #tpu.memory_space<vmem>>) target_semaphore(%arg12 : memref<!tpu.dma_semaphore, #tpu.memory_space<semaphore_mem>>)
      %slice3A_275 = vector.extract_strided_slice %get3A_133 {offsets = [12], sizes = [1], strides = [1]} : vector<16xi32> to vector<1xi32>
      %squeeze3A_276 = vector.extract %slice3A_275[0] : i32 from vector<1xi32>
      %add3A_277 = arith.constant 12 : i32
      %add3A_278 = arith.addi %mul3A_128, %add3A_277 : i32
      %dma_start3A_279 = arith.constant 0 : i32
      %dma_start3A_280 = tpu.memref_slice %arg7[%add3A_278, %dma_start3A_279] : memref<256x64xf32, #tpu.memory_space<vmem>> -> memref<1x64xf32, #tpu.memory_space<vmem>>
      %dma_start3A_281 = arith.constant 0 : i32
      %dma_start3A_282 = tpu.memref_slice %arg3[%squeeze3A_276, %dma_start3A_281] : memref<1000000x64xf32, #tpu.memory_space<hbm>> -> memref<1x64xf32, #tpu.memory_space<hbm>>
      %dma_start3A_283 = arith.constant 0 : i32
      %dma_start3A_284 = tpu.memref_slice %arg7[%add3A_278, %dma_start3A_283] : memref<256x64xf32, #tpu.memory_space<vmem>> -> memref<1x64xf32, #tpu.memory_space<vmem>>
      %dma_start3A_285 = arith.constant 0 : i32
      %dma_start3A_286 = tpu.memref_slice %arg3[%squeeze3A_276, %dma_start3A_285] : memref<1000000x64xf32, #tpu.memory_space<hbm>> -> memref<1x64xf32, #tpu.memory_space<hbm>>
      tpu.enqueue_dma source(%dma_start3A_286 : memref<1x64xf32, #tpu.memory_space<hbm>>) target(%dma_start3A_284 : memref<1x64xf32, #tpu.memory_space<vmem>>) target_semaphore(%arg12 : memref<!tpu.dma_semaphore, #tpu.memory_space<semaphore_mem>>)
      %slice3A_287 = vector.extract_strided_slice %get3A_133 {offsets = [13], sizes = [1], strides = [1]} : vector<16xi32> to vector<1xi32>
      %squeeze3A_288 = vector.extract %slice3A_287[0] : i32 from vector<1xi32>
      %add3A_289 = arith.constant 13 : i32
      %add3A_290 = arith.addi %mul3A_128, %add3A_289 : i32
      %dma_start3A_291 = arith.constant 0 : i32
      %dma_start3A_292 = tpu.memref_slice %arg7[%add3A_290, %dma_start3A_291] : memref<256x64xf32, #tpu.memory_space<vmem>> -> memref<1x64xf32, #tpu.memory_space<vmem>>
      %dma_start3A_293 = arith.constant 0 : i32
      %dma_start3A_294 = tpu.memref_slice %arg3[%squeeze3A_288, %dma_start3A_293] : memref<1000000x64xf32, #tpu.memory_space<hbm>> -> memref<1x64xf32, #tpu.memory_space<hbm>>
      %dma_start3A_295 = arith.constant 0 : i32
      %dma_start3A_296 = tpu.memref_slice %arg7[%add3A_290, %dma_start3A_295] : memref<256x64xf32, #tpu.memory_space<vmem>> -> memref<1x64xf32, #tpu.memory_space<vmem>>
      %dma_start3A_297 = arith.constant 0 : i32
      %dma_start3A_298 = tpu.memref_slice %arg3[%squeeze3A_288, %dma_start3A_297] : memref<1000000x64xf32, #tpu.memory_space<hbm>> -> memref<1x64xf32, #tpu.memory_space<hbm>>
      tpu.enqueue_dma source(%dma_start3A_298 : memref<1x64xf32, #tpu.memory_space<hbm>>) target(%dma_start3A_296 : memref<1x64xf32, #tpu.memory_space<vmem>>) target_semaphore(%arg12 : memref<!tpu.dma_semaphore, #tpu.memory_space<semaphore_mem>>)
      %slice3A_299 = vector.extract_strided_slice %get3A_133 {offsets = [14], sizes = [1], strides = [1]} : vector<16xi32> to vector<1xi32>
      %squeeze3A_300 = vector.extract %slice3A_299[0] : i32 from vector<1xi32>
      %add3A_301 = arith.constant 14 : i32
      %add3A_302 = arith.addi %mul3A_128, %add3A_301 : i32
      %dma_start3A_303 = arith.constant 0 : i32
      %dma_start3A_304 = tpu.memref_slice %arg7[%add3A_302, %dma_start3A_303] : memref<256x64xf32, #tpu.memory_space<vmem>> -> memref<1x64xf32, #tpu.memory_space<vmem>>
      %dma_start3A_305 = arith.constant 0 : i32
      %dma_start3A_306 = tpu.memref_slice %arg3[%squeeze3A_300, %dma_start3A_305] : memref<1000000x64xf32, #tpu.memory_space<hbm>> -> memref<1x64xf32, #tpu.memory_space<hbm>>
      %dma_start3A_307 = arith.constant 0 : i32
      %dma_start3A_308 = tpu.memref_slice %arg7[%add3A_302, %dma_start3A_307] : memref<256x64xf32, #tpu.memory_space<vmem>> -> memref<1x64xf32, #tpu.memory_space<vmem>>
      %dma_start3A_309 = arith.constant 0 : i32
      %dma_start3A_310 = tpu.memref_slice %arg3[%squeeze3A_300, %dma_start3A_309] : memref<1000000x64xf32, #tpu.memory_space<hbm>> -> memref<1x64xf32, #tpu.memory_space<hbm>>
      tpu.enqueue_dma source(%dma_start3A_310 : memref<1x64xf32, #tpu.memory_space<hbm>>) target(%dma_start3A_308 : memref<1x64xf32, #tpu.memory_space<vmem>>) target_semaphore(%arg12 : memref<!tpu.dma_semaphore, #tpu.memory_space<semaphore_mem>>)
      %slice3A_311 = vector.extract_strided_slice %get3A_133 {offsets = [15], sizes = [1], strides = [1]} : vector<16xi32> to vector<1xi32>
      %squeeze3A_312 = vector.extract %slice3A_311[0] : i32 from vector<1xi32>
      %add3A_313 = arith.constant 15 : i32
      %add3A_314 = arith.addi %mul3A_128, %add3A_313 : i32
      %dma_start3A_315 = arith.constant 0 : i32
      %dma_start3A_316 = tpu.memref_slice %arg7[%add3A_314, %dma_start3A_315] : memref<256x64xf32, #tpu.memory_space<vmem>> -> memref<1x64xf32, #tpu.memory_space<vmem>>
      %dma_start3A_317 = arith.constant 0 : i32
      %dma_start3A_318 = tpu.memref_slice %arg3[%squeeze3A_312, %dma_start3A_317] : memref<1000000x64xf32, #tpu.memory_space<hbm>> -> memref<1x64xf32, #tpu.memory_space<hbm>>
      %dma_start3A_319 = arith.constant 0 : i32
      %dma_start3A_320 = tpu.memref_slice %arg7[%add3A_314, %dma_start3A_319] : memref<256x64xf32, #tpu.memory_space<vmem>> -> memref<1x64xf32, #tpu.memory_space<vmem>>
      %dma_start3A_321 = arith.constant 0 : i32
      %dma_start3A_322 = tpu.memref_slice %arg3[%squeeze3A_312, %dma_start3A_321] : memref<1000000x64xf32, #tpu.memory_space<hbm>> -> memref<1x64xf32, #tpu.memory_space<hbm>>
      tpu.enqueue_dma source(%dma_start3A_322 : memref<1x64xf32, #tpu.memory_space<hbm>>) target(%dma_start3A_320 : memref<1x64xf32, #tpu.memory_space<vmem>>) target_semaphore(%arg12 : memref<!tpu.dma_semaphore, #tpu.memory_space<semaphore_mem>>)
    }
    %scan3A_102 = arith.constant 16 : i32
    %scan3A_103 = arith.constant 0 : i32
    %scan3A_104 = arith.constant 0 : i32
    %scan3A_105 = arith.constant 20 : i32
    %scan3A_106 = arith.addi %scan3A_104, %scan3A_105 : i32
    %scan3A_107 = arith.constant 1 : i32
    scf.for %scan3A_126 = %scan3A_104 to %scan3A_106 step %scan3A_107  : i32 {
      %mul3A_127 = arith.constant 2 : i32
      %mul3A_128 = arith.muli %mul3A_127, %scan3A_126 : i32
      %add3A_129 = arith.constant 1 : i32
      %add3A_130 = arith.addi %mul3A_128, %add3A_129 : i32
      %jit3A = arith.constant 2 : i32
      %div3A = arith.divsi %add3A_130, %jit3A : i32
      %sign3A = arith.constant 0 : i32
      %sign3A_131 = arith.cmpi sgt, %add3A_130, %sign3A : i32
      %sign3A_132 = arith.extui %sign3A_131 : i1 to i32
      %sign3A_133 = arith.constant 0 : i32
      %sign3A_134 = arith.cmpi slt, %add3A_130, %sign3A_133 : i32
      %sign3A_135 = arith.extui %sign3A_134 : i1 to i32
      %sign3A_136 = arith.subi %sign3A_132, %sign3A_135 : i32
      %sign3A_137 = arith.constant 0 : i32
      %sign3A_138 = arith.cmpi sgt, %jit3A, %sign3A_137 : i32
      %sign3A_139 = arith.extui %sign3A_138 : i1 to i32
      %sign3A_140 = arith.constant 0 : i32
      %sign3A_141 = arith.cmpi slt, %jit3A, %sign3A_140 : i32
      %sign3A_142 = arith.extui %sign3A_141 : i1 to i32
      %sign3A_143 = arith.subi %sign3A_139, %sign3A_142 : i32
      %ne3A = arith.cmpi ne, %sign3A_136, %sign3A_143 : i32
      %rem3A = arith.remsi %add3A_130, %jit3A : i32
      %ne3A_144 = arith.constant 0 : i32
      %ne3A_145 = arith.cmpi ne, %rem3A, %ne3A_144 : i32
      %and3A_146 = arith.andi %ne3A, %ne3A_145 : i1
      %sub3A = arith.constant 1 : i32
      %sub3A_147 = arith.subi %div3A, %sub3A : i32
      %select_n3A = arith.select %and3A_146, %sub3A_147, %div3A : i32
      %mul3A_148 = arith.constant 2 : i32
      %mul3A_149 = arith.muli %select_n3A, %mul3A_148 : i32
      %sub3A_150 = arith.subi %add3A_130, %mul3A_149 : i32
      %mul3A_151 = arith.constant 256 : i32
      %mul3A_152 = arith.muli %sub3A_150, %mul3A_151 : i32
      %scan3A_153 = arith.constant 0 : i32
      %scan3A_154 = arith.constant 0 : i32
      %scan3A_155 = arith.constant 16 : i32
      %scan3A_156 = arith.addi %scan3A_154, %scan3A_155 : i32
      %scan3A_157 = arith.constant 1 : i32
      scf.for %scan3A_825 = %scan3A_154 to %scan3A_156 step %scan3A_157  : i32 {
        %mul3A_826 = arith.constant 16 : i32
        %mul3A_827 = arith.muli %scan3A_825, %mul3A_826 : i32
        %add3A_828 = arith.addi %mul3A_152, %mul3A_827 : i32
        %get3A = arith.index_cast %select_n3A : i32 to index
        %get3A_829 = arith.index_cast %add3A_828 : i32 to index
        %get3A_830 = tpu.vector_load %arg6[%get3A, %get3A_829] {strides = array<i32>} : memref<20x512xi32, #tpu.memory_space<vmem>>, vector<16xi32>,
        %slice3A = vector.extract_strided_slice %get3A_830 {offsets = [0], sizes = [1], strides = [1]} : vector<16xi32> to vector<1xi32>
        %squeeze3A = vector.extract %slice3A[0] : i32 from vector<1xi32>
        %add3A_831 = arith.constant 0 : i32
        %add3A_832 = arith.addi %mul3A_827, %add3A_831 : i32
        %dma_start3A_833 = arith.constant 0 : i32
        %dma_start3A_834 = tpu.memref_slice %arg8[%add3A_832, %dma_start3A_833] : memref<256x64xf32, #tpu.memory_space<vmem>> -> memref<1x64xf32, #tpu.memory_space<vmem>>
        %dma_start3A_835 = arith.constant 0 : i32
        %dma_start3A_836 = tpu.memref_slice %arg3[%squeeze3A, %dma_start3A_835] : memref<1000000x64xf32, #tpu.memory_space<hbm>> -> memref<1x64xf32, #tpu.memory_space<hbm>>
        %dma_start3A_837 = arith.constant 0 : i32
        %dma_start3A_838 = tpu.memref_slice %arg8[%add3A_832, %dma_start3A_837] : memref<256x64xf32, #tpu.memory_space<vmem>> -> memref<1x64xf32, #tpu.memory_space<vmem>>
        %dma_start3A_839 = arith.constant 0 : i32
        %dma_start3A_840 = tpu.memref_slice %arg3[%squeeze3A, %dma_start3A_839] : memref<1000000x64xf32, #tpu.memory_space<hbm>> -> memref<1x64xf32, #tpu.memory_space<hbm>>
        tpu.enqueue_dma source(%dma_start3A_840 : memref<1x64xf32, #tpu.memory_space<hbm>>) target(%dma_start3A_838 : memref<1x64xf32, #tpu.memory_space<vmem>>) target_semaphore(%arg13 : memref<!tpu.dma_semaphore, #tpu.memory_space<semaphore_mem>>)
        %slice3A_841 = vector.extract_strided_slice %get3A_830 {offsets = [1], sizes = [1], strides = [1]} : vector<16xi32> to vector<1xi32>
        %squeeze3A_842 = vector.extract %slice3A_841[0] : i32 from vector<1xi32>
        %add3A_843 = arith.constant 1 : i32
        %add3A_844 = arith.addi %mul3A_827, %add3A_843 : i32
        %dma_start3A_845 = arith.constant 0 : i32
        %dma_start3A_846 = tpu.memref_slice %arg8[%add3A_844, %dma_start3A_845] : memref<256x64xf32, #tpu.memory_space<vmem>> -> memref<1x64xf32, #tpu.memory_space<vmem>>
        %dma_start3A_847 = arith.constant 0 : i32
        %dma_start3A_848 = tpu.memref_slice %arg3[%squeeze3A_842, %dma_start3A_847] : memref<1000000x64xf32, #tpu.memory_space<hbm>> -> memref<1x64xf32, #tpu.memory_space<hbm>>
        %dma_start3A_849 = arith.constant 0 : i32
        %dma_start3A_850 = tpu.memref_slice %arg8[%add3A_844, %dma_start3A_849] : memref<256x64xf32, #tpu.memory_space<vmem>> -> memref<1x64xf32, #tpu.memory_space<vmem>>
        %dma_start3A_851 = arith.constant 0 : i32
        %dma_start3A_852 = tpu.memref_slice %arg3[%squeeze3A_842, %dma_start3A_851] : memref<1000000x64xf32, #tpu.memory_space<hbm>> -> memref<1x64xf32, #tpu.memory_space<hbm>>
        tpu.enqueue_dma source(%dma_start3A_852 : memref<1x64xf32, #tpu.memory_space<hbm>>) target(%dma_start3A_850 : memref<1x64xf32, #tpu.memory_space<vmem>>) target_semaphore(%arg13 : memref<!tpu.dma_semaphore, #tpu.memory_space<semaphore_mem>>)
        %slice3A_853 = vector.extract_strided_slice %get3A_830 {offsets = [2], sizes = [1], strides = [1]} : vector<16xi32> to vector<1xi32>
        %squeeze3A_854 = vector.extract %slice3A_853[0] : i32 from vector<1xi32>
        %add3A_855 = arith.constant 2 : i32
        %add3A_856 = arith.addi %mul3A_827, %add3A_855 : i32
        %dma_start3A_857 = arith.constant 0 : i32
        %dma_start3A_858 = tpu.memref_slice %arg8[%add3A_856, %dma_start3A_857] : memref<256x64xf32, #tpu.memory_space<vmem>> -> memref<1x64xf32, #tpu.memory_space<vmem>>
        %dma_start3A_859 = arith.constant 0 : i32
        %dma_start3A_860 = tpu.memref_slice %arg3[%squeeze3A_854, %dma_start3A_859] : memref<1000000x64xf32, #tpu.memory_space<hbm>> -> memref<1x64xf32, #tpu.memory_space<hbm>>
        %dma_start3A_861 = arith.constant 0 : i32
        %dma_start3A_862 = tpu.memref_slice %arg8[%add3A_856, %dma_start3A_861] : memref<256x64xf32, #tpu.memory_space<vmem>> -> memref<1x64xf32, #tpu.memory_space<vmem>>
        %dma_start3A_863 = arith.constant 0 : i32
        %dma_start3A_864 = tpu.memref_slice %arg3[%squeeze3A_854, %dma_start3A_863] : memref<1000000x64xf32, #tpu.memory_space<hbm>> -> memref<1x64xf32, #tpu.memory_space<hbm>>
        tpu.enqueue_dma source(%dma_start3A_864 : memref<1x64xf32, #tpu.memory_space<hbm>>) target(%dma_start3A_862 : memref<1x64xf32, #tpu.memory_space<vmem>>) target_semaphore(%arg13 : memref<!tpu.dma_semaphore, #tpu.memory_space<semaphore_mem>>)
        %slice3A_865 = vector.extract_strided_slice %get3A_830 {offsets = [3], sizes = [1], strides = [1]} : vector<16xi32> to vector<1xi32>
        %squeeze3A_866 = vector.extract %slice3A_865[0] : i32 from vector<1xi32>
        %add3A_867 = arith.constant 3 : i32
        %add3A_868 = arith.addi %mul3A_827, %add3A_867 : i32
        %dma_start3A_869 = arith.constant 0 : i32
        %dma_start3A_870 = tpu.memref_slice %arg8[%add3A_868, %dma_start3A_869] : memref<256x64xf32, #tpu.memory_space<vmem>> -> memref<1x64xf32, #tpu.memory_space<vmem>>
        %dma_start3A_871 = arith.constant 0 : i32
        %dma_start3A_872 = tpu.memref_slice %arg3[%squeeze3A_866, %dma_start3A_871] : memref<1000000x64xf32, #tpu.memory_space<hbm>> -> memref<1x64xf32, #tpu.memory_space<hbm>>
        %dma_start3A_873 = arith.constant 0 : i32
        %dma_start3A_874 = tpu.memref_slice %arg8[%add3A_868, %dma_start3A_873] : memref<256x64xf32, #tpu.memory_space<vmem>> -> memref<1x64xf32, #tpu.memory_space<vmem>>
        %dma_start3A_875 = arith.constant 0 : i32
        %dma_start3A_876 = tpu.memref_slice %arg3[%squeeze3A_866, %dma_start3A_875] : memref<1000000x64xf32, #tpu.memory_space<hbm>> -> memref<1x64xf32, #tpu.memory_space<hbm>>
        tpu.enqueue_dma source(%dma_start3A_876 : memref<1x64xf32, #tpu.memory_space<hbm>>) target(%dma_start3A_874 : memref<1x64xf32, #tpu.memory_space<vmem>>) target_semaphore(%arg13 : memref<!tpu.dma_semaphore, #tpu.memory_space<semaphore_mem>>)
        %slice3A_877 = vector.extract_strided_slice %get3A_830 {offsets = [4], sizes = [1], strides = [1]} : vector<16xi32> to vector<1xi32>
        %squeeze3A_878 = vector.extract %slice3A_877[0] : i32 from vector<1xi32>
        %add3A_879 = arith.constant 4 : i32
        %add3A_880 = arith.addi %mul3A_827, %add3A_879 : i32
        %dma_start3A_881 = arith.constant 0 : i32
        %dma_start3A_882 = tpu.memref_slice %arg8[%add3A_880, %dma_start3A_881] : memref<256x64xf32, #tpu.memory_space<vmem>> -> memref<1x64xf32, #tpu.memory_space<vmem>>
        %dma_start3A_883 = arith.constant 0 : i32
        %dma_start3A_884 = tpu.memref_slice %arg3[%squeeze3A_878, %dma_start3A_883] : memref<1000000x64xf32, #tpu.memory_space<hbm>> -> memref<1x64xf32, #tpu.memory_space<hbm>>
        %dma_start3A_885 = arith.constant 0 : i32
        %dma_start3A_886 = tpu.memref_slice %arg8[%add3A_880, %dma_start3A_885] : memref<256x64xf32, #tpu.memory_space<vmem>> -> memref<1x64xf32, #tpu.memory_space<vmem>>
        %dma_start3A_887 = arith.constant 0 : i32
        %dma_start3A_888 = tpu.memref_slice %arg3[%squeeze3A_878, %dma_start3A_887] : memref<1000000x64xf32, #tpu.memory_space<hbm>> -> memref<1x64xf32, #tpu.memory_space<hbm>>
        tpu.enqueue_dma source(%dma_start3A_888 : memref<1x64xf32, #tpu.memory_space<hbm>>) target(%dma_start3A_886 : memref<1x64xf32, #tpu.memory_space<vmem>>) target_semaphore(%arg13 : memref<!tpu.dma_semaphore, #tpu.memory_space<semaphore_mem>>)
        %slice3A_889 = vector.extract_strided_slice %get3A_830 {offsets = [5], sizes = [1], strides = [1]} : vector<16xi32> to vector<1xi32>
        %squeeze3A_890 = vector.extract %slice3A_889[0] : i32 from vector<1xi32>
        %add3A_891 = arith.constant 5 : i32
        %add3A_892 = arith.addi %mul3A_827, %add3A_891 : i32
        %dma_start3A_893 = arith.constant 0 : i32
        %dma_start3A_894 = tpu.memref_slice %arg8[%add3A_892, %dma_start3A_893] : memref<256x64xf32, #tpu.memory_space<vmem>> -> memref<1x64xf32, #tpu.memory_space<vmem>>
        %dma_start3A_895 = arith.constant 0 : i32
        %dma_start3A_896 = tpu.memref_slice %arg3[%squeeze3A_890, %dma_start3A_895] : memref<1000000x64xf32, #tpu.memory_space<hbm>> -> memref<1x64xf32, #tpu.memory_space<hbm>>
        %dma_start3A_897 = arith.constant 0 : i32
        %dma_start3A_898 = tpu.memref_slice %arg8[%add3A_892, %dma_start3A_897] : memref<256x64xf32, #tpu.memory_space<vmem>> -> memref<1x64xf32, #tpu.memory_space<vmem>>
        %dma_start3A_899 = arith.constant 0 : i32
        %dma_start3A_900 = tpu.memref_slice %arg3[%squeeze3A_890, %dma_start3A_899] : memref<1000000x64xf32, #tpu.memory_space<hbm>> -> memref<1x64xf32, #tpu.memory_space<hbm>>
        tpu.enqueue_dma source(%dma_start3A_900 : memref<1x64xf32, #tpu.memory_space<hbm>>) target(%dma_start3A_898 : memref<1x64xf32, #tpu.memory_space<vmem>>) target_semaphore(%arg13 : memref<!tpu.dma_semaphore, #tpu.memory_space<semaphore_mem>>)
        %slice3A_901 = vector.extract_strided_slice %get3A_830 {offsets = [6], sizes = [1], strides = [1]} : vector<16xi32> to vector<1xi32>
        %squeeze3A_902 = vector.extract %slice3A_901[0] : i32 from vector<1xi32>
        %add3A_903 = arith.constant 6 : i32
        %add3A_904 = arith.addi %mul3A_827, %add3A_903 : i32
        %dma_start3A_905 = arith.constant 0 : i32
        %dma_start3A_906 = tpu.memref_slice %arg8[%add3A_904, %dma_start3A_905] : memref<256x64xf32, #tpu.memory_space<vmem>> -> memref<1x64xf32, #tpu.memory_space<vmem>>
        %dma_start3A_907 = arith.constant 0 : i32
        %dma_start3A_908 = tpu.memref_slice %arg3[%squeeze3A_902, %dma_start3A_907] : memref<1000000x64xf32, #tpu.memory_space<hbm>> -> memref<1x64xf32, #tpu.memory_space<hbm>>
        %dma_start3A_909 = arith.constant 0 : i32
        %dma_start3A_910 = tpu.memref_slice %arg8[%add3A_904, %dma_start3A_909] : memref<256x64xf32, #tpu.memory_space<vmem>> -> memref<1x64xf32, #tpu.memory_space<vmem>>
        %dma_start3A_911 = arith.constant 0 : i32
        %dma_start3A_912 = tpu.memref_slice %arg3[%squeeze3A_902, %dma_start3A_911] : memref<1000000x64xf32, #tpu.memory_space<hbm>> -> memref<1x64xf32, #tpu.memory_space<hbm>>
        tpu.enqueue_dma source(%dma_start3A_912 : memref<1x64xf32, #tpu.memory_space<hbm>>) target(%dma_start3A_910 : memref<1x64xf32, #tpu.memory_space<vmem>>) target_semaphore(%arg13 : memref<!tpu.dma_semaphore, #tpu.memory_space<semaphore_mem>>)
        %slice3A_913 = vector.extract_strided_slice %get3A_830 {offsets = [7], sizes = [1], strides = [1]} : vector<16xi32> to vector<1xi32>
        %squeeze3A_914 = vector.extract %slice3A_913[0] : i32 from vector<1xi32>
        %add3A_915 = arith.constant 7 : i32
        %add3A_916 = arith.addi %mul3A_827, %add3A_915 : i32
        %dma_start3A_917 = arith.constant 0 : i32
        %dma_start3A_918 = tpu.memref_slice %arg8[%add3A_916, %dma_start3A_917] : memref<256x64xf32, #tpu.memory_space<vmem>> -> memref<1x64xf32, #tpu.memory_space<vmem>>
        %dma_start3A_919 = arith.constant 0 : i32
        %dma_start3A_920 = tpu.memref_slice %arg3[%squeeze3A_914, %dma_start3A_919] : memref<1000000x64xf32, #tpu.memory_space<hbm>> -> memref<1x64xf32, #tpu.memory_space<hbm>>
        %dma_start3A_921 = arith.constant 0 : i32
        %dma_start3A_922 = tpu.memref_slice %arg8[%add3A_916, %dma_start3A_921] : memref<256x64xf32, #tpu.memory_space<vmem>> -> memref<1x64xf32, #tpu.memory_space<vmem>>
        %dma_start3A_923 = arith.constant 0 : i32
        %dma_start3A_924 = tpu.memref_slice %arg3[%squeeze3A_914, %dma_start3A_923] : memref<1000000x64xf32, #tpu.memory_space<hbm>> -> memref<1x64xf32, #tpu.memory_space<hbm>>
        tpu.enqueue_dma source(%dma_start3A_924 : memref<1x64xf32, #tpu.memory_space<hbm>>) target(%dma_start3A_922 : memref<1x64xf32, #tpu.memory_space<vmem>>) target_semaphore(%arg13 : memref<!tpu.dma_semaphore, #tpu.memory_space<semaphore_mem>>)
        %slice3A_925 = vector.extract_strided_slice %get3A_830 {offsets = [8], sizes = [1], strides = [1]} : vector<16xi32> to vector<1xi32>
        %squeeze3A_926 = vector.extract %slice3A_925[0] : i32 from vector<1xi32>
        %add3A_927 = arith.constant 8 : i32
        %add3A_928 = arith.addi %mul3A_827, %add3A_927 : i32
        %dma_start3A_929 = arith.constant 0 : i32
        %dma_start3A_930 = tpu.memref_slice %arg8[%add3A_928, %dma_start3A_929] : memref<256x64xf32, #tpu.memory_space<vmem>> -> memref<1x64xf32, #tpu.memory_space<vmem>>
        %dma_start3A_931 = arith.constant 0 : i32
        %dma_start3A_932 = tpu.memref_slice %arg3[%squeeze3A_926, %dma_start3A_931] : memref<1000000x64xf32, #tpu.memory_space<hbm>> -> memref<1x64xf32, #tpu.memory_space<hbm>>
        %dma_start3A_933 = arith.constant 0 : i32
        %dma_start3A_934 = tpu.memref_slice %arg8[%add3A_928, %dma_start3A_933] : memref<256x64xf32, #tpu.memory_space<vmem>> -> memref<1x64xf32, #tpu.memory_space<vmem>>
        %dma_start3A_935 = arith.constant 0 : i32
        %dma_start3A_936 = tpu.memref_slice %arg3[%squeeze3A_926, %dma_start3A_935] : memref<1000000x64xf32, #tpu.memory_space<hbm>> -> memref<1x64xf32, #tpu.memory_space<hbm>>
        tpu.enqueue_dma source(%dma_start3A_936 : memref<1x64xf32, #tpu.memory_space<hbm>>) target(%dma_start3A_934 : memref<1x64xf32, #tpu.memory_space<vmem>>) target_semaphore(%arg13 : memref<!tpu.dma_semaphore, #tpu.memory_space<semaphore_mem>>)
        %slice3A_937 = vector.extract_strided_slice %get3A_830 {offsets = [9], sizes = [1], strides = [1]} : vector<16xi32> to vector<1xi32>
        %squeeze3A_938 = vector.extract %slice3A_937[0] : i32 from vector<1xi32>
        %add3A_939 = arith.constant 9 : i32
        %add3A_940 = arith.addi %mul3A_827, %add3A_939 : i32
        %dma_start3A_941 = arith.constant 0 : i32
        %dma_start3A_942 = tpu.memref_slice %arg8[%add3A_940, %dma_start3A_941] : memref<256x64xf32, #tpu.memory_space<vmem>> -> memref<1x64xf32, #tpu.memory_space<vmem>>
        %dma_start3A_943 = arith.constant 0 : i32
        %dma_start3A_944 = tpu.memref_slice %arg3[%squeeze3A_938, %dma_start3A_943] : memref<1000000x64xf32, #tpu.memory_space<hbm>> -> memref<1x64xf32, #tpu.memory_space<hbm>>
        %dma_start3A_945 = arith.constant 0 : i32
        %dma_start3A_946 = tpu.memref_slice %arg8[%add3A_940, %dma_start3A_945] : memref<256x64xf32, #tpu.memory_space<vmem>> -> memref<1x64xf32, #tpu.memory_space<vmem>>
        %dma_start3A_947 = arith.constant 0 : i32
        %dma_start3A_948 = tpu.memref_slice %arg3[%squeeze3A_938, %dma_start3A_947] : memref<1000000x64xf32, #tpu.memory_space<hbm>> -> memref<1x64xf32, #tpu.memory_space<hbm>>
        tpu.enqueue_dma source(%dma_start3A_948 : memref<1x64xf32, #tpu.memory_space<hbm>>) target(%dma_start3A_946 : memref<1x64xf32, #tpu.memory_space<vmem>>) target_semaphore(%arg13 : memref<!tpu.dma_semaphore, #tpu.memory_space<semaphore_mem>>)
        %slice3A_949 = vector.extract_strided_slice %get3A_830 {offsets = [10], sizes = [1], strides = [1]} : vector<16xi32> to vector<1xi32>
        %squeeze3A_950 = vector.extract %slice3A_949[0] : i32 from vector<1xi32>
        %add3A_951 = arith.constant 10 : i32
        %add3A_952 = arith.addi %mul3A_827, %add3A_951 : i32
        %dma_start3A_953 = arith.constant 0 : i32
        %dma_start3A_954 = tpu.memref_slice %arg8[%add3A_952, %dma_start3A_953] : memref<256x64xf32, #tpu.memory_space<vmem>> -> memref<1x64xf32, #tpu.memory_space<vmem>>
        %dma_start3A_955 = arith.constant 0 : i32
        %dma_start3A_956 = tpu.memref_slice %arg3[%squeeze3A_950, %dma_start3A_955] : memref<1000000x64xf32, #tpu.memory_space<hbm>> -> memref<1x64xf32, #tpu.memory_space<hbm>>
        %dma_start3A_957 = arith.constant 0 : i32
        %dma_start3A_958 = tpu.memref_slice %arg8[%add3A_952, %dma_start3A_957] : memref<256x64xf32, #tpu.memory_space<vmem>> -> memref<1x64xf32, #tpu.memory_space<vmem>>
        %dma_start3A_959 = arith.constant 0 : i32
        %dma_start3A_960 = tpu.memref_slice %arg3[%squeeze3A_950, %dma_start3A_959] : memref<1000000x64xf32, #tpu.memory_space<hbm>> -> memref<1x64xf32, #tpu.memory_space<hbm>>
        tpu.enqueue_dma source(%dma_start3A_960 : memref<1x64xf32, #tpu.memory_space<hbm>>) target(%dma_start3A_958 : memref<1x64xf32, #tpu.memory_space<vmem>>) target_semaphore(%arg13 : memref<!tpu.dma_semaphore, #tpu.memory_space<semaphore_mem>>)
        %slice3A_961 = vector.extract_strided_slice %get3A_830 {offsets = [11], sizes = [1], strides = [1]} : vector<16xi32> to vector<1xi32>
        %squeeze3A_962 = vector.extract %slice3A_961[0] : i32 from vector<1xi32>
        %add3A_963 = arith.constant 11 : i32
        %add3A_964 = arith.addi %mul3A_827, %add3A_963 : i32
        %dma_start3A_965 = arith.constant 0 : i32
        %dma_start3A_966 = tpu.memref_slice %arg8[%add3A_964, %dma_start3A_965] : memref<256x64xf32, #tpu.memory_space<vmem>> -> memref<1x64xf32, #tpu.memory_space<vmem>>
        %dma_start3A_967 = arith.constant 0 : i32
        %dma_start3A_968 = tpu.memref_slice %arg3[%squeeze3A_962, %dma_start3A_967] : memref<1000000x64xf32, #tpu.memory_space<hbm>> -> memref<1x64xf32, #tpu.memory_space<hbm>>
        %dma_start3A_969 = arith.constant 0 : i32
        %dma_start3A_970 = tpu.memref_slice %arg8[%add3A_964, %dma_start3A_969] : memref<256x64xf32, #tpu.memory_space<vmem>> -> memref<1x64xf32, #tpu.memory_space<vmem>>
        %dma_start3A_971 = arith.constant 0 : i32
        %dma_start3A_972 = tpu.memref_slice %arg3[%squeeze3A_962, %dma_start3A_971] : memref<1000000x64xf32, #tpu.memory_space<hbm>> -> memref<1x64xf32, #tpu.memory_space<hbm>>
        tpu.enqueue_dma source(%dma_start3A_972 : memref<1x64xf32, #tpu.memory_space<hbm>>) target(%dma_start3A_970 : memref<1x64xf32, #tpu.memory_space<vmem>>) target_semaphore(%arg13 : memref<!tpu.dma_semaphore, #tpu.memory_space<semaphore_mem>>)
        %slice3A_973 = vector.extract_strided_slice %get3A_830 {offsets = [12], sizes = [1], strides = [1]} : vector<16xi32> to vector<1xi32>
        %squeeze3A_974 = vector.extract %slice3A_973[0] : i32 from vector<1xi32>
        %add3A_975 = arith.constant 12 : i32
        %add3A_976 = arith.addi %mul3A_827, %add3A_975 : i32
        %dma_start3A_977 = arith.constant 0 : i32
        %dma_start3A_978 = tpu.memref_slice %arg8[%add3A_976, %dma_start3A_977] : memref<256x64xf32, #tpu.memory_space<vmem>> -> memref<1x64xf32, #tpu.memory_space<vmem>>
        %dma_start3A_979 = arith.constant 0 : i32
        %dma_start3A_980 = tpu.memref_slice %arg3[%squeeze3A_974, %dma_start3A_979] : memref<1000000x64xf32, #tpu.memory_space<hbm>> -> memref<1x64xf32, #tpu.memory_space<hbm>>
        %dma_start3A_981 = arith.constant 0 : i32
        %dma_start3A_982 = tpu.memref_slice %arg8[%add3A_976, %dma_start3A_981] : memref<256x64xf32, #tpu.memory_space<vmem>> -> memref<1x64xf32, #tpu.memory_space<vmem>>
        %dma_start3A_983 = arith.constant 0 : i32
        %dma_start3A_984 = tpu.memref_slice %arg3[%squeeze3A_974, %dma_start3A_983] : memref<1000000x64xf32, #tpu.memory_space<hbm>> -> memref<1x64xf32, #tpu.memory_space<hbm>>
        tpu.enqueue_dma source(%dma_start3A_984 : memref<1x64xf32, #tpu.memory_space<hbm>>) target(%dma_start3A_982 : memref<1x64xf32, #tpu.memory_space<vmem>>) target_semaphore(%arg13 : memref<!tpu.dma_semaphore, #tpu.memory_space<semaphore_mem>>)
        %slice3A_985 = vector.extract_strided_slice %get3A_830 {offsets = [13], sizes = [1], strides = [1]} : vector<16xi32> to vector<1xi32>
        %squeeze3A_986 = vector.extract %slice3A_985[0] : i32 from vector<1xi32>
        %add3A_987 = arith.constant 13 : i32
        %add3A_988 = arith.addi %mul3A_827, %add3A_987 : i32
        %dma_start3A_989 = arith.constant 0 : i32
        %dma_start3A_990 = tpu.memref_slice %arg8[%add3A_988, %dma_start3A_989] : memref<256x64xf32, #tpu.memory_space<vmem>> -> memref<1x64xf32, #tpu.memory_space<vmem>>
        %dma_start3A_991 = arith.constant 0 : i32
        %dma_start3A_992 = tpu.memref_slice %arg3[%squeeze3A_986, %dma_start3A_991] : memref<1000000x64xf32, #tpu.memory_space<hbm>> -> memref<1x64xf32, #tpu.memory_space<hbm>>
        %dma_start3A_993 = arith.constant 0 : i32
        %dma_start3A_994 = tpu.memref_slice %arg8[%add3A_988, %dma_start3A_993] : memref<256x64xf32, #tpu.memory_space<vmem>> -> memref<1x64xf32, #tpu.memory_space<vmem>>
        %dma_start3A_995 = arith.constant 0 : i32
        %dma_start3A_996 = tpu.memref_slice %arg3[%squeeze3A_986, %dma_start3A_995] : memref<1000000x64xf32, #tpu.memory_space<hbm>> -> memref<1x64xf32, #tpu.memory_space<hbm>>
        tpu.enqueue_dma source(%dma_start3A_996 : memref<1x64xf32, #tpu.memory_space<hbm>>) target(%dma_start3A_994 : memref<1x64xf32, #tpu.memory_space<vmem>>) target_semaphore(%arg13 : memref<!tpu.dma_semaphore, #tpu.memory_space<semaphore_mem>>)
        %slice3A_997 = vector.extract_strided_slice %get3A_830 {offsets = [14], sizes = [1], strides = [1]} : vector<16xi32> to vector<1xi32>
        %squeeze3A_998 = vector.extract %slice3A_997[0] : i32 from vector<1xi32>
        %add3A_999 = arith.constant 14 : i32
        %add3A_1000 = arith.addi %mul3A_827, %add3A_999 : i32
        %dma_start3A_1001 = arith.constant 0 : i32
        %dma_start3A_1002 = tpu.memref_slice %arg8[%add3A_1000, %dma_start3A_1001] : memref<256x64xf32, #tpu.memory_space<vmem>> -> memref<1x64xf32, #tpu.memory_space<vmem>>
        %dma_start3A_1003 = arith.constant 0 : i32
        %dma_start3A_1004 = tpu.memref_slice %arg3[%squeeze3A_998, %dma_start3A_1003] : memref<1000000x64xf32, #tpu.memory_space<hbm>> -> memref<1x64xf32, #tpu.memory_space<hbm>>
        %dma_start3A_1005 = arith.constant 0 : i32
        %dma_start3A_1006 = tpu.memref_slice %arg8[%add3A_1000, %dma_start3A_1005] : memref<256x64xf32, #tpu.memory_space<vmem>> -> memref<1x64xf32, #tpu.memory_space<vmem>>
        %dma_start3A_1007 = arith.constant 0 : i32
        %dma_start3A_1008 = tpu.memref_slice %arg3[%squeeze3A_998, %dma_start3A_1007] : memref<1000000x64xf32, #tpu.memory_space<hbm>> -> memref<1x64xf32, #tpu.memory_space<hbm>>
        tpu.enqueue_dma source(%dma_start3A_1008 : memref<1x64xf32, #tpu.memory_space<hbm>>) target(%dma_start3A_1006 : memref<1x64xf32, #tpu.memory_space<vmem>>) target_semaphore(%arg13 : memref<!tpu.dma_semaphore, #tpu.memory_space<semaphore_mem>>)
        %slice3A_1009 = vector.extract_strided_slice %get3A_830 {offsets = [15], sizes = [1], strides = [1]} : vector<16xi32> to vector<1xi32>
        %squeeze3A_1010 = vector.extract %slice3A_1009[0] : i32 from vector<1xi32>
        %add3A_1011 = arith.constant 15 : i32
        %add3A_1012 = arith.addi %mul3A_827, %add3A_1011 : i32
        %dma_start3A_1013 = arith.constant 0 : i32
        %dma_start3A_1014 = tpu.memref_slice %arg8[%add3A_1012, %dma_start3A_1013] : memref<256x64xf32, #tpu.memory_space<vmem>> -> memref<1x64xf32, #tpu.memory_space<vmem>>
        %dma_start3A_1015 = arith.constant 0 : i32
        %dma_start3A_1016 = tpu.memref_slice %arg3[%squeeze3A_1010, %dma_start3A_1015] : memref<1000000x64xf32, #tpu.memory_space<hbm>> -> memref<1x64xf32, #tpu.memory_space<hbm>>
        %dma_start3A_1017 = arith.constant 0 : i32
        %dma_start3A_1018 = tpu.memref_slice %arg8[%add3A_1012, %dma_start3A_1017] : memref<256x64xf32, #tpu.memory_space<vmem>> -> memref<1x64xf32, #tpu.memory_space<vmem>>
        %dma_start3A_1019 = arith.constant 0 : i32
        %dma_start3A_1020 = tpu.memref_slice %arg3[%squeeze3A_1010, %dma_start3A_1019] : memref<1000000x64xf32, #tpu.memory_space<hbm>> -> memref<1x64xf32, #tpu.memory_space<hbm>>
        tpu.enqueue_dma source(%dma_start3A_1020 : memref<1x64xf32, #tpu.memory_space<hbm>>) target(%dma_start3A_1018 : memref<1x64xf32, #tpu.memory_space<vmem>>) target_semaphore(%arg13 : memref<!tpu.dma_semaphore, #tpu.memory_space<semaphore_mem>>)
      }
      %scan3A_158 = arith.constant 16 : i32
      %dma_wait3A_159 = arith.constant 0 : i32
      %dma_wait3A_160 = arith.constant 0 : i32
      %dma_wait3A_161 = tpu.memref_slice %arg3[%dma_wait3A_159, %dma_wait3A_160] : memref<1000000x64xf32, #tpu.memory_space<hbm>> -> memref<256x64xf32, #tpu.memory_space<hbm>>
      %dma_wait3A_162 = arith.constant 0 : i32
      %dma_wait3A_163 = arith.constant 0 : i32
      %dma_wait3A_164 = tpu.memref_slice %arg3[%dma_wait3A_162, %dma_wait3A_163] : memref<1000000x64xf32, #tpu.memory_space<hbm>> -> memref<256x64xf32, #tpu.memory_space<hbm>>
      tpu.wait_dma2 semaphore(%arg12 : memref<!tpu.dma_semaphore, #tpu.memory_space<semaphore_mem>>) src(%dma_wait3A_164 : memref<256x64xf32, #tpu.memory_space<hbm>>) dst(%arg7 : memref<256x64xf32, #tpu.memory_space<vmem>>)
      %gt3A = arith.constant 0 : i32
      %gt3A_165 = arith.cmpi sgt, %scan3A_126, %gt3A : i32
      %convert_element_type3A = arith.extui %gt3A_165 : i1 to i32
      %cond3A = arith.constant 0 : i32
      %cond3A_166 = arith.cmpi ne, %convert_element_type3A, %cond3A : i32
      scf.if %cond3A_166 {
        %sub3A_825 = arith.constant 2 : i32
        %sub3A_826 = arith.subi %mul3A_128, %sub3A_825 : i32
        %jit3A_827 = arith.constant 2 : i32
        %div3A_828 = arith.divsi %sub3A_826, %jit3A_827 : i32
        %sign3A_829 = arith.constant 0 : i32
        %sign3A_830 = arith.cmpi sgt, %sub3A_826, %sign3A_829 : i32
        %sign3A_831 = arith.extui %sign3A_830 : i1 to i32
        %sign3A_832 = arith.constant 0 : i32
        %sign3A_833 = arith.cmpi slt, %sub3A_826, %sign3A_832 : i32
        %sign3A_834 = arith.extui %sign3A_833 : i1 to i32
        %sign3A_835 = arith.subi %sign3A_831, %sign3A_834 : i32
        %sign3A_836 = arith.constant 0 : i32
        %sign3A_837 = arith.cmpi sgt, %jit3A_827, %sign3A_836 : i32
        %sign3A_838 = arith.extui %sign3A_837 : i1 to i32
        %sign3A_839 = arith.constant 0 : i32
        %sign3A_840 = arith.cmpi slt, %jit3A_827, %sign3A_839 : i32
        %sign3A_841 = arith.extui %sign3A_840 : i1 to i32
        %sign3A_842 = arith.subi %sign3A_838, %sign3A_841 : i32
        %ne3A_843 = arith.cmpi ne, %sign3A_835, %sign3A_842 : i32
        %rem3A_844 = arith.remsi %sub3A_826, %jit3A_827 : i32
        %ne3A_845 = arith.constant 0 : i32
        %ne3A_846 = arith.cmpi ne, %rem3A_844, %ne3A_845 : i32
        %and3A_847 = arith.andi %ne3A_843, %ne3A_846 : i1
        %sub3A_848 = arith.constant 1 : i32
        %sub3A_849 = arith.subi %div3A_828, %sub3A_848 : i32
        %select_n3A_850 = arith.select %and3A_847, %sub3A_849, %div3A_828 : i32
        %mul3A_851 = arith.constant 2 : i32
        %mul3A_852 = arith.muli %select_n3A_850, %mul3A_851 : i32
        %sub3A_853 = arith.subi %sub3A_826, %mul3A_852 : i32
        %mul3A_854 = arith.constant 256 : i32
        %mul3A_855 = arith.muli %sub3A_853, %mul3A_854 : i32
        %add3A_856 = arith.addi %mul3A_2, %mul3A_855 : i32
        %dma_wait3A_857 = arith.constant 0 : i32
        %dma_wait3A_858 = tpu.memref_slice %arg5[%select_n3A_850, %dma_wait3A_857, %add3A_856] : memref<20x64x16384xf32, #tpu.memory_space<hbm>> -> memref<1x64x256xf32, #tpu.memory_space<hbm>>
        %dma_wait3A_859 = tpu.memref_squeeze %dma_wait3A_858 : memref<1x64x256xf32, #tpu.memory_space<hbm>> -> memref<64x256xf32, #tpu.memory_space<hbm>>
        %dma_wait3A_860 = arith.constant 0 : i32
        %dma_wait3A_861 = tpu.memref_slice %arg5[%select_n3A_850, %dma_wait3A_860, %add3A_856] : memref<20x64x16384xf32, #tpu.memory_space<hbm>> -> memref<1x64x256xf32, #tpu.memory_space<hbm>>
        %dma_wait3A_862 = tpu.memref_squeeze %dma_wait3A_861 : memref<1x64x256xf32, #tpu.memory_space<hbm>> -> memref<64x256xf32, #tpu.memory_space<hbm>>
        tpu.wait_dma2 semaphore(%arg14 : memref<!tpu.dma_semaphore, #tpu.memory_space<semaphore_mem>>) src(%arg9 : memref<64x256xf32, #tpu.memory_space<vmem>>) dst(%dma_wait3A_862 : memref<64x256xf32, #tpu.memory_space<hbm>>)
      } else {
      }
      %jit3A_167 = arith.constant 2 : i32
      %div3A_168 = arith.divsi %mul3A_128, %jit3A_167 : i32
      %sign3A_169 = arith.constant 0 : i32
      %sign3A_170 = arith.cmpi sgt, %mul3A_128, %sign3A_169 : i32
      %sign3A_171 = arith.extui %sign3A_170 : i1 to i32
      %sign3A_172 = arith.constant 0 : i32
      %sign3A_173 = arith.cmpi slt, %mul3A_128, %sign3A_172 : i32
      %sign3A_174 = arith.extui %sign3A_173 : i1 to i32
      %sign3A_175 = arith.subi %sign3A_171, %sign3A_174 : i32
      %sign3A_176 = arith.constant 0 : i32
      %sign3A_177 = arith.cmpi sgt, %jit3A_167, %sign3A_176 : i32
      %sign3A_178 = arith.extui %sign3A_177 : i1 to i32
      %sign3A_179 = arith.constant 0 : i32
      %sign3A_180 = arith.cmpi slt, %jit3A_167, %sign3A_179 : i32
      %sign3A_181 = arith.extui %sign3A_180 : i1 to i32
      %sign3A_182 = arith.subi %sign3A_178, %sign3A_181 : i32
      %ne3A_183 = arith.cmpi ne, %sign3A_175, %sign3A_182 : i32
      %rem3A_184 = arith.remsi %mul3A_128, %jit3A_167 : i32
      %ne3A_185 = arith.constant 0 : i32
      %ne3A_186 = arith.cmpi ne, %rem3A_184, %ne3A_185 : i32
      %and3A_187 = arith.andi %ne3A_183, %ne3A_186 : i1
      %sub3A_188 = arith.constant 1 : i32
      %sub3A_189 = arith.subi %div3A_168, %sub3A_188 : i32
      %select_n3A_190 = arith.select %and3A_187, %sub3A_189, %div3A_168 : i32
      %broadcast_in_dim3A = vector.broadcast %select_n3A_190 : i32 to vector<16xi32>
      %add3A_191 = arith.constant 0 : i32
      %add3A_192 = vector.broadcast %add3A_191 : i32 to vector<16xi32>
      %add3A_193 = arith.addi %add3A_192, %and3A_7 : vector<16xi32>
      %gather3A = tpu.vector_load_idx %arg11[%broadcast_in_dim3A, %add3A_193] : memref<20x64xf32, #tpu.memory_space<vmem>>[vector<16xi32>, vector<16xi32>], vector<16xf32>,
      %add3A_194 = arith.constant 0 : i32
      %add3A_195 = vector.broadcast %add3A_194 : i32 to vector<16xi32>
      %add3A_196 = arith.addi %add3A_195, %and3A_13 : vector<16xi32>
      %gather3A_197 = tpu.vector_load_idx %arg11[%broadcast_in_dim3A, %add3A_196] : memref<20x64xf32, #tpu.memory_space<vmem>>[vector<16xi32>, vector<16xi32>], vector<16xf32>,
      %add3A_198 = arith.constant 0 : i32
      %add3A_199 = vector.broadcast %add3A_198 : i32 to vector<16xi32>
      %add3A_200 = arith.addi %add3A_199, %and3A_19 : vector<16xi32>
      %gather3A_201 = tpu.vector_load_idx %arg11[%broadcast_in_dim3A, %add3A_200] : memref<20x64xf32, #tpu.memory_space<vmem>>[vector<16xi32>, vector<16xi32>], vector<16xf32>,
      %add3A_202 = arith.constant 0 : i32
      %add3A_203 = vector.broadcast %add3A_202 : i32 to vector<16xi32>
      %add3A_204 = arith.addi %add3A_203, %and3A_25 : vector<16xi32>
      %gather3A_205 = tpu.vector_load_idx %arg11[%broadcast_in_dim3A, %add3A_204] : memref<20x64xf32, #tpu.memory_space<vmem>>[vector<16xi32>, vector<16xi32>], vector<16xf32>,
      %add3A_206 = arith.constant 0 : i32
      %add3A_207 = vector.broadcast %add3A_206 : i32 to vector<16xi32>
      %add3A_208 = arith.addi %add3A_207, %and3A_31 : vector<16xi32>
      %gather3A_209 = tpu.vector_load_idx %arg11[%broadcast_in_dim3A, %add3A_208] : memref<20x64xf32, #tpu.memory_space<vmem>>[vector<16xi32>, vector<16xi32>], vector<16xf32>,
      %add3A_210 = arith.constant 0 : i32
      %add3A_211 = vector.broadcast %add3A_210 : i32 to vector<16xi32>
      %add3A_212 = arith.addi %add3A_211, %and3A_37 : vector<16xi32>
      %gather3A_213 = tpu.vector_load_idx %arg11[%broadcast_in_dim3A, %add3A_212] : memref<20x64xf32, #tpu.memory_space<vmem>>[vector<16xi32>, vector<16xi32>], vector<16xf32>,
      %add3A_214 = arith.constant 0 : i32
      %add3A_215 = vector.broadcast %add3A_214 : i32 to vector<16xi32>
      %add3A_216 = arith.addi %add3A_215, %and3A_43 : vector<16xi32>
      %gather3A_217 = tpu.vector_load_idx %arg11[%broadcast_in_dim3A, %add3A_216] : memref<20x64xf32, #tpu.memory_space<vmem>>[vector<16xi32>, vector<16xi32>], vector<16xf32>,
      %add3A_218 = arith.constant 0 : i32
      %add3A_219 = vector.broadcast %add3A_218 : i32 to vector<16xi32>
      %add3A_220 = arith.addi %add3A_219, %and3A_49 : vector<16xi32>
      %gather3A_221 = tpu.vector_load_idx %arg11[%broadcast_in_dim3A, %add3A_220] : memref<20x64xf32, #tpu.memory_space<vmem>>[vector<16xi32>, vector<16xi32>], vector<16xf32>,
      %add3A_222 = arith.constant 0 : i32
      %add3A_223 = vector.broadcast %add3A_222 : i32 to vector<16xi32>
      %add3A_224 = arith.addi %add3A_223, %and3A_55 : vector<16xi32>
      %gather3A_225 = tpu.vector_load_idx %arg11[%broadcast_in_dim3A, %add3A_224] : memref<20x64xf32, #tpu.memory_space<vmem>>[vector<16xi32>, vector<16xi32>], vector<16xf32>,
      %add3A_226 = arith.constant 0 : i32
      %add3A_227 = vector.broadcast %add3A_226 : i32 to vector<16xi32>
      %add3A_228 = arith.addi %add3A_227, %and3A_61 : vector<16xi32>
      %gather3A_229 = tpu.vector_load_idx %arg11[%broadcast_in_dim3A, %add3A_228] : memref<20x64xf32, #tpu.memory_space<vmem>>[vector<16xi32>, vector<16xi32>], vector<16xf32>,
      %add3A_230 = arith.constant 0 : i32
      %add3A_231 = vector.broadcast %add3A_230 : i32 to vector<16xi32>
      %add3A_232 = arith.addi %add3A_231, %and3A_67 : vector<16xi32>
      %gather3A_233 = tpu.vector_load_idx %arg11[%broadcast_in_dim3A, %add3A_232] : memref<20x64xf32, #tpu.memory_space<vmem>>[vector<16xi32>, vector<16xi32>], vector<16xf32>,
      %add3A_234 = arith.constant 0 : i32
      %add3A_235 = vector.broadcast %add3A_234 : i32 to vector<16xi32>
      %add3A_236 = arith.addi %add3A_235, %and3A_73 : vector<16xi32>
      %gather3A_237 = tpu.vector_load_idx %arg11[%broadcast_in_dim3A, %add3A_236] : memref<20x64xf32, #tpu.memory_space<vmem>>[vector<16xi32>, vector<16xi32>], vector<16xf32>,
      %add3A_238 = arith.constant 0 : i32
      %add3A_239 = vector.broadcast %add3A_238 : i32 to vector<16xi32>
      %add3A_240 = arith.addi %add3A_239, %and3A_79 : vector<16xi32>
      %gather3A_241 = tpu.vector_load_idx %arg11[%broadcast_in_dim3A, %add3A_240] : memref<20x64xf32, #tpu.memory_space<vmem>>[vector<16xi32>, vector<16xi32>], vector<16xf32>,
      %add3A_242 = arith.constant 0 : i32
      %add3A_243 = vector.broadcast %add3A_242 : i32 to vector<16xi32>
      %add3A_244 = arith.addi %add3A_243, %and3A_85 : vector<16xi32>
      %gather3A_245 = tpu.vector_load_idx %arg11[%broadcast_in_dim3A, %add3A_244] : memref<20x64xf32, #tpu.memory_space<vmem>>[vector<16xi32>, vector<16xi32>], vector<16xf32>,
      %add3A_246 = arith.constant 0 : i32
      %add3A_247 = vector.broadcast %add3A_246 : i32 to vector<16xi32>
      %add3A_248 = arith.addi %add3A_247, %and3A_91 : vector<16xi32>
      %gather3A_249 = tpu.vector_load_idx %arg11[%broadcast_in_dim3A, %add3A_248] : memref<20x64xf32, #tpu.memory_space<vmem>>[vector<16xi32>, vector<16xi32>], vector<16xf32>,
      %add3A_250 = arith.constant 0 : i32
      %add3A_251 = vector.broadcast %add3A_250 : i32 to vector<16xi32>
      %add3A_252 = arith.addi %add3A_251, %and3A_97 : vector<16xi32>
      %gather3A_253 = tpu.vector_load_idx %arg11[%broadcast_in_dim3A, %add3A_252] : memref<20x64xf32, #tpu.memory_space<vmem>>[vector<16xi32>, vector<16xi32>], vector<16xf32>,
      %add3A_254 = arith.constant 16 : i32
      %add3A_255 = vector.broadcast %add3A_254 : i32 to vector<16xi32>
      %add3A_256 = arith.addi %add3A_255, %and3A_7 : vector<16xi32>
      %gather3A_257 = tpu.vector_load_idx %arg11[%broadcast_in_dim3A, %add3A_256] : memref<20x64xf32, #tpu.memory_space<vmem>>[vector<16xi32>, vector<16xi32>], vector<16xf32>,
      %add3A_258 = arith.constant 16 : i32
      %add3A_259 = vector.broadcast %add3A_258 : i32 to vector<16xi32>
      %add3A_260 = arith.addi %add3A_259, %and3A_13 : vector<16xi32>
      %gather3A_261 = tpu.vector_load_idx %arg11[%broadcast_in_dim3A, %add3A_260] : memref<20x64xf32, #tpu.memory_space<vmem>>[vector<16xi32>, vector<16xi32>], vector<16xf32>,
      %add3A_262 = arith.constant 16 : i32
      %add3A_263 = vector.broadcast %add3A_262 : i32 to vector<16xi32>
      %add3A_264 = arith.addi %add3A_263, %and3A_19 : vector<16xi32>
      %gather3A_265 = tpu.vector_load_idx %arg11[%broadcast_in_dim3A, %add3A_264] : memref<20x64xf32, #tpu.memory_space<vmem>>[vector<16xi32>, vector<16xi32>], vector<16xf32>,
      %add3A_266 = arith.constant 16 : i32
      %add3A_267 = vector.broadcast %add3A_266 : i32 to vector<16xi32>
      %add3A_268 = arith.addi %add3A_267, %and3A_25 : vector<16xi32>
      %gather3A_269 = tpu.vector_load_idx %arg11[%broadcast_in_dim3A, %add3A_268] : memref<20x64xf32, #tpu.memory_space<vmem>>[vector<16xi32>, vector<16xi32>], vector<16xf32>,
      %add3A_270 = arith.constant 16 : i32
      %add3A_271 = vector.broadcast %add3A_270 : i32 to vector<16xi32>
      %add3A_272 = arith.addi %add3A_271, %and3A_31 : vector<16xi32>
      %gather3A_273 = tpu.vector_load_idx %arg11[%broadcast_in_dim3A, %add3A_272] : memref<20x64xf32, #tpu.memory_space<vmem>>[vector<16xi32>, vector<16xi32>], vector<16xf32>,
      %add3A_274 = arith.constant 16 : i32
      %add3A_275 = vector.broadcast %add3A_274 : i32 to vector<16xi32>
      %add3A_276 = arith.addi %add3A_275, %and3A_37 : vector<16xi32>
      %gather3A_277 = tpu.vector_load_idx %arg11[%broadcast_in_dim3A, %add3A_276] : memref<20x64xf32, #tpu.memory_space<vmem>>[vector<16xi32>, vector<16xi32>], vector<16xf32>,
      %add3A_278 = arith.constant 16 : i32
      %add3A_279 = vector.broadcast %add3A_278 : i32 to vector<16xi32>
      %add3A_280 = arith.addi %add3A_279, %and3A_43 : vector<16xi32>
      %gather3A_281 = tpu.vector_load_idx %arg11[%broadcast_in_dim3A, %add3A_280] : memref<20x64xf32, #tpu.memory_space<vmem>>[vector<16xi32>, vector<16xi32>], vector<16xf32>,
      %add3A_282 = arith.constant 16 : i32
      %add3A_283 = vector.broadcast %add3A_282 : i32 to vector<16xi32>
      %add3A_284 = arith.addi %add3A_283, %and3A_49 : vector<16xi32>
      %gather3A_285 = tpu.vector_load_idx %arg11[%broadcast_in_dim3A, %add3A_284] : memref<20x64xf32, #tpu.memory_space<vmem>>[vector<16xi32>, vector<16xi32>], vector<16xf32>,
      %add3A_286 = arith.constant 16 : i32
      %add3A_287 = vector.broadcast %add3A_286 : i32 to vector<16xi32>
      %add3A_288 = arith.addi %add3A_287, %and3A_55 : vector<16xi32>
      %gather3A_289 = tpu.vector_load_idx %arg11[%broadcast_in_dim3A, %add3A_288] : memref<20x64xf32, #tpu.memory_space<vmem>>[vector<16xi32>, vector<16xi32>], vector<16xf32>,
      %add3A_290 = arith.constant 16 : i32
      %add3A_291 = vector.broadcast %add3A_290 : i32 to vector<16xi32>
      %add3A_292 = arith.addi %add3A_291, %and3A_61 : vector<16xi32>
      %gather3A_293 = tpu.vector_load_idx %arg11[%broadcast_in_dim3A, %add3A_292] : memref<20x64xf32, #tpu.memory_space<vmem>>[vector<16xi32>, vector<16xi32>], vector<16xf32>,
      %add3A_294 = arith.constant 16 : i32
      %add3A_295 = vector.broadcast %add3A_294 : i32 to vector<16xi32>
      %add3A_296 = arith.addi %add3A_295, %and3A_67 : vector<16xi32>
      %gather3A_297 = tpu.vector_load_idx %arg11[%broadcast_in_dim3A, %add3A_296] : memref<20x64xf32, #tpu.memory_space<vmem>>[vector<16xi32>, vector<16xi32>], vector<16xf32>,
      %add3A_298 = arith.constant 16 : i32
      %add3A_299 = vector.broadcast %add3A_298 : i32 to vector<16xi32>
      %add3A_300 = arith.addi %add3A_299, %and3A_73 : vector<16xi32>
      %gather3A_301 = tpu.vector_load_idx %arg11[%broadcast_in_dim3A, %add3A_300] : memref<20x64xf32, #tpu.memory_space<vmem>>[vector<16xi32>, vector<16xi32>], vector<16xf32>,
      %add3A_302 = arith.constant 16 : i32
      %add3A_303 = vector.broadcast %add3A_302 : i32 to vector<16xi32>
      %add3A_304 = arith.addi %add3A_303, %and3A_79 : vector<16xi32>
      %gather3A_305 = tpu.vector_load_idx %arg11[%broadcast_in_dim3A, %add3A_304] : memref<20x64xf32, #tpu.memory_space<vmem>>[vector<16xi32>, vector<16xi32>], vector<16xf32>,
      %add3A_306 = arith.constant 16 : i32
      %add3A_307 = vector.broadcast %add3A_306 : i32 to vector<16xi32>
      %add3A_308 = arith.addi %add3A_307, %and3A_85 : vector<16xi32>
      %gather3A_309 = tpu.vector_load_idx %arg11[%broadcast_in_dim3A, %add3A_308] : memref<20x64xf32, #tpu.memory_space<vmem>>[vector<16xi32>, vector<16xi32>], vector<16xf32>,
      %add3A_310 = arith.constant 16 : i32
      %add3A_311 = vector.broadcast %add3A_310 : i32 to vector<16xi32>
      %add3A_312 = arith.addi %add3A_311, %and3A_91 : vector<16xi32>
      %gather3A_313 = tpu.vector_load_idx %arg11[%broadcast_in_dim3A, %add3A_312] : memref<20x64xf32, #tpu.memory_space<vmem>>[vector<16xi32>, vector<16xi32>], vector<16xf32>,
      %add3A_314 = arith.constant 16 : i32
      %add3A_315 = vector.broadcast %add3A_314 : i32 to vector<16xi32>
      %add3A_316 = arith.addi %add3A_315, %and3A_97 : vector<16xi32>
      %gather3A_317 = tpu.vector_load_idx %arg11[%broadcast_in_dim3A, %add3A_316] : memref<20x64xf32, #tpu.memory_space<vmem>>[vector<16xi32>, vector<16xi32>], vector<16xf32>,
      %add3A_318 = arith.constant 32 : i32
      %add3A_319 = vector.broadcast %add3A_318 : i32 to vector<16xi32>
      %add3A_320 = arith.addi %add3A_319, %and3A_7 : vector<16xi32>
      %gather3A_321 = tpu.vector_load_idx %arg11[%broadcast_in_dim3A, %add3A_320] : memref<20x64xf32, #tpu.memory_space<vmem>>[vector<16xi32>, vector<16xi32>], vector<16xf32>,
      %add3A_322 = arith.constant 32 : i32
      %add3A_323 = vector.broadcast %add3A_322 : i32 to vector<16xi32>
      %add3A_324 = arith.addi %add3A_323, %and3A_13 : vector<16xi32>
      %gather3A_325 = tpu.vector_load_idx %arg11[%broadcast_in_dim3A, %add3A_324] : memref<20x64xf32, #tpu.memory_space<vmem>>[vector<16xi32>, vector<16xi32>], vector<16xf32>,
      %add3A_326 = arith.constant 32 : i32
      %add3A_327 = vector.broadcast %add3A_326 : i32 to vector<16xi32>
      %add3A_328 = arith.addi %add3A_327, %and3A_19 : vector<16xi32>
      %gather3A_329 = tpu.vector_load_idx %arg11[%broadcast_in_dim3A, %add3A_328] : memref<20x64xf32, #tpu.memory_space<vmem>>[vector<16xi32>, vector<16xi32>], vector<16xf32>,
      %add3A_330 = arith.constant 32 : i32
      %add3A_331 = vector.broadcast %add3A_330 : i32 to vector<16xi32>
      %add3A_332 = arith.addi %add3A_331, %and3A_25 : vector<16xi32>
      %gather3A_333 = tpu.vector_load_idx %arg11[%broadcast_in_dim3A, %add3A_332] : memref<20x64xf32, #tpu.memory_space<vmem>>[vector<16xi32>, vector<16xi32>], vector<16xf32>,
      %add3A_334 = arith.constant 32 : i32
      %add3A_335 = vector.broadcast %add3A_334 : i32 to vector<16xi32>
      %add3A_336 = arith.addi %add3A_335, %and3A_31 : vector<16xi32>
      %gather3A_337 = tpu.vector_load_idx %arg11[%broadcast_in_dim3A, %add3A_336] : memref<20x64xf32, #tpu.memory_space<vmem>>[vector<16xi32>, vector<16xi32>], vector<16xf32>,
      %add3A_338 = arith.constant 32 : i32
      %add3A_339 = vector.broadcast %add3A_338 : i32 to vector<16xi32>
      %add3A_340 = arith.addi %add3A_339, %and3A_37 : vector<16xi32>
      %gather3A_341 = tpu.vector_load_idx %arg11[%broadcast_in_dim3A, %add3A_340] : memref<20x64xf32, #tpu.memory_space<vmem>>[vector<16xi32>, vector<16xi32>], vector<16xf32>,
      %add3A_342 = arith.constant 32 : i32
      %add3A_343 = vector.broadcast %add3A_342 : i32 to vector<16xi32>
      %add3A_344 = arith.addi %add3A_343, %and3A_43 : vector<16xi32>
      %gather3A_345 = tpu.vector_load_idx %arg11[%broadcast_in_dim3A, %add3A_344] : memref<20x64xf32, #tpu.memory_space<vmem>>[vector<16xi32>, vector<16xi32>], vector<16xf32>,
      %add3A_346 = arith.constant 32 : i32
      %add3A_347 = vector.broadcast %add3A_346 : i32 to vector<16xi32>
      %add3A_348 = arith.addi %add3A_347, %and3A_49 : vector<16xi32>
      %gather3A_349 = tpu.vector_load_idx %arg11[%broadcast_in_dim3A, %add3A_348] : memref<20x64xf32, #tpu.memory_space<vmem>>[vector<16xi32>, vector<16xi32>], vector<16xf32>,
      %add3A_350 = arith.constant 32 : i32
      %add3A_351 = vector.broadcast %add3A_350 : i32 to vector<16xi32>
      %add3A_352 = arith.addi %add3A_351, %and3A_55 : vector<16xi32>
      %gather3A_353 = tpu.vector_load_idx %arg11[%broadcast_in_dim3A, %add3A_352] : memref<20x64xf32, #tpu.memory_space<vmem>>[vector<16xi32>, vector<16xi32>], vector<16xf32>,
      %add3A_354 = arith.constant 32 : i32
      %add3A_355 = vector.broadcast %add3A_354 : i32 to vector<16xi32>
      %add3A_356 = arith.addi %add3A_355, %and3A_61 : vector<16xi32>
      %gather3A_357 = tpu.vector_load_idx %arg11[%broadcast_in_dim3A, %add3A_356] : memref<20x64xf32, #tpu.memory_space<vmem>>[vector<16xi32>, vector<16xi32>], vector<16xf32>,
      %add3A_358 = arith.constant 32 : i32
      %add3A_359 = vector.broadcast %add3A_358 : i32 to vector<16xi32>
      %add3A_360 = arith.addi %add3A_359, %and3A_67 : vector<16xi32>
      %gather3A_361 = tpu.vector_load_idx %arg11[%broadcast_in_dim3A, %add3A_360] : memref<20x64xf32, #tpu.memory_space<vmem>>[vector<16xi32>, vector<16xi32>], vector<16xf32>,
      %add3A_362 = arith.constant 32 : i32
      %add3A_363 = vector.broadcast %add3A_362 : i32 to vector<16xi32>
      %add3A_364 = arith.addi %add3A_363, %and3A_73 : vector<16xi32>
      %gather3A_365 = tpu.vector_load_idx %arg11[%broadcast_in_dim3A, %add3A_364] : memref<20x64xf32, #tpu.memory_space<vmem>>[vector<16xi32>, vector<16xi32>], vector<16xf32>,
      %add3A_366 = arith.constant 32 : i32
      %add3A_367 = vector.broadcast %add3A_366 : i32 to vector<16xi32>
      %add3A_368 = arith.addi %add3A_367, %and3A_79 : vector<16xi32>
      %gather3A_369 = tpu.vector_load_idx %arg11[%broadcast_in_dim3A, %add3A_368] : memref<20x64xf32, #tpu.memory_space<vmem>>[vector<16xi32>, vector<16xi32>], vector<16xf32>,
      %add3A_370 = arith.constant 32 : i32
      %add3A_371 = vector.broadcast %add3A_370 : i32 to vector<16xi32>
      %add3A_372 = arith.addi %add3A_371, %and3A_85 : vector<16xi32>
      %gather3A_373 = tpu.vector_load_idx %arg11[%broadcast_in_dim3A, %add3A_372] : memref<20x64xf32, #tpu.memory_space<vmem>>[vector<16xi32>, vector<16xi32>], vector<16xf32>,
      %add3A_374 = arith.constant 32 : i32
      %add3A_375 = vector.broadcast %add3A_374 : i32 to vector<16xi32>
      %add3A_376 = arith.addi %add3A_375, %and3A_91 : vector<16xi32>
      %gather3A_377 = tpu.vector_load_idx %arg11[%broadcast_in_dim3A, %add3A_376] : memref<20x64xf32, #tpu.memory_space<vmem>>[vector<16xi32>, vector<16xi32>], vector<16xf32>,
      %add3A_378 = arith.constant 32 : i32
      %add3A_379 = vector.broadcast %add3A_378 : i32 to vector<16xi32>
      %add3A_380 = arith.addi %add3A_379, %and3A_97 : vector<16xi32>
      %gather3A_381 = tpu.vector_load_idx %arg11[%broadcast_in_dim3A, %add3A_380] : memref<20x64xf32, #tpu.memory_space<vmem>>[vector<16xi32>, vector<16xi32>], vector<16xf32>,
      %add3A_382 = arith.constant 48 : i32
      %add3A_383 = vector.broadcast %add3A_382 : i32 to vector<16xi32>
      %add3A_384 = arith.addi %add3A_383, %and3A_7 : vector<16xi32>
      %gather3A_385 = tpu.vector_load_idx %arg11[%broadcast_in_dim3A, %add3A_384] : memref<20x64xf32, #tpu.memory_space<vmem>>[vector<16xi32>, vector<16xi32>], vector<16xf32>,
      %add3A_386 = arith.constant 48 : i32
      %add3A_387 = vector.broadcast %add3A_386 : i32 to vector<16xi32>
      %add3A_388 = arith.addi %add3A_387, %and3A_13 : vector<16xi32>
      %gather3A_389 = tpu.vector_load_idx %arg11[%broadcast_in_dim3A, %add3A_388] : memref<20x64xf32, #tpu.memory_space<vmem>>[vector<16xi32>, vector<16xi32>], vector<16xf32>,
      %add3A_390 = arith.constant 48 : i32
      %add3A_391 = vector.broadcast %add3A_390 : i32 to vector<16xi32>
      %add3A_392 = arith.addi %add3A_391, %and3A_19 : vector<16xi32>
      %gather3A_393 = tpu.vector_load_idx %arg11[%broadcast_in_dim3A, %add3A_392] : memref<20x64xf32, #tpu.memory_space<vmem>>[vector<16xi32>, vector<16xi32>], vector<16xf32>,
      %add3A_394 = arith.constant 48 : i32
      %add3A_395 = vector.broadcast %add3A_394 : i32 to vector<16xi32>
      %add3A_396 = arith.addi %add3A_395, %and3A_25 : vector<16xi32>
      %gather3A_397 = tpu.vector_load_idx %arg11[%broadcast_in_dim3A, %add3A_396] : memref<20x64xf32, #tpu.memory_space<vmem>>[vector<16xi32>, vector<16xi32>], vector<16xf32>,
      %add3A_398 = arith.constant 48 : i32
      %add3A_399 = vector.broadcast %add3A_398 : i32 to vector<16xi32>
      %add3A_400 = arith.addi %add3A_399, %and3A_31 : vector<16xi32>
      %gather3A_401 = tpu.vector_load_idx %arg11[%broadcast_in_dim3A, %add3A_400] : memref<20x64xf32, #tpu.memory_space<vmem>>[vector<16xi32>, vector<16xi32>], vector<16xf32>,
      %add3A_402 = arith.constant 48 : i32
      %add3A_403 = vector.broadcast %add3A_402 : i32 to vector<16xi32>
      %add3A_404 = arith.addi %add3A_403, %and3A_37 : vector<16xi32>
      %gather3A_405 = tpu.vector_load_idx %arg11[%broadcast_in_dim3A, %add3A_404] : memref<20x64xf32, #tpu.memory_space<vmem>>[vector<16xi32>, vector<16xi32>], vector<16xf32>,
      %add3A_406 = arith.constant 48 : i32
      %add3A_407 = vector.broadcast %add3A_406 : i32 to vector<16xi32>
      %add3A_408 = arith.addi %add3A_407, %and3A_43 : vector<16xi32>
      %gather3A_409 = tpu.vector_load_idx %arg11[%broadcast_in_dim3A, %add3A_408] : memref<20x64xf32, #tpu.memory_space<vmem>>[vector<16xi32>, vector<16xi32>], vector<16xf32>,
      %add3A_410 = arith.constant 48 : i32
      %add3A_411 = vector.broadcast %add3A_410 : i32 to vector<16xi32>
      %add3A_412 = arith.addi %add3A_411, %and3A_49 : vector<16xi32>
      %gather3A_413 = tpu.vector_load_idx %arg11[%broadcast_in_dim3A, %add3A_412] : memref<20x64xf32, #tpu.memory_space<vmem>>[vector<16xi32>, vector<16xi32>], vector<16xf32>,
      %add3A_414 = arith.constant 48 : i32
      %add3A_415 = vector.broadcast %add3A_414 : i32 to vector<16xi32>
      %add3A_416 = arith.addi %add3A_415, %and3A_55 : vector<16xi32>
      %gather3A_417 = tpu.vector_load_idx %arg11[%broadcast_in_dim3A, %add3A_416] : memref<20x64xf32, #tpu.memory_space<vmem>>[vector<16xi32>, vector<16xi32>], vector<16xf32>,
      %add3A_418 = arith.constant 48 : i32
      %add3A_419 = vector.broadcast %add3A_418 : i32 to vector<16xi32>
      %add3A_420 = arith.addi %add3A_419, %and3A_61 : vector<16xi32>
      %gather3A_421 = tpu.vector_load_idx %arg11[%broadcast_in_dim3A, %add3A_420] : memref<20x64xf32, #tpu.memory_space<vmem>>[vector<16xi32>, vector<16xi32>], vector<16xf32>,
      %add3A_422 = arith.constant 48 : i32
      %add3A_423 = vector.broadcast %add3A_422 : i32 to vector<16xi32>
      %add3A_424 = arith.addi %add3A_423, %and3A_67 : vector<16xi32>
      %gather3A_425 = tpu.vector_load_idx %arg11[%broadcast_in_dim3A, %add3A_424] : memref<20x64xf32, #tpu.memory_space<vmem>>[vector<16xi32>, vector<16xi32>], vector<16xf32>,
      %add3A_426 = arith.constant 48 : i32
      %add3A_427 = vector.broadcast %add3A_426 : i32 to vector<16xi32>
      %add3A_428 = arith.addi %add3A_427, %and3A_73 : vector<16xi32>
      %gather3A_429 = tpu.vector_load_idx %arg11[%broadcast_in_dim3A, %add3A_428] : memref<20x64xf32, #tpu.memory_space<vmem>>[vector<16xi32>, vector<16xi32>], vector<16xf32>,
      %add3A_430 = arith.constant 48 : i32
      %add3A_431 = vector.broadcast %add3A_430 : i32 to vector<16xi32>
      %add3A_432 = arith.addi %add3A_431, %and3A_79 : vector<16xi32>
      %gather3A_433 = tpu.vector_load_idx %arg11[%broadcast_in_dim3A, %add3A_432] : memref<20x64xf32, #tpu.memory_space<vmem>>[vector<16xi32>, vector<16xi32>], vector<16xf32>,
      %add3A_434 = arith.constant 48 : i32
      %add3A_435 = vector.broadcast %add3A_434 : i32 to vector<16xi32>
      %add3A_436 = arith.addi %add3A_435, %and3A_85 : vector<16xi32>
      %gather3A_437 = tpu.vector_load_idx %arg11[%broadcast_in_dim3A, %add3A_436] : memref<20x64xf32, #tpu.memory_space<vmem>>[vector<16xi32>, vector<16xi32>], vector<16xf32>,
      %add3A_438 = arith.constant 48 : i32
      %add3A_439 = vector.broadcast %add3A_438 : i32 to vector<16xi32>
      %add3A_440 = arith.addi %add3A_439, %and3A_91 : vector<16xi32>
      %gather3A_441 = tpu.vector_load_idx %arg11[%broadcast_in_dim3A, %add3A_440] : memref<20x64xf32, #tpu.memory_space<vmem>>[vector<16xi32>, vector<16xi32>], vector<16xf32>,
      %add3A_442 = arith.constant 48 : i32
      %add3A_443 = vector.broadcast %add3A_442 : i32 to vector<16xi32>
      %add3A_444 = arith.addi %add3A_443, %and3A_97 : vector<16xi32>
      %gather3A_445 = tpu.vector_load_idx %arg11[%broadcast_in_dim3A, %add3A_444] : memref<20x64xf32, #tpu.memory_space<vmem>>[vector<16xi32>, vector<16xi32>], vector<16xf32>,
      %scan3A_446 = arith.constant 0 : i32
      %scan3A_447 = arith.constant 0 : i32
      %scan3A_448 = arith.constant 16 : i32
      %scan3A_449 = arith.addi %scan3A_447, %scan3A_448 : i32
      %scan3A_450 = arith.constant 1 : i32
      scf.for %scan3A_825 = %scan3A_447 to %scan3A_449 step %scan3A_450  : i32 {
        %mul3A_826 = arith.constant 16 : i32
        %mul3A_827 = arith.muli %scan3A_825, %mul3A_826 : i32
        %add3A_828 = vector.broadcast %mul3A_827 : i32 to vector<16xi32>
        %add3A_829 = arith.addi %iota3A, %add3A_828 : vector<16xi32>
        %add3A_830 = arith.constant 0 : i32
        %add3A_831 = vector.broadcast %add3A_830 : i32 to vector<16xi32>
        %add3A_832 = arith.addi %add3A_831, %and3A_7 : vector<16xi32>
        %gather3A_833 = tpu.vector_load_idx %arg7[%add3A_829, %add3A_832] : memref<256x64xf32, #tpu.memory_space<vmem>>[vector<16xi32>, vector<16xi32>], vector<16xf32>,
        %add3A_834 = arith.addf %gather3A_833, %gather3A : vector<16xf32>
        tpu.vector_store_idx %arg9[%add3A_832, %add3A_829], %add3A_834 : memref<64x256xf32, #tpu.memory_space<vmem>>[vector<16xi32>, vector<16xi32>], vector<16xf32>,
        %add3A_835 = arith.constant 0 : i32
        %add3A_836 = vector.broadcast %add3A_835 : i32 to vector<16xi32>
        %add3A_837 = arith.addi %add3A_836, %and3A_13 : vector<16xi32>
        %gather3A_838 = tpu.vector_load_idx %arg7[%add3A_829, %add3A_837] : memref<256x64xf32, #tpu.memory_space<vmem>>[vector<16xi32>, vector<16xi32>], vector<16xf32>,
        %add3A_839 = arith.addf %gather3A_838, %gather3A_197 : vector<16xf32>
        tpu.vector_store_idx %arg9[%add3A_837, %add3A_829], %add3A_839 : memref<64x256xf32, #tpu.memory_space<vmem>>[vector<16xi32>, vector<16xi32>], vector<16xf32>,
        %add3A_840 = arith.constant 0 : i32
        %add3A_841 = vector.broadcast %add3A_840 : i32 to vector<16xi32>
        %add3A_842 = arith.addi %add3A_841, %and3A_19 : vector<16xi32>
        %gather3A_843 = tpu.vector_load_idx %arg7[%add3A_829, %add3A_842] : memref<256x64xf32, #tpu.memory_space<vmem>>[vector<16xi32>, vector<16xi32>], vector<16xf32>,
        %add3A_844 = arith.addf %gather3A_843, %gather3A_201 : vector<16xf32>
        tpu.vector_store_idx %arg9[%add3A_842, %add3A_829], %add3A_844 : memref<64x256xf32, #tpu.memory_space<vmem>>[vector<16xi32>, vector<16xi32>], vector<16xf32>,
        %add3A_845 = arith.constant 0 : i32
        %add3A_846 = vector.broadcast %add3A_845 : i32 to vector<16xi32>
        %add3A_847 = arith.addi %add3A_846, %and3A_25 : vector<16xi32>
        %gather3A_848 = tpu.vector_load_idx %arg7[%add3A_829, %add3A_847] : memref<256x64xf32, #tpu.memory_space<vmem>>[vector<16xi32>, vector<16xi32>], vector<16xf32>,
        %add3A_849 = arith.addf %gather3A_848, %gather3A_205 : vector<16xf32>
        tpu.vector_store_idx %arg9[%add3A_847, %add3A_829], %add3A_849 : memref<64x256xf32, #tpu.memory_space<vmem>>[vector<16xi32>, vector<16xi32>], vector<16xf32>,
        %add3A_850 = arith.constant 0 : i32
        %add3A_851 = vector.broadcast %add3A_850 : i32 to vector<16xi32>
        %add3A_852 = arith.addi %add3A_851, %and3A_31 : vector<16xi32>
        %gather3A_853 = tpu.vector_load_idx %arg7[%add3A_829, %add3A_852] : memref<256x64xf32, #tpu.memory_space<vmem>>[vector<16xi32>, vector<16xi32>], vector<16xf32>,
        %add3A_854 = arith.addf %gather3A_853, %gather3A_209 : vector<16xf32>
        tpu.vector_store_idx %arg9[%add3A_852, %add3A_829], %add3A_854 : memref<64x256xf32, #tpu.memory_space<vmem>>[vector<16xi32>, vector<16xi32>], vector<16xf32>,
        %add3A_855 = arith.constant 0 : i32
        %add3A_856 = vector.broadcast %add3A_855 : i32 to vector<16xi32>
        %add3A_857 = arith.addi %add3A_856, %and3A_37 : vector<16xi32>
        %gather3A_858 = tpu.vector_load_idx %arg7[%add3A_829, %add3A_857] : memref<256x64xf32, #tpu.memory_space<vmem>>[vector<16xi32>, vector<16xi32>], vector<16xf32>,
        %add3A_859 = arith.addf %gather3A_858, %gather3A_213 : vector<16xf32>
        tpu.vector_store_idx %arg9[%add3A_857, %add3A_829], %add3A_859 : memref<64x256xf32, #tpu.memory_space<vmem>>[vector<16xi32>, vector<16xi32>], vector<16xf32>,
        %add3A_860 = arith.constant 0 : i32
        %add3A_861 = vector.broadcast %add3A_860 : i32 to vector<16xi32>
        %add3A_862 = arith.addi %add3A_861, %and3A_43 : vector<16xi32>
        %gather3A_863 = tpu.vector_load_idx %arg7[%add3A_829, %add3A_862] : memref<256x64xf32, #tpu.memory_space<vmem>>[vector<16xi32>, vector<16xi32>], vector<16xf32>,
        %add3A_864 = arith.addf %gather3A_863, %gather3A_217 : vector<16xf32>
        tpu.vector_store_idx %arg9[%add3A_862, %add3A_829], %add3A_864 : memref<64x256xf32, #tpu.memory_space<vmem>>[vector<16xi32>, vector<16xi32>], vector<16xf32>,
        %add3A_865 = arith.constant 0 : i32
        %add3A_866 = vector.broadcast %add3A_865 : i32 to vector<16xi32>
        %add3A_867 = arith.addi %add3A_866, %and3A_49 : vector<16xi32>
        %gather3A_868 = tpu.vector_load_idx %arg7[%add3A_829, %add3A_867] : memref<256x64xf32, #tpu.memory_space<vmem>>[vector<16xi32>, vector<16xi32>], vector<16xf32>,
        %add3A_869 = arith.addf %gather3A_868, %gather3A_221 : vector<16xf32>
        tpu.vector_store_idx %arg9[%add3A_867, %add3A_829], %add3A_869 : memref<64x256xf32, #tpu.memory_space<vmem>>[vector<16xi32>, vector<16xi32>], vector<16xf32>,
        %add3A_870 = arith.constant 0 : i32
        %add3A_871 = vector.broadcast %add3A_870 : i32 to vector<16xi32>
        %add3A_872 = arith.addi %add3A_871, %and3A_55 : vector<16xi32>
        %gather3A_873 = tpu.vector_load_idx %arg7[%add3A_829, %add3A_872] : memref<256x64xf32, #tpu.memory_space<vmem>>[vector<16xi32>, vector<16xi32>], vector<16xf32>,
        %add3A_874 = arith.addf %gather3A_873, %gather3A_225 : vector<16xf32>
        tpu.vector_store_idx %arg9[%add3A_872, %add3A_829], %add3A_874 : memref<64x256xf32, #tpu.memory_space<vmem>>[vector<16xi32>, vector<16xi32>], vector<16xf32>,
        %add3A_875 = arith.constant 0 : i32
        %add3A_876 = vector.broadcast %add3A_875 : i32 to vector<16xi32>
        %add3A_877 = arith.addi %add3A_876, %and3A_61 : vector<16xi32>
        %gather3A_878 = tpu.vector_load_idx %arg7[%add3A_829, %add3A_877] : memref<256x64xf32, #tpu.memory_space<vmem>>[vector<16xi32>, vector<16xi32>], vector<16xf32>,
        %add3A_879 = arith.addf %gather3A_878, %gather3A_229 : vector<16xf32>
        tpu.vector_store_idx %arg9[%add3A_877, %add3A_829], %add3A_879 : memref<64x256xf32, #tpu.memory_space<vmem>>[vector<16xi32>, vector<16xi32>], vector<16xf32>,
        %add3A_880 = arith.constant 0 : i32
        %add3A_881 = vector.broadcast %add3A_880 : i32 to vector<16xi32>
        %add3A_882 = arith.addi %add3A_881, %and3A_67 : vector<16xi32>
        %gather3A_883 = tpu.vector_load_idx %arg7[%add3A_829, %add3A_882] : memref<256x64xf32, #tpu.memory_space<vmem>>[vector<16xi32>, vector<16xi32>], vector<16xf32>,
        %add3A_884 = arith.addf %gather3A_883, %gather3A_233 : vector<16xf32>
        tpu.vector_store_idx %arg9[%add3A_882, %add3A_829], %add3A_884 : memref<64x256xf32, #tpu.memory_space<vmem>>[vector<16xi32>, vector<16xi32>], vector<16xf32>,
        %add3A_885 = arith.constant 0 : i32
        %add3A_886 = vector.broadcast %add3A_885 : i32 to vector<16xi32>
        %add3A_887 = arith.addi %add3A_886, %and3A_73 : vector<16xi32>
        %gather3A_888 = tpu.vector_load_idx %arg7[%add3A_829, %add3A_887] : memref<256x64xf32, #tpu.memory_space<vmem>>[vector<16xi32>, vector<16xi32>], vector<16xf32>,
        %add3A_889 = arith.addf %gather3A_888, %gather3A_237 : vector<16xf32>
        tpu.vector_store_idx %arg9[%add3A_887, %add3A_829], %add3A_889 : memref<64x256xf32, #tpu.memory_space<vmem>>[vector<16xi32>, vector<16xi32>], vector<16xf32>,
        %add3A_890 = arith.constant 0 : i32
        %add3A_891 = vector.broadcast %add3A_890 : i32 to vector<16xi32>
        %add3A_892 = arith.addi %add3A_891, %and3A_79 : vector<16xi32>
        %gather3A_893 = tpu.vector_load_idx %arg7[%add3A_829, %add3A_892] : memref<256x64xf32, #tpu.memory_space<vmem>>[vector<16xi32>, vector<16xi32>], vector<16xf32>,
        %add3A_894 = arith.addf %gather3A_893, %gather3A_241 : vector<16xf32>
        tpu.vector_store_idx %arg9[%add3A_892, %add3A_829], %add3A_894 : memref<64x256xf32, #tpu.memory_space<vmem>>[vector<16xi32>, vector<16xi32>], vector<16xf32>,
        %add3A_895 = arith.constant 0 : i32
        %add3A_896 = vector.broadcast %add3A_895 : i32 to vector<16xi32>
        %add3A_897 = arith.addi %add3A_896, %and3A_85 : vector<16xi32>
        %gather3A_898 = tpu.vector_load_idx %arg7[%add3A_829, %add3A_897] : memref<256x64xf32, #tpu.memory_space<vmem>>[vector<16xi32>, vector<16xi32>], vector<16xf32>,
        %add3A_899 = arith.addf %gather3A_898, %gather3A_245 : vector<16xf32>
        tpu.vector_store_idx %arg9[%add3A_897, %add3A_829], %add3A_899 : memref<64x256xf32, #tpu.memory_space<vmem>>[vector<16xi32>, vector<16xi32>], vector<16xf32>,
        %add3A_900 = arith.constant 0 : i32
        %add3A_901 = vector.broadcast %add3A_900 : i32 to vector<16xi32>
        %add3A_902 = arith.addi %add3A_901, %and3A_91 : vector<16xi32>
        %gather3A_903 = tpu.vector_load_idx %arg7[%add3A_829, %add3A_902] : memref<256x64xf32, #tpu.memory_space<vmem>>[vector<16xi32>, vector<16xi32>], vector<16xf32>,
        %add3A_904 = arith.addf %gather3A_903, %gather3A_249 : vector<16xf32>
        tpu.vector_store_idx %arg9[%add3A_902, %add3A_829], %add3A_904 : memref<64x256xf32, #tpu.memory_space<vmem>>[vector<16xi32>, vector<16xi32>], vector<16xf32>,
        %add3A_905 = arith.constant 0 : i32
        %add3A_906 = vector.broadcast %add3A_905 : i32 to vector<16xi32>
        %add3A_907 = arith.addi %add3A_906, %and3A_97 : vector<16xi32>
        %gather3A_908 = tpu.vector_load_idx %arg7[%add3A_829, %add3A_907] : memref<256x64xf32, #tpu.memory_space<vmem>>[vector<16xi32>, vector<16xi32>], vector<16xf32>,
        %add3A_909 = arith.addf %gather3A_908, %gather3A_253 : vector<16xf32>
        tpu.vector_store_idx %arg9[%add3A_907, %add3A_829], %add3A_909 : memref<64x256xf32, #tpu.memory_space<vmem>>[vector<16xi32>, vector<16xi32>], vector<16xf32>,
        %add3A_910 = arith.constant 16 : i32
        %add3A_911 = vector.broadcast %add3A_910 : i32 to vector<16xi32>
        %add3A_912 = arith.addi %add3A_911, %and3A_7 : vector<16xi32>
        %gather3A_913 = tpu.vector_load_idx %arg7[%add3A_829, %add3A_912] : memref<256x64xf32, #tpu.memory_space<vmem>>[vector<16xi32>, vector<16xi32>], vector<16xf32>,
        %add3A_914 = arith.addf %gather3A_913, %gather3A_257 : vector<16xf32>
        tpu.vector_store_idx %arg9[%add3A_912, %add3A_829], %add3A_914 : memref<64x256xf32, #tpu.memory_space<vmem>>[vector<16xi32>, vector<16xi32>], vector<16xf32>,
        %add3A_915 = arith.constant 16 : i32
        %add3A_916 = vector.broadcast %add3A_915 : i32 to vector<16xi32>
        %add3A_917 = arith.addi %add3A_916, %and3A_13 : vector<16xi32>
        %gather3A_918 = tpu.vector_load_idx %arg7[%add3A_829, %add3A_917] : memref<256x64xf32, #tpu.memory_space<vmem>>[vector<16xi32>, vector<16xi32>], vector<16xf32>,
        %add3A_919 = arith.addf %gather3A_918, %gather3A_261 : vector<16xf32>
        tpu.vector_store_idx %arg9[%add3A_917, %add3A_829], %add3A_919 : memref<64x256xf32, #tpu.memory_space<vmem>>[vector<16xi32>, vector<16xi32>], vector<16xf32>,
        %add3A_920 = arith.constant 16 : i32
        %add3A_921 = vector.broadcast %add3A_920 : i32 to vector<16xi32>
        %add3A_922 = arith.addi %add3A_921, %and3A_19 : vector<16xi32>
        %gather3A_923 = tpu.vector_load_idx %arg7[%add3A_829, %add3A_922] : memref<256x64xf32, #tpu.memory_space<vmem>>[vector<16xi32>, vector<16xi32>], vector<16xf32>,
        %add3A_924 = arith.addf %gather3A_923, %gather3A_265 : vector<16xf32>
        tpu.vector_store_idx %arg9[%add3A_922, %add3A_829], %add3A_924 : memref<64x256xf32, #tpu.memory_space<vmem>>[vector<16xi32>, vector<16xi32>], vector<16xf32>,
        %add3A_925 = arith.constant 16 : i32
        %add3A_926 = vector.broadcast %add3A_925 : i32 to vector<16xi32>
        %add3A_927 = arith.addi %add3A_926, %and3A_25 : vector<16xi32>
        %gather3A_928 = tpu.vector_load_idx %arg7[%add3A_829, %add3A_927] : memref<256x64xf32, #tpu.memory_space<vmem>>[vector<16xi32>, vector<16xi32>], vector<16xf32>,
        %add3A_929 = arith.addf %gather3A_928, %gather3A_269 : vector<16xf32>
        tpu.vector_store_idx %arg9[%add3A_927, %add3A_829], %add3A_929 : memref<64x256xf32, #tpu.memory_space<vmem>>[vector<16xi32>, vector<16xi32>], vector<16xf32>,
        %add3A_930 = arith.constant 16 : i32
        %add3A_931 = vector.broadcast %add3A_930 : i32 to vector<16xi32>
        %add3A_932 = arith.addi %add3A_931, %and3A_31 : vector<16xi32>
        %gather3A_933 = tpu.vector_load_idx %arg7[%add3A_829, %add3A_932] : memref<256x64xf32, #tpu.memory_space<vmem>>[vector<16xi32>, vector<16xi32>], vector<16xf32>,
        %add3A_934 = arith.addf %gather3A_933, %gather3A_273 : vector<16xf32>
        tpu.vector_store_idx %arg9[%add3A_932, %add3A_829], %add3A_934 : memref<64x256xf32, #tpu.memory_space<vmem>>[vector<16xi32>, vector<16xi32>], vector<16xf32>,
        %add3A_935 = arith.constant 16 : i32
        %add3A_936 = vector.broadcast %add3A_935 : i32 to vector<16xi32>
        %add3A_937 = arith.addi %add3A_936, %and3A_37 : vector<16xi32>
        %gather3A_938 = tpu.vector_load_idx %arg7[%add3A_829, %add3A_937] : memref<256x64xf32, #tpu.memory_space<vmem>>[vector<16xi32>, vector<16xi32>], vector<16xf32>,
        %add3A_939 = arith.addf %gather3A_938, %gather3A_277 : vector<16xf32>
        tpu.vector_store_idx %arg9[%add3A_937, %add3A_829], %add3A_939 : memref<64x256xf32, #tpu.memory_space<vmem>>[vector<16xi32>, vector<16xi32>], vector<16xf32>,
        %add3A_940 = arith.constant 16 : i32
        %add3A_941 = vector.broadcast %add3A_940 : i32 to vector<16xi32>
        %add3A_942 = arith.addi %add3A_941, %and3A_43 : vector<16xi32>
        %gather3A_943 = tpu.vector_load_idx %arg7[%add3A_829, %add3A_942] : memref<256x64xf32, #tpu.memory_space<vmem>>[vector<16xi32>, vector<16xi32>], vector<16xf32>,
        %add3A_944 = arith.addf %gather3A_943, %gather3A_281 : vector<16xf32>
        tpu.vector_store_idx %arg9[%add3A_942, %add3A_829], %add3A_944 : memref<64x256xf32, #tpu.memory_space<vmem>>[vector<16xi32>, vector<16xi32>], vector<16xf32>,
        %add3A_945 = arith.constant 16 : i32
        %add3A_946 = vector.broadcast %add3A_945 : i32 to vector<16xi32>
        %add3A_947 = arith.addi %add3A_946, %and3A_49 : vector<16xi32>
        %gather3A_948 = tpu.vector_load_idx %arg7[%add3A_829, %add3A_947] : memref<256x64xf32, #tpu.memory_space<vmem>>[vector<16xi32>, vector<16xi32>], vector<16xf32>,
        %add3A_949 = arith.addf %gather3A_948, %gather3A_285 : vector<16xf32>
        tpu.vector_store_idx %arg9[%add3A_947, %add3A_829], %add3A_949 : memref<64x256xf32, #tpu.memory_space<vmem>>[vector<16xi32>, vector<16xi32>], vector<16xf32>,
        %add3A_950 = arith.constant 16 : i32
        %add3A_951 = vector.broadcast %add3A_950 : i32 to vector<16xi32>
        %add3A_952 = arith.addi %add3A_951, %and3A_55 : vector<16xi32>
        %gather3A_953 = tpu.vector_load_idx %arg7[%add3A_829, %add3A_952] : memref<256x64xf32, #tpu.memory_space<vmem>>[vector<16xi32>, vector<16xi32>], vector<16xf32>,
        %add3A_954 = arith.addf %gather3A_953, %gather3A_289 : vector<16xf32>
        tpu.vector_store_idx %arg9[%add3A_952, %add3A_829], %add3A_954 : memref<64x256xf32, #tpu.memory_space<vmem>>[vector<16xi32>, vector<16xi32>], vector<16xf32>,
        %add3A_955 = arith.constant 16 : i32
        %add3A_956 = vector.broadcast %add3A_955 : i32 to vector<16xi32>
        %add3A_957 = arith.addi %add3A_956, %and3A_61 : vector<16xi32>
        %gather3A_958 = tpu.vector_load_idx %arg7[%add3A_829, %add3A_957] : memref<256x64xf32, #tpu.memory_space<vmem>>[vector<16xi32>, vector<16xi32>], vector<16xf32>,
        %add3A_959 = arith.addf %gather3A_958, %gather3A_293 : vector<16xf32>
        tpu.vector_store_idx %arg9[%add3A_957, %add3A_829], %add3A_959 : memref<64x256xf32, #tpu.memory_space<vmem>>[vector<16xi32>, vector<16xi32>], vector<16xf32>,
        %add3A_960 = arith.constant 16 : i32
        %add3A_961 = vector.broadcast %add3A_960 : i32 to vector<16xi32>
        %add3A_962 = arith.addi %add3A_961, %and3A_67 : vector<16xi32>
        %gather3A_963 = tpu.vector_load_idx %arg7[%add3A_829, %add3A_962] : memref<256x64xf32, #tpu.memory_space<vmem>>[vector<16xi32>, vector<16xi32>], vector<16xf32>,
        %add3A_964 = arith.addf %gather3A_963, %gather3A_297 : vector<16xf32>
        tpu.vector_store_idx %arg9[%add3A_962, %add3A_829], %add3A_964 : memref<64x256xf32, #tpu.memory_space<vmem>>[vector<16xi32>, vector<16xi32>], vector<16xf32>,
        %add3A_965 = arith.constant 16 : i32
        %add3A_966 = vector.broadcast %add3A_965 : i32 to vector<16xi32>
        %add3A_967 = arith.addi %add3A_966, %and3A_73 : vector<16xi32>
        %gather3A_968 = tpu.vector_load_idx %arg7[%add3A_829, %add3A_967] : memref<256x64xf32, #tpu.memory_space<vmem>>[vector<16xi32>, vector<16xi32>], vector<16xf32>,
        %add3A_969 = arith.addf %gather3A_968, %gather3A_301 : vector<16xf32>
        tpu.vector_store_idx %arg9[%add3A_967, %add3A_829], %add3A_969 : memref<64x256xf32, #tpu.memory_space<vmem>>[vector<16xi32>, vector<16xi32>], vector<16xf32>,
        %add3A_970 = arith.constant 16 : i32
        %add3A_971 = vector.broadcast %add3A_970 : i32 to vector<16xi32>
        %add3A_972 = arith.addi %add3A_971, %and3A_79 : vector<16xi32>
        %gather3A_973 = tpu.vector_load_idx %arg7[%add3A_829, %add3A_972] : memref<256x64xf32, #tpu.memory_space<vmem>>[vector<16xi32>, vector<16xi32>], vector<16xf32>,
        %add3A_974 = arith.addf %gather3A_973, %gather3A_305 : vector<16xf32>
        tpu.vector_store_idx %arg9[%add3A_972, %add3A_829], %add3A_974 : memref<64x256xf32, #tpu.memory_space<vmem>>[vector<16xi32>, vector<16xi32>], vector<16xf32>,
        %add3A_975 = arith.constant 16 : i32
        %add3A_976 = vector.broadcast %add3A_975 : i32 to vector<16xi32>
        %add3A_977 = arith.addi %add3A_976, %and3A_85 : vector<16xi32>
        %gather3A_978 = tpu.vector_load_idx %arg7[%add3A_829, %add3A_977] : memref<256x64xf32, #tpu.memory_space<vmem>>[vector<16xi32>, vector<16xi32>], vector<16xf32>,
        %add3A_979 = arith.addf %gather3A_978, %gather3A_309 : vector<16xf32>
        tpu.vector_store_idx %arg9[%add3A_977, %add3A_829], %add3A_979 : memref<64x256xf32, #tpu.memory_space<vmem>>[vector<16xi32>, vector<16xi32>], vector<16xf32>,
        %add3A_980 = arith.constant 16 : i32
        %add3A_981 = vector.broadcast %add3A_980 : i32 to vector<16xi32>
        %add3A_982 = arith.addi %add3A_981, %and3A_91 : vector<16xi32>
        %gather3A_983 = tpu.vector_load_idx %arg7[%add3A_829, %add3A_982] : memref<256x64xf32, #tpu.memory_space<vmem>>[vector<16xi32>, vector<16xi32>], vector<16xf32>,
        %add3A_984 = arith.addf %gather3A_983, %gather3A_313 : vector<16xf32>
        tpu.vector_store_idx %arg9[%add3A_982, %add3A_829], %add3A_984 : memref<64x256xf32, #tpu.memory_space<vmem>>[vector<16xi32>, vector<16xi32>], vector<16xf32>,
        %add3A_985 = arith.constant 16 : i32
        %add3A_986 = vector.broadcast %add3A_985 : i32 to vector<16xi32>
        %add3A_987 = arith.addi %add3A_986, %and3A_97 : vector<16xi32>
        %gather3A_988 = tpu.vector_load_idx %arg7[%add3A_829, %add3A_987] : memref<256x64xf32, #tpu.memory_space<vmem>>[vector<16xi32>, vector<16xi32>], vector<16xf32>,
        %add3A_989 = arith.addf %gather3A_988, %gather3A_317 : vector<16xf32>
        tpu.vector_store_idx %arg9[%add3A_987, %add3A_829], %add3A_989 : memref<64x256xf32, #tpu.memory_space<vmem>>[vector<16xi32>, vector<16xi32>], vector<16xf32>,
        %add3A_990 = arith.constant 32 : i32
        %add3A_991 = vector.broadcast %add3A_990 : i32 to vector<16xi32>
        %add3A_992 = arith.addi %add3A_991, %and3A_7 : vector<16xi32>
        %gather3A_993 = tpu.vector_load_idx %arg7[%add3A_829, %add3A_992] : memref<256x64xf32, #tpu.memory_space<vmem>>[vector<16xi32>, vector<16xi32>], vector<16xf32>,
        %add3A_994 = arith.addf %gather3A_993, %gather3A_321 : vector<16xf32>
        tpu.vector_store_idx %arg9[%add3A_992, %add3A_829], %add3A_994 : memref<64x256xf32, #tpu.memory_space<vmem>>[vector<16xi32>, vector<16xi32>], vector<16xf32>,
        %add3A_995 = arith.constant 32 : i32
        %add3A_996 = vector.broadcast %add3A_995 : i32 to vector<16xi32>
        %add3A_997 = arith.addi %add3A_996, %and3A_13 : vector<16xi32>
        %gather3A_998 = tpu.vector_load_idx %arg7[%add3A_829, %add3A_997] : memref<256x64xf32, #tpu.memory_space<vmem>>[vector<16xi32>, vector<16xi32>], vector<16xf32>,
        %add3A_999 = arith.addf %gather3A_998, %gather3A_325 : vector<16xf32>
        tpu.vector_store_idx %arg9[%add3A_997, %add3A_829], %add3A_999 : memref<64x256xf32, #tpu.memory_space<vmem>>[vector<16xi32>, vector<16xi32>], vector<16xf32>,
        %add3A_1000 = arith.constant 32 : i32
        %add3A_1001 = vector.broadcast %add3A_1000 : i32 to vector<16xi32>
        %add3A_1002 = arith.addi %add3A_1001, %and3A_19 : vector<16xi32>
        %gather3A_1003 = tpu.vector_load_idx %arg7[%add3A_829, %add3A_1002] : memref<256x64xf32, #tpu.memory_space<vmem>>[vector<16xi32>, vector<16xi32>], vector<16xf32>,
        %add3A_1004 = arith.addf %gather3A_1003, %gather3A_329 : vector<16xf32>
        tpu.vector_store_idx %arg9[%add3A_1002, %add3A_829], %add3A_1004 : memref<64x256xf32, #tpu.memory_space<vmem>>[vector<16xi32>, vector<16xi32>], vector<16xf32>,
        %add3A_1005 = arith.constant 32 : i32
        %add3A_1006 = vector.broadcast %add3A_1005 : i32 to vector<16xi32>
        %add3A_1007 = arith.addi %add3A_1006, %and3A_25 : vector<16xi32>
        %gather3A_1008 = tpu.vector_load_idx %arg7[%add3A_829, %add3A_1007] : memref<256x64xf32, #tpu.memory_space<vmem>>[vector<16xi32>, vector<16xi32>], vector<16xf32>,
        %add3A_1009 = arith.addf %gather3A_1008, %gather3A_333 : vector<16xf32>
        tpu.vector_store_idx %arg9[%add3A_1007, %add3A_829], %add3A_1009 : memref<64x256xf32, #tpu.memory_space<vmem>>[vector<16xi32>, vector<16xi32>], vector<16xf32>,
        %add3A_1010 = arith.constant 32 : i32
        %add3A_1011 = vector.broadcast %add3A_1010 : i32 to vector<16xi32>
        %add3A_1012 = arith.addi %add3A_1011, %and3A_31 : vector<16xi32>
        %gather3A_1013 = tpu.vector_load_idx %arg7[%add3A_829, %add3A_1012] : memref<256x64xf32, #tpu.memory_space<vmem>>[vector<16xi32>, vector<16xi32>], vector<16xf32>,
        %add3A_1014 = arith.addf %gather3A_1013, %gather3A_337 : vector<16xf32>
        tpu.vector_store_idx %arg9[%add3A_1012, %add3A_829], %add3A_1014 : memref<64x256xf32, #tpu.memory_space<vmem>>[vector<16xi32>, vector<16xi32>], vector<16xf32>,
        %add3A_1015 = arith.constant 32 : i32
        %add3A_1016 = vector.broadcast %add3A_1015 : i32 to vector<16xi32>
        %add3A_1017 = arith.addi %add3A_1016, %and3A_37 : vector<16xi32>
        %gather3A_1018 = tpu.vector_load_idx %arg7[%add3A_829, %add3A_1017] : memref<256x64xf32, #tpu.memory_space<vmem>>[vector<16xi32>, vector<16xi32>], vector<16xf32>,
        %add3A_1019 = arith.addf %gather3A_1018, %gather3A_341 : vector<16xf32>
        tpu.vector_store_idx %arg9[%add3A_1017, %add3A_829], %add3A_1019 : memref<64x256xf32, #tpu.memory_space<vmem>>[vector<16xi32>, vector<16xi32>], vector<16xf32>,
        %add3A_1020 = arith.constant 32 : i32
        %add3A_1021 = vector.broadcast %add3A_1020 : i32 to vector<16xi32>
        %add3A_1022 = arith.addi %add3A_1021, %and3A_43 : vector<16xi32>
        %gather3A_1023 = tpu.vector_load_idx %arg7[%add3A_829, %add3A_1022] : memref<256x64xf32, #tpu.memory_space<vmem>>[vector<16xi32>, vector<16xi32>], vector<16xf32>,
        %add3A_1024 = arith.addf %gather3A_1023, %gather3A_345 : vector<16xf32>
        tpu.vector_store_idx %arg9[%add3A_1022, %add3A_829], %add3A_1024 : memref<64x256xf32, #tpu.memory_space<vmem>>[vector<16xi32>, vector<16xi32>], vector<16xf32>,
        %add3A_1025 = arith.constant 32 : i32
        %add3A_1026 = vector.broadcast %add3A_1025 : i32 to vector<16xi32>
        %add3A_1027 = arith.addi %add3A_1026, %and3A_49 : vector<16xi32>
        %gather3A_1028 = tpu.vector_load_idx %arg7[%add3A_829, %add3A_1027] : memref<256x64xf32, #tpu.memory_space<vmem>>[vector<16xi32>, vector<16xi32>], vector<16xf32>,
        %add3A_1029 = arith.addf %gather3A_1028, %gather3A_349 : vector<16xf32>
        tpu.vector_store_idx %arg9[%add3A_1027, %add3A_829], %add3A_1029 : memref<64x256xf32, #tpu.memory_space<vmem>>[vector<16xi32>, vector<16xi32>], vector<16xf32>,
        %add3A_1030 = arith.constant 32 : i32
        %add3A_1031 = vector.broadcast %add3A_1030 : i32 to vector<16xi32>
        %add3A_1032 = arith.addi %add3A_1031, %and3A_55 : vector<16xi32>
        %gather3A_1033 = tpu.vector_load_idx %arg7[%add3A_829, %add3A_1032] : memref<256x64xf32, #tpu.memory_space<vmem>>[vector<16xi32>, vector<16xi32>], vector<16xf32>,
        %add3A_1034 = arith.addf %gather3A_1033, %gather3A_353 : vector<16xf32>
        tpu.vector_store_idx %arg9[%add3A_1032, %add3A_829], %add3A_1034 : memref<64x256xf32, #tpu.memory_space<vmem>>[vector<16xi32>, vector<16xi32>], vector<16xf32>,
        %add3A_1035 = arith.constant 32 : i32
        %add3A_1036 = vector.broadcast %add3A_1035 : i32 to vector<16xi32>
        %add3A_1037 = arith.addi %add3A_1036, %and3A_61 : vector<16xi32>
        %gather3A_1038 = tpu.vector_load_idx %arg7[%add3A_829, %add3A_1037] : memref<256x64xf32, #tpu.memory_space<vmem>>[vector<16xi32>, vector<16xi32>], vector<16xf32>,
        %add3A_1039 = arith.addf %gather3A_1038, %gather3A_357 : vector<16xf32>
        tpu.vector_store_idx %arg9[%add3A_1037, %add3A_829], %add3A_1039 : memref<64x256xf32, #tpu.memory_space<vmem>>[vector<16xi32>, vector<16xi32>], vector<16xf32>,
        %add3A_1040 = arith.constant 32 : i32
        %add3A_1041 = vector.broadcast %add3A_1040 : i32 to vector<16xi32>
        %add3A_1042 = arith.addi %add3A_1041, %and3A_67 : vector<16xi32>
        %gather3A_1043 = tpu.vector_load_idx %arg7[%add3A_829, %add3A_1042] : memref<256x64xf32, #tpu.memory_space<vmem>>[vector<16xi32>, vector<16xi32>], vector<16xf32>,
        %add3A_1044 = arith.addf %gather3A_1043, %gather3A_361 : vector<16xf32>
        tpu.vector_store_idx %arg9[%add3A_1042, %add3A_829], %add3A_1044 : memref<64x256xf32, #tpu.memory_space<vmem>>[vector<16xi32>, vector<16xi32>], vector<16xf32>,
        %add3A_1045 = arith.constant 32 : i32
        %add3A_1046 = vector.broadcast %add3A_1045 : i32 to vector<16xi32>
        %add3A_1047 = arith.addi %add3A_1046, %and3A_73 : vector<16xi32>
        %gather3A_1048 = tpu.vector_load_idx %arg7[%add3A_829, %add3A_1047] : memref<256x64xf32, #tpu.memory_space<vmem>>[vector<16xi32>, vector<16xi32>], vector<16xf32>,
        %add3A_1049 = arith.addf %gather3A_1048, %gather3A_365 : vector<16xf32>
        tpu.vector_store_idx %arg9[%add3A_1047, %add3A_829], %add3A_1049 : memref<64x256xf32, #tpu.memory_space<vmem>>[vector<16xi32>, vector<16xi32>], vector<16xf32>,
        %add3A_1050 = arith.constant 32 : i32
        %add3A_1051 = vector.broadcast %add3A_1050 : i32 to vector<16xi32>
        %add3A_1052 = arith.addi %add3A_1051, %and3A_79 : vector<16xi32>
        %gather3A_1053 = tpu.vector_load_idx %arg7[%add3A_829, %add3A_1052] : memref<256x64xf32, #tpu.memory_space<vmem>>[vector<16xi32>, vector<16xi32>], vector<16xf32>,
        %add3A_1054 = arith.addf %gather3A_1053, %gather3A_369 : vector<16xf32>
        tpu.vector_store_idx %arg9[%add3A_1052, %add3A_829], %add3A_1054 : memref<64x256xf32, #tpu.memory_space<vmem>>[vector<16xi32>, vector<16xi32>], vector<16xf32>,
        %add3A_1055 = arith.constant 32 : i32
        %add3A_1056 = vector.broadcast %add3A_1055 : i32 to vector<16xi32>
        %add3A_1057 = arith.addi %add3A_1056, %and3A_85 : vector<16xi32>
        %gather3A_1058 = tpu.vector_load_idx %arg7[%add3A_829, %add3A_1057] : memref<256x64xf32, #tpu.memory_space<vmem>>[vector<16xi32>, vector<16xi32>], vector<16xf32>,
        %add3A_1059 = arith.addf %gather3A_1058, %gather3A_373 : vector<16xf32>
        tpu.vector_store_idx %arg9[%add3A_1057, %add3A_829], %add3A_1059 : memref<64x256xf32, #tpu.memory_space<vmem>>[vector<16xi32>, vector<16xi32>], vector<16xf32>,
        %add3A_1060 = arith.constant 32 : i32
        %add3A_1061 = vector.broadcast %add3A_1060 : i32 to vector<16xi32>
        %add3A_1062 = arith.addi %add3A_1061, %and3A_91 : vector<16xi32>
        %gather3A_1063 = tpu.vector_load_idx %arg7[%add3A_829, %add3A_1062] : memref<256x64xf32, #tpu.memory_space<vmem>>[vector<16xi32>, vector<16xi32>], vector<16xf32>,
        %add3A_1064 = arith.addf %gather3A_1063, %gather3A_377 : vector<16xf32>
        tpu.vector_store_idx %arg9[%add3A_1062, %add3A_829], %add3A_1064 : memref<64x256xf32, #tpu.memory_space<vmem>>[vector<16xi32>, vector<16xi32>], vector<16xf32>,
        %add3A_1065 = arith.constant 32 : i32
        %add3A_1066 = vector.broadcast %add3A_1065 : i32 to vector<16xi32>
        %add3A_1067 = arith.addi %add3A_1066, %and3A_97 : vector<16xi32>
        %gather3A_1068 = tpu.vector_load_idx %arg7[%add3A_829, %add3A_1067] : memref<256x64xf32, #tpu.memory_space<vmem>>[vector<16xi32>, vector<16xi32>], vector<16xf32>,
        %add3A_1069 = arith.addf %gather3A_1068, %gather3A_381 : vector<16xf32>
        tpu.vector_store_idx %arg9[%add3A_1067, %add3A_829], %add3A_1069 : memref<64x256xf32, #tpu.memory_space<vmem>>[vector<16xi32>, vector<16xi32>], vector<16xf32>,
        %add3A_1070 = arith.constant 48 : i32
        %add3A_1071 = vector.broadcast %add3A_1070 : i32 to vector<16xi32>
        %add3A_1072 = arith.addi %add3A_1071, %and3A_7 : vector<16xi32>
        %gather3A_1073 = tpu.vector_load_idx %arg7[%add3A_829, %add3A_1072] : memref<256x64xf32, #tpu.memory_space<vmem>>[vector<16xi32>, vector<16xi32>], vector<16xf32>,
        %add3A_1074 = arith.addf %gather3A_1073, %gather3A_385 : vector<16xf32>
        tpu.vector_store_idx %arg9[%add3A_1072, %add3A_829], %add3A_1074 : memref<64x256xf32, #tpu.memory_space<vmem>>[vector<16xi32>, vector<16xi32>], vector<16xf32>,
        %add3A_1075 = arith.constant 48 : i32
        %add3A_1076 = vector.broadcast %add3A_1075 : i32 to vector<16xi32>
        %add3A_1077 = arith.addi %add3A_1076, %and3A_13 : vector<16xi32>
        %gather3A_1078 = tpu.vector_load_idx %arg7[%add3A_829, %add3A_1077] : memref<256x64xf32, #tpu.memory_space<vmem>>[vector<16xi32>, vector<16xi32>], vector<16xf32>,
        %add3A_1079 = arith.addf %gather3A_1078, %gather3A_389 : vector<16xf32>
        tpu.vector_store_idx %arg9[%add3A_1077, %add3A_829], %add3A_1079 : memref<64x256xf32, #tpu.memory_space<vmem>>[vector<16xi32>, vector<16xi32>], vector<16xf32>,
        %add3A_1080 = arith.constant 48 : i32
        %add3A_1081 = vector.broadcast %add3A_1080 : i32 to vector<16xi32>
        %add3A_1082 = arith.addi %add3A_1081, %and3A_19 : vector<16xi32>
        %gather3A_1083 = tpu.vector_load_idx %arg7[%add3A_829, %add3A_1082] : memref<256x64xf32, #tpu.memory_space<vmem>>[vector<16xi32>, vector<16xi32>], vector<16xf32>,
        %add3A_1084 = arith.addf %gather3A_1083, %gather3A_393 : vector<16xf32>
        tpu.vector_store_idx %arg9[%add3A_1082, %add3A_829], %add3A_1084 : memref<64x256xf32, #tpu.memory_space<vmem>>[vector<16xi32>, vector<16xi32>], vector<16xf32>,
        %add3A_1085 = arith.constant 48 : i32
        %add3A_1086 = vector.broadcast %add3A_1085 : i32 to vector<16xi32>
        %add3A_1087 = arith.addi %add3A_1086, %and3A_25 : vector<16xi32>
        %gather3A_1088 = tpu.vector_load_idx %arg7[%add3A_829, %add3A_1087] : memref<256x64xf32, #tpu.memory_space<vmem>>[vector<16xi32>, vector<16xi32>], vector<16xf32>,
        %add3A_1089 = arith.addf %gather3A_1088, %gather3A_397 : vector<16xf32>
        tpu.vector_store_idx %arg9[%add3A_1087, %add3A_829], %add3A_1089 : memref<64x256xf32, #tpu.memory_space<vmem>>[vector<16xi32>, vector<16xi32>], vector<16xf32>,
        %add3A_1090 = arith.constant 48 : i32
        %add3A_1091 = vector.broadcast %add3A_1090 : i32 to vector<16xi32>
        %add3A_1092 = arith.addi %add3A_1091, %and3A_31 : vector<16xi32>
        %gather3A_1093 = tpu.vector_load_idx %arg7[%add3A_829, %add3A_1092] : memref<256x64xf32, #tpu.memory_space<vmem>>[vector<16xi32>, vector<16xi32>], vector<16xf32>,
        %add3A_1094 = arith.addf %gather3A_1093, %gather3A_401 : vector<16xf32>
        tpu.vector_store_idx %arg9[%add3A_1092, %add3A_829], %add3A_1094 : memref<64x256xf32, #tpu.memory_space<vmem>>[vector<16xi32>, vector<16xi32>], vector<16xf32>,
        %add3A_1095 = arith.constant 48 : i32
        %add3A_1096 = vector.broadcast %add3A_1095 : i32 to vector<16xi32>
        %add3A_1097 = arith.addi %add3A_1096, %and3A_37 : vector<16xi32>
        %gather3A_1098 = tpu.vector_load_idx %arg7[%add3A_829, %add3A_1097] : memref<256x64xf32, #tpu.memory_space<vmem>>[vector<16xi32>, vector<16xi32>], vector<16xf32>,
        %add3A_1099 = arith.addf %gather3A_1098, %gather3A_405 : vector<16xf32>
        tpu.vector_store_idx %arg9[%add3A_1097, %add3A_829], %add3A_1099 : memref<64x256xf32, #tpu.memory_space<vmem>>[vector<16xi32>, vector<16xi32>], vector<16xf32>,
        %add3A_1100 = arith.constant 48 : i32
        %add3A_1101 = vector.broadcast %add3A_1100 : i32 to vector<16xi32>
        %add3A_1102 = arith.addi %add3A_1101, %and3A_43 : vector<16xi32>
        %gather3A_1103 = tpu.vector_load_idx %arg7[%add3A_829, %add3A_1102] : memref<256x64xf32, #tpu.memory_space<vmem>>[vector<16xi32>, vector<16xi32>], vector<16xf32>,
        %add3A_1104 = arith.addf %gather3A_1103, %gather3A_409 : vector<16xf32>
        tpu.vector_store_idx %arg9[%add3A_1102, %add3A_829], %add3A_1104 : memref<64x256xf32, #tpu.memory_space<vmem>>[vector<16xi32>, vector<16xi32>], vector<16xf32>,
        %add3A_1105 = arith.constant 48 : i32
        %add3A_1106 = vector.broadcast %add3A_1105 : i32 to vector<16xi32>
        %add3A_1107 = arith.addi %add3A_1106, %and3A_49 : vector<16xi32>
        %gather3A_1108 = tpu.vector_load_idx %arg7[%add3A_829, %add3A_1107] : memref<256x64xf32, #tpu.memory_space<vmem>>[vector<16xi32>, vector<16xi32>], vector<16xf32>,
        %add3A_1109 = arith.addf %gather3A_1108, %gather3A_413 : vector<16xf32>
        tpu.vector_store_idx %arg9[%add3A_1107, %add3A_829], %add3A_1109 : memref<64x256xf32, #tpu.memory_space<vmem>>[vector<16xi32>, vector<16xi32>], vector<16xf32>,
        %add3A_1110 = arith.constant 48 : i32
        %add3A_1111 = vector.broadcast %add3A_1110 : i32 to vector<16xi32>
        %add3A_1112 = arith.addi %add3A_1111, %and3A_55 : vector<16xi32>
        %gather3A_1113 = tpu.vector_load_idx %arg7[%add3A_829, %add3A_1112] : memref<256x64xf32, #tpu.memory_space<vmem>>[vector<16xi32>, vector<16xi32>], vector<16xf32>,
        %add3A_1114 = arith.addf %gather3A_1113, %gather3A_417 : vector<16xf32>
        tpu.vector_store_idx %arg9[%add3A_1112, %add3A_829], %add3A_1114 : memref<64x256xf32, #tpu.memory_space<vmem>>[vector<16xi32>, vector<16xi32>], vector<16xf32>,
        %add3A_1115 = arith.constant 48 : i32
        %add3A_1116 = vector.broadcast %add3A_1115 : i32 to vector<16xi32>
        %add3A_1117 = arith.addi %add3A_1116, %and3A_61 : vector<16xi32>
        %gather3A_1118 = tpu.vector_load_idx %arg7[%add3A_829, %add3A_1117] : memref<256x64xf32, #tpu.memory_space<vmem>>[vector<16xi32>, vector<16xi32>], vector<16xf32>,
        %add3A_1119 = arith.addf %gather3A_1118, %gather3A_421 : vector<16xf32>
        tpu.vector_store_idx %arg9[%add3A_1117, %add3A_829], %add3A_1119 : memref<64x256xf32, #tpu.memory_space<vmem>>[vector<16xi32>, vector<16xi32>], vector<16xf32>,
        %add3A_1120 = arith.constant 48 : i32
        %add3A_1121 = vector.broadcast %add3A_1120 : i32 to vector<16xi32>
        %add3A_1122 = arith.addi %add3A_1121, %and3A_67 : vector<16xi32>
        %gather3A_1123 = tpu.vector_load_idx %arg7[%add3A_829, %add3A_1122] : memref<256x64xf32, #tpu.memory_space<vmem>>[vector<16xi32>, vector<16xi32>], vector<16xf32>,
        %add3A_1124 = arith.addf %gather3A_1123, %gather3A_425 : vector<16xf32>
        tpu.vector_store_idx %arg9[%add3A_1122, %add3A_829], %add3A_1124 : memref<64x256xf32, #tpu.memory_space<vmem>>[vector<16xi32>, vector<16xi32>], vector<16xf32>,
        %add3A_1125 = arith.constant 48 : i32
        %add3A_1126 = vector.broadcast %add3A_1125 : i32 to vector<16xi32>
        %add3A_1127 = arith.addi %add3A_1126, %and3A_73 : vector<16xi32>
        %gather3A_1128 = tpu.vector_load_idx %arg7[%add3A_829, %add3A_1127] : memref<256x64xf32, #tpu.memory_space<vmem>>[vector<16xi32>, vector<16xi32>], vector<16xf32>,
        %add3A_1129 = arith.addf %gather3A_1128, %gather3A_429 : vector<16xf32>
        tpu.vector_store_idx %arg9[%add3A_1127, %add3A_829], %add3A_1129 : memref<64x256xf32, #tpu.memory_space<vmem>>[vector<16xi32>, vector<16xi32>], vector<16xf32>,
        %add3A_1130 = arith.constant 48 : i32
        %add3A_1131 = vector.broadcast %add3A_1130 : i32 to vector<16xi32>
        %add3A_1132 = arith.addi %add3A_1131, %and3A_79 : vector<16xi32>
        %gather3A_1133 = tpu.vector_load_idx %arg7[%add3A_829, %add3A_1132] : memref<256x64xf32, #tpu.memory_space<vmem>>[vector<16xi32>, vector<16xi32>], vector<16xf32>,
        %add3A_1134 = arith.addf %gather3A_1133, %gather3A_433 : vector<16xf32>
        tpu.vector_store_idx %arg9[%add3A_1132, %add3A_829], %add3A_1134 : memref<64x256xf32, #tpu.memory_space<vmem>>[vector<16xi32>, vector<16xi32>], vector<16xf32>,
        %add3A_1135 = arith.constant 48 : i32
        %add3A_1136 = vector.broadcast %add3A_1135 : i32 to vector<16xi32>
        %add3A_1137 = arith.addi %add3A_1136, %and3A_85 : vector<16xi32>
        %gather3A_1138 = tpu.vector_load_idx %arg7[%add3A_829, %add3A_1137] : memref<256x64xf32, #tpu.memory_space<vmem>>[vector<16xi32>, vector<16xi32>], vector<16xf32>,
        %add3A_1139 = arith.addf %gather3A_1138, %gather3A_437 : vector<16xf32>
        tpu.vector_store_idx %arg9[%add3A_1137, %add3A_829], %add3A_1139 : memref<64x256xf32, #tpu.memory_space<vmem>>[vector<16xi32>, vector<16xi32>], vector<16xf32>,
        %add3A_1140 = arith.constant 48 : i32
        %add3A_1141 = vector.broadcast %add3A_1140 : i32 to vector<16xi32>
        %add3A_1142 = arith.addi %add3A_1141, %and3A_91 : vector<16xi32>
        %gather3A_1143 = tpu.vector_load_idx %arg7[%add3A_829, %add3A_1142] : memref<256x64xf32, #tpu.memory_space<vmem>>[vector<16xi32>, vector<16xi32>], vector<16xf32>,
        %add3A_1144 = arith.addf %gather3A_1143, %gather3A_441 : vector<16xf32>
        tpu.vector_store_idx %arg9[%add3A_1142, %add3A_829], %add3A_1144 : memref<64x256xf32, #tpu.memory_space<vmem>>[vector<16xi32>, vector<16xi32>], vector<16xf32>,
        %add3A_1145 = arith.constant 48 : i32
        %add3A_1146 = vector.broadcast %add3A_1145 : i32 to vector<16xi32>
        %add3A_1147 = arith.addi %add3A_1146, %and3A_97 : vector<16xi32>
        %gather3A_1148 = tpu.vector_load_idx %arg7[%add3A_829, %add3A_1147] : memref<256x64xf32, #tpu.memory_space<vmem>>[vector<16xi32>, vector<16xi32>], vector<16xf32>,
        %add3A_1149 = arith.addf %gather3A_1148, %gather3A_445 : vector<16xf32>
        tpu.vector_store_idx %arg9[%add3A_1147, %add3A_829], %add3A_1149 : memref<64x256xf32, #tpu.memory_space<vmem>>[vector<16xi32>, vector<16xi32>], vector<16xf32>,
      }
      %scan3A_451 = arith.constant 16 : i32
      %jit3A_452 = arith.constant 2 : i32
      %div3A_453 = arith.divsi %mul3A_128, %jit3A_452 : i32
      %sign3A_454 = arith.constant 0 : i32
      %sign3A_455 = arith.cmpi sgt, %mul3A_128, %sign3A_454 : i32
      %sign3A_456 = arith.extui %sign3A_455 : i1 to i32
      %sign3A_457 = arith.constant 0 : i32
      %sign3A_458 = arith.cmpi slt, %mul3A_128, %sign3A_457 : i32
      %sign3A_459 = arith.extui %sign3A_458 : i1 to i32
      %sign3A_460 = arith.subi %sign3A_456, %sign3A_459 : i32
      %sign3A_461 = arith.constant 0 : i32
      %sign3A_462 = arith.cmpi sgt, %jit3A_452, %sign3A_461 : i32
      %sign3A_463 = arith.extui %sign3A_462 : i1 to i32
      %sign3A_464 = arith.constant 0 : i32
      %sign3A_465 = arith.cmpi slt, %jit3A_452, %sign3A_464 : i32
      %sign3A_466 = arith.extui %sign3A_465 : i1 to i32
      %sign3A_467 = arith.subi %sign3A_463, %sign3A_466 : i32
      %ne3A_468 = arith.cmpi ne, %sign3A_460, %sign3A_467 : i32
      %rem3A_469 = arith.remsi %mul3A_128, %jit3A_452 : i32
      %ne3A_470 = arith.constant 0 : i32
      %ne3A_471 = arith.cmpi ne, %rem3A_469, %ne3A_470 : i32
      %and3A_472 = arith.andi %ne3A_468, %ne3A_471 : i1
      %sub3A_473 = arith.constant 1 : i32
      %sub3A_474 = arith.subi %div3A_453, %sub3A_473 : i32
      %select_n3A_475 = arith.select %and3A_472, %sub3A_474, %div3A_453 : i32
      %mul3A_476 = arith.constant 2 : i32
      %mul3A_477 = arith.muli %select_n3A_475, %mul3A_476 : i32
      %sub3A_478 = arith.subi %mul3A_128, %mul3A_477 : i32
      %mul3A_479 = arith.constant 256 : i32
      %mul3A_480 = arith.muli %sub3A_478, %mul3A_479 : i32
      %add3A_481 = arith.addi %mul3A_2, %mul3A_480 : i32
      %dma_start3A = arith.constant 0 : i32
      %dma_start3A_482 = tpu.memref_slice %arg5[%select_n3A_475, %dma_start3A, %add3A_481] : memref<20x64x16384xf32, #tpu.memory_space<hbm>> -> memref<1x64x256xf32, #tpu.memory_space<hbm>>
      %dma_start3A_483 = tpu.memref_squeeze %dma_start3A_482 : memref<1x64x256xf32, #tpu.memory_space<hbm>> -> memref<64x256xf32, #tpu.memory_space<hbm>>
      %dma_start3A_484 = arith.constant 0 : i32
      %dma_start3A_485 = tpu.memref_slice %arg5[%select_n3A_475, %dma_start3A_484, %add3A_481] : memref<20x64x16384xf32, #tpu.memory_space<hbm>> -> memref<1x64x256xf32, #tpu.memory_space<hbm>>
      %dma_start3A_486 = tpu.memref_squeeze %dma_start3A_485 : memref<1x64x256xf32, #tpu.memory_space<hbm>> -> memref<64x256xf32, #tpu.memory_space<hbm>>
      tpu.enqueue_dma source(%arg9 : memref<64x256xf32, #tpu.memory_space<vmem>>) target(%dma_start3A_486 : memref<64x256xf32, #tpu.memory_space<hbm>>) target_semaphore(%arg14 : memref<!tpu.dma_semaphore, #tpu.memory_space<semaphore_mem>>)
      %lt3A = arith.constant 19 : i32
      %lt3A_487 = arith.cmpi slt, %scan3A_126, %lt3A : i32
      %convert_element_type3A_488 = arith.extui %lt3A_487 : i1 to i32
      %cond3A_489 = arith.constant 0 : i32
      %cond3A_490 = arith.cmpi ne, %convert_element_type3A_488, %cond3A_489 : i32
      scf.if %cond3A_490 {
        %add3A_825 = arith.constant 2 : i32
        %add3A_826 = arith.addi %mul3A_128, %add3A_825 : i32
        %jit3A_827 = arith.constant 2 : i32
        %div3A_828 = arith.divsi %add3A_826, %jit3A_827 : i32
        %sign3A_829 = arith.constant 0 : i32
        %sign3A_830 = arith.cmpi sgt, %add3A_826, %sign3A_829 : i32
        %sign3A_831 = arith.extui %sign3A_830 : i1 to i32
        %sign3A_832 = arith.constant 0 : i32
        %sign3A_833 = arith.cmpi slt, %add3A_826, %sign3A_832 : i32
        %sign3A_834 = arith.extui %sign3A_833 : i1 to i32
        %sign3A_835 = arith.subi %sign3A_831, %sign3A_834 : i32
        %sign3A_836 = arith.constant 0 : i32
        %sign3A_837 = arith.cmpi sgt, %jit3A_827, %sign3A_836 : i32
        %sign3A_838 = arith.extui %sign3A_837 : i1 to i32
        %sign3A_839 = arith.constant 0 : i32
        %sign3A_840 = arith.cmpi slt, %jit3A_827, %sign3A_839 : i32
        %sign3A_841 = arith.extui %sign3A_840 : i1 to i32
        %sign3A_842 = arith.subi %sign3A_838, %sign3A_841 : i32
        %ne3A_843 = arith.cmpi ne, %sign3A_835, %sign3A_842 : i32
        %rem3A_844 = arith.remsi %add3A_826, %jit3A_827 : i32
        %ne3A_845 = arith.constant 0 : i32
        %ne3A_846 = arith.cmpi ne, %rem3A_844, %ne3A_845 : i32
        %and3A_847 = arith.andi %ne3A_843, %ne3A_846 : i1
        %sub3A_848 = arith.constant 1 : i32
        %sub3A_849 = arith.subi %div3A_828, %sub3A_848 : i32
        %select_n3A_850 = arith.select %and3A_847, %sub3A_849, %div3A_828 : i32
        %mul3A_851 = arith.constant 2 : i32
        %mul3A_852 = arith.muli %select_n3A_850, %mul3A_851 : i32
        %sub3A_853 = arith.subi %add3A_826, %mul3A_852 : i32
        %mul3A_854 = arith.constant 256 : i32
        %mul3A_855 = arith.muli %sub3A_853, %mul3A_854 : i32
        %scan3A_856 = arith.constant 0 : i32
        %scan3A_857 = arith.constant 0 : i32
        %scan3A_858 = arith.constant 16 : i32
        %scan3A_859 = arith.addi %scan3A_857, %scan3A_858 : i32
        %scan3A_860 = arith.constant 1 : i32
        scf.for %scan3A_862 = %scan3A_857 to %scan3A_859 step %scan3A_860  : i32 {
          %mul3A_863 = arith.constant 16 : i32
          %mul3A_864 = arith.muli %scan3A_862, %mul3A_863 : i32
          %add3A_865 = arith.addi %mul3A_855, %mul3A_864 : i32
          %get3A = arith.index_cast %select_n3A_850 : i32 to index
          %get3A_866 = arith.index_cast %add3A_865 : i32 to index
          %get3A_867 = tpu.vector_load %arg6[%get3A, %get3A_866] {strides = array<i32>} : memref<20x512xi32, #tpu.memory_space<vmem>>, vector<16xi32>,
          %slice3A = vector.extract_strided_slice %get3A_867 {offsets = [0], sizes = [1], strides = [1]} : vector<16xi32> to vector<1xi32>
          %squeeze3A = vector.extract %slice3A[0] : i32 from vector<1xi32>
          %add3A_868 = arith.constant 0 : i32
          %add3A_869 = arith.addi %mul3A_864, %add3A_868 : i32
          %dma_start3A_870 = arith.constant 0 : i32
          %dma_start3A_871 = tpu.memref_slice %arg7[%add3A_869, %dma_start3A_870] : memref<256x64xf32, #tpu.memory_space<vmem>> -> memref<1x64xf32, #tpu.memory_space<vmem>>
          %dma_start3A_872 = arith.constant 0 : i32
          %dma_start3A_873 = tpu.memref_slice %arg3[%squeeze3A, %dma_start3A_872] : memref<1000000x64xf32, #tpu.memory_space<hbm>> -> memref<1x64xf32, #tpu.memory_space<hbm>>
          %dma_start3A_874 = arith.constant 0 : i32
          %dma_start3A_875 = tpu.memref_slice %arg7[%add3A_869, %dma_start3A_874] : memref<256x64xf32, #tpu.memory_space<vmem>> -> memref<1x64xf32, #tpu.memory_space<vmem>>
          %dma_start3A_876 = arith.constant 0 : i32
          %dma_start3A_877 = tpu.memref_slice %arg3[%squeeze3A, %dma_start3A_876] : memref<1000000x64xf32, #tpu.memory_space<hbm>> -> memref<1x64xf32, #tpu.memory_space<hbm>>
          tpu.enqueue_dma source(%dma_start3A_877 : memref<1x64xf32, #tpu.memory_space<hbm>>) target(%dma_start3A_875 : memref<1x64xf32, #tpu.memory_space<vmem>>) target_semaphore(%arg12 : memref<!tpu.dma_semaphore, #tpu.memory_space<semaphore_mem>>)
          %slice3A_878 = vector.extract_strided_slice %get3A_867 {offsets = [1], sizes = [1], strides = [1]} : vector<16xi32> to vector<1xi32>
          %squeeze3A_879 = vector.extract %slice3A_878[0] : i32 from vector<1xi32>
          %add3A_880 = arith.constant 1 : i32
          %add3A_881 = arith.addi %mul3A_864, %add3A_880 : i32
          %dma_start3A_882 = arith.constant 0 : i32
          %dma_start3A_883 = tpu.memref_slice %arg7[%add3A_881, %dma_start3A_882] : memref<256x64xf32, #tpu.memory_space<vmem>> -> memref<1x64xf32, #tpu.memory_space<vmem>>
          %dma_start3A_884 = arith.constant 0 : i32
          %dma_start3A_885 = tpu.memref_slice %arg3[%squeeze3A_879, %dma_start3A_884] : memref<1000000x64xf32, #tpu.memory_space<hbm>> -> memref<1x64xf32, #tpu.memory_space<hbm>>
          %dma_start3A_886 = arith.constant 0 : i32
          %dma_start3A_887 = tpu.memref_slice %arg7[%add3A_881, %dma_start3A_886] : memref<256x64xf32, #tpu.memory_space<vmem>> -> memref<1x64xf32, #tpu.memory_space<vmem>>
          %dma_start3A_888 = arith.constant 0 : i32
          %dma_start3A_889 = tpu.memref_slice %arg3[%squeeze3A_879, %dma_start3A_888] : memref<1000000x64xf32, #tpu.memory_space<hbm>> -> memref<1x64xf32, #tpu.memory_space<hbm>>
          tpu.enqueue_dma source(%dma_start3A_889 : memref<1x64xf32, #tpu.memory_space<hbm>>) target(%dma_start3A_887 : memref<1x64xf32, #tpu.memory_space<vmem>>) target_semaphore(%arg12 : memref<!tpu.dma_semaphore, #tpu.memory_space<semaphore_mem>>)
          %slice3A_890 = vector.extract_strided_slice %get3A_867 {offsets = [2], sizes = [1], strides = [1]} : vector<16xi32> to vector<1xi32>
          %squeeze3A_891 = vector.extract %slice3A_890[0] : i32 from vector<1xi32>
          %add3A_892 = arith.constant 2 : i32
          %add3A_893 = arith.addi %mul3A_864, %add3A_892 : i32
          %dma_start3A_894 = arith.constant 0 : i32
          %dma_start3A_895 = tpu.memref_slice %arg7[%add3A_893, %dma_start3A_894] : memref<256x64xf32, #tpu.memory_space<vmem>> -> memref<1x64xf32, #tpu.memory_space<vmem>>
          %dma_start3A_896 = arith.constant 0 : i32
          %dma_start3A_897 = tpu.memref_slice %arg3[%squeeze3A_891, %dma_start3A_896] : memref<1000000x64xf32, #tpu.memory_space<hbm>> -> memref<1x64xf32, #tpu.memory_space<hbm>>
          %dma_start3A_898 = arith.constant 0 : i32
          %dma_start3A_899 = tpu.memref_slice %arg7[%add3A_893, %dma_start3A_898] : memref<256x64xf32, #tpu.memory_space<vmem>> -> memref<1x64xf32, #tpu.memory_space<vmem>>
          %dma_start3A_900 = arith.constant 0 : i32
          %dma_start3A_901 = tpu.memref_slice %arg3[%squeeze3A_891, %dma_start3A_900] : memref<1000000x64xf32, #tpu.memory_space<hbm>> -> memref<1x64xf32, #tpu.memory_space<hbm>>
          tpu.enqueue_dma source(%dma_start3A_901 : memref<1x64xf32, #tpu.memory_space<hbm>>) target(%dma_start3A_899 : memref<1x64xf32, #tpu.memory_space<vmem>>) target_semaphore(%arg12 : memref<!tpu.dma_semaphore, #tpu.memory_space<semaphore_mem>>)
          %slice3A_902 = vector.extract_strided_slice %get3A_867 {offsets = [3], sizes = [1], strides = [1]} : vector<16xi32> to vector<1xi32>
          %squeeze3A_903 = vector.extract %slice3A_902[0] : i32 from vector<1xi32>
          %add3A_904 = arith.constant 3 : i32
          %add3A_905 = arith.addi %mul3A_864, %add3A_904 : i32
          %dma_start3A_906 = arith.constant 0 : i32
          %dma_start3A_907 = tpu.memref_slice %arg7[%add3A_905, %dma_start3A_906] : memref<256x64xf32, #tpu.memory_space<vmem>> -> memref<1x64xf32, #tpu.memory_space<vmem>>
          %dma_start3A_908 = arith.constant 0 : i32
          %dma_start3A_909 = tpu.memref_slice %arg3[%squeeze3A_903, %dma_start3A_908] : memref<1000000x64xf32, #tpu.memory_space<hbm>> -> memref<1x64xf32, #tpu.memory_space<hbm>>
          %dma_start3A_910 = arith.constant 0 : i32
          %dma_start3A_911 = tpu.memref_slice %arg7[%add3A_905, %dma_start3A_910] : memref<256x64xf32, #tpu.memory_space<vmem>> -> memref<1x64xf32, #tpu.memory_space<vmem>>
          %dma_start3A_912 = arith.constant 0 : i32
          %dma_start3A_913 = tpu.memref_slice %arg3[%squeeze3A_903, %dma_start3A_912] : memref<1000000x64xf32, #tpu.memory_space<hbm>> -> memref<1x64xf32, #tpu.memory_space<hbm>>
          tpu.enqueue_dma source(%dma_start3A_913 : memref<1x64xf32, #tpu.memory_space<hbm>>) target(%dma_start3A_911 : memref<1x64xf32, #tpu.memory_space<vmem>>) target_semaphore(%arg12 : memref<!tpu.dma_semaphore, #tpu.memory_space<semaphore_mem>>)
          %slice3A_914 = vector.extract_strided_slice %get3A_867 {offsets = [4], sizes = [1], strides = [1]} : vector<16xi32> to vector<1xi32>
          %squeeze3A_915 = vector.extract %slice3A_914[0] : i32 from vector<1xi32>
          %add3A_916 = arith.constant 4 : i32
          %add3A_917 = arith.addi %mul3A_864, %add3A_916 : i32
          %dma_start3A_918 = arith.constant 0 : i32
          %dma_start3A_919 = tpu.memref_slice %arg7[%add3A_917, %dma_start3A_918] : memref<256x64xf32, #tpu.memory_space<vmem>> -> memref<1x64xf32, #tpu.memory_space<vmem>>
          %dma_start3A_920 = arith.constant 0 : i32
          %dma_start3A_921 = tpu.memref_slice %arg3[%squeeze3A_915, %dma_start3A_920] : memref<1000000x64xf32, #tpu.memory_space<hbm>> -> memref<1x64xf32, #tpu.memory_space<hbm>>
          %dma_start3A_922 = arith.constant 0 : i32
          %dma_start3A_923 = tpu.memref_slice %arg7[%add3A_917, %dma_start3A_922] : memref<256x64xf32, #tpu.memory_space<vmem>> -> memref<1x64xf32, #tpu.memory_space<vmem>>
          %dma_start3A_924 = arith.constant 0 : i32
          %dma_start3A_925 = tpu.memref_slice %arg3[%squeeze3A_915, %dma_start3A_924] : memref<1000000x64xf32, #tpu.memory_space<hbm>> -> memref<1x64xf32, #tpu.memory_space<hbm>>
          tpu.enqueue_dma source(%dma_start3A_925 : memref<1x64xf32, #tpu.memory_space<hbm>>) target(%dma_start3A_923 : memref<1x64xf32, #tpu.memory_space<vmem>>) target_semaphore(%arg12 : memref<!tpu.dma_semaphore, #tpu.memory_space<semaphore_mem>>)
          %slice3A_926 = vector.extract_strided_slice %get3A_867 {offsets = [5], sizes = [1], strides = [1]} : vector<16xi32> to vector<1xi32>
          %squeeze3A_927 = vector.extract %slice3A_926[0] : i32 from vector<1xi32>
          %add3A_928 = arith.constant 5 : i32
          %add3A_929 = arith.addi %mul3A_864, %add3A_928 : i32
          %dma_start3A_930 = arith.constant 0 : i32
          %dma_start3A_931 = tpu.memref_slice %arg7[%add3A_929, %dma_start3A_930] : memref<256x64xf32, #tpu.memory_space<vmem>> -> memref<1x64xf32, #tpu.memory_space<vmem>>
          %dma_start3A_932 = arith.constant 0 : i32
          %dma_start3A_933 = tpu.memref_slice %arg3[%squeeze3A_927, %dma_start3A_932] : memref<1000000x64xf32, #tpu.memory_space<hbm>> -> memref<1x64xf32, #tpu.memory_space<hbm>>
          %dma_start3A_934 = arith.constant 0 : i32
          %dma_start3A_935 = tpu.memref_slice %arg7[%add3A_929, %dma_start3A_934] : memref<256x64xf32, #tpu.memory_space<vmem>> -> memref<1x64xf32, #tpu.memory_space<vmem>>
          %dma_start3A_936 = arith.constant 0 : i32
          %dma_start3A_937 = tpu.memref_slice %arg3[%squeeze3A_927, %dma_start3A_936] : memref<1000000x64xf32, #tpu.memory_space<hbm>> -> memref<1x64xf32, #tpu.memory_space<hbm>>
          tpu.enqueue_dma source(%dma_start3A_937 : memref<1x64xf32, #tpu.memory_space<hbm>>) target(%dma_start3A_935 : memref<1x64xf32, #tpu.memory_space<vmem>>) target_semaphore(%arg12 : memref<!tpu.dma_semaphore, #tpu.memory_space<semaphore_mem>>)
          %slice3A_938 = vector.extract_strided_slice %get3A_867 {offsets = [6], sizes = [1], strides = [1]} : vector<16xi32> to vector<1xi32>
          %squeeze3A_939 = vector.extract %slice3A_938[0] : i32 from vector<1xi32>
          %add3A_940 = arith.constant 6 : i32
          %add3A_941 = arith.addi %mul3A_864, %add3A_940 : i32
          %dma_start3A_942 = arith.constant 0 : i32
          %dma_start3A_943 = tpu.memref_slice %arg7[%add3A_941, %dma_start3A_942] : memref<256x64xf32, #tpu.memory_space<vmem>> -> memref<1x64xf32, #tpu.memory_space<vmem>>
          %dma_start3A_944 = arith.constant 0 : i32
          %dma_start3A_945 = tpu.memref_slice %arg3[%squeeze3A_939, %dma_start3A_944] : memref<1000000x64xf32, #tpu.memory_space<hbm>> -> memref<1x64xf32, #tpu.memory_space<hbm>>
          %dma_start3A_946 = arith.constant 0 : i32
          %dma_start3A_947 = tpu.memref_slice %arg7[%add3A_941, %dma_start3A_946] : memref<256x64xf32, #tpu.memory_space<vmem>> -> memref<1x64xf32, #tpu.memory_space<vmem>>
          %dma_start3A_948 = arith.constant 0 : i32
          %dma_start3A_949 = tpu.memref_slice %arg3[%squeeze3A_939, %dma_start3A_948] : memref<1000000x64xf32, #tpu.memory_space<hbm>> -> memref<1x64xf32, #tpu.memory_space<hbm>>
          tpu.enqueue_dma source(%dma_start3A_949 : memref<1x64xf32, #tpu.memory_space<hbm>>) target(%dma_start3A_947 : memref<1x64xf32, #tpu.memory_space<vmem>>) target_semaphore(%arg12 : memref<!tpu.dma_semaphore, #tpu.memory_space<semaphore_mem>>)
          %slice3A_950 = vector.extract_strided_slice %get3A_867 {offsets = [7], sizes = [1], strides = [1]} : vector<16xi32> to vector<1xi32>
          %squeeze3A_951 = vector.extract %slice3A_950[0] : i32 from vector<1xi32>
          %add3A_952 = arith.constant 7 : i32
          %add3A_953 = arith.addi %mul3A_864, %add3A_952 : i32
          %dma_start3A_954 = arith.constant 0 : i32
          %dma_start3A_955 = tpu.memref_slice %arg7[%add3A_953, %dma_start3A_954] : memref<256x64xf32, #tpu.memory_space<vmem>> -> memref<1x64xf32, #tpu.memory_space<vmem>>
          %dma_start3A_956 = arith.constant 0 : i32
          %dma_start3A_957 = tpu.memref_slice %arg3[%squeeze3A_951, %dma_start3A_956] : memref<1000000x64xf32, #tpu.memory_space<hbm>> -> memref<1x64xf32, #tpu.memory_space<hbm>>
          %dma_start3A_958 = arith.constant 0 : i32
          %dma_start3A_959 = tpu.memref_slice %arg7[%add3A_953, %dma_start3A_958] : memref<256x64xf32, #tpu.memory_space<vmem>> -> memref<1x64xf32, #tpu.memory_space<vmem>>
          %dma_start3A_960 = arith.constant 0 : i32
          %dma_start3A_961 = tpu.memref_slice %arg3[%squeeze3A_951, %dma_start3A_960] : memref<1000000x64xf32, #tpu.memory_space<hbm>> -> memref<1x64xf32, #tpu.memory_space<hbm>>
          tpu.enqueue_dma source(%dma_start3A_961 : memref<1x64xf32, #tpu.memory_space<hbm>>) target(%dma_start3A_959 : memref<1x64xf32, #tpu.memory_space<vmem>>) target_semaphore(%arg12 : memref<!tpu.dma_semaphore, #tpu.memory_space<semaphore_mem>>)
          %slice3A_962 = vector.extract_strided_slice %get3A_867 {offsets = [8], sizes = [1], strides = [1]} : vector<16xi32> to vector<1xi32>
          %squeeze3A_963 = vector.extract %slice3A_962[0] : i32 from vector<1xi32>
          %add3A_964 = arith.constant 8 : i32
          %add3A_965 = arith.addi %mul3A_864, %add3A_964 : i32
          %dma_start3A_966 = arith.constant 0 : i32
          %dma_start3A_967 = tpu.memref_slice %arg7[%add3A_965, %dma_start3A_966] : memref<256x64xf32, #tpu.memory_space<vmem>> -> memref<1x64xf32, #tpu.memory_space<vmem>>
          %dma_start3A_968 = arith.constant 0 : i32
          %dma_start3A_969 = tpu.memref_slice %arg3[%squeeze3A_963, %dma_start3A_968] : memref<1000000x64xf32, #tpu.memory_space<hbm>> -> memref<1x64xf32, #tpu.memory_space<hbm>>
          %dma_start3A_970 = arith.constant 0 : i32
          %dma_start3A_971 = tpu.memref_slice %arg7[%add3A_965, %dma_start3A_970] : memref<256x64xf32, #tpu.memory_space<vmem>> -> memref<1x64xf32, #tpu.memory_space<vmem>>
          %dma_start3A_972 = arith.constant 0 : i32
          %dma_start3A_973 = tpu.memref_slice %arg3[%squeeze3A_963, %dma_start3A_972] : memref<1000000x64xf32, #tpu.memory_space<hbm>> -> memref<1x64xf32, #tpu.memory_space<hbm>>
          tpu.enqueue_dma source(%dma_start3A_973 : memref<1x64xf32, #tpu.memory_space<hbm>>) target(%dma_start3A_971 : memref<1x64xf32, #tpu.memory_space<vmem>>) target_semaphore(%arg12 : memref<!tpu.dma_semaphore, #tpu.memory_space<semaphore_mem>>)
          %slice3A_974 = vector.extract_strided_slice %get3A_867 {offsets = [9], sizes = [1], strides = [1]} : vector<16xi32> to vector<1xi32>
          %squeeze3A_975 = vector.extract %slice3A_974[0] : i32 from vector<1xi32>
          %add3A_976 = arith.constant 9 : i32
          %add3A_977 = arith.addi %mul3A_864, %add3A_976 : i32
          %dma_start3A_978 = arith.constant 0 : i32
          %dma_start3A_979 = tpu.memref_slice %arg7[%add3A_977, %dma_start3A_978] : memref<256x64xf32, #tpu.memory_space<vmem>> -> memref<1x64xf32, #tpu.memory_space<vmem>>
          %dma_start3A_980 = arith.constant 0 : i32
          %dma_start3A_981 = tpu.memref_slice %arg3[%squeeze3A_975, %dma_start3A_980] : memref<1000000x64xf32, #tpu.memory_space<hbm>> -> memref<1x64xf32, #tpu.memory_space<hbm>>
          %dma_start3A_982 = arith.constant 0 : i32
          %dma_start3A_983 = tpu.memref_slice %arg7[%add3A_977, %dma_start3A_982] : memref<256x64xf32, #tpu.memory_space<vmem>> -> memref<1x64xf32, #tpu.memory_space<vmem>>
          %dma_start3A_984 = arith.constant 0 : i32
          %dma_start3A_985 = tpu.memref_slice %arg3[%squeeze3A_975, %dma_start3A_984] : memref<1000000x64xf32, #tpu.memory_space<hbm>> -> memref<1x64xf32, #tpu.memory_space<hbm>>
          tpu.enqueue_dma source(%dma_start3A_985 : memref<1x64xf32, #tpu.memory_space<hbm>>) target(%dma_start3A_983 : memref<1x64xf32, #tpu.memory_space<vmem>>) target_semaphore(%arg12 : memref<!tpu.dma_semaphore, #tpu.memory_space<semaphore_mem>>)
          %slice3A_986 = vector.extract_strided_slice %get3A_867 {offsets = [10], sizes = [1], strides = [1]} : vector<16xi32> to vector<1xi32>
          %squeeze3A_987 = vector.extract %slice3A_986[0] : i32 from vector<1xi32>
          %add3A_988 = arith.constant 10 : i32
          %add3A_989 = arith.addi %mul3A_864, %add3A_988 : i32
          %dma_start3A_990 = arith.constant 0 : i32
          %dma_start3A_991 = tpu.memref_slice %arg7[%add3A_989, %dma_start3A_990] : memref<256x64xf32, #tpu.memory_space<vmem>> -> memref<1x64xf32, #tpu.memory_space<vmem>>
          %dma_start3A_992 = arith.constant 0 : i32
          %dma_start3A_993 = tpu.memref_slice %arg3[%squeeze3A_987, %dma_start3A_992] : memref<1000000x64xf32, #tpu.memory_space<hbm>> -> memref<1x64xf32, #tpu.memory_space<hbm>>
          %dma_start3A_994 = arith.constant 0 : i32
          %dma_start3A_995 = tpu.memref_slice %arg7[%add3A_989, %dma_start3A_994] : memref<256x64xf32, #tpu.memory_space<vmem>> -> memref<1x64xf32, #tpu.memory_space<vmem>>
          %dma_start3A_996 = arith.constant 0 : i32
          %dma_start3A_997 = tpu.memref_slice %arg3[%squeeze3A_987, %dma_start3A_996] : memref<1000000x64xf32, #tpu.memory_space<hbm>> -> memref<1x64xf32, #tpu.memory_space<hbm>>
          tpu.enqueue_dma source(%dma_start3A_997 : memref<1x64xf32, #tpu.memory_space<hbm>>) target(%dma_start3A_995 : memref<1x64xf32, #tpu.memory_space<vmem>>) target_semaphore(%arg12 : memref<!tpu.dma_semaphore, #tpu.memory_space<semaphore_mem>>)
          %slice3A_998 = vector.extract_strided_slice %get3A_867 {offsets = [11], sizes = [1], strides = [1]} : vector<16xi32> to vector<1xi32>
          %squeeze3A_999 = vector.extract %slice3A_998[0] : i32 from vector<1xi32>
          %add3A_1000 = arith.constant 11 : i32
          %add3A_1001 = arith.addi %mul3A_864, %add3A_1000 : i32
          %dma_start3A_1002 = arith.constant 0 : i32
          %dma_start3A_1003 = tpu.memref_slice %arg7[%add3A_1001, %dma_start3A_1002] : memref<256x64xf32, #tpu.memory_space<vmem>> -> memref<1x64xf32, #tpu.memory_space<vmem>>
          %dma_start3A_1004 = arith.constant 0 : i32
          %dma_start3A_1005 = tpu.memref_slice %arg3[%squeeze3A_999, %dma_start3A_1004] : memref<1000000x64xf32, #tpu.memory_space<hbm>> -> memref<1x64xf32, #tpu.memory_space<hbm>>
          %dma_start3A_1006 = arith.constant 0 : i32
          %dma_start3A_1007 = tpu.memref_slice %arg7[%add3A_1001, %dma_start3A_1006] : memref<256x64xf32, #tpu.memory_space<vmem>> -> memref<1x64xf32, #tpu.memory_space<vmem>>
          %dma_start3A_1008 = arith.constant 0 : i32
          %dma_start3A_1009 = tpu.memref_slice %arg3[%squeeze3A_999, %dma_start3A_1008] : memref<1000000x64xf32, #tpu.memory_space<hbm>> -> memref<1x64xf32, #tpu.memory_space<hbm>>
          tpu.enqueue_dma source(%dma_start3A_1009 : memref<1x64xf32, #tpu.memory_space<hbm>>) target(%dma_start3A_1007 : memref<1x64xf32, #tpu.memory_space<vmem>>) target_semaphore(%arg12 : memref<!tpu.dma_semaphore, #tpu.memory_space<semaphore_mem>>)
          %slice3A_1010 = vector.extract_strided_slice %get3A_867 {offsets = [12], sizes = [1], strides = [1]} : vector<16xi32> to vector<1xi32>
          %squeeze3A_1011 = vector.extract %slice3A_1010[0] : i32 from vector<1xi32>
          %add3A_1012 = arith.constant 12 : i32
          %add3A_1013 = arith.addi %mul3A_864, %add3A_1012 : i32
          %dma_start3A_1014 = arith.constant 0 : i32
          %dma_start3A_1015 = tpu.memref_slice %arg7[%add3A_1013, %dma_start3A_1014] : memref<256x64xf32, #tpu.memory_space<vmem>> -> memref<1x64xf32, #tpu.memory_space<vmem>>
          %dma_start3A_1016 = arith.constant 0 : i32
          %dma_start3A_1017 = tpu.memref_slice %arg3[%squeeze3A_1011, %dma_start3A_1016] : memref<1000000x64xf32, #tpu.memory_space<hbm>> -> memref<1x64xf32, #tpu.memory_space<hbm>>
          %dma_start3A_1018 = arith.constant 0 : i32
          %dma_start3A_1019 = tpu.memref_slice %arg7[%add3A_1013, %dma_start3A_1018] : memref<256x64xf32, #tpu.memory_space<vmem>> -> memref<1x64xf32, #tpu.memory_space<vmem>>
          %dma_start3A_1020 = arith.constant 0 : i32
          %dma_start3A_1021 = tpu.memref_slice %arg3[%squeeze3A_1011, %dma_start3A_1020] : memref<1000000x64xf32, #tpu.memory_space<hbm>> -> memref<1x64xf32, #tpu.memory_space<hbm>>
          tpu.enqueue_dma source(%dma_start3A_1021 : memref<1x64xf32, #tpu.memory_space<hbm>>) target(%dma_start3A_1019 : memref<1x64xf32, #tpu.memory_space<vmem>>) target_semaphore(%arg12 : memref<!tpu.dma_semaphore, #tpu.memory_space<semaphore_mem>>)
          %slice3A_1022 = vector.extract_strided_slice %get3A_867 {offsets = [13], sizes = [1], strides = [1]} : vector<16xi32> to vector<1xi32>
          %squeeze3A_1023 = vector.extract %slice3A_1022[0] : i32 from vector<1xi32>
          %add3A_1024 = arith.constant 13 : i32
          %add3A_1025 = arith.addi %mul3A_864, %add3A_1024 : i32
          %dma_start3A_1026 = arith.constant 0 : i32
          %dma_start3A_1027 = tpu.memref_slice %arg7[%add3A_1025, %dma_start3A_1026] : memref<256x64xf32, #tpu.memory_space<vmem>> -> memref<1x64xf32, #tpu.memory_space<vmem>>
          %dma_start3A_1028 = arith.constant 0 : i32
          %dma_start3A_1029 = tpu.memref_slice %arg3[%squeeze3A_1023, %dma_start3A_1028] : memref<1000000x64xf32, #tpu.memory_space<hbm>> -> memref<1x64xf32, #tpu.memory_space<hbm>>
          %dma_start3A_1030 = arith.constant 0 : i32
          %dma_start3A_1031 = tpu.memref_slice %arg7[%add3A_1025, %dma_start3A_1030] : memref<256x64xf32, #tpu.memory_space<vmem>> -> memref<1x64xf32, #tpu.memory_space<vmem>>
          %dma_start3A_1032 = arith.constant 0 : i32
          %dma_start3A_1033 = tpu.memref_slice %arg3[%squeeze3A_1023, %dma_start3A_1032] : memref<1000000x64xf32, #tpu.memory_space<hbm>> -> memref<1x64xf32, #tpu.memory_space<hbm>>
          tpu.enqueue_dma source(%dma_start3A_1033 : memref<1x64xf32, #tpu.memory_space<hbm>>) target(%dma_start3A_1031 : memref<1x64xf32, #tpu.memory_space<vmem>>) target_semaphore(%arg12 : memref<!tpu.dma_semaphore, #tpu.memory_space<semaphore_mem>>)
          %slice3A_1034 = vector.extract_strided_slice %get3A_867 {offsets = [14], sizes = [1], strides = [1]} : vector<16xi32> to vector<1xi32>
          %squeeze3A_1035 = vector.extract %slice3A_1034[0] : i32 from vector<1xi32>
          %add3A_1036 = arith.constant 14 : i32
          %add3A_1037 = arith.addi %mul3A_864, %add3A_1036 : i32
          %dma_start3A_1038 = arith.constant 0 : i32
          %dma_start3A_1039 = tpu.memref_slice %arg7[%add3A_1037, %dma_start3A_1038] : memref<256x64xf32, #tpu.memory_space<vmem>> -> memref<1x64xf32, #tpu.memory_space<vmem>>
          %dma_start3A_1040 = arith.constant 0 : i32
          %dma_start3A_1041 = tpu.memref_slice %arg3[%squeeze3A_1035, %dma_start3A_1040] : memref<1000000x64xf32, #tpu.memory_space<hbm>> -> memref<1x64xf32, #tpu.memory_space<hbm>>
          %dma_start3A_1042 = arith.constant 0 : i32
          %dma_start3A_1043 = tpu.memref_slice %arg7[%add3A_1037, %dma_start3A_1042] : memref<256x64xf32, #tpu.memory_space<vmem>> -> memref<1x64xf32, #tpu.memory_space<vmem>>
          %dma_start3A_1044 = arith.constant 0 : i32
          %dma_start3A_1045 = tpu.memref_slice %arg3[%squeeze3A_1035, %dma_start3A_1044] : memref<1000000x64xf32, #tpu.memory_space<hbm>> -> memref<1x64xf32, #tpu.memory_space<hbm>>
          tpu.enqueue_dma source(%dma_start3A_1045 : memref<1x64xf32, #tpu.memory_space<hbm>>) target(%dma_start3A_1043 : memref<1x64xf32, #tpu.memory_space<vmem>>) target_semaphore(%arg12 : memref<!tpu.dma_semaphore, #tpu.memory_space<semaphore_mem>>)
          %slice3A_1046 = vector.extract_strided_slice %get3A_867 {offsets = [15], sizes = [1], strides = [1]} : vector<16xi32> to vector<1xi32>
          %squeeze3A_1047 = vector.extract %slice3A_1046[0] : i32 from vector<1xi32>
          %add3A_1048 = arith.constant 15 : i32
          %add3A_1049 = arith.addi %mul3A_864, %add3A_1048 : i32
          %dma_start3A_1050 = arith.constant 0 : i32
          %dma_start3A_1051 = tpu.memref_slice %arg7[%add3A_1049, %dma_start3A_1050] : memref<256x64xf32, #tpu.memory_space<vmem>> -> memref<1x64xf32, #tpu.memory_space<vmem>>
          %dma_start3A_1052 = arith.constant 0 : i32
          %dma_start3A_1053 = tpu.memref_slice %arg3[%squeeze3A_1047, %dma_start3A_1052] : memref<1000000x64xf32, #tpu.memory_space<hbm>> -> memref<1x64xf32, #tpu.memory_space<hbm>>
          %dma_start3A_1054 = arith.constant 0 : i32
          %dma_start3A_1055 = tpu.memref_slice %arg7[%add3A_1049, %dma_start3A_1054] : memref<256x64xf32, #tpu.memory_space<vmem>> -> memref<1x64xf32, #tpu.memory_space<vmem>>
          %dma_start3A_1056 = arith.constant 0 : i32
          %dma_start3A_1057 = tpu.memref_slice %arg3[%squeeze3A_1047, %dma_start3A_1056] : memref<1000000x64xf32, #tpu.memory_space<hbm>> -> memref<1x64xf32, #tpu.memory_space<hbm>>
          tpu.enqueue_dma source(%dma_start3A_1057 : memref<1x64xf32, #tpu.memory_space<hbm>>) target(%dma_start3A_1055 : memref<1x64xf32, #tpu.memory_space<vmem>>) target_semaphore(%arg12 : memref<!tpu.dma_semaphore, #tpu.memory_space<semaphore_mem>>)
        }
        %scan3A_861 = arith.constant 16 : i32
      } else {
      }
      %dma_wait3A_491 = arith.constant 0 : i32
      %dma_wait3A_492 = arith.constant 0 : i32
      %dma_wait3A_493 = tpu.memref_slice %arg3[%dma_wait3A_491, %dma_wait3A_492] : memref<1000000x64xf32, #tpu.memory_space<hbm>> -> memref<256x64xf32, #tpu.memory_space<hbm>>
      %dma_wait3A_494 = arith.constant 0 : i32
      %dma_wait3A_495 = arith.constant 0 : i32
      %dma_wait3A_496 = tpu.memref_slice %arg3[%dma_wait3A_494, %dma_wait3A_495] : memref<1000000x64xf32, #tpu.memory_space<hbm>> -> memref<256x64xf32, #tpu.memory_space<hbm>>
      tpu.wait_dma2 semaphore(%arg13 : memref<!tpu.dma_semaphore, #tpu.memory_space<semaphore_mem>>) src(%dma_wait3A_496 : memref<256x64xf32, #tpu.memory_space<hbm>>) dst(%arg8 : memref<256x64xf32, #tpu.memory_space<vmem>>)
      %gt3A_497 = arith.constant 0 : i32
      %gt3A_498 = arith.cmpi sgt, %scan3A_126, %gt3A_497 : i32
      %convert_element_type3A_499 = arith.extui %gt3A_498 : i1 to i32
      %cond3A_500 = arith.constant 0 : i32
      %cond3A_501 = arith.cmpi ne, %convert_element_type3A_499, %cond3A_500 : i32
      scf.if %cond3A_501 {
        %sub3A_825 = arith.constant 2 : i32
        %sub3A_826 = arith.subi %add3A_130, %sub3A_825 : i32
        %jit3A_827 = arith.constant 2 : i32
        %div3A_828 = arith.divsi %sub3A_826, %jit3A_827 : i32
        %sign3A_829 = arith.constant 0 : i32
        %sign3A_830 = arith.cmpi sgt, %sub3A_826, %sign3A_829 : i32
        %sign3A_831 = arith.extui %sign3A_830 : i1 to i32
        %sign3A_832 = arith.constant 0 : i32
        %sign3A_833 = arith.cmpi slt, %sub3A_826, %sign3A_832 : i32
        %sign3A_834 = arith.extui %sign3A_833 : i1 to i32
        %sign3A_835 = arith.subi %sign3A_831, %sign3A_834 : i32
        %sign3A_836 = arith.constant 0 : i32
        %sign3A_837 = arith.cmpi sgt, %jit3A_827, %sign3A_836 : i32
        %sign3A_838 = arith.extui %sign3A_837 : i1 to i32
        %sign3A_839 = arith.constant 0 : i32
        %sign3A_840 = arith.cmpi slt, %jit3A_827, %sign3A_839 : i32
        %sign3A_841 = arith.extui %sign3A_840 : i1 to i32
        %sign3A_842 = arith.subi %sign3A_838, %sign3A_841 : i32
        %ne3A_843 = arith.cmpi ne, %sign3A_835, %sign3A_842 : i32
        %rem3A_844 = arith.remsi %sub3A_826, %jit3A_827 : i32
        %ne3A_845 = arith.constant 0 : i32
        %ne3A_846 = arith.cmpi ne, %rem3A_844, %ne3A_845 : i32
        %and3A_847 = arith.andi %ne3A_843, %ne3A_846 : i1
        %sub3A_848 = arith.constant 1 : i32
        %sub3A_849 = arith.subi %div3A_828, %sub3A_848 : i32
        %select_n3A_850 = arith.select %and3A_847, %sub3A_849, %div3A_828 : i32
        %mul3A_851 = arith.constant 2 : i32
        %mul3A_852 = arith.muli %select_n3A_850, %mul3A_851 : i32
        %sub3A_853 = arith.subi %sub3A_826, %mul3A_852 : i32
        %mul3A_854 = arith.constant 256 : i32
        %mul3A_855 = arith.muli %sub3A_853, %mul3A_854 : i32
        %add3A_856 = arith.addi %mul3A_2, %mul3A_855 : i32
        %dma_wait3A_857 = arith.constant 0 : i32
        %dma_wait3A_858 = tpu.memref_slice %arg5[%select_n3A_850, %dma_wait3A_857, %add3A_856] : memref<20x64x16384xf32, #tpu.memory_space<hbm>> -> memref<1x64x256xf32, #tpu.memory_space<hbm>>
        %dma_wait3A_859 = tpu.memref_squeeze %dma_wait3A_858 : memref<1x64x256xf32, #tpu.memory_space<hbm>> -> memref<64x256xf32, #tpu.memory_space<hbm>>
        %dma_wait3A_860 = arith.constant 0 : i32
        %dma_wait3A_861 = tpu.memref_slice %arg5[%select_n3A_850, %dma_wait3A_860, %add3A_856] : memref<20x64x16384xf32, #tpu.memory_space<hbm>> -> memref<1x64x256xf32, #tpu.memory_space<hbm>>
        %dma_wait3A_862 = tpu.memref_squeeze %dma_wait3A_861 : memref<1x64x256xf32, #tpu.memory_space<hbm>> -> memref<64x256xf32, #tpu.memory_space<hbm>>
        tpu.wait_dma2 semaphore(%arg15 : memref<!tpu.dma_semaphore, #tpu.memory_space<semaphore_mem>>) src(%arg10 : memref<64x256xf32, #tpu.memory_space<vmem>>) dst(%dma_wait3A_862 : memref<64x256xf32, #tpu.memory_space<hbm>>)
      } else {
      }
      %jit3A_502 = arith.constant 2 : i32
      %div3A_503 = arith.divsi %add3A_130, %jit3A_502 : i32
      %sign3A_504 = arith.constant 0 : i32
      %sign3A_505 = arith.cmpi sgt, %add3A_130, %sign3A_504 : i32
      %sign3A_506 = arith.extui %sign3A_505 : i1 to i32
      %sign3A_507 = arith.constant 0 : i32
      %sign3A_508 = arith.cmpi slt, %add3A_130, %sign3A_507 : i32
      %sign3A_509 = arith.extui %sign3A_508 : i1 to i32
      %sign3A_510 = arith.subi %sign3A_506, %sign3A_509 : i32
      %sign3A_511 = arith.constant 0 : i32
      %sign3A_512 = arith.cmpi sgt, %jit3A_502, %sign3A_511 : i32
      %sign3A_513 = arith.extui %sign3A_512 : i1 to i32
      %sign3A_514 = arith.constant 0 : i32
      %sign3A_515 = arith.cmpi slt, %jit3A_502, %sign3A_514 : i32
      %sign3A_516 = arith.extui %sign3A_515 : i1 to i32
      %sign3A_517 = arith.subi %sign3A_513, %sign3A_516 : i32
      %ne3A_518 = arith.cmpi ne, %sign3A_510, %sign3A_517 : i32
      %rem3A_519 = arith.remsi %add3A_130, %jit3A_502 : i32
      %ne3A_520 = arith.constant 0 : i32
      %ne3A_521 = arith.cmpi ne, %rem3A_519, %ne3A_520 : i32
      %and3A_522 = arith.andi %ne3A_518, %ne3A_521 : i1
      %sub3A_523 = arith.constant 1 : i32
      %sub3A_524 = arith.subi %div3A_503, %sub3A_523 : i32
      %select_n3A_525 = arith.select %and3A_522, %sub3A_524, %div3A_503 : i32
      %broadcast_in_dim3A_526 = vector.broadcast %select_n3A_525 : i32 to vector<16xi32>
      %add3A_527 = arith.constant 0 : i32
      %add3A_528 = vector.broadcast %add3A_527 : i32 to vector<16xi32>
      %add3A_529 = arith.addi %add3A_528, %and3A_7 : vector<16xi32>
      %gather3A_530 = tpu.vector_load_idx %arg11[%broadcast_in_dim3A_526, %add3A_529] : memref<20x64xf32, #tpu.memory_space<vmem>>[vector<16xi32>, vector<16xi32>], vector<16xf32>,
      %add3A_531 = arith.constant 0 : i32
      %add3A_532 = vector.broadcast %add3A_531 : i32 to vector<16xi32>
      %add3A_533 = arith.addi %add3A_532, %and3A_13 : vector<16xi32>
      %gather3A_534 = tpu.vector_load_idx %arg11[%broadcast_in_dim3A_526, %add3A_533] : memref<20x64xf32, #tpu.memory_space<vmem>>[vector<16xi32>, vector<16xi32>], vector<16xf32>,
      %add3A_535 = arith.constant 0 : i32
      %add3A_536 = vector.broadcast %add3A_535 : i32 to vector<16xi32>
      %add3A_537 = arith.addi %add3A_536, %and3A_19 : vector<16xi32>
      %gather3A_538 = tpu.vector_load_idx %arg11[%broadcast_in_dim3A_526, %add3A_537] : memref<20x64xf32, #tpu.memory_space<vmem>>[vector<16xi32>, vector<16xi32>], vector<16xf32>,
      %add3A_539 = arith.constant 0 : i32
      %add3A_540 = vector.broadcast %add3A_539 : i32 to vector<16xi32>
      %add3A_541 = arith.addi %add3A_540, %and3A_25 : vector<16xi32>
      %gather3A_542 = tpu.vector_load_idx %arg11[%broadcast_in_dim3A_526, %add3A_541] : memref<20x64xf32, #tpu.memory_space<vmem>>[vector<16xi32>, vector<16xi32>], vector<16xf32>,
      %add3A_543 = arith.constant 0 : i32
      %add3A_544 = vector.broadcast %add3A_543 : i32 to vector<16xi32>
      %add3A_545 = arith.addi %add3A_544, %and3A_31 : vector<16xi32>
      %gather3A_546 = tpu.vector_load_idx %arg11[%broadcast_in_dim3A_526, %add3A_545] : memref<20x64xf32, #tpu.memory_space<vmem>>[vector<16xi32>, vector<16xi32>], vector<16xf32>,
      %add3A_547 = arith.constant 0 : i32
      %add3A_548 = vector.broadcast %add3A_547 : i32 to vector<16xi32>
      %add3A_549 = arith.addi %add3A_548, %and3A_37 : vector<16xi32>
      %gather3A_550 = tpu.vector_load_idx %arg11[%broadcast_in_dim3A_526, %add3A_549] : memref<20x64xf32, #tpu.memory_space<vmem>>[vector<16xi32>, vector<16xi32>], vector<16xf32>,
      %add3A_551 = arith.constant 0 : i32
      %add3A_552 = vector.broadcast %add3A_551 : i32 to vector<16xi32>
      %add3A_553 = arith.addi %add3A_552, %and3A_43 : vector<16xi32>
      %gather3A_554 = tpu.vector_load_idx %arg11[%broadcast_in_dim3A_526, %add3A_553] : memref<20x64xf32, #tpu.memory_space<vmem>>[vector<16xi32>, vector<16xi32>], vector<16xf32>,
      %add3A_555 = arith.constant 0 : i32
      %add3A_556 = vector.broadcast %add3A_555 : i32 to vector<16xi32>
      %add3A_557 = arith.addi %add3A_556, %and3A_49 : vector<16xi32>
      %gather3A_558 = tpu.vector_load_idx %arg11[%broadcast_in_dim3A_526, %add3A_557] : memref<20x64xf32, #tpu.memory_space<vmem>>[vector<16xi32>, vector<16xi32>], vector<16xf32>,
      %add3A_559 = arith.constant 0 : i32
      %add3A_560 = vector.broadcast %add3A_559 : i32 to vector<16xi32>
      %add3A_561 = arith.addi %add3A_560, %and3A_55 : vector<16xi32>
      %gather3A_562 = tpu.vector_load_idx %arg11[%broadcast_in_dim3A_526, %add3A_561] : memref<20x64xf32, #tpu.memory_space<vmem>>[vector<16xi32>, vector<16xi32>], vector<16xf32>,
      %add3A_563 = arith.constant 0 : i32
      %add3A_564 = vector.broadcast %add3A_563 : i32 to vector<16xi32>
      %add3A_565 = arith.addi %add3A_564, %and3A_61 : vector<16xi32>
      %gather3A_566 = tpu.vector_load_idx %arg11[%broadcast_in_dim3A_526, %add3A_565] : memref<20x64xf32, #tpu.memory_space<vmem>>[vector<16xi32>, vector<16xi32>], vector<16xf32>,
      %add3A_567 = arith.constant 0 : i32
      %add3A_568 = vector.broadcast %add3A_567 : i32 to vector<16xi32>
      %add3A_569 = arith.addi %add3A_568, %and3A_67 : vector<16xi32>
      %gather3A_570 = tpu.vector_load_idx %arg11[%broadcast_in_dim3A_526, %add3A_569] : memref<20x64xf32, #tpu.memory_space<vmem>>[vector<16xi32>, vector<16xi32>], vector<16xf32>,
      %add3A_571 = arith.constant 0 : i32
      %add3A_572 = vector.broadcast %add3A_571 : i32 to vector<16xi32>
      %add3A_573 = arith.addi %add3A_572, %and3A_73 : vector<16xi32>
      %gather3A_574 = tpu.vector_load_idx %arg11[%broadcast_in_dim3A_526, %add3A_573] : memref<20x64xf32, #tpu.memory_space<vmem>>[vector<16xi32>, vector<16xi32>], vector<16xf32>,
      %add3A_575 = arith.constant 0 : i32
      %add3A_576 = vector.broadcast %add3A_575 : i32 to vector<16xi32>
      %add3A_577 = arith.addi %add3A_576, %and3A_79 : vector<16xi32>
      %gather3A_578 = tpu.vector_load_idx %arg11[%broadcast_in_dim3A_526, %add3A_577] : memref<20x64xf32, #tpu.memory_space<vmem>>[vector<16xi32>, vector<16xi32>], vector<16xf32>,
      %add3A_579 = arith.constant 0 : i32
      %add3A_580 = vector.broadcast %add3A_579 : i32 to vector<16xi32>
      %add3A_581 = arith.addi %add3A_580, %and3A_85 : vector<16xi32>
      %gather3A_582 = tpu.vector_load_idx %arg11[%broadcast_in_dim3A_526, %add3A_581] : memref<20x64xf32, #tpu.memory_space<vmem>>[vector<16xi32>, vector<16xi32>], vector<16xf32>,
      %add3A_583 = arith.constant 0 : i32
      %add3A_584 = vector.broadcast %add3A_583 : i32 to vector<16xi32>
      %add3A_585 = arith.addi %add3A_584, %and3A_91 : vector<16xi32>
      %gather3A_586 = tpu.vector_load_idx %arg11[%broadcast_in_dim3A_526, %add3A_585] : memref<20x64xf32, #tpu.memory_space<vmem>>[vector<16xi32>, vector<16xi32>], vector<16xf32>,
      %add3A_587 = arith.constant 0 : i32
      %add3A_588 = vector.broadcast %add3A_587 : i32 to vector<16xi32>
      %add3A_589 = arith.addi %add3A_588, %and3A_97 : vector<16xi32>
      %gather3A_590 = tpu.vector_load_idx %arg11[%broadcast_in_dim3A_526, %add3A_589] : memref<20x64xf32, #tpu.memory_space<vmem>>[vector<16xi32>, vector<16xi32>], vector<16xf32>,
      %add3A_591 = arith.constant 16 : i32
      %add3A_592 = vector.broadcast %add3A_591 : i32 to vector<16xi32>
      %add3A_593 = arith.addi %add3A_592, %and3A_7 : vector<16xi32>
      %gather3A_594 = tpu.vector_load_idx %arg11[%broadcast_in_dim3A_526, %add3A_593] : memref<20x64xf32, #tpu.memory_space<vmem>>[vector<16xi32>, vector<16xi32>], vector<16xf32>,
      %add3A_595 = arith.constant 16 : i32
      %add3A_596 = vector.broadcast %add3A_595 : i32 to vector<16xi32>
      %add3A_597 = arith.addi %add3A_596, %and3A_13 : vector<16xi32>
      %gather3A_598 = tpu.vector_load_idx %arg11[%broadcast_in_dim3A_526, %add3A_597] : memref<20x64xf32, #tpu.memory_space<vmem>>[vector<16xi32>, vector<16xi32>], vector<16xf32>,
      %add3A_599 = arith.constant 16 : i32
      %add3A_600 = vector.broadcast %add3A_599 : i32 to vector<16xi32>
      %add3A_601 = arith.addi %add3A_600, %and3A_19 : vector<16xi32>
      %gather3A_602 = tpu.vector_load_idx %arg11[%broadcast_in_dim3A_526, %add3A_601] : memref<20x64xf32, #tpu.memory_space<vmem>>[vector<16xi32>, vector<16xi32>], vector<16xf32>,
      %add3A_603 = arith.constant 16 : i32
      %add3A_604 = vector.broadcast %add3A_603 : i32 to vector<16xi32>
      %add3A_605 = arith.addi %add3A_604, %and3A_25 : vector<16xi32>
      %gather3A_606 = tpu.vector_load_idx %arg11[%broadcast_in_dim3A_526, %add3A_605] : memref<20x64xf32, #tpu.memory_space<vmem>>[vector<16xi32>, vector<16xi32>], vector<16xf32>,
      %add3A_607 = arith.constant 16 : i32
      %add3A_608 = vector.broadcast %add3A_607 : i32 to vector<16xi32>
      %add3A_609 = arith.addi %add3A_608, %and3A_31 : vector<16xi32>
      %gather3A_610 = tpu.vector_load_idx %arg11[%broadcast_in_dim3A_526, %add3A_609] : memref<20x64xf32, #tpu.memory_space<vmem>>[vector<16xi32>, vector<16xi32>], vector<16xf32>,
      %add3A_611 = arith.constant 16 : i32
      %add3A_612 = vector.broadcast %add3A_611 : i32 to vector<16xi32>
      %add3A_613 = arith.addi %add3A_612, %and3A_37 : vector<16xi32>
      %gather3A_614 = tpu.vector_load_idx %arg11[%broadcast_in_dim3A_526, %add3A_613] : memref<20x64xf32, #tpu.memory_space<vmem>>[vector<16xi32>, vector<16xi32>], vector<16xf32>,
      %add3A_615 = arith.constant 16 : i32
      %add3A_616 = vector.broadcast %add3A_615 : i32 to vector<16xi32>
      %add3A_617 = arith.addi %add3A_616, %and3A_43 : vector<16xi32>
      %gather3A_618 = tpu.vector_load_idx %arg11[%broadcast_in_dim3A_526, %add3A_617] : memref<20x64xf32, #tpu.memory_space<vmem>>[vector<16xi32>, vector<16xi32>], vector<16xf32>,
      %add3A_619 = arith.constant 16 : i32
      %add3A_620 = vector.broadcast %add3A_619 : i32 to vector<16xi32>
      %add3A_621 = arith.addi %add3A_620, %and3A_49 : vector<16xi32>
      %gather3A_622 = tpu.vector_load_idx %arg11[%broadcast_in_dim3A_526, %add3A_621] : memref<20x64xf32, #tpu.memory_space<vmem>>[vector<16xi32>, vector<16xi32>], vector<16xf32>,
      %add3A_623 = arith.constant 16 : i32
      %add3A_624 = vector.broadcast %add3A_623 : i32 to vector<16xi32>
      %add3A_625 = arith.addi %add3A_624, %and3A_55 : vector<16xi32>
      %gather3A_626 = tpu.vector_load_idx %arg11[%broadcast_in_dim3A_526, %add3A_625] : memref<20x64xf32, #tpu.memory_space<vmem>>[vector<16xi32>, vector<16xi32>], vector<16xf32>,
      %add3A_627 = arith.constant 16 : i32
      %add3A_628 = vector.broadcast %add3A_627 : i32 to vector<16xi32>
      %add3A_629 = arith.addi %add3A_628, %and3A_61 : vector<16xi32>
      %gather3A_630 = tpu.vector_load_idx %arg11[%broadcast_in_dim3A_526, %add3A_629] : memref<20x64xf32, #tpu.memory_space<vmem>>[vector<16xi32>, vector<16xi32>], vector<16xf32>,
      %add3A_631 = arith.constant 16 : i32
      %add3A_632 = vector.broadcast %add3A_631 : i32 to vector<16xi32>
      %add3A_633 = arith.addi %add3A_632, %and3A_67 : vector<16xi32>
      %gather3A_634 = tpu.vector_load_idx %arg11[%broadcast_in_dim3A_526, %add3A_633] : memref<20x64xf32, #tpu.memory_space<vmem>>[vector<16xi32>, vector<16xi32>], vector<16xf32>,
      %add3A_635 = arith.constant 16 : i32
      %add3A_636 = vector.broadcast %add3A_635 : i32 to vector<16xi32>
      %add3A_637 = arith.addi %add3A_636, %and3A_73 : vector<16xi32>
      %gather3A_638 = tpu.vector_load_idx %arg11[%broadcast_in_dim3A_526, %add3A_637] : memref<20x64xf32, #tpu.memory_space<vmem>>[vector<16xi32>, vector<16xi32>], vector<16xf32>,
      %add3A_639 = arith.constant 16 : i32
      %add3A_640 = vector.broadcast %add3A_639 : i32 to vector<16xi32>
      %add3A_641 = arith.addi %add3A_640, %and3A_79 : vector<16xi32>
      %gather3A_642 = tpu.vector_load_idx %arg11[%broadcast_in_dim3A_526, %add3A_641] : memref<20x64xf32, #tpu.memory_space<vmem>>[vector<16xi32>, vector<16xi32>], vector<16xf32>,
      %add3A_643 = arith.constant 16 : i32
      %add3A_644 = vector.broadcast %add3A_643 : i32 to vector<16xi32>
      %add3A_645 = arith.addi %add3A_644, %and3A_85 : vector<16xi32>
      %gather3A_646 = tpu.vector_load_idx %arg11[%broadcast_in_dim3A_526, %add3A_645] : memref<20x64xf32, #tpu.memory_space<vmem>>[vector<16xi32>, vector<16xi32>], vector<16xf32>,
      %add3A_647 = arith.constant 16 : i32
      %add3A_648 = vector.broadcast %add3A_647 : i32 to vector<16xi32>
      %add3A_649 = arith.addi %add3A_648, %and3A_91 : vector<16xi32>
      %gather3A_650 = tpu.vector_load_idx %arg11[%broadcast_in_dim3A_526, %add3A_649] : memref<20x64xf32, #tpu.memory_space<vmem>>[vector<16xi32>, vector<16xi32>], vector<16xf32>,
      %add3A_651 = arith.constant 16 : i32
      %add3A_652 = vector.broadcast %add3A_651 : i32 to vector<16xi32>
      %add3A_653 = arith.addi %add3A_652, %and3A_97 : vector<16xi32>
      %gather3A_654 = tpu.vector_load_idx %arg11[%broadcast_in_dim3A_526, %add3A_653] : memref<20x64xf32, #tpu.memory_space<vmem>>[vector<16xi32>, vector<16xi32>], vector<16xf32>,
      %add3A_655 = arith.constant 32 : i32
      %add3A_656 = vector.broadcast %add3A_655 : i32 to vector<16xi32>
      %add3A_657 = arith.addi %add3A_656, %and3A_7 : vector<16xi32>
      %gather3A_658 = tpu.vector_load_idx %arg11[%broadcast_in_dim3A_526, %add3A_657] : memref<20x64xf32, #tpu.memory_space<vmem>>[vector<16xi32>, vector<16xi32>], vector<16xf32>,
      %add3A_659 = arith.constant 32 : i32
      %add3A_660 = vector.broadcast %add3A_659 : i32 to vector<16xi32>
      %add3A_661 = arith.addi %add3A_660, %and3A_13 : vector<16xi32>
      %gather3A_662 = tpu.vector_load_idx %arg11[%broadcast_in_dim3A_526, %add3A_661] : memref<20x64xf32, #tpu.memory_space<vmem>>[vector<16xi32>, vector<16xi32>], vector<16xf32>,
      %add3A_663 = arith.constant 32 : i32
      %add3A_664 = vector.broadcast %add3A_663 : i32 to vector<16xi32>
      %add3A_665 = arith.addi %add3A_664, %and3A_19 : vector<16xi32>
      %gather3A_666 = tpu.vector_load_idx %arg11[%broadcast_in_dim3A_526, %add3A_665] : memref<20x64xf32, #tpu.memory_space<vmem>>[vector<16xi32>, vector<16xi32>], vector<16xf32>,
      %add3A_667 = arith.constant 32 : i32
      %add3A_668 = vector.broadcast %add3A_667 : i32 to vector<16xi32>
      %add3A_669 = arith.addi %add3A_668, %and3A_25 : vector<16xi32>
      %gather3A_670 = tpu.vector_load_idx %arg11[%broadcast_in_dim3A_526, %add3A_669] : memref<20x64xf32, #tpu.memory_space<vmem>>[vector<16xi32>, vector<16xi32>], vector<16xf32>,
      %add3A_671 = arith.constant 32 : i32
      %add3A_672 = vector.broadcast %add3A_671 : i32 to vector<16xi32>
      %add3A_673 = arith.addi %add3A_672, %and3A_31 : vector<16xi32>
      %gather3A_674 = tpu.vector_load_idx %arg11[%broadcast_in_dim3A_526, %add3A_673] : memref<20x64xf32, #tpu.memory_space<vmem>>[vector<16xi32>, vector<16xi32>], vector<16xf32>,
      %add3A_675 = arith.constant 32 : i32
      %add3A_676 = vector.broadcast %add3A_675 : i32 to vector<16xi32>
      %add3A_677 = arith.addi %add3A_676, %and3A_37 : vector<16xi32>
      %gather3A_678 = tpu.vector_load_idx %arg11[%broadcast_in_dim3A_526, %add3A_677] : memref<20x64xf32, #tpu.memory_space<vmem>>[vector<16xi32>, vector<16xi32>], vector<16xf32>,
      %add3A_679 = arith.constant 32 : i32
      %add3A_680 = vector.broadcast %add3A_679 : i32 to vector<16xi32>
      %add3A_681 = arith.addi %add3A_680, %and3A_43 : vector<16xi32>
      %gather3A_682 = tpu.vector_load_idx %arg11[%broadcast_in_dim3A_526, %add3A_681] : memref<20x64xf32, #tpu.memory_space<vmem>>[vector<16xi32>, vector<16xi32>], vector<16xf32>,
      %add3A_683 = arith.constant 32 : i32
      %add3A_684 = vector.broadcast %add3A_683 : i32 to vector<16xi32>
      %add3A_685 = arith.addi %add3A_684, %and3A_49 : vector<16xi32>
      %gather3A_686 = tpu.vector_load_idx %arg11[%broadcast_in_dim3A_526, %add3A_685] : memref<20x64xf32, #tpu.memory_space<vmem>>[vector<16xi32>, vector<16xi32>], vector<16xf32>,
      %add3A_687 = arith.constant 32 : i32
      %add3A_688 = vector.broadcast %add3A_687 : i32 to vector<16xi32>
      %add3A_689 = arith.addi %add3A_688, %and3A_55 : vector<16xi32>
      %gather3A_690 = tpu.vector_load_idx %arg11[%broadcast_in_dim3A_526, %add3A_689] : memref<20x64xf32, #tpu.memory_space<vmem>>[vector<16xi32>, vector<16xi32>], vector<16xf32>,
      %add3A_691 = arith.constant 32 : i32
      %add3A_692 = vector.broadcast %add3A_691 : i32 to vector<16xi32>
      %add3A_693 = arith.addi %add3A_692, %and3A_61 : vector<16xi32>
      %gather3A_694 = tpu.vector_load_idx %arg11[%broadcast_in_dim3A_526, %add3A_693] : memref<20x64xf32, #tpu.memory_space<vmem>>[vector<16xi32>, vector<16xi32>], vector<16xf32>,
      %add3A_695 = arith.constant 32 : i32
      %add3A_696 = vector.broadcast %add3A_695 : i32 to vector<16xi32>
      %add3A_697 = arith.addi %add3A_696, %and3A_67 : vector<16xi32>
      %gather3A_698 = tpu.vector_load_idx %arg11[%broadcast_in_dim3A_526, %add3A_697] : memref<20x64xf32, #tpu.memory_space<vmem>>[vector<16xi32>, vector<16xi32>], vector<16xf32>,
      %add3A_699 = arith.constant 32 : i32
      %add3A_700 = vector.broadcast %add3A_699 : i32 to vector<16xi32>
      %add3A_701 = arith.addi %add3A_700, %and3A_73 : vector<16xi32>
      %gather3A_702 = tpu.vector_load_idx %arg11[%broadcast_in_dim3A_526, %add3A_701] : memref<20x64xf32, #tpu.memory_space<vmem>>[vector<16xi32>, vector<16xi32>], vector<16xf32>,
      %add3A_703 = arith.constant 32 : i32
      %add3A_704 = vector.broadcast %add3A_703 : i32 to vector<16xi32>
      %add3A_705 = arith.addi %add3A_704, %and3A_79 : vector<16xi32>
      %gather3A_706 = tpu.vector_load_idx %arg11[%broadcast_in_dim3A_526, %add3A_705] : memref<20x64xf32, #tpu.memory_space<vmem>>[vector<16xi32>, vector<16xi32>], vector<16xf32>,
      %add3A_707 = arith.constant 32 : i32
      %add3A_708 = vector.broadcast %add3A_707 : i32 to vector<16xi32>
      %add3A_709 = arith.addi %add3A_708, %and3A_85 : vector<16xi32>
      %gather3A_710 = tpu.vector_load_idx %arg11[%broadcast_in_dim3A_526, %add3A_709] : memref<20x64xf32, #tpu.memory_space<vmem>>[vector<16xi32>, vector<16xi32>], vector<16xf32>,
      %add3A_711 = arith.constant 32 : i32
      %add3A_712 = vector.broadcast %add3A_711 : i32 to vector<16xi32>
      %add3A_713 = arith.addi %add3A_712, %and3A_91 : vector<16xi32>
      %gather3A_714 = tpu.vector_load_idx %arg11[%broadcast_in_dim3A_526, %add3A_713] : memref<20x64xf32, #tpu.memory_space<vmem>>[vector<16xi32>, vector<16xi32>], vector<16xf32>,
      %add3A_715 = arith.constant 32 : i32
      %add3A_716 = vector.broadcast %add3A_715 : i32 to vector<16xi32>
      %add3A_717 = arith.addi %add3A_716, %and3A_97 : vector<16xi32>
      %gather3A_718 = tpu.vector_load_idx %arg11[%broadcast_in_dim3A_526, %add3A_717] : memref<20x64xf32, #tpu.memory_space<vmem>>[vector<16xi32>, vector<16xi32>], vector<16xf32>,
      %add3A_719 = arith.constant 48 : i32
      %add3A_720 = vector.broadcast %add3A_719 : i32 to vector<16xi32>
      %add3A_721 = arith.addi %add3A_720, %and3A_7 : vector<16xi32>
      %gather3A_722 = tpu.vector_load_idx %arg11[%broadcast_in_dim3A_526, %add3A_721] : memref<20x64xf32, #tpu.memory_space<vmem>>[vector<16xi32>, vector<16xi32>], vector<16xf32>,
      %add3A_723 = arith.constant 48 : i32
      %add3A_724 = vector.broadcast %add3A_723 : i32 to vector<16xi32>
      %add3A_725 = arith.addi %add3A_724, %and3A_13 : vector<16xi32>
      %gather3A_726 = tpu.vector_load_idx %arg11[%broadcast_in_dim3A_526, %add3A_725] : memref<20x64xf32, #tpu.memory_space<vmem>>[vector<16xi32>, vector<16xi32>], vector<16xf32>,
      %add3A_727 = arith.constant 48 : i32
      %add3A_728 = vector.broadcast %add3A_727 : i32 to vector<16xi32>
      %add3A_729 = arith.addi %add3A_728, %and3A_19 : vector<16xi32>
      %gather3A_730 = tpu.vector_load_idx %arg11[%broadcast_in_dim3A_526, %add3A_729] : memref<20x64xf32, #tpu.memory_space<vmem>>[vector<16xi32>, vector<16xi32>], vector<16xf32>,
      %add3A_731 = arith.constant 48 : i32
      %add3A_732 = vector.broadcast %add3A_731 : i32 to vector<16xi32>
      %add3A_733 = arith.addi %add3A_732, %and3A_25 : vector<16xi32>
      %gather3A_734 = tpu.vector_load_idx %arg11[%broadcast_in_dim3A_526, %add3A_733] : memref<20x64xf32, #tpu.memory_space<vmem>>[vector<16xi32>, vector<16xi32>], vector<16xf32>,
      %add3A_735 = arith.constant 48 : i32
      %add3A_736 = vector.broadcast %add3A_735 : i32 to vector<16xi32>
      %add3A_737 = arith.addi %add3A_736, %and3A_31 : vector<16xi32>
      %gather3A_738 = tpu.vector_load_idx %arg11[%broadcast_in_dim3A_526, %add3A_737] : memref<20x64xf32, #tpu.memory_space<vmem>>[vector<16xi32>, vector<16xi32>], vector<16xf32>,
      %add3A_739 = arith.constant 48 : i32
      %add3A_740 = vector.broadcast %add3A_739 : i32 to vector<16xi32>
      %add3A_741 = arith.addi %add3A_740, %and3A_37 : vector<16xi32>
      %gather3A_742 = tpu.vector_load_idx %arg11[%broadcast_in_dim3A_526, %add3A_741] : memref<20x64xf32, #tpu.memory_space<vmem>>[vector<16xi32>, vector<16xi32>], vector<16xf32>,
      %add3A_743 = arith.constant 48 : i32
      %add3A_744 = vector.broadcast %add3A_743 : i32 to vector<16xi32>
      %add3A_745 = arith.addi %add3A_744, %and3A_43 : vector<16xi32>
      %gather3A_746 = tpu.vector_load_idx %arg11[%broadcast_in_dim3A_526, %add3A_745] : memref<20x64xf32, #tpu.memory_space<vmem>>[vector<16xi32>, vector<16xi32>], vector<16xf32>,
      %add3A_747 = arith.constant 48 : i32
      %add3A_748 = vector.broadcast %add3A_747 : i32 to vector<16xi32>
      %add3A_749 = arith.addi %add3A_748, %and3A_49 : vector<16xi32>
      %gather3A_750 = tpu.vector_load_idx %arg11[%broadcast_in_dim3A_526, %add3A_749] : memref<20x64xf32, #tpu.memory_space<vmem>>[vector<16xi32>, vector<16xi32>], vector<16xf32>,
      %add3A_751 = arith.constant 48 : i32
      %add3A_752 = vector.broadcast %add3A_751 : i32 to vector<16xi32>
      %add3A_753 = arith.addi %add3A_752, %and3A_55 : vector<16xi32>
      %gather3A_754 = tpu.vector_load_idx %arg11[%broadcast_in_dim3A_526, %add3A_753] : memref<20x64xf32, #tpu.memory_space<vmem>>[vector<16xi32>, vector<16xi32>], vector<16xf32>,
      %add3A_755 = arith.constant 48 : i32
      %add3A_756 = vector.broadcast %add3A_755 : i32 to vector<16xi32>
      %add3A_757 = arith.addi %add3A_756, %and3A_61 : vector<16xi32>
      %gather3A_758 = tpu.vector_load_idx %arg11[%broadcast_in_dim3A_526, %add3A_757] : memref<20x64xf32, #tpu.memory_space<vmem>>[vector<16xi32>, vector<16xi32>], vector<16xf32>,
      %add3A_759 = arith.constant 48 : i32
      %add3A_760 = vector.broadcast %add3A_759 : i32 to vector<16xi32>
      %add3A_761 = arith.addi %add3A_760, %and3A_67 : vector<16xi32>
      %gather3A_762 = tpu.vector_load_idx %arg11[%broadcast_in_dim3A_526, %add3A_761] : memref<20x64xf32, #tpu.memory_space<vmem>>[vector<16xi32>, vector<16xi32>], vector<16xf32>,
      %add3A_763 = arith.constant 48 : i32
      %add3A_764 = vector.broadcast %add3A_763 : i32 to vector<16xi32>
      %add3A_765 = arith.addi %add3A_764, %and3A_73 : vector<16xi32>
      %gather3A_766 = tpu.vector_load_idx %arg11[%broadcast_in_dim3A_526, %add3A_765] : memref<20x64xf32, #tpu.memory_space<vmem>>[vector<16xi32>, vector<16xi32>], vector<16xf32>,
      %add3A_767 = arith.constant 48 : i32
      %add3A_768 = vector.broadcast %add3A_767 : i32 to vector<16xi32>
      %add3A_769 = arith.addi %add3A_768, %and3A_79 : vector<16xi32>
      %gather3A_770 = tpu.vector_load_idx %arg11[%broadcast_in_dim3A_526, %add3A_769] : memref<20x64xf32, #tpu.memory_space<vmem>>[vector<16xi32>, vector<16xi32>], vector<16xf32>,
      %add3A_771 = arith.constant 48 : i32
      %add3A_772 = vector.broadcast %add3A_771 : i32 to vector<16xi32>
      %add3A_773 = arith.addi %add3A_772, %and3A_85 : vector<16xi32>
      %gather3A_774 = tpu.vector_load_idx %arg11[%broadcast_in_dim3A_526, %add3A_773] : memref<20x64xf32, #tpu.memory_space<vmem>>[vector<16xi32>, vector<16xi32>], vector<16xf32>,
      %add3A_775 = arith.constant 48 : i32
      %add3A_776 = vector.broadcast %add3A_775 : i32 to vector<16xi32>
      %add3A_777 = arith.addi %add3A_776, %and3A_91 : vector<16xi32>
      %gather3A_778 = tpu.vector_load_idx %arg11[%broadcast_in_dim3A_526, %add3A_777] : memref<20x64xf32, #tpu.memory_space<vmem>>[vector<16xi32>, vector<16xi32>], vector<16xf32>,
      %add3A_779 = arith.constant 48 : i32
      %add3A_780 = vector.broadcast %add3A_779 : i32 to vector<16xi32>
      %add3A_781 = arith.addi %add3A_780, %and3A_97 : vector<16xi32>
      %gather3A_782 = tpu.vector_load_idx %arg11[%broadcast_in_dim3A_526, %add3A_781] : memref<20x64xf32, #tpu.memory_space<vmem>>[vector<16xi32>, vector<16xi32>], vector<16xf32>,
      %scan3A_783 = arith.constant 0 : i32
      %scan3A_784 = arith.constant 0 : i32
      %scan3A_785 = arith.constant 16 : i32
      %scan3A_786 = arith.addi %scan3A_784, %scan3A_785 : i32
      %scan3A_787 = arith.constant 1 : i32
      scf.for %scan3A_825 = %scan3A_784 to %scan3A_786 step %scan3A_787  : i32 {
        %mul3A_826 = arith.constant 16 : i32
        %mul3A_827 = arith.muli %scan3A_825, %mul3A_826 : i32
        %add3A_828 = vector.broadcast %mul3A_827 : i32 to vector<16xi32>
        %add3A_829 = arith.addi %iota3A, %add3A_828 : vector<16xi32>
        %add3A_830 = arith.constant 0 : i32
        %add3A_831 = vector.broadcast %add3A_830 : i32 to vector<16xi32>
        %add3A_832 = arith.addi %add3A_831, %and3A_7 : vector<16xi32>
        %gather3A_833 = tpu.vector_load_idx %arg8[%add3A_829, %add3A_832] : memref<256x64xf32, #tpu.memory_space<vmem>>[vector<16xi32>, vector<16xi32>], vector<16xf32>,
        %add3A_834 = arith.addf %gather3A_833, %gather3A_530 : vector<16xf32>
        tpu.vector_store_idx %arg10[%add3A_832, %add3A_829], %add3A_834 : memref<64x256xf32, #tpu.memory_space<vmem>>[vector<16xi32>, vector<16xi32>], vector<16xf32>,
        %add3A_835 = arith.constant 0 : i32
        %add3A_836 = vector.broadcast %add3A_835 : i32 to vector<16xi32>
        %add3A_837 = arith.addi %add3A_836, %and3A_13 : vector<16xi32>
        %gather3A_838 = tpu.vector_load_idx %arg8[%add3A_829, %add3A_837] : memref<256x64xf32, #tpu.memory_space<vmem>>[vector<16xi32>, vector<16xi32>], vector<16xf32>,
        %add3A_839 = arith.addf %gather3A_838, %gather3A_534 : vector<16xf32>
        tpu.vector_store_idx %arg10[%add3A_837, %add3A_829], %add3A_839 : memref<64x256xf32, #tpu.memory_space<vmem>>[vector<16xi32>, vector<16xi32>], vector<16xf32>,
        %add3A_840 = arith.constant 0 : i32
        %add3A_841 = vector.broadcast %add3A_840 : i32 to vector<16xi32>
        %add3A_842 = arith.addi %add3A_841, %and3A_19 : vector<16xi32>
        %gather3A_843 = tpu.vector_load_idx %arg8[%add3A_829, %add3A_842] : memref<256x64xf32, #tpu.memory_space<vmem>>[vector<16xi32>, vector<16xi32>], vector<16xf32>,
        %add3A_844 = arith.addf %gather3A_843, %gather3A_538 : vector<16xf32>
        tpu.vector_store_idx %arg10[%add3A_842, %add3A_829], %add3A_844 : memref<64x256xf32, #tpu.memory_space<vmem>>[vector<16xi32>, vector<16xi32>], vector<16xf32>,
        %add3A_845 = arith.constant 0 : i32
        %add3A_846 = vector.broadcast %add3A_845 : i32 to vector<16xi32>
        %add3A_847 = arith.addi %add3A_846, %and3A_25 : vector<16xi32>
        %gather3A_848 = tpu.vector_load_idx %arg8[%add3A_829, %add3A_847] : memref<256x64xf32, #tpu.memory_space<vmem>>[vector<16xi32>, vector<16xi32>], vector<16xf32>,
        %add3A_849 = arith.addf %gather3A_848, %gather3A_542 : vector<16xf32>
        tpu.vector_store_idx %arg10[%add3A_847, %add3A_829], %add3A_849 : memref<64x256xf32, #tpu.memory_space<vmem>>[vector<16xi32>, vector<16xi32>], vector<16xf32>,
        %add3A_850 = arith.constant 0 : i32
        %add3A_851 = vector.broadcast %add3A_850 : i32 to vector<16xi32>
        %add3A_852 = arith.addi %add3A_851, %and3A_31 : vector<16xi32>
        %gather3A_853 = tpu.vector_load_idx %arg8[%add3A_829, %add3A_852] : memref<256x64xf32, #tpu.memory_space<vmem>>[vector<16xi32>, vector<16xi32>], vector<16xf32>,
        %add3A_854 = arith.addf %gather3A_853, %gather3A_546 : vector<16xf32>
        tpu.vector_store_idx %arg10[%add3A_852, %add3A_829], %add3A_854 : memref<64x256xf32, #tpu.memory_space<vmem>>[vector<16xi32>, vector<16xi32>], vector<16xf32>,
        %add3A_855 = arith.constant 0 : i32
        %add3A_856 = vector.broadcast %add3A_855 : i32 to vector<16xi32>
        %add3A_857 = arith.addi %add3A_856, %and3A_37 : vector<16xi32>
        %gather3A_858 = tpu.vector_load_idx %arg8[%add3A_829, %add3A_857] : memref<256x64xf32, #tpu.memory_space<vmem>>[vector<16xi32>, vector<16xi32>], vector<16xf32>,
        %add3A_859 = arith.addf %gather3A_858, %gather3A_550 : vector<16xf32>
        tpu.vector_store_idx %arg10[%add3A_857, %add3A_829], %add3A_859 : memref<64x256xf32, #tpu.memory_space<vmem>>[vector<16xi32>, vector<16xi32>], vector<16xf32>,
        %add3A_860 = arith.constant 0 : i32
        %add3A_861 = vector.broadcast %add3A_860 : i32 to vector<16xi32>
        %add3A_862 = arith.addi %add3A_861, %and3A_43 : vector<16xi32>
        %gather3A_863 = tpu.vector_load_idx %arg8[%add3A_829, %add3A_862] : memref<256x64xf32, #tpu.memory_space<vmem>>[vector<16xi32>, vector<16xi32>], vector<16xf32>,
        %add3A_864 = arith.addf %gather3A_863, %gather3A_554 : vector<16xf32>
        tpu.vector_store_idx %arg10[%add3A_862, %add3A_829], %add3A_864 : memref<64x256xf32, #tpu.memory_space<vmem>>[vector<16xi32>, vector<16xi32>], vector<16xf32>,
        %add3A_865 = arith.constant 0 : i32
        %add3A_866 = vector.broadcast %add3A_865 : i32 to vector<16xi32>
        %add3A_867 = arith.addi %add3A_866, %and3A_49 : vector<16xi32>
        %gather3A_868 = tpu.vector_load_idx %arg8[%add3A_829, %add3A_867] : memref<256x64xf32, #tpu.memory_space<vmem>>[vector<16xi32>, vector<16xi32>], vector<16xf32>,
        %add3A_869 = arith.addf %gather3A_868, %gather3A_558 : vector<16xf32>
        tpu.vector_store_idx %arg10[%add3A_867, %add3A_829], %add3A_869 : memref<64x256xf32, #tpu.memory_space<vmem>>[vector<16xi32>, vector<16xi32>], vector<16xf32>,
        %add3A_870 = arith.constant 0 : i32
        %add3A_871 = vector.broadcast %add3A_870 : i32 to vector<16xi32>
        %add3A_872 = arith.addi %add3A_871, %and3A_55 : vector<16xi32>
        %gather3A_873 = tpu.vector_load_idx %arg8[%add3A_829, %add3A_872] : memref<256x64xf32, #tpu.memory_space<vmem>>[vector<16xi32>, vector<16xi32>], vector<16xf32>,
        %add3A_874 = arith.addf %gather3A_873, %gather3A_562 : vector<16xf32>
        tpu.vector_store_idx %arg10[%add3A_872, %add3A_829], %add3A_874 : memref<64x256xf32, #tpu.memory_space<vmem>>[vector<16xi32>, vector<16xi32>], vector<16xf32>,
        %add3A_875 = arith.constant 0 : i32
        %add3A_876 = vector.broadcast %add3A_875 : i32 to vector<16xi32>
        %add3A_877 = arith.addi %add3A_876, %and3A_61 : vector<16xi32>
        %gather3A_878 = tpu.vector_load_idx %arg8[%add3A_829, %add3A_877] : memref<256x64xf32, #tpu.memory_space<vmem>>[vector<16xi32>, vector<16xi32>], vector<16xf32>,
        %add3A_879 = arith.addf %gather3A_878, %gather3A_566 : vector<16xf32>
        tpu.vector_store_idx %arg10[%add3A_877, %add3A_829], %add3A_879 : memref<64x256xf32, #tpu.memory_space<vmem>>[vector<16xi32>, vector<16xi32>], vector<16xf32>,
        %add3A_880 = arith.constant 0 : i32
        %add3A_881 = vector.broadcast %add3A_880 : i32 to vector<16xi32>
        %add3A_882 = arith.addi %add3A_881, %and3A_67 : vector<16xi32>
        %gather3A_883 = tpu.vector_load_idx %arg8[%add3A_829, %add3A_882] : memref<256x64xf32, #tpu.memory_space<vmem>>[vector<16xi32>, vector<16xi32>], vector<16xf32>,
        %add3A_884 = arith.addf %gather3A_883, %gather3A_570 : vector<16xf32>
        tpu.vector_store_idx %arg10[%add3A_882, %add3A_829], %add3A_884 : memref<64x256xf32, #tpu.memory_space<vmem>>[vector<16xi32>, vector<16xi32>], vector<16xf32>,
        %add3A_885 = arith.constant 0 : i32
        %add3A_886 = vector.broadcast %add3A_885 : i32 to vector<16xi32>
        %add3A_887 = arith.addi %add3A_886, %and3A_73 : vector<16xi32>
        %gather3A_888 = tpu.vector_load_idx %arg8[%add3A_829, %add3A_887] : memref<256x64xf32, #tpu.memory_space<vmem>>[vector<16xi32>, vector<16xi32>], vector<16xf32>,
        %add3A_889 = arith.addf %gather3A_888, %gather3A_574 : vector<16xf32>
        tpu.vector_store_idx %arg10[%add3A_887, %add3A_829], %add3A_889 : memref<64x256xf32, #tpu.memory_space<vmem>>[vector<16xi32>, vector<16xi32>], vector<16xf32>,
        %add3A_890 = arith.constant 0 : i32
        %add3A_891 = vector.broadcast %add3A_890 : i32 to vector<16xi32>
        %add3A_892 = arith.addi %add3A_891, %and3A_79 : vector<16xi32>
        %gather3A_893 = tpu.vector_load_idx %arg8[%add3A_829, %add3A_892] : memref<256x64xf32, #tpu.memory_space<vmem>>[vector<16xi32>, vector<16xi32>], vector<16xf32>,
        %add3A_894 = arith.addf %gather3A_893, %gather3A_578 : vector<16xf32>
        tpu.vector_store_idx %arg10[%add3A_892, %add3A_829], %add3A_894 : memref<64x256xf32, #tpu.memory_space<vmem>>[vector<16xi32>, vector<16xi32>], vector<16xf32>,
        %add3A_895 = arith.constant 0 : i32
        %add3A_896 = vector.broadcast %add3A_895 : i32 to vector<16xi32>
        %add3A_897 = arith.addi %add3A_896, %and3A_85 : vector<16xi32>
        %gather3A_898 = tpu.vector_load_idx %arg8[%add3A_829, %add3A_897] : memref<256x64xf32, #tpu.memory_space<vmem>>[vector<16xi32>, vector<16xi32>], vector<16xf32>,
        %add3A_899 = arith.addf %gather3A_898, %gather3A_582 : vector<16xf32>
        tpu.vector_store_idx %arg10[%add3A_897, %add3A_829], %add3A_899 : memref<64x256xf32, #tpu.memory_space<vmem>>[vector<16xi32>, vector<16xi32>], vector<16xf32>,
        %add3A_900 = arith.constant 0 : i32
        %add3A_901 = vector.broadcast %add3A_900 : i32 to vector<16xi32>
        %add3A_902 = arith.addi %add3A_901, %and3A_91 : vector<16xi32>
        %gather3A_903 = tpu.vector_load_idx %arg8[%add3A_829, %add3A_902] : memref<256x64xf32, #tpu.memory_space<vmem>>[vector<16xi32>, vector<16xi32>], vector<16xf32>,
        %add3A_904 = arith.addf %gather3A_903, %gather3A_586 : vector<16xf32>
        tpu.vector_store_idx %arg10[%add3A_902, %add3A_829], %add3A_904 : memref<64x256xf32, #tpu.memory_space<vmem>>[vector<16xi32>, vector<16xi32>], vector<16xf32>,
        %add3A_905 = arith.constant 0 : i32
        %add3A_906 = vector.broadcast %add3A_905 : i32 to vector<16xi32>
        %add3A_907 = arith.addi %add3A_906, %and3A_97 : vector<16xi32>
        %gather3A_908 = tpu.vector_load_idx %arg8[%add3A_829, %add3A_907] : memref<256x64xf32, #tpu.memory_space<vmem>>[vector<16xi32>, vector<16xi32>], vector<16xf32>,
        %add3A_909 = arith.addf %gather3A_908, %gather3A_590 : vector<16xf32>
        tpu.vector_store_idx %arg10[%add3A_907, %add3A_829], %add3A_909 : memref<64x256xf32, #tpu.memory_space<vmem>>[vector<16xi32>, vector<16xi32>], vector<16xf32>,
        %add3A_910 = arith.constant 16 : i32
        %add3A_911 = vector.broadcast %add3A_910 : i32 to vector<16xi32>
        %add3A_912 = arith.addi %add3A_911, %and3A_7 : vector<16xi32>
        %gather3A_913 = tpu.vector_load_idx %arg8[%add3A_829, %add3A_912] : memref<256x64xf32, #tpu.memory_space<vmem>>[vector<16xi32>, vector<16xi32>], vector<16xf32>,
        %add3A_914 = arith.addf %gather3A_913, %gather3A_594 : vector<16xf32>
        tpu.vector_store_idx %arg10[%add3A_912, %add3A_829], %add3A_914 : memref<64x256xf32, #tpu.memory_space<vmem>>[vector<16xi32>, vector<16xi32>], vector<16xf32>,
        %add3A_915 = arith.constant 16 : i32
        %add3A_916 = vector.broadcast %add3A_915 : i32 to vector<16xi32>
        %add3A_917 = arith.addi %add3A_916, %and3A_13 : vector<16xi32>
        %gather3A_918 = tpu.vector_load_idx %arg8[%add3A_829, %add3A_917] : memref<256x64xf32, #tpu.memory_space<vmem>>[vector<16xi32>, vector<16xi32>], vector<16xf32>,
        %add3A_919 = arith.addf %gather3A_918, %gather3A_598 : vector<16xf32>
        tpu.vector_store_idx %arg10[%add3A_917, %add3A_829], %add3A_919 : memref<64x256xf32, #tpu.memory_space<vmem>>[vector<16xi32>, vector<16xi32>], vector<16xf32>,
        %add3A_920 = arith.constant 16 : i32
        %add3A_921 = vector.broadcast %add3A_920 : i32 to vector<16xi32>
        %add3A_922 = arith.addi %add3A_921, %and3A_19 : vector<16xi32>
        %gather3A_923 = tpu.vector_load_idx %arg8[%add3A_829, %add3A_922] : memref<256x64xf32, #tpu.memory_space<vmem>>[vector<16xi32>, vector<16xi32>], vector<16xf32>,
        %add3A_924 = arith.addf %gather3A_923, %gather3A_602 : vector<16xf32>
        tpu.vector_store_idx %arg10[%add3A_922, %add3A_829], %add3A_924 : memref<64x256xf32, #tpu.memory_space<vmem>>[vector<16xi32>, vector<16xi32>], vector<16xf32>,
        %add3A_925 = arith.constant 16 : i32
        %add3A_926 = vector.broadcast %add3A_925 : i32 to vector<16xi32>
        %add3A_927 = arith.addi %add3A_926, %and3A_25 : vector<16xi32>
        %gather3A_928 = tpu.vector_load_idx %arg8[%add3A_829, %add3A_927] : memref<256x64xf32, #tpu.memory_space<vmem>>[vector<16xi32>, vector<16xi32>], vector<16xf32>,
        %add3A_929 = arith.addf %gather3A_928, %gather3A_606 : vector<16xf32>
        tpu.vector_store_idx %arg10[%add3A_927, %add3A_829], %add3A_929 : memref<64x256xf32, #tpu.memory_space<vmem>>[vector<16xi32>, vector<16xi32>], vector<16xf32>,
        %add3A_930 = arith.constant 16 : i32
        %add3A_931 = vector.broadcast %add3A_930 : i32 to vector<16xi32>
        %add3A_932 = arith.addi %add3A_931, %and3A_31 : vector<16xi32>
        %gather3A_933 = tpu.vector_load_idx %arg8[%add3A_829, %add3A_932] : memref<256x64xf32, #tpu.memory_space<vmem>>[vector<16xi32>, vector<16xi32>], vector<16xf32>,
        %add3A_934 = arith.addf %gather3A_933, %gather3A_610 : vector<16xf32>
        tpu.vector_store_idx %arg10[%add3A_932, %add3A_829], %add3A_934 : memref<64x256xf32, #tpu.memory_space<vmem>>[vector<16xi32>, vector<16xi32>], vector<16xf32>,
        %add3A_935 = arith.constant 16 : i32
        %add3A_936 = vector.broadcast %add3A_935 : i32 to vector<16xi32>
        %add3A_937 = arith.addi %add3A_936, %and3A_37 : vector<16xi32>
        %gather3A_938 = tpu.vector_load_idx %arg8[%add3A_829, %add3A_937] : memref<256x64xf32, #tpu.memory_space<vmem>>[vector<16xi32>, vector<16xi32>], vector<16xf32>,
        %add3A_939 = arith.addf %gather3A_938, %gather3A_614 : vector<16xf32>
        tpu.vector_store_idx %arg10[%add3A_937, %add3A_829], %add3A_939 : memref<64x256xf32, #tpu.memory_space<vmem>>[vector<16xi32>, vector<16xi32>], vector<16xf32>,
        %add3A_940 = arith.constant 16 : i32
        %add3A_941 = vector.broadcast %add3A_940 : i32 to vector<16xi32>
        %add3A_942 = arith.addi %add3A_941, %and3A_43 : vector<16xi32>
        %gather3A_943 = tpu.vector_load_idx %arg8[%add3A_829, %add3A_942] : memref<256x64xf32, #tpu.memory_space<vmem>>[vector<16xi32>, vector<16xi32>], vector<16xf32>,
        %add3A_944 = arith.addf %gather3A_943, %gather3A_618 : vector<16xf32>
        tpu.vector_store_idx %arg10[%add3A_942, %add3A_829], %add3A_944 : memref<64x256xf32, #tpu.memory_space<vmem>>[vector<16xi32>, vector<16xi32>], vector<16xf32>,
        %add3A_945 = arith.constant 16 : i32
        %add3A_946 = vector.broadcast %add3A_945 : i32 to vector<16xi32>
        %add3A_947 = arith.addi %add3A_946, %and3A_49 : vector<16xi32>
        %gather3A_948 = tpu.vector_load_idx %arg8[%add3A_829, %add3A_947] : memref<256x64xf32, #tpu.memory_space<vmem>>[vector<16xi32>, vector<16xi32>], vector<16xf32>,
        %add3A_949 = arith.addf %gather3A_948, %gather3A_622 : vector<16xf32>
        tpu.vector_store_idx %arg10[%add3A_947, %add3A_829], %add3A_949 : memref<64x256xf32, #tpu.memory_space<vmem>>[vector<16xi32>, vector<16xi32>], vector<16xf32>,
        %add3A_950 = arith.constant 16 : i32
        %add3A_951 = vector.broadcast %add3A_950 : i32 to vector<16xi32>
        %add3A_952 = arith.addi %add3A_951, %and3A_55 : vector<16xi32>
        %gather3A_953 = tpu.vector_load_idx %arg8[%add3A_829, %add3A_952] : memref<256x64xf32, #tpu.memory_space<vmem>>[vector<16xi32>, vector<16xi32>], vector<16xf32>,
        %add3A_954 = arith.addf %gather3A_953, %gather3A_626 : vector<16xf32>
        tpu.vector_store_idx %arg10[%add3A_952, %add3A_829], %add3A_954 : memref<64x256xf32, #tpu.memory_space<vmem>>[vector<16xi32>, vector<16xi32>], vector<16xf32>,
        %add3A_955 = arith.constant 16 : i32
        %add3A_956 = vector.broadcast %add3A_955 : i32 to vector<16xi32>
        %add3A_957 = arith.addi %add3A_956, %and3A_61 : vector<16xi32>
        %gather3A_958 = tpu.vector_load_idx %arg8[%add3A_829, %add3A_957] : memref<256x64xf32, #tpu.memory_space<vmem>>[vector<16xi32>, vector<16xi32>], vector<16xf32>,
        %add3A_959 = arith.addf %gather3A_958, %gather3A_630 : vector<16xf32>
        tpu.vector_store_idx %arg10[%add3A_957, %add3A_829], %add3A_959 : memref<64x256xf32, #tpu.memory_space<vmem>>[vector<16xi32>, vector<16xi32>], vector<16xf32>,
        %add3A_960 = arith.constant 16 : i32
        %add3A_961 = vector.broadcast %add3A_960 : i32 to vector<16xi32>
        %add3A_962 = arith.addi %add3A_961, %and3A_67 : vector<16xi32>
        %gather3A_963 = tpu.vector_load_idx %arg8[%add3A_829, %add3A_962] : memref<256x64xf32, #tpu.memory_space<vmem>>[vector<16xi32>, vector<16xi32>], vector<16xf32>,
        %add3A_964 = arith.addf %gather3A_963, %gather3A_634 : vector<16xf32>
        tpu.vector_store_idx %arg10[%add3A_962, %add3A_829], %add3A_964 : memref<64x256xf32, #tpu.memory_space<vmem>>[vector<16xi32>, vector<16xi32>], vector<16xf32>,
        %add3A_965 = arith.constant 16 : i32
        %add3A_966 = vector.broadcast %add3A_965 : i32 to vector<16xi32>
        %add3A_967 = arith.addi %add3A_966, %and3A_73 : vector<16xi32>
        %gather3A_968 = tpu.vector_load_idx %arg8[%add3A_829, %add3A_967] : memref<256x64xf32, #tpu.memory_space<vmem>>[vector<16xi32>, vector<16xi32>], vector<16xf32>,
        %add3A_969 = arith.addf %gather3A_968, %gather3A_638 : vector<16xf32>
        tpu.vector_store_idx %arg10[%add3A_967, %add3A_829], %add3A_969 : memref<64x256xf32, #tpu.memory_space<vmem>>[vector<16xi32>, vector<16xi32>], vector<16xf32>,
        %add3A_970 = arith.constant 16 : i32
        %add3A_971 = vector.broadcast %add3A_970 : i32 to vector<16xi32>
        %add3A_972 = arith.addi %add3A_971, %and3A_79 : vector<16xi32>
        %gather3A_973 = tpu.vector_load_idx %arg8[%add3A_829, %add3A_972] : memref<256x64xf32, #tpu.memory_space<vmem>>[vector<16xi32>, vector<16xi32>], vector<16xf32>,
        %add3A_974 = arith.addf %gather3A_973, %gather3A_642 : vector<16xf32>
        tpu.vector_store_idx %arg10[%add3A_972, %add3A_829], %add3A_974 : memref<64x256xf32, #tpu.memory_space<vmem>>[vector<16xi32>, vector<16xi32>], vector<16xf32>,
        %add3A_975 = arith.constant 16 : i32
        %add3A_976 = vector.broadcast %add3A_975 : i32 to vector<16xi32>
        %add3A_977 = arith.addi %add3A_976, %and3A_85 : vector<16xi32>
        %gather3A_978 = tpu.vector_load_idx %arg8[%add3A_829, %add3A_977] : memref<256x64xf32, #tpu.memory_space<vmem>>[vector<16xi32>, vector<16xi32>], vector<16xf32>,
        %add3A_979 = arith.addf %gather3A_978, %gather3A_646 : vector<16xf32>
        tpu.vector_store_idx %arg10[%add3A_977, %add3A_829], %add3A_979 : memref<64x256xf32, #tpu.memory_space<vmem>>[vector<16xi32>, vector<16xi32>], vector<16xf32>,
        %add3A_980 = arith.constant 16 : i32
        %add3A_981 = vector.broadcast %add3A_980 : i32 to vector<16xi32>
        %add3A_982 = arith.addi %add3A_981, %and3A_91 : vector<16xi32>
        %gather3A_983 = tpu.vector_load_idx %arg8[%add3A_829, %add3A_982] : memref<256x64xf32, #tpu.memory_space<vmem>>[vector<16xi32>, vector<16xi32>], vector<16xf32>,
        %add3A_984 = arith.addf %gather3A_983, %gather3A_650 : vector<16xf32>
        tpu.vector_store_idx %arg10[%add3A_982, %add3A_829], %add3A_984 : memref<64x256xf32, #tpu.memory_space<vmem>>[vector<16xi32>, vector<16xi32>], vector<16xf32>,
        %add3A_985 = arith.constant 16 : i32
        %add3A_986 = vector.broadcast %add3A_985 : i32 to vector<16xi32>
        %add3A_987 = arith.addi %add3A_986, %and3A_97 : vector<16xi32>
        %gather3A_988 = tpu.vector_load_idx %arg8[%add3A_829, %add3A_987] : memref<256x64xf32, #tpu.memory_space<vmem>>[vector<16xi32>, vector<16xi32>], vector<16xf32>,
        %add3A_989 = arith.addf %gather3A_988, %gather3A_654 : vector<16xf32>
        tpu.vector_store_idx %arg10[%add3A_987, %add3A_829], %add3A_989 : memref<64x256xf32, #tpu.memory_space<vmem>>[vector<16xi32>, vector<16xi32>], vector<16xf32>,
        %add3A_990 = arith.constant 32 : i32
        %add3A_991 = vector.broadcast %add3A_990 : i32 to vector<16xi32>
        %add3A_992 = arith.addi %add3A_991, %and3A_7 : vector<16xi32>
        %gather3A_993 = tpu.vector_load_idx %arg8[%add3A_829, %add3A_992] : memref<256x64xf32, #tpu.memory_space<vmem>>[vector<16xi32>, vector<16xi32>], vector<16xf32>,
        %add3A_994 = arith.addf %gather3A_993, %gather3A_658 : vector<16xf32>
        tpu.vector_store_idx %arg10[%add3A_992, %add3A_829], %add3A_994 : memref<64x256xf32, #tpu.memory_space<vmem>>[vector<16xi32>, vector<16xi32>], vector<16xf32>,
        %add3A_995 = arith.constant 32 : i32
        %add3A_996 = vector.broadcast %add3A_995 : i32 to vector<16xi32>
        %add3A_997 = arith.addi %add3A_996, %and3A_13 : vector<16xi32>
        %gather3A_998 = tpu.vector_load_idx %arg8[%add3A_829, %add3A_997] : memref<256x64xf32, #tpu.memory_space<vmem>>[vector<16xi32>, vector<16xi32>], vector<16xf32>,
        %add3A_999 = arith.addf %gather3A_998, %gather3A_662 : vector<16xf32>
        tpu.vector_store_idx %arg10[%add3A_997, %add3A_829], %add3A_999 : memref<64x256xf32, #tpu.memory_space<vmem>>[vector<16xi32>, vector<16xi32>], vector<16xf32>,
        %add3A_1000 = arith.constant 32 : i32
        %add3A_1001 = vector.broadcast %add3A_1000 : i32 to vector<16xi32>
        %add3A_1002 = arith.addi %add3A_1001, %and3A_19 : vector<16xi32>
        %gather3A_1003 = tpu.vector_load_idx %arg8[%add3A_829, %add3A_1002] : memref<256x64xf32, #tpu.memory_space<vmem>>[vector<16xi32>, vector<16xi32>], vector<16xf32>,
        %add3A_1004 = arith.addf %gather3A_1003, %gather3A_666 : vector<16xf32>
        tpu.vector_store_idx %arg10[%add3A_1002, %add3A_829], %add3A_1004 : memref<64x256xf32, #tpu.memory_space<vmem>>[vector<16xi32>, vector<16xi32>], vector<16xf32>,
        %add3A_1005 = arith.constant 32 : i32
        %add3A_1006 = vector.broadcast %add3A_1005 : i32 to vector<16xi32>
        %add3A_1007 = arith.addi %add3A_1006, %and3A_25 : vector<16xi32>
        %gather3A_1008 = tpu.vector_load_idx %arg8[%add3A_829, %add3A_1007] : memref<256x64xf32, #tpu.memory_space<vmem>>[vector<16xi32>, vector<16xi32>], vector<16xf32>,
        %add3A_1009 = arith.addf %gather3A_1008, %gather3A_670 : vector<16xf32>
        tpu.vector_store_idx %arg10[%add3A_1007, %add3A_829], %add3A_1009 : memref<64x256xf32, #tpu.memory_space<vmem>>[vector<16xi32>, vector<16xi32>], vector<16xf32>,
        %add3A_1010 = arith.constant 32 : i32
        %add3A_1011 = vector.broadcast %add3A_1010 : i32 to vector<16xi32>
        %add3A_1012 = arith.addi %add3A_1011, %and3A_31 : vector<16xi32>
        %gather3A_1013 = tpu.vector_load_idx %arg8[%add3A_829, %add3A_1012] : memref<256x64xf32, #tpu.memory_space<vmem>>[vector<16xi32>, vector<16xi32>], vector<16xf32>,
        %add3A_1014 = arith.addf %gather3A_1013, %gather3A_674 : vector<16xf32>
        tpu.vector_store_idx %arg10[%add3A_1012, %add3A_829], %add3A_1014 : memref<64x256xf32, #tpu.memory_space<vmem>>[vector<16xi32>, vector<16xi32>], vector<16xf32>,
        %add3A_1015 = arith.constant 32 : i32
        %add3A_1016 = vector.broadcast %add3A_1015 : i32 to vector<16xi32>
        %add3A_1017 = arith.addi %add3A_1016, %and3A_37 : vector<16xi32>
        %gather3A_1018 = tpu.vector_load_idx %arg8[%add3A_829, %add3A_1017] : memref<256x64xf32, #tpu.memory_space<vmem>>[vector<16xi32>, vector<16xi32>], vector<16xf32>,
        %add3A_1019 = arith.addf %gather3A_1018, %gather3A_678 : vector<16xf32>
        tpu.vector_store_idx %arg10[%add3A_1017, %add3A_829], %add3A_1019 : memref<64x256xf32, #tpu.memory_space<vmem>>[vector<16xi32>, vector<16xi32>], vector<16xf32>,
        %add3A_1020 = arith.constant 32 : i32
        %add3A_1021 = vector.broadcast %add3A_1020 : i32 to vector<16xi32>
        %add3A_1022 = arith.addi %add3A_1021, %and3A_43 : vector<16xi32>
        %gather3A_1023 = tpu.vector_load_idx %arg8[%add3A_829, %add3A_1022] : memref<256x64xf32, #tpu.memory_space<vmem>>[vector<16xi32>, vector<16xi32>], vector<16xf32>,
        %add3A_1024 = arith.addf %gather3A_1023, %gather3A_682 : vector<16xf32>
        tpu.vector_store_idx %arg10[%add3A_1022, %add3A_829], %add3A_1024 : memref<64x256xf32, #tpu.memory_space<vmem>>[vector<16xi32>, vector<16xi32>], vector<16xf32>,
        %add3A_1025 = arith.constant 32 : i32
        %add3A_1026 = vector.broadcast %add3A_1025 : i32 to vector<16xi32>
        %add3A_1027 = arith.addi %add3A_1026, %and3A_49 : vector<16xi32>
        %gather3A_1028 = tpu.vector_load_idx %arg8[%add3A_829, %add3A_1027] : memref<256x64xf32, #tpu.memory_space<vmem>>[vector<16xi32>, vector<16xi32>], vector<16xf32>,
        %add3A_1029 = arith.addf %gather3A_1028, %gather3A_686 : vector<16xf32>
        tpu.vector_store_idx %arg10[%add3A_1027, %add3A_829], %add3A_1029 : memref<64x256xf32, #tpu.memory_space<vmem>>[vector<16xi32>, vector<16xi32>], vector<16xf32>,
        %add3A_1030 = arith.constant 32 : i32
        %add3A_1031 = vector.broadcast %add3A_1030 : i32 to vector<16xi32>
        %add3A_1032 = arith.addi %add3A_1031, %and3A_55 : vector<16xi32>
        %gather3A_1033 = tpu.vector_load_idx %arg8[%add3A_829, %add3A_1032] : memref<256x64xf32, #tpu.memory_space<vmem>>[vector<16xi32>, vector<16xi32>], vector<16xf32>,
        %add3A_1034 = arith.addf %gather3A_1033, %gather3A_690 : vector<16xf32>
        tpu.vector_store_idx %arg10[%add3A_1032, %add3A_829], %add3A_1034 : memref<64x256xf32, #tpu.memory_space<vmem>>[vector<16xi32>, vector<16xi32>], vector<16xf32>,
        %add3A_1035 = arith.constant 32 : i32
        %add3A_1036 = vector.broadcast %add3A_1035 : i32 to vector<16xi32>
        %add3A_1037 = arith.addi %add3A_1036, %and3A_61 : vector<16xi32>
        %gather3A_1038 = tpu.vector_load_idx %arg8[%add3A_829, %add3A_1037] : memref<256x64xf32, #tpu.memory_space<vmem>>[vector<16xi32>, vector<16xi32>], vector<16xf32>,
        %add3A_1039 = arith.addf %gather3A_1038, %gather3A_694 : vector<16xf32>
        tpu.vector_store_idx %arg10[%add3A_1037, %add3A_829], %add3A_1039 : memref<64x256xf32, #tpu.memory_space<vmem>>[vector<16xi32>, vector<16xi32>], vector<16xf32>,
        %add3A_1040 = arith.constant 32 : i32
        %add3A_1041 = vector.broadcast %add3A_1040 : i32 to vector<16xi32>
        %add3A_1042 = arith.addi %add3A_1041, %and3A_67 : vector<16xi32>
        %gather3A_1043 = tpu.vector_load_idx %arg8[%add3A_829, %add3A_1042] : memref<256x64xf32, #tpu.memory_space<vmem>>[vector<16xi32>, vector<16xi32>], vector<16xf32>,
        %add3A_1044 = arith.addf %gather3A_1043, %gather3A_698 : vector<16xf32>
        tpu.vector_store_idx %arg10[%add3A_1042, %add3A_829], %add3A_1044 : memref<64x256xf32, #tpu.memory_space<vmem>>[vector<16xi32>, vector<16xi32>], vector<16xf32>,
        %add3A_1045 = arith.constant 32 : i32
        %add3A_1046 = vector.broadcast %add3A_1045 : i32 to vector<16xi32>
        %add3A_1047 = arith.addi %add3A_1046, %and3A_73 : vector<16xi32>
        %gather3A_1048 = tpu.vector_load_idx %arg8[%add3A_829, %add3A_1047] : memref<256x64xf32, #tpu.memory_space<vmem>>[vector<16xi32>, vector<16xi32>], vector<16xf32>,
        %add3A_1049 = arith.addf %gather3A_1048, %gather3A_702 : vector<16xf32>
        tpu.vector_store_idx %arg10[%add3A_1047, %add3A_829], %add3A_1049 : memref<64x256xf32, #tpu.memory_space<vmem>>[vector<16xi32>, vector<16xi32>], vector<16xf32>,
        %add3A_1050 = arith.constant 32 : i32
        %add3A_1051 = vector.broadcast %add3A_1050 : i32 to vector<16xi32>
        %add3A_1052 = arith.addi %add3A_1051, %and3A_79 : vector<16xi32>
        %gather3A_1053 = tpu.vector_load_idx %arg8[%add3A_829, %add3A_1052] : memref<256x64xf32, #tpu.memory_space<vmem>>[vector<16xi32>, vector<16xi32>], vector<16xf32>,
        %add3A_1054 = arith.addf %gather3A_1053, %gather3A_706 : vector<16xf32>
        tpu.vector_store_idx %arg10[%add3A_1052, %add3A_829], %add3A_1054 : memref<64x256xf32, #tpu.memory_space<vmem>>[vector<16xi32>, vector<16xi32>], vector<16xf32>,
        %add3A_1055 = arith.constant 32 : i32
        %add3A_1056 = vector.broadcast %add3A_1055 : i32 to vector<16xi32>
        %add3A_1057 = arith.addi %add3A_1056, %and3A_85 : vector<16xi32>
        %gather3A_1058 = tpu.vector_load_idx %arg8[%add3A_829, %add3A_1057] : memref<256x64xf32, #tpu.memory_space<vmem>>[vector<16xi32>, vector<16xi32>], vector<16xf32>,
        %add3A_1059 = arith.addf %gather3A_1058, %gather3A_710 : vector<16xf32>
        tpu.vector_store_idx %arg10[%add3A_1057, %add3A_829], %add3A_1059 : memref<64x256xf32, #tpu.memory_space<vmem>>[vector<16xi32>, vector<16xi32>], vector<16xf32>,
        %add3A_1060 = arith.constant 32 : i32
        %add3A_1061 = vector.broadcast %add3A_1060 : i32 to vector<16xi32>
        %add3A_1062 = arith.addi %add3A_1061, %and3A_91 : vector<16xi32>
        %gather3A_1063 = tpu.vector_load_idx %arg8[%add3A_829, %add3A_1062] : memref<256x64xf32, #tpu.memory_space<vmem>>[vector<16xi32>, vector<16xi32>], vector<16xf32>,
        %add3A_1064 = arith.addf %gather3A_1063, %gather3A_714 : vector<16xf32>
        tpu.vector_store_idx %arg10[%add3A_1062, %add3A_829], %add3A_1064 : memref<64x256xf32, #tpu.memory_space<vmem>>[vector<16xi32>, vector<16xi32>], vector<16xf32>,
        %add3A_1065 = arith.constant 32 : i32
        %add3A_1066 = vector.broadcast %add3A_1065 : i32 to vector<16xi32>
        %add3A_1067 = arith.addi %add3A_1066, %and3A_97 : vector<16xi32>
        %gather3A_1068 = tpu.vector_load_idx %arg8[%add3A_829, %add3A_1067] : memref<256x64xf32, #tpu.memory_space<vmem>>[vector<16xi32>, vector<16xi32>], vector<16xf32>,
        %add3A_1069 = arith.addf %gather3A_1068, %gather3A_718 : vector<16xf32>
        tpu.vector_store_idx %arg10[%add3A_1067, %add3A_829], %add3A_1069 : memref<64x256xf32, #tpu.memory_space<vmem>>[vector<16xi32>, vector<16xi32>], vector<16xf32>,
        %add3A_1070 = arith.constant 48 : i32
        %add3A_1071 = vector.broadcast %add3A_1070 : i32 to vector<16xi32>
        %add3A_1072 = arith.addi %add3A_1071, %and3A_7 : vector<16xi32>
        %gather3A_1073 = tpu.vector_load_idx %arg8[%add3A_829, %add3A_1072] : memref<256x64xf32, #tpu.memory_space<vmem>>[vector<16xi32>, vector<16xi32>], vector<16xf32>,
        %add3A_1074 = arith.addf %gather3A_1073, %gather3A_722 : vector<16xf32>
        tpu.vector_store_idx %arg10[%add3A_1072, %add3A_829], %add3A_1074 : memref<64x256xf32, #tpu.memory_space<vmem>>[vector<16xi32>, vector<16xi32>], vector<16xf32>,
        %add3A_1075 = arith.constant 48 : i32
        %add3A_1076 = vector.broadcast %add3A_1075 : i32 to vector<16xi32>
        %add3A_1077 = arith.addi %add3A_1076, %and3A_13 : vector<16xi32>
        %gather3A_1078 = tpu.vector_load_idx %arg8[%add3A_829, %add3A_1077] : memref<256x64xf32, #tpu.memory_space<vmem>>[vector<16xi32>, vector<16xi32>], vector<16xf32>,
        %add3A_1079 = arith.addf %gather3A_1078, %gather3A_726 : vector<16xf32>
        tpu.vector_store_idx %arg10[%add3A_1077, %add3A_829], %add3A_1079 : memref<64x256xf32, #tpu.memory_space<vmem>>[vector<16xi32>, vector<16xi32>], vector<16xf32>,
        %add3A_1080 = arith.constant 48 : i32
        %add3A_1081 = vector.broadcast %add3A_1080 : i32 to vector<16xi32>
        %add3A_1082 = arith.addi %add3A_1081, %and3A_19 : vector<16xi32>
        %gather3A_1083 = tpu.vector_load_idx %arg8[%add3A_829, %add3A_1082] : memref<256x64xf32, #tpu.memory_space<vmem>>[vector<16xi32>, vector<16xi32>], vector<16xf32>,
        %add3A_1084 = arith.addf %gather3A_1083, %gather3A_730 : vector<16xf32>
        tpu.vector_store_idx %arg10[%add3A_1082, %add3A_829], %add3A_1084 : memref<64x256xf32, #tpu.memory_space<vmem>>[vector<16xi32>, vector<16xi32>], vector<16xf32>,
        %add3A_1085 = arith.constant 48 : i32
        %add3A_1086 = vector.broadcast %add3A_1085 : i32 to vector<16xi32>
        %add3A_1087 = arith.addi %add3A_1086, %and3A_25 : vector<16xi32>
        %gather3A_1088 = tpu.vector_load_idx %arg8[%add3A_829, %add3A_1087] : memref<256x64xf32, #tpu.memory_space<vmem>>[vector<16xi32>, vector<16xi32>], vector<16xf32>,
        %add3A_1089 = arith.addf %gather3A_1088, %gather3A_734 : vector<16xf32>
        tpu.vector_store_idx %arg10[%add3A_1087, %add3A_829], %add3A_1089 : memref<64x256xf32, #tpu.memory_space<vmem>>[vector<16xi32>, vector<16xi32>], vector<16xf32>,
        %add3A_1090 = arith.constant 48 : i32
        %add3A_1091 = vector.broadcast %add3A_1090 : i32 to vector<16xi32>
        %add3A_1092 = arith.addi %add3A_1091, %and3A_31 : vector<16xi32>
        %gather3A_1093 = tpu.vector_load_idx %arg8[%add3A_829, %add3A_1092] : memref<256x64xf32, #tpu.memory_space<vmem>>[vector<16xi32>, vector<16xi32>], vector<16xf32>,
        %add3A_1094 = arith.addf %gather3A_1093, %gather3A_738 : vector<16xf32>
        tpu.vector_store_idx %arg10[%add3A_1092, %add3A_829], %add3A_1094 : memref<64x256xf32, #tpu.memory_space<vmem>>[vector<16xi32>, vector<16xi32>], vector<16xf32>,
        %add3A_1095 = arith.constant 48 : i32
        %add3A_1096 = vector.broadcast %add3A_1095 : i32 to vector<16xi32>
        %add3A_1097 = arith.addi %add3A_1096, %and3A_37 : vector<16xi32>
        %gather3A_1098 = tpu.vector_load_idx %arg8[%add3A_829, %add3A_1097] : memref<256x64xf32, #tpu.memory_space<vmem>>[vector<16xi32>, vector<16xi32>], vector<16xf32>,
        %add3A_1099 = arith.addf %gather3A_1098, %gather3A_742 : vector<16xf32>
        tpu.vector_store_idx %arg10[%add3A_1097, %add3A_829], %add3A_1099 : memref<64x256xf32, #tpu.memory_space<vmem>>[vector<16xi32>, vector<16xi32>], vector<16xf32>,
        %add3A_1100 = arith.constant 48 : i32
        %add3A_1101 = vector.broadcast %add3A_1100 : i32 to vector<16xi32>
        %add3A_1102 = arith.addi %add3A_1101, %and3A_43 : vector<16xi32>
        %gather3A_1103 = tpu.vector_load_idx %arg8[%add3A_829, %add3A_1102] : memref<256x64xf32, #tpu.memory_space<vmem>>[vector<16xi32>, vector<16xi32>], vector<16xf32>,
        %add3A_1104 = arith.addf %gather3A_1103, %gather3A_746 : vector<16xf32>
        tpu.vector_store_idx %arg10[%add3A_1102, %add3A_829], %add3A_1104 : memref<64x256xf32, #tpu.memory_space<vmem>>[vector<16xi32>, vector<16xi32>], vector<16xf32>,
        %add3A_1105 = arith.constant 48 : i32
        %add3A_1106 = vector.broadcast %add3A_1105 : i32 to vector<16xi32>
        %add3A_1107 = arith.addi %add3A_1106, %and3A_49 : vector<16xi32>
        %gather3A_1108 = tpu.vector_load_idx %arg8[%add3A_829, %add3A_1107] : memref<256x64xf32, #tpu.memory_space<vmem>>[vector<16xi32>, vector<16xi32>], vector<16xf32>,
        %add3A_1109 = arith.addf %gather3A_1108, %gather3A_750 : vector<16xf32>
        tpu.vector_store_idx %arg10[%add3A_1107, %add3A_829], %add3A_1109 : memref<64x256xf32, #tpu.memory_space<vmem>>[vector<16xi32>, vector<16xi32>], vector<16xf32>,
        %add3A_1110 = arith.constant 48 : i32
        %add3A_1111 = vector.broadcast %add3A_1110 : i32 to vector<16xi32>
        %add3A_1112 = arith.addi %add3A_1111, %and3A_55 : vector<16xi32>
        %gather3A_1113 = tpu.vector_load_idx %arg8[%add3A_829, %add3A_1112] : memref<256x64xf32, #tpu.memory_space<vmem>>[vector<16xi32>, vector<16xi32>], vector<16xf32>,
        %add3A_1114 = arith.addf %gather3A_1113, %gather3A_754 : vector<16xf32>
        tpu.vector_store_idx %arg10[%add3A_1112, %add3A_829], %add3A_1114 : memref<64x256xf32, #tpu.memory_space<vmem>>[vector<16xi32>, vector<16xi32>], vector<16xf32>,
        %add3A_1115 = arith.constant 48 : i32
        %add3A_1116 = vector.broadcast %add3A_1115 : i32 to vector<16xi32>
        %add3A_1117 = arith.addi %add3A_1116, %and3A_61 : vector<16xi32>
        %gather3A_1118 = tpu.vector_load_idx %arg8[%add3A_829, %add3A_1117] : memref<256x64xf32, #tpu.memory_space<vmem>>[vector<16xi32>, vector<16xi32>], vector<16xf32>,
        %add3A_1119 = arith.addf %gather3A_1118, %gather3A_758 : vector<16xf32>
        tpu.vector_store_idx %arg10[%add3A_1117, %add3A_829], %add3A_1119 : memref<64x256xf32, #tpu.memory_space<vmem>>[vector<16xi32>, vector<16xi32>], vector<16xf32>,
        %add3A_1120 = arith.constant 48 : i32
        %add3A_1121 = vector.broadcast %add3A_1120 : i32 to vector<16xi32>
        %add3A_1122 = arith.addi %add3A_1121, %and3A_67 : vector<16xi32>
        %gather3A_1123 = tpu.vector_load_idx %arg8[%add3A_829, %add3A_1122] : memref<256x64xf32, #tpu.memory_space<vmem>>[vector<16xi32>, vector<16xi32>], vector<16xf32>,
        %add3A_1124 = arith.addf %gather3A_1123, %gather3A_762 : vector<16xf32>
        tpu.vector_store_idx %arg10[%add3A_1122, %add3A_829], %add3A_1124 : memref<64x256xf32, #tpu.memory_space<vmem>>[vector<16xi32>, vector<16xi32>], vector<16xf32>,
        %add3A_1125 = arith.constant 48 : i32
        %add3A_1126 = vector.broadcast %add3A_1125 : i32 to vector<16xi32>
        %add3A_1127 = arith.addi %add3A_1126, %and3A_73 : vector<16xi32>
        %gather3A_1128 = tpu.vector_load_idx %arg8[%add3A_829, %add3A_1127] : memref<256x64xf32, #tpu.memory_space<vmem>>[vector<16xi32>, vector<16xi32>], vector<16xf32>,
        %add3A_1129 = arith.addf %gather3A_1128, %gather3A_766 : vector<16xf32>
        tpu.vector_store_idx %arg10[%add3A_1127, %add3A_829], %add3A_1129 : memref<64x256xf32, #tpu.memory_space<vmem>>[vector<16xi32>, vector<16xi32>], vector<16xf32>,
        %add3A_1130 = arith.constant 48 : i32
        %add3A_1131 = vector.broadcast %add3A_1130 : i32 to vector<16xi32>
        %add3A_1132 = arith.addi %add3A_1131, %and3A_79 : vector<16xi32>
        %gather3A_1133 = tpu.vector_load_idx %arg8[%add3A_829, %add3A_1132] : memref<256x64xf32, #tpu.memory_space<vmem>>[vector<16xi32>, vector<16xi32>], vector<16xf32>,
        %add3A_1134 = arith.addf %gather3A_1133, %gather3A_770 : vector<16xf32>
        tpu.vector_store_idx %arg10[%add3A_1132, %add3A_829], %add3A_1134 : memref<64x256xf32, #tpu.memory_space<vmem>>[vector<16xi32>, vector<16xi32>], vector<16xf32>,
        %add3A_1135 = arith.constant 48 : i32
        %add3A_1136 = vector.broadcast %add3A_1135 : i32 to vector<16xi32>
        %add3A_1137 = arith.addi %add3A_1136, %and3A_85 : vector<16xi32>
        %gather3A_1138 = tpu.vector_load_idx %arg8[%add3A_829, %add3A_1137] : memref<256x64xf32, #tpu.memory_space<vmem>>[vector<16xi32>, vector<16xi32>], vector<16xf32>,
        %add3A_1139 = arith.addf %gather3A_1138, %gather3A_774 : vector<16xf32>
        tpu.vector_store_idx %arg10[%add3A_1137, %add3A_829], %add3A_1139 : memref<64x256xf32, #tpu.memory_space<vmem>>[vector<16xi32>, vector<16xi32>], vector<16xf32>,
        %add3A_1140 = arith.constant 48 : i32
        %add3A_1141 = vector.broadcast %add3A_1140 : i32 to vector<16xi32>
        %add3A_1142 = arith.addi %add3A_1141, %and3A_91 : vector<16xi32>
        %gather3A_1143 = tpu.vector_load_idx %arg8[%add3A_829, %add3A_1142] : memref<256x64xf32, #tpu.memory_space<vmem>>[vector<16xi32>, vector<16xi32>], vector<16xf32>,
        %add3A_1144 = arith.addf %gather3A_1143, %gather3A_778 : vector<16xf32>
        tpu.vector_store_idx %arg10[%add3A_1142, %add3A_829], %add3A_1144 : memref<64x256xf32, #tpu.memory_space<vmem>>[vector<16xi32>, vector<16xi32>], vector<16xf32>,
        %add3A_1145 = arith.constant 48 : i32
        %add3A_1146 = vector.broadcast %add3A_1145 : i32 to vector<16xi32>
        %add3A_1147 = arith.addi %add3A_1146, %and3A_97 : vector<16xi32>
        %gather3A_1148 = tpu.vector_load_idx %arg8[%add3A_829, %add3A_1147] : memref<256x64xf32, #tpu.memory_space<vmem>>[vector<16xi32>, vector<16xi32>], vector<16xf32>,
        %add3A_1149 = arith.addf %gather3A_1148, %gather3A_782 : vector<16xf32>
        tpu.vector_store_idx %arg10[%add3A_1147, %add3A_829], %add3A_1149 : memref<64x256xf32, #tpu.memory_space<vmem>>[vector<16xi32>, vector<16xi32>], vector<16xf32>,
      }
      %scan3A_788 = arith.constant 16 : i32
      %jit3A_789 = arith.constant 2 : i32
      %div3A_790 = arith.divsi %add3A_130, %jit3A_789 : i32
      %sign3A_791 = arith.constant 0 : i32
      %sign3A_792 = arith.cmpi sgt, %add3A_130, %sign3A_791 : i32
      %sign3A_793 = arith.extui %sign3A_792 : i1 to i32
      %sign3A_794 = arith.constant 0 : i32
      %sign3A_795 = arith.cmpi slt, %add3A_130, %sign3A_794 : i32
      %sign3A_796 = arith.extui %sign3A_795 : i1 to i32
      %sign3A_797 = arith.subi %sign3A_793, %sign3A_796 : i32
      %sign3A_798 = arith.constant 0 : i32
      %sign3A_799 = arith.cmpi sgt, %jit3A_789, %sign3A_798 : i32
      %sign3A_800 = arith.extui %sign3A_799 : i1 to i32
      %sign3A_801 = arith.constant 0 : i32
      %sign3A_802 = arith.cmpi slt, %jit3A_789, %sign3A_801 : i32
      %sign3A_803 = arith.extui %sign3A_802 : i1 to i32
      %sign3A_804 = arith.subi %sign3A_800, %sign3A_803 : i32
      %ne3A_805 = arith.cmpi ne, %sign3A_797, %sign3A_804 : i32
      %rem3A_806 = arith.remsi %add3A_130, %jit3A_789 : i32
      %ne3A_807 = arith.constant 0 : i32
      %ne3A_808 = arith.cmpi ne, %rem3A_806, %ne3A_807 : i32
      %and3A_809 = arith.andi %ne3A_805, %ne3A_808 : i1
      %sub3A_810 = arith.constant 1 : i32
      %sub3A_811 = arith.subi %div3A_790, %sub3A_810 : i32
      %select_n3A_812 = arith.select %and3A_809, %sub3A_811, %div3A_790 : i32
      %mul3A_813 = arith.constant 2 : i32
      %mul3A_814 = arith.muli %select_n3A_812, %mul3A_813 : i32
      %sub3A_815 = arith.subi %add3A_130, %mul3A_814 : i32
      %mul3A_816 = arith.constant 256 : i32
      %mul3A_817 = arith.muli %sub3A_815, %mul3A_816 : i32
      %add3A_818 = arith.addi %mul3A_2, %mul3A_817 : i32
      %dma_start3A_819 = arith.constant 0 : i32
      %dma_start3A_820 = tpu.memref_slice %arg5[%select_n3A_812, %dma_start3A_819, %add3A_818] : memref<20x64x16384xf32, #tpu.memory_space<hbm>> -> memref<1x64x256xf32, #tpu.memory_space<hbm>>
      %dma_start3A_821 = tpu.memref_squeeze %dma_start3A_820 : memref<1x64x256xf32, #tpu.memory_space<hbm>> -> memref<64x256xf32, #tpu.memory_space<hbm>>
      %dma_start3A_822 = arith.constant 0 : i32
      %dma_start3A_823 = tpu.memref_slice %arg5[%select_n3A_812, %dma_start3A_822, %add3A_818] : memref<20x64x16384xf32, #tpu.memory_space<hbm>> -> memref<1x64x256xf32, #tpu.memory_space<hbm>>
      %dma_start3A_824 = tpu.memref_squeeze %dma_start3A_823 : memref<1x64x256xf32, #tpu.memory_space<hbm>> -> memref<64x256xf32, #tpu.memory_space<hbm>>
      tpu.enqueue_dma source(%arg10 : memref<64x256xf32, #tpu.memory_space<vmem>>) target(%dma_start3A_824 : memref<64x256xf32, #tpu.memory_space<hbm>>) target_semaphore(%arg15 : memref<!tpu.dma_semaphore, #tpu.memory_space<semaphore_mem>>)
    }
    %scan3A_108 = arith.constant 20 : i32
    %add3A_109 = arith.constant 0 : i32
    %add3A_110 = arith.addi %mul3A_2, %add3A_109 : i32
    %dma_wait3A = arith.constant 19 : i32
    %dma_wait3A_111 = arith.constant 0 : i32
    %dma_wait3A_112 = tpu.memref_slice %arg5[%dma_wait3A, %dma_wait3A_111, %add3A_110] : memref<20x64x16384xf32, #tpu.memory_space<hbm>> -> memref<1x64x256xf32, #tpu.memory_space<hbm>>
    %dma_wait3A_113 = tpu.memref_squeeze %dma_wait3A_112 : memref<1x64x256xf32, #tpu.memory_space<hbm>> -> memref<64x256xf32, #tpu.memory_space<hbm>>
    %dma_wait3A_114 = arith.constant 0 : i32
    %dma_wait3A_115 = tpu.memref_slice %arg5[%dma_wait3A, %dma_wait3A_114, %add3A_110] : memref<20x64x16384xf32, #tpu.memory_space<hbm>> -> memref<1x64x256xf32, #tpu.memory_space<hbm>>
    %dma_wait3A_116 = tpu.memref_squeeze %dma_wait3A_115 : memref<1x64x256xf32, #tpu.memory_space<hbm>> -> memref<64x256xf32, #tpu.memory_space<hbm>>
    tpu.wait_dma2 semaphore(%arg14 : memref<!tpu.dma_semaphore, #tpu.memory_space<semaphore_mem>>) src(%arg9 : memref<64x256xf32, #tpu.memory_space<vmem>>) dst(%dma_wait3A_116 : memref<64x256xf32, #tpu.memory_space<hbm>>)
    %add3A_117 = arith.constant 256 : i32
    %add3A_118 = arith.addi %mul3A_2, %add3A_117 : i32
    %dma_wait3A_119 = arith.constant 19 : i32
    %dma_wait3A_120 = arith.constant 0 : i32
    %dma_wait3A_121 = tpu.memref_slice %arg5[%dma_wait3A_119, %dma_wait3A_120, %add3A_118] : memref<20x64x16384xf32, #tpu.memory_space<hbm>> -> memref<1x64x256xf32, #tpu.memory_space<hbm>>
    %dma_wait3A_122 = tpu.memref_squeeze %dma_wait3A_121 : memref<1x64x256xf32, #tpu.memory_space<hbm>> -> memref<64x256xf32, #tpu.memory_space<hbm>>
    %dma_wait3A_123 = arith.constant 0 : i32
    %dma_wait3A_124 = tpu.memref_slice %arg5[%dma_wait3A_119, %dma_wait3A_123, %add3A_118] : memref<20x64x16384xf32, #tpu.memory_space<hbm>> -> memref<1x64x256xf32, #tpu.memory_space<hbm>>
    %dma_wait3A_125 = tpu.memref_squeeze %dma_wait3A_124 : memref<1x64x256xf32, #tpu.memory_space<hbm>> -> memref<64x256xf32, #tpu.memory_space<hbm>>
    tpu.wait_dma2 semaphore(%arg15 : memref<!tpu.dma_semaphore, #tpu.memory_space<semaphore_mem>>) src(%arg10 : memref<64x256xf32, #tpu.memory_space<vmem>>) dst(%dma_wait3A_125 : memref<64x256xf32, #tpu.memory_space<hbm>>)
    return
  }
}

module attributes {stable_mosaic.version = 14 : i64} {
  func.func @_adapter_tc_body(%arg0: memref<20xi32, #tpu.memory_space<smem>>, %arg1: memref<1000000x64xf32, #tpu.memory_space<hbm>>, %arg2: memref<64x16xf32, #tpu.memory_space<vmem>>, %arg3: memref<1x16xf32, #tpu.memory_space<vmem>>, %arg4: memref<16x64xf32, #tpu.memory_space<vmem>>, %arg5: memref<1x64xf32, #tpu.memory_space<vmem>>, %arg6: memref<20x64xf32, #tpu.memory_space<vmem>>, %arg7: memref<20x64xf32, #tpu.memory_space<vmem>>, %arg8: memref<!tpu.dma_semaphore, #tpu.memory_space<semaphore_mem>>) attributes {dimension_semantics = [], scalar_prefetch = 0 : i64, scratch_operands = 2 : i64, tpu.core_type = #tpu.core_type<tc>} {
    %get3A = arith.constant 0 : index
    %get3A_0 = memref.load %arg0[%get3A] : memref<20xi32, #tpu.memory_space<smem>>
    %get3A_1 = arith.constant 1 : index
    %get3A_2 = memref.load %arg0[%get3A_1] : memref<20xi32, #tpu.memory_space<smem>>
    %get3A_3 = arith.constant 2 : index
    %get3A_4 = memref.load %arg0[%get3A_3] : memref<20xi32, #tpu.memory_space<smem>>
    %get3A_5 = arith.constant 3 : index
    %get3A_6 = memref.load %arg0[%get3A_5] : memref<20xi32, #tpu.memory_space<smem>>
    %get3A_7 = arith.constant 4 : index
    %get3A_8 = memref.load %arg0[%get3A_7] : memref<20xi32, #tpu.memory_space<smem>>
    %get3A_9 = arith.constant 5 : index
    %get3A_10 = memref.load %arg0[%get3A_9] : memref<20xi32, #tpu.memory_space<smem>>
    %get3A_11 = arith.constant 6 : index
    %get3A_12 = memref.load %arg0[%get3A_11] : memref<20xi32, #tpu.memory_space<smem>>
    %get3A_13 = arith.constant 7 : index
    %get3A_14 = memref.load %arg0[%get3A_13] : memref<20xi32, #tpu.memory_space<smem>>
    %get3A_15 = arith.constant 8 : index
    %get3A_16 = memref.load %arg0[%get3A_15] : memref<20xi32, #tpu.memory_space<smem>>
    %get3A_17 = arith.constant 9 : index
    %get3A_18 = memref.load %arg0[%get3A_17] : memref<20xi32, #tpu.memory_space<smem>>
    %get3A_19 = arith.constant 10 : index
    %get3A_20 = memref.load %arg0[%get3A_19] : memref<20xi32, #tpu.memory_space<smem>>
    %get3A_21 = arith.constant 11 : index
    %get3A_22 = memref.load %arg0[%get3A_21] : memref<20xi32, #tpu.memory_space<smem>>
    %get3A_23 = arith.constant 12 : index
    %get3A_24 = memref.load %arg0[%get3A_23] : memref<20xi32, #tpu.memory_space<smem>>
    %get3A_25 = arith.constant 13 : index
    %get3A_26 = memref.load %arg0[%get3A_25] : memref<20xi32, #tpu.memory_space<smem>>
    %get3A_27 = arith.constant 14 : index
    %get3A_28 = memref.load %arg0[%get3A_27] : memref<20xi32, #tpu.memory_space<smem>>
    %get3A_29 = arith.constant 15 : index
    %get3A_30 = memref.load %arg0[%get3A_29] : memref<20xi32, #tpu.memory_space<smem>>
    %get3A_31 = arith.constant 16 : index
    %get3A_32 = memref.load %arg0[%get3A_31] : memref<20xi32, #tpu.memory_space<smem>>
    %get3A_33 = arith.constant 17 : index
    %get3A_34 = memref.load %arg0[%get3A_33] : memref<20xi32, #tpu.memory_space<smem>>
    %get3A_35 = arith.constant 18 : index
    %get3A_36 = memref.load %arg0[%get3A_35] : memref<20xi32, #tpu.memory_space<smem>>
    %get3A_37 = arith.constant 19 : index
    %get3A_38 = memref.load %arg0[%get3A_37] : memref<20xi32, #tpu.memory_space<smem>>
    %dma_start3A = arith.constant 0 : i32
    %dma_start3A_39 = arith.constant 0 : i32
    %dma_start3A_40 = tpu.memref_slice %arg7[%dma_start3A, %dma_start3A_39] : memref<20x64xf32, #tpu.memory_space<vmem>> -> memref<1x64xf32, #tpu.memory_space<vmem>>
    %dma_start3A_41 = arith.constant 0 : i32
    %dma_start3A_42 = tpu.memref_slice %arg1[%get3A_0, %dma_start3A_41] : memref<1000000x64xf32, #tpu.memory_space<hbm>> -> memref<1x64xf32, #tpu.memory_space<hbm>>
    tpu.enqueue_dma source(%dma_start3A_42 : memref<1x64xf32, #tpu.memory_space<hbm>>) target(%dma_start3A_40 : memref<1x64xf32, #tpu.memory_space<vmem>>) target_semaphore(%arg8 : memref<!tpu.dma_semaphore, #tpu.memory_space<semaphore_mem>>)
    %dma_start3A_43 = arith.constant 1 : i32
    %dma_start3A_44 = arith.constant 0 : i32
    %dma_start3A_45 = tpu.memref_slice %arg7[%dma_start3A_43, %dma_start3A_44] : memref<20x64xf32, #tpu.memory_space<vmem>> -> memref<1x64xf32, #tpu.memory_space<vmem>>
    %dma_start3A_46 = arith.constant 0 : i32
    %dma_start3A_47 = tpu.memref_slice %arg1[%get3A_2, %dma_start3A_46] : memref<1000000x64xf32, #tpu.memory_space<hbm>> -> memref<1x64xf32, #tpu.memory_space<hbm>>
    tpu.enqueue_dma source(%dma_start3A_47 : memref<1x64xf32, #tpu.memory_space<hbm>>) target(%dma_start3A_45 : memref<1x64xf32, #tpu.memory_space<vmem>>) target_semaphore(%arg8 : memref<!tpu.dma_semaphore, #tpu.memory_space<semaphore_mem>>)
    %dma_start3A_48 = arith.constant 2 : i32
    %dma_start3A_49 = arith.constant 0 : i32
    %dma_start3A_50 = tpu.memref_slice %arg7[%dma_start3A_48, %dma_start3A_49] : memref<20x64xf32, #tpu.memory_space<vmem>> -> memref<1x64xf32, #tpu.memory_space<vmem>>
    %dma_start3A_51 = arith.constant 0 : i32
    %dma_start3A_52 = tpu.memref_slice %arg1[%get3A_4, %dma_start3A_51] : memref<1000000x64xf32, #tpu.memory_space<hbm>> -> memref<1x64xf32, #tpu.memory_space<hbm>>
    tpu.enqueue_dma source(%dma_start3A_52 : memref<1x64xf32, #tpu.memory_space<hbm>>) target(%dma_start3A_50 : memref<1x64xf32, #tpu.memory_space<vmem>>) target_semaphore(%arg8 : memref<!tpu.dma_semaphore, #tpu.memory_space<semaphore_mem>>)
    %dma_start3A_53 = arith.constant 3 : i32
    %dma_start3A_54 = arith.constant 0 : i32
    %dma_start3A_55 = tpu.memref_slice %arg7[%dma_start3A_53, %dma_start3A_54] : memref<20x64xf32, #tpu.memory_space<vmem>> -> memref<1x64xf32, #tpu.memory_space<vmem>>
    %dma_start3A_56 = arith.constant 0 : i32
    %dma_start3A_57 = tpu.memref_slice %arg1[%get3A_6, %dma_start3A_56] : memref<1000000x64xf32, #tpu.memory_space<hbm>> -> memref<1x64xf32, #tpu.memory_space<hbm>>
    tpu.enqueue_dma source(%dma_start3A_57 : memref<1x64xf32, #tpu.memory_space<hbm>>) target(%dma_start3A_55 : memref<1x64xf32, #tpu.memory_space<vmem>>) target_semaphore(%arg8 : memref<!tpu.dma_semaphore, #tpu.memory_space<semaphore_mem>>)
    %dma_start3A_58 = arith.constant 4 : i32
    %dma_start3A_59 = arith.constant 0 : i32
    %dma_start3A_60 = tpu.memref_slice %arg7[%dma_start3A_58, %dma_start3A_59] : memref<20x64xf32, #tpu.memory_space<vmem>> -> memref<1x64xf32, #tpu.memory_space<vmem>>
    %dma_start3A_61 = arith.constant 0 : i32
    %dma_start3A_62 = tpu.memref_slice %arg1[%get3A_8, %dma_start3A_61] : memref<1000000x64xf32, #tpu.memory_space<hbm>> -> memref<1x64xf32, #tpu.memory_space<hbm>>
    tpu.enqueue_dma source(%dma_start3A_62 : memref<1x64xf32, #tpu.memory_space<hbm>>) target(%dma_start3A_60 : memref<1x64xf32, #tpu.memory_space<vmem>>) target_semaphore(%arg8 : memref<!tpu.dma_semaphore, #tpu.memory_space<semaphore_mem>>)
    %dma_start3A_63 = arith.constant 5 : i32
    %dma_start3A_64 = arith.constant 0 : i32
    %dma_start3A_65 = tpu.memref_slice %arg7[%dma_start3A_63, %dma_start3A_64] : memref<20x64xf32, #tpu.memory_space<vmem>> -> memref<1x64xf32, #tpu.memory_space<vmem>>
    %dma_start3A_66 = arith.constant 0 : i32
    %dma_start3A_67 = tpu.memref_slice %arg1[%get3A_10, %dma_start3A_66] : memref<1000000x64xf32, #tpu.memory_space<hbm>> -> memref<1x64xf32, #tpu.memory_space<hbm>>
    tpu.enqueue_dma source(%dma_start3A_67 : memref<1x64xf32, #tpu.memory_space<hbm>>) target(%dma_start3A_65 : memref<1x64xf32, #tpu.memory_space<vmem>>) target_semaphore(%arg8 : memref<!tpu.dma_semaphore, #tpu.memory_space<semaphore_mem>>)
    %dma_start3A_68 = arith.constant 6 : i32
    %dma_start3A_69 = arith.constant 0 : i32
    %dma_start3A_70 = tpu.memref_slice %arg7[%dma_start3A_68, %dma_start3A_69] : memref<20x64xf32, #tpu.memory_space<vmem>> -> memref<1x64xf32, #tpu.memory_space<vmem>>
    %dma_start3A_71 = arith.constant 0 : i32
    %dma_start3A_72 = tpu.memref_slice %arg1[%get3A_12, %dma_start3A_71] : memref<1000000x64xf32, #tpu.memory_space<hbm>> -> memref<1x64xf32, #tpu.memory_space<hbm>>
    tpu.enqueue_dma source(%dma_start3A_72 : memref<1x64xf32, #tpu.memory_space<hbm>>) target(%dma_start3A_70 : memref<1x64xf32, #tpu.memory_space<vmem>>) target_semaphore(%arg8 : memref<!tpu.dma_semaphore, #tpu.memory_space<semaphore_mem>>)
    %dma_start3A_73 = arith.constant 7 : i32
    %dma_start3A_74 = arith.constant 0 : i32
    %dma_start3A_75 = tpu.memref_slice %arg7[%dma_start3A_73, %dma_start3A_74] : memref<20x64xf32, #tpu.memory_space<vmem>> -> memref<1x64xf32, #tpu.memory_space<vmem>>
    %dma_start3A_76 = arith.constant 0 : i32
    %dma_start3A_77 = tpu.memref_slice %arg1[%get3A_14, %dma_start3A_76] : memref<1000000x64xf32, #tpu.memory_space<hbm>> -> memref<1x64xf32, #tpu.memory_space<hbm>>
    tpu.enqueue_dma source(%dma_start3A_77 : memref<1x64xf32, #tpu.memory_space<hbm>>) target(%dma_start3A_75 : memref<1x64xf32, #tpu.memory_space<vmem>>) target_semaphore(%arg8 : memref<!tpu.dma_semaphore, #tpu.memory_space<semaphore_mem>>)
    %dma_start3A_78 = arith.constant 8 : i32
    %dma_start3A_79 = arith.constant 0 : i32
    %dma_start3A_80 = tpu.memref_slice %arg7[%dma_start3A_78, %dma_start3A_79] : memref<20x64xf32, #tpu.memory_space<vmem>> -> memref<1x64xf32, #tpu.memory_space<vmem>>
    %dma_start3A_81 = arith.constant 0 : i32
    %dma_start3A_82 = tpu.memref_slice %arg1[%get3A_16, %dma_start3A_81] : memref<1000000x64xf32, #tpu.memory_space<hbm>> -> memref<1x64xf32, #tpu.memory_space<hbm>>
    tpu.enqueue_dma source(%dma_start3A_82 : memref<1x64xf32, #tpu.memory_space<hbm>>) target(%dma_start3A_80 : memref<1x64xf32, #tpu.memory_space<vmem>>) target_semaphore(%arg8 : memref<!tpu.dma_semaphore, #tpu.memory_space<semaphore_mem>>)
    %dma_start3A_83 = arith.constant 9 : i32
    %dma_start3A_84 = arith.constant 0 : i32
    %dma_start3A_85 = tpu.memref_slice %arg7[%dma_start3A_83, %dma_start3A_84] : memref<20x64xf32, #tpu.memory_space<vmem>> -> memref<1x64xf32, #tpu.memory_space<vmem>>
    %dma_start3A_86 = arith.constant 0 : i32
    %dma_start3A_87 = tpu.memref_slice %arg1[%get3A_18, %dma_start3A_86] : memref<1000000x64xf32, #tpu.memory_space<hbm>> -> memref<1x64xf32, #tpu.memory_space<hbm>>
    tpu.enqueue_dma source(%dma_start3A_87 : memref<1x64xf32, #tpu.memory_space<hbm>>) target(%dma_start3A_85 : memref<1x64xf32, #tpu.memory_space<vmem>>) target_semaphore(%arg8 : memref<!tpu.dma_semaphore, #tpu.memory_space<semaphore_mem>>)
    %dma_start3A_88 = arith.constant 10 : i32
    %dma_start3A_89 = arith.constant 0 : i32
    %dma_start3A_90 = tpu.memref_slice %arg7[%dma_start3A_88, %dma_start3A_89] : memref<20x64xf32, #tpu.memory_space<vmem>> -> memref<1x64xf32, #tpu.memory_space<vmem>>
    %dma_start3A_91 = arith.constant 0 : i32
    %dma_start3A_92 = tpu.memref_slice %arg1[%get3A_20, %dma_start3A_91] : memref<1000000x64xf32, #tpu.memory_space<hbm>> -> memref<1x64xf32, #tpu.memory_space<hbm>>
    tpu.enqueue_dma source(%dma_start3A_92 : memref<1x64xf32, #tpu.memory_space<hbm>>) target(%dma_start3A_90 : memref<1x64xf32, #tpu.memory_space<vmem>>) target_semaphore(%arg8 : memref<!tpu.dma_semaphore, #tpu.memory_space<semaphore_mem>>)
    %dma_start3A_93 = arith.constant 11 : i32
    %dma_start3A_94 = arith.constant 0 : i32
    %dma_start3A_95 = tpu.memref_slice %arg7[%dma_start3A_93, %dma_start3A_94] : memref<20x64xf32, #tpu.memory_space<vmem>> -> memref<1x64xf32, #tpu.memory_space<vmem>>
    %dma_start3A_96 = arith.constant 0 : i32
    %dma_start3A_97 = tpu.memref_slice %arg1[%get3A_22, %dma_start3A_96] : memref<1000000x64xf32, #tpu.memory_space<hbm>> -> memref<1x64xf32, #tpu.memory_space<hbm>>
    tpu.enqueue_dma source(%dma_start3A_97 : memref<1x64xf32, #tpu.memory_space<hbm>>) target(%dma_start3A_95 : memref<1x64xf32, #tpu.memory_space<vmem>>) target_semaphore(%arg8 : memref<!tpu.dma_semaphore, #tpu.memory_space<semaphore_mem>>)
    %dma_start3A_98 = arith.constant 12 : i32
    %dma_start3A_99 = arith.constant 0 : i32
    %dma_start3A_100 = tpu.memref_slice %arg7[%dma_start3A_98, %dma_start3A_99] : memref<20x64xf32, #tpu.memory_space<vmem>> -> memref<1x64xf32, #tpu.memory_space<vmem>>
    %dma_start3A_101 = arith.constant 0 : i32
    %dma_start3A_102 = tpu.memref_slice %arg1[%get3A_24, %dma_start3A_101] : memref<1000000x64xf32, #tpu.memory_space<hbm>> -> memref<1x64xf32, #tpu.memory_space<hbm>>
    tpu.enqueue_dma source(%dma_start3A_102 : memref<1x64xf32, #tpu.memory_space<hbm>>) target(%dma_start3A_100 : memref<1x64xf32, #tpu.memory_space<vmem>>) target_semaphore(%arg8 : memref<!tpu.dma_semaphore, #tpu.memory_space<semaphore_mem>>)
    %dma_start3A_103 = arith.constant 13 : i32
    %dma_start3A_104 = arith.constant 0 : i32
    %dma_start3A_105 = tpu.memref_slice %arg7[%dma_start3A_103, %dma_start3A_104] : memref<20x64xf32, #tpu.memory_space<vmem>> -> memref<1x64xf32, #tpu.memory_space<vmem>>
    %dma_start3A_106 = arith.constant 0 : i32
    %dma_start3A_107 = tpu.memref_slice %arg1[%get3A_26, %dma_start3A_106] : memref<1000000x64xf32, #tpu.memory_space<hbm>> -> memref<1x64xf32, #tpu.memory_space<hbm>>
    tpu.enqueue_dma source(%dma_start3A_107 : memref<1x64xf32, #tpu.memory_space<hbm>>) target(%dma_start3A_105 : memref<1x64xf32, #tpu.memory_space<vmem>>) target_semaphore(%arg8 : memref<!tpu.dma_semaphore, #tpu.memory_space<semaphore_mem>>)
    %dma_start3A_108 = arith.constant 14 : i32
    %dma_start3A_109 = arith.constant 0 : i32
    %dma_start3A_110 = tpu.memref_slice %arg7[%dma_start3A_108, %dma_start3A_109] : memref<20x64xf32, #tpu.memory_space<vmem>> -> memref<1x64xf32, #tpu.memory_space<vmem>>
    %dma_start3A_111 = arith.constant 0 : i32
    %dma_start3A_112 = tpu.memref_slice %arg1[%get3A_28, %dma_start3A_111] : memref<1000000x64xf32, #tpu.memory_space<hbm>> -> memref<1x64xf32, #tpu.memory_space<hbm>>
    tpu.enqueue_dma source(%dma_start3A_112 : memref<1x64xf32, #tpu.memory_space<hbm>>) target(%dma_start3A_110 : memref<1x64xf32, #tpu.memory_space<vmem>>) target_semaphore(%arg8 : memref<!tpu.dma_semaphore, #tpu.memory_space<semaphore_mem>>)
    %dma_start3A_113 = arith.constant 15 : i32
    %dma_start3A_114 = arith.constant 0 : i32
    %dma_start3A_115 = tpu.memref_slice %arg7[%dma_start3A_113, %dma_start3A_114] : memref<20x64xf32, #tpu.memory_space<vmem>> -> memref<1x64xf32, #tpu.memory_space<vmem>>
    %dma_start3A_116 = arith.constant 0 : i32
    %dma_start3A_117 = tpu.memref_slice %arg1[%get3A_30, %dma_start3A_116] : memref<1000000x64xf32, #tpu.memory_space<hbm>> -> memref<1x64xf32, #tpu.memory_space<hbm>>
    tpu.enqueue_dma source(%dma_start3A_117 : memref<1x64xf32, #tpu.memory_space<hbm>>) target(%dma_start3A_115 : memref<1x64xf32, #tpu.memory_space<vmem>>) target_semaphore(%arg8 : memref<!tpu.dma_semaphore, #tpu.memory_space<semaphore_mem>>)
    %dma_start3A_118 = arith.constant 16 : i32
    %dma_start3A_119 = arith.constant 0 : i32
    %dma_start3A_120 = tpu.memref_slice %arg7[%dma_start3A_118, %dma_start3A_119] : memref<20x64xf32, #tpu.memory_space<vmem>> -> memref<1x64xf32, #tpu.memory_space<vmem>>
    %dma_start3A_121 = arith.constant 0 : i32
    %dma_start3A_122 = tpu.memref_slice %arg1[%get3A_32, %dma_start3A_121] : memref<1000000x64xf32, #tpu.memory_space<hbm>> -> memref<1x64xf32, #tpu.memory_space<hbm>>
    tpu.enqueue_dma source(%dma_start3A_122 : memref<1x64xf32, #tpu.memory_space<hbm>>) target(%dma_start3A_120 : memref<1x64xf32, #tpu.memory_space<vmem>>) target_semaphore(%arg8 : memref<!tpu.dma_semaphore, #tpu.memory_space<semaphore_mem>>)
    %dma_start3A_123 = arith.constant 17 : i32
    %dma_start3A_124 = arith.constant 0 : i32
    %dma_start3A_125 = tpu.memref_slice %arg7[%dma_start3A_123, %dma_start3A_124] : memref<20x64xf32, #tpu.memory_space<vmem>> -> memref<1x64xf32, #tpu.memory_space<vmem>>
    %dma_start3A_126 = arith.constant 0 : i32
    %dma_start3A_127 = tpu.memref_slice %arg1[%get3A_34, %dma_start3A_126] : memref<1000000x64xf32, #tpu.memory_space<hbm>> -> memref<1x64xf32, #tpu.memory_space<hbm>>
    tpu.enqueue_dma source(%dma_start3A_127 : memref<1x64xf32, #tpu.memory_space<hbm>>) target(%dma_start3A_125 : memref<1x64xf32, #tpu.memory_space<vmem>>) target_semaphore(%arg8 : memref<!tpu.dma_semaphore, #tpu.memory_space<semaphore_mem>>)
    %dma_start3A_128 = arith.constant 18 : i32
    %dma_start3A_129 = arith.constant 0 : i32
    %dma_start3A_130 = tpu.memref_slice %arg7[%dma_start3A_128, %dma_start3A_129] : memref<20x64xf32, #tpu.memory_space<vmem>> -> memref<1x64xf32, #tpu.memory_space<vmem>>
    %dma_start3A_131 = arith.constant 0 : i32
    %dma_start3A_132 = tpu.memref_slice %arg1[%get3A_36, %dma_start3A_131] : memref<1000000x64xf32, #tpu.memory_space<hbm>> -> memref<1x64xf32, #tpu.memory_space<hbm>>
    tpu.enqueue_dma source(%dma_start3A_132 : memref<1x64xf32, #tpu.memory_space<hbm>>) target(%dma_start3A_130 : memref<1x64xf32, #tpu.memory_space<vmem>>) target_semaphore(%arg8 : memref<!tpu.dma_semaphore, #tpu.memory_space<semaphore_mem>>)
    %dma_start3A_133 = arith.constant 19 : i32
    %dma_start3A_134 = arith.constant 0 : i32
    %dma_start3A_135 = tpu.memref_slice %arg7[%dma_start3A_133, %dma_start3A_134] : memref<20x64xf32, #tpu.memory_space<vmem>> -> memref<1x64xf32, #tpu.memory_space<vmem>>
    %dma_start3A_136 = arith.constant 0 : i32
    %dma_start3A_137 = tpu.memref_slice %arg1[%get3A_38, %dma_start3A_136] : memref<1000000x64xf32, #tpu.memory_space<hbm>> -> memref<1x64xf32, #tpu.memory_space<hbm>>
    tpu.enqueue_dma source(%dma_start3A_137 : memref<1x64xf32, #tpu.memory_space<hbm>>) target(%dma_start3A_135 : memref<1x64xf32, #tpu.memory_space<vmem>>) target_semaphore(%arg8 : memref<!tpu.dma_semaphore, #tpu.memory_space<semaphore_mem>>)
    %dma_wait3A = arith.constant 0 : i32
    %dma_wait3A_138 = arith.constant 0 : i32
    %dma_wait3A_139 = tpu.memref_slice %arg7[%dma_wait3A, %dma_wait3A_138] : memref<20x64xf32, #tpu.memory_space<vmem>> -> memref<1x64xf32, #tpu.memory_space<vmem>>
    %dma_wait3A_140 = arith.constant 0 : i32
    %dma_wait3A_141 = tpu.memref_slice %arg1[%get3A_0, %dma_wait3A_140] : memref<1000000x64xf32, #tpu.memory_space<hbm>> -> memref<1x64xf32, #tpu.memory_space<hbm>>
    tpu.wait_dma2 semaphore(%arg8 : memref<!tpu.dma_semaphore, #tpu.memory_space<semaphore_mem>>) src(%dma_wait3A_141 : memref<1x64xf32, #tpu.memory_space<hbm>>) dst(%dma_wait3A_139 : memref<1x64xf32, #tpu.memory_space<vmem>>)
    %dma_wait3A_142 = arith.constant 1 : i32
    %dma_wait3A_143 = arith.constant 0 : i32
    %dma_wait3A_144 = tpu.memref_slice %arg7[%dma_wait3A_142, %dma_wait3A_143] : memref<20x64xf32, #tpu.memory_space<vmem>> -> memref<1x64xf32, #tpu.memory_space<vmem>>
    %dma_wait3A_145 = arith.constant 0 : i32
    %dma_wait3A_146 = tpu.memref_slice %arg1[%get3A_2, %dma_wait3A_145] : memref<1000000x64xf32, #tpu.memory_space<hbm>> -> memref<1x64xf32, #tpu.memory_space<hbm>>
    tpu.wait_dma2 semaphore(%arg8 : memref<!tpu.dma_semaphore, #tpu.memory_space<semaphore_mem>>) src(%dma_wait3A_146 : memref<1x64xf32, #tpu.memory_space<hbm>>) dst(%dma_wait3A_144 : memref<1x64xf32, #tpu.memory_space<vmem>>)
    %dma_wait3A_147 = arith.constant 2 : i32
    %dma_wait3A_148 = arith.constant 0 : i32
    %dma_wait3A_149 = tpu.memref_slice %arg7[%dma_wait3A_147, %dma_wait3A_148] : memref<20x64xf32, #tpu.memory_space<vmem>> -> memref<1x64xf32, #tpu.memory_space<vmem>>
    %dma_wait3A_150 = arith.constant 0 : i32
    %dma_wait3A_151 = tpu.memref_slice %arg1[%get3A_4, %dma_wait3A_150] : memref<1000000x64xf32, #tpu.memory_space<hbm>> -> memref<1x64xf32, #tpu.memory_space<hbm>>
    tpu.wait_dma2 semaphore(%arg8 : memref<!tpu.dma_semaphore, #tpu.memory_space<semaphore_mem>>) src(%dma_wait3A_151 : memref<1x64xf32, #tpu.memory_space<hbm>>) dst(%dma_wait3A_149 : memref<1x64xf32, #tpu.memory_space<vmem>>)
    %dma_wait3A_152 = arith.constant 3 : i32
    %dma_wait3A_153 = arith.constant 0 : i32
    %dma_wait3A_154 = tpu.memref_slice %arg7[%dma_wait3A_152, %dma_wait3A_153] : memref<20x64xf32, #tpu.memory_space<vmem>> -> memref<1x64xf32, #tpu.memory_space<vmem>>
    %dma_wait3A_155 = arith.constant 0 : i32
    %dma_wait3A_156 = tpu.memref_slice %arg1[%get3A_6, %dma_wait3A_155] : memref<1000000x64xf32, #tpu.memory_space<hbm>> -> memref<1x64xf32, #tpu.memory_space<hbm>>
    tpu.wait_dma2 semaphore(%arg8 : memref<!tpu.dma_semaphore, #tpu.memory_space<semaphore_mem>>) src(%dma_wait3A_156 : memref<1x64xf32, #tpu.memory_space<hbm>>) dst(%dma_wait3A_154 : memref<1x64xf32, #tpu.memory_space<vmem>>)
    %dma_wait3A_157 = arith.constant 4 : i32
    %dma_wait3A_158 = arith.constant 0 : i32
    %dma_wait3A_159 = tpu.memref_slice %arg7[%dma_wait3A_157, %dma_wait3A_158] : memref<20x64xf32, #tpu.memory_space<vmem>> -> memref<1x64xf32, #tpu.memory_space<vmem>>
    %dma_wait3A_160 = arith.constant 0 : i32
    %dma_wait3A_161 = tpu.memref_slice %arg1[%get3A_8, %dma_wait3A_160] : memref<1000000x64xf32, #tpu.memory_space<hbm>> -> memref<1x64xf32, #tpu.memory_space<hbm>>
    tpu.wait_dma2 semaphore(%arg8 : memref<!tpu.dma_semaphore, #tpu.memory_space<semaphore_mem>>) src(%dma_wait3A_161 : memref<1x64xf32, #tpu.memory_space<hbm>>) dst(%dma_wait3A_159 : memref<1x64xf32, #tpu.memory_space<vmem>>)
    %dma_wait3A_162 = arith.constant 5 : i32
    %dma_wait3A_163 = arith.constant 0 : i32
    %dma_wait3A_164 = tpu.memref_slice %arg7[%dma_wait3A_162, %dma_wait3A_163] : memref<20x64xf32, #tpu.memory_space<vmem>> -> memref<1x64xf32, #tpu.memory_space<vmem>>
    %dma_wait3A_165 = arith.constant 0 : i32
    %dma_wait3A_166 = tpu.memref_slice %arg1[%get3A_10, %dma_wait3A_165] : memref<1000000x64xf32, #tpu.memory_space<hbm>> -> memref<1x64xf32, #tpu.memory_space<hbm>>
    tpu.wait_dma2 semaphore(%arg8 : memref<!tpu.dma_semaphore, #tpu.memory_space<semaphore_mem>>) src(%dma_wait3A_166 : memref<1x64xf32, #tpu.memory_space<hbm>>) dst(%dma_wait3A_164 : memref<1x64xf32, #tpu.memory_space<vmem>>)
    %dma_wait3A_167 = arith.constant 6 : i32
    %dma_wait3A_168 = arith.constant 0 : i32
    %dma_wait3A_169 = tpu.memref_slice %arg7[%dma_wait3A_167, %dma_wait3A_168] : memref<20x64xf32, #tpu.memory_space<vmem>> -> memref<1x64xf32, #tpu.memory_space<vmem>>
    %dma_wait3A_170 = arith.constant 0 : i32
    %dma_wait3A_171 = tpu.memref_slice %arg1[%get3A_12, %dma_wait3A_170] : memref<1000000x64xf32, #tpu.memory_space<hbm>> -> memref<1x64xf32, #tpu.memory_space<hbm>>
    tpu.wait_dma2 semaphore(%arg8 : memref<!tpu.dma_semaphore, #tpu.memory_space<semaphore_mem>>) src(%dma_wait3A_171 : memref<1x64xf32, #tpu.memory_space<hbm>>) dst(%dma_wait3A_169 : memref<1x64xf32, #tpu.memory_space<vmem>>)
    %dma_wait3A_172 = arith.constant 7 : i32
    %dma_wait3A_173 = arith.constant 0 : i32
    %dma_wait3A_174 = tpu.memref_slice %arg7[%dma_wait3A_172, %dma_wait3A_173] : memref<20x64xf32, #tpu.memory_space<vmem>> -> memref<1x64xf32, #tpu.memory_space<vmem>>
    %dma_wait3A_175 = arith.constant 0 : i32
    %dma_wait3A_176 = tpu.memref_slice %arg1[%get3A_14, %dma_wait3A_175] : memref<1000000x64xf32, #tpu.memory_space<hbm>> -> memref<1x64xf32, #tpu.memory_space<hbm>>
    tpu.wait_dma2 semaphore(%arg8 : memref<!tpu.dma_semaphore, #tpu.memory_space<semaphore_mem>>) src(%dma_wait3A_176 : memref<1x64xf32, #tpu.memory_space<hbm>>) dst(%dma_wait3A_174 : memref<1x64xf32, #tpu.memory_space<vmem>>)
    %dma_wait3A_177 = arith.constant 8 : i32
    %dma_wait3A_178 = arith.constant 0 : i32
    %dma_wait3A_179 = tpu.memref_slice %arg7[%dma_wait3A_177, %dma_wait3A_178] : memref<20x64xf32, #tpu.memory_space<vmem>> -> memref<1x64xf32, #tpu.memory_space<vmem>>
    %dma_wait3A_180 = arith.constant 0 : i32
    %dma_wait3A_181 = tpu.memref_slice %arg1[%get3A_16, %dma_wait3A_180] : memref<1000000x64xf32, #tpu.memory_space<hbm>> -> memref<1x64xf32, #tpu.memory_space<hbm>>
    tpu.wait_dma2 semaphore(%arg8 : memref<!tpu.dma_semaphore, #tpu.memory_space<semaphore_mem>>) src(%dma_wait3A_181 : memref<1x64xf32, #tpu.memory_space<hbm>>) dst(%dma_wait3A_179 : memref<1x64xf32, #tpu.memory_space<vmem>>)
    %dma_wait3A_182 = arith.constant 9 : i32
    %dma_wait3A_183 = arith.constant 0 : i32
    %dma_wait3A_184 = tpu.memref_slice %arg7[%dma_wait3A_182, %dma_wait3A_183] : memref<20x64xf32, #tpu.memory_space<vmem>> -> memref<1x64xf32, #tpu.memory_space<vmem>>
    %dma_wait3A_185 = arith.constant 0 : i32
    %dma_wait3A_186 = tpu.memref_slice %arg1[%get3A_18, %dma_wait3A_185] : memref<1000000x64xf32, #tpu.memory_space<hbm>> -> memref<1x64xf32, #tpu.memory_space<hbm>>
    tpu.wait_dma2 semaphore(%arg8 : memref<!tpu.dma_semaphore, #tpu.memory_space<semaphore_mem>>) src(%dma_wait3A_186 : memref<1x64xf32, #tpu.memory_space<hbm>>) dst(%dma_wait3A_184 : memref<1x64xf32, #tpu.memory_space<vmem>>)
    %dma_wait3A_187 = arith.constant 10 : i32
    %dma_wait3A_188 = arith.constant 0 : i32
    %dma_wait3A_189 = tpu.memref_slice %arg7[%dma_wait3A_187, %dma_wait3A_188] : memref<20x64xf32, #tpu.memory_space<vmem>> -> memref<1x64xf32, #tpu.memory_space<vmem>>
    %dma_wait3A_190 = arith.constant 0 : i32
    %dma_wait3A_191 = tpu.memref_slice %arg1[%get3A_20, %dma_wait3A_190] : memref<1000000x64xf32, #tpu.memory_space<hbm>> -> memref<1x64xf32, #tpu.memory_space<hbm>>
    tpu.wait_dma2 semaphore(%arg8 : memref<!tpu.dma_semaphore, #tpu.memory_space<semaphore_mem>>) src(%dma_wait3A_191 : memref<1x64xf32, #tpu.memory_space<hbm>>) dst(%dma_wait3A_189 : memref<1x64xf32, #tpu.memory_space<vmem>>)
    %dma_wait3A_192 = arith.constant 11 : i32
    %dma_wait3A_193 = arith.constant 0 : i32
    %dma_wait3A_194 = tpu.memref_slice %arg7[%dma_wait3A_192, %dma_wait3A_193] : memref<20x64xf32, #tpu.memory_space<vmem>> -> memref<1x64xf32, #tpu.memory_space<vmem>>
    %dma_wait3A_195 = arith.constant 0 : i32
    %dma_wait3A_196 = tpu.memref_slice %arg1[%get3A_22, %dma_wait3A_195] : memref<1000000x64xf32, #tpu.memory_space<hbm>> -> memref<1x64xf32, #tpu.memory_space<hbm>>
    tpu.wait_dma2 semaphore(%arg8 : memref<!tpu.dma_semaphore, #tpu.memory_space<semaphore_mem>>) src(%dma_wait3A_196 : memref<1x64xf32, #tpu.memory_space<hbm>>) dst(%dma_wait3A_194 : memref<1x64xf32, #tpu.memory_space<vmem>>)
    %dma_wait3A_197 = arith.constant 12 : i32
    %dma_wait3A_198 = arith.constant 0 : i32
    %dma_wait3A_199 = tpu.memref_slice %arg7[%dma_wait3A_197, %dma_wait3A_198] : memref<20x64xf32, #tpu.memory_space<vmem>> -> memref<1x64xf32, #tpu.memory_space<vmem>>
    %dma_wait3A_200 = arith.constant 0 : i32
    %dma_wait3A_201 = tpu.memref_slice %arg1[%get3A_24, %dma_wait3A_200] : memref<1000000x64xf32, #tpu.memory_space<hbm>> -> memref<1x64xf32, #tpu.memory_space<hbm>>
    tpu.wait_dma2 semaphore(%arg8 : memref<!tpu.dma_semaphore, #tpu.memory_space<semaphore_mem>>) src(%dma_wait3A_201 : memref<1x64xf32, #tpu.memory_space<hbm>>) dst(%dma_wait3A_199 : memref<1x64xf32, #tpu.memory_space<vmem>>)
    %dma_wait3A_202 = arith.constant 13 : i32
    %dma_wait3A_203 = arith.constant 0 : i32
    %dma_wait3A_204 = tpu.memref_slice %arg7[%dma_wait3A_202, %dma_wait3A_203] : memref<20x64xf32, #tpu.memory_space<vmem>> -> memref<1x64xf32, #tpu.memory_space<vmem>>
    %dma_wait3A_205 = arith.constant 0 : i32
    %dma_wait3A_206 = tpu.memref_slice %arg1[%get3A_26, %dma_wait3A_205] : memref<1000000x64xf32, #tpu.memory_space<hbm>> -> memref<1x64xf32, #tpu.memory_space<hbm>>
    tpu.wait_dma2 semaphore(%arg8 : memref<!tpu.dma_semaphore, #tpu.memory_space<semaphore_mem>>) src(%dma_wait3A_206 : memref<1x64xf32, #tpu.memory_space<hbm>>) dst(%dma_wait3A_204 : memref<1x64xf32, #tpu.memory_space<vmem>>)
    %dma_wait3A_207 = arith.constant 14 : i32
    %dma_wait3A_208 = arith.constant 0 : i32
    %dma_wait3A_209 = tpu.memref_slice %arg7[%dma_wait3A_207, %dma_wait3A_208] : memref<20x64xf32, #tpu.memory_space<vmem>> -> memref<1x64xf32, #tpu.memory_space<vmem>>
    %dma_wait3A_210 = arith.constant 0 : i32
    %dma_wait3A_211 = tpu.memref_slice %arg1[%get3A_28, %dma_wait3A_210] : memref<1000000x64xf32, #tpu.memory_space<hbm>> -> memref<1x64xf32, #tpu.memory_space<hbm>>
    tpu.wait_dma2 semaphore(%arg8 : memref<!tpu.dma_semaphore, #tpu.memory_space<semaphore_mem>>) src(%dma_wait3A_211 : memref<1x64xf32, #tpu.memory_space<hbm>>) dst(%dma_wait3A_209 : memref<1x64xf32, #tpu.memory_space<vmem>>)
    %dma_wait3A_212 = arith.constant 15 : i32
    %dma_wait3A_213 = arith.constant 0 : i32
    %dma_wait3A_214 = tpu.memref_slice %arg7[%dma_wait3A_212, %dma_wait3A_213] : memref<20x64xf32, #tpu.memory_space<vmem>> -> memref<1x64xf32, #tpu.memory_space<vmem>>
    %dma_wait3A_215 = arith.constant 0 : i32
    %dma_wait3A_216 = tpu.memref_slice %arg1[%get3A_30, %dma_wait3A_215] : memref<1000000x64xf32, #tpu.memory_space<hbm>> -> memref<1x64xf32, #tpu.memory_space<hbm>>
    tpu.wait_dma2 semaphore(%arg8 : memref<!tpu.dma_semaphore, #tpu.memory_space<semaphore_mem>>) src(%dma_wait3A_216 : memref<1x64xf32, #tpu.memory_space<hbm>>) dst(%dma_wait3A_214 : memref<1x64xf32, #tpu.memory_space<vmem>>)
    %dma_wait3A_217 = arith.constant 16 : i32
    %dma_wait3A_218 = arith.constant 0 : i32
    %dma_wait3A_219 = tpu.memref_slice %arg7[%dma_wait3A_217, %dma_wait3A_218] : memref<20x64xf32, #tpu.memory_space<vmem>> -> memref<1x64xf32, #tpu.memory_space<vmem>>
    %dma_wait3A_220 = arith.constant 0 : i32
    %dma_wait3A_221 = tpu.memref_slice %arg1[%get3A_32, %dma_wait3A_220] : memref<1000000x64xf32, #tpu.memory_space<hbm>> -> memref<1x64xf32, #tpu.memory_space<hbm>>
    tpu.wait_dma2 semaphore(%arg8 : memref<!tpu.dma_semaphore, #tpu.memory_space<semaphore_mem>>) src(%dma_wait3A_221 : memref<1x64xf32, #tpu.memory_space<hbm>>) dst(%dma_wait3A_219 : memref<1x64xf32, #tpu.memory_space<vmem>>)
    %dma_wait3A_222 = arith.constant 17 : i32
    %dma_wait3A_223 = arith.constant 0 : i32
    %dma_wait3A_224 = tpu.memref_slice %arg7[%dma_wait3A_222, %dma_wait3A_223] : memref<20x64xf32, #tpu.memory_space<vmem>> -> memref<1x64xf32, #tpu.memory_space<vmem>>
    %dma_wait3A_225 = arith.constant 0 : i32
    %dma_wait3A_226 = tpu.memref_slice %arg1[%get3A_34, %dma_wait3A_225] : memref<1000000x64xf32, #tpu.memory_space<hbm>> -> memref<1x64xf32, #tpu.memory_space<hbm>>
    tpu.wait_dma2 semaphore(%arg8 : memref<!tpu.dma_semaphore, #tpu.memory_space<semaphore_mem>>) src(%dma_wait3A_226 : memref<1x64xf32, #tpu.memory_space<hbm>>) dst(%dma_wait3A_224 : memref<1x64xf32, #tpu.memory_space<vmem>>)
    %dma_wait3A_227 = arith.constant 18 : i32
    %dma_wait3A_228 = arith.constant 0 : i32
    %dma_wait3A_229 = tpu.memref_slice %arg7[%dma_wait3A_227, %dma_wait3A_228] : memref<20x64xf32, #tpu.memory_space<vmem>> -> memref<1x64xf32, #tpu.memory_space<vmem>>
    %dma_wait3A_230 = arith.constant 0 : i32
    %dma_wait3A_231 = tpu.memref_slice %arg1[%get3A_36, %dma_wait3A_230] : memref<1000000x64xf32, #tpu.memory_space<hbm>> -> memref<1x64xf32, #tpu.memory_space<hbm>>
    tpu.wait_dma2 semaphore(%arg8 : memref<!tpu.dma_semaphore, #tpu.memory_space<semaphore_mem>>) src(%dma_wait3A_231 : memref<1x64xf32, #tpu.memory_space<hbm>>) dst(%dma_wait3A_229 : memref<1x64xf32, #tpu.memory_space<vmem>>)
    %dma_wait3A_232 = arith.constant 19 : i32
    %dma_wait3A_233 = arith.constant 0 : i32
    %dma_wait3A_234 = tpu.memref_slice %arg7[%dma_wait3A_232, %dma_wait3A_233] : memref<20x64xf32, #tpu.memory_space<vmem>> -> memref<1x64xf32, #tpu.memory_space<vmem>>
    %dma_wait3A_235 = arith.constant 0 : i32
    %dma_wait3A_236 = tpu.memref_slice %arg1[%get3A_38, %dma_wait3A_235] : memref<1000000x64xf32, #tpu.memory_space<hbm>> -> memref<1x64xf32, #tpu.memory_space<hbm>>
    tpu.wait_dma2 semaphore(%arg8 : memref<!tpu.dma_semaphore, #tpu.memory_space<semaphore_mem>>) src(%dma_wait3A_236 : memref<1x64xf32, #tpu.memory_space<hbm>>) dst(%dma_wait3A_234 : memref<1x64xf32, #tpu.memory_space<vmem>>)
    %get3A_237 = arith.constant 0 : index
    %get3A_238 = arith.constant 0 : index
    %get3A_239 = vector.load %arg7[%get3A_237, %get3A_238] : memref<20x64xf32, #tpu.memory_space<vmem>>, vector<20x64xf32>
    %get3A_240 = arith.constant 0 : index
    %get3A_241 = arith.constant 0 : index
    %get3A_242 = vector.load %arg2[%get3A_240, %get3A_241] : memref<64x16xf32, #tpu.memory_space<vmem>>, vector<64x16xf32>
    %dot_general3A = arith.constant dense<0.000000e+00> : vector<20x16xf32>
    %dot_general3A_243 = tpu.matmul %get3A_239, %get3A_242, %dot_general3A {dimension_numbers = #tpu.dot_dimension_numbers<[1], [0], [0], [1], [0, 0, 1, 1], [], []>, transpose_lhs_hint = false} : vector<20x64xf32>, vector<64x16xf32>, vector<20x16xf32> -> vector<20x16xf32>
    %get3A_244 = arith.constant 0 : index
    %get3A_245 = arith.constant 0 : index
    %get3A_246 = vector.load %arg3[%get3A_244, %get3A_245] : memref<1x16xf32, #tpu.memory_space<vmem>>, vector<1x16xf32>
    %add3A = vector.broadcast %get3A_246 : vector<1x16xf32> to vector<20x16xf32>
    %add3A_247 = arith.addf %dot_general3A_243, %add3A : vector<20x16xf32>
    %max3A = arith.constant 0.000000e+00 : f32
    %max3A_248 = vector.broadcast %max3A : f32 to vector<20x16xf32>
    %max3A_249 = arith.maximumf %add3A_247, %max3A_248 : vector<20x16xf32>
    %get3A_250 = arith.constant 0 : index
    %get3A_251 = arith.constant 0 : index
    %get3A_252 = vector.load %arg4[%get3A_250, %get3A_251] : memref<16x64xf32, #tpu.memory_space<vmem>>, vector<16x64xf32>
    %dot_general3A_253 = arith.constant dense<0.000000e+00> : vector<20x64xf32>
    %dot_general3A_254 = tpu.matmul %max3A_249, %get3A_252, %dot_general3A_253 {dimension_numbers = #tpu.dot_dimension_numbers<[1], [0], [0], [1], [0, 0, 1, 1], [], []>, transpose_lhs_hint = false} : vector<20x16xf32>, vector<16x64xf32>, vector<20x64xf32> -> vector<20x64xf32>
    %add3A_255 = arith.addf %get3A_239, %dot_general3A_254 : vector<20x64xf32>
    %get3A_256 = arith.constant 0 : index
    %get3A_257 = arith.constant 0 : index
    %get3A_258 = vector.load %arg5[%get3A_256, %get3A_257] : memref<1x64xf32, #tpu.memory_space<vmem>>, vector<1x64xf32>
    %add3A_259 = vector.broadcast %get3A_258 : vector<1x64xf32> to vector<20x64xf32>
    %add3A_260 = arith.addf %add3A_255, %add3A_259 : vector<20x64xf32>
    %swap3A = arith.constant 0 : index
    %swap3A_261 = arith.constant 0 : index
    %swap3A_262 = vector.load %arg6[%swap3A, %swap3A_261] : memref<20x64xf32, #tpu.memory_space<vmem>>, vector<20x64xf32>
    tpu.vector_store %arg6[%swap3A, %swap3A_261], %add3A_260 {strides = array<i32>} : memref<20x64xf32, #tpu.memory_space<vmem>>, vector<20x64xf32>,
    return
  }
}

</mosaic_0001>

<sc_bundles>
// kernel: kernel.4.cloned.1.call-start
scs
__scs_entry_jumppad:
0x0: {  	(pc) =	sbr.rel $0x88, $3  }
0x1: {  	(tag) =	ssettag $0x0;
	lr =	simm.s32 $0x1  }
0x2: {  	[smem:$0x3F9B] =	sst lr;
	_ =	strace $0xD0000000  }
0x3: {  	_ = 	snop  }
0x4: {  	_ = 	snop  }
0x5: {  	_ = 	snop  }
0x6: {  	_ = 	snop  }
0x7: {  	_ = 	snop  }
__scs_overlays_trampoline_lowered:
0x8: {  	[smem:$0x3FAA] =	sst s0  }
0x9: {  	[smem:$0x3FAB] =	sst s1  }
0xa: {  	[smem:$0x3FAC] =	sst s2  }
0xb: {  	[smem:$0x3FAD] =	sst s3  }
0xc: {  	[smem:$0x3FAE] =	sst s4  }
0xd: {  	[smem:$0x3FAF] =	sst s5  }
0xe: {  	[smem:$0x3FB0] =	sst s6  }
0xf: {  	[smem:$0x3FB1] =	sst s7  }
0x10: {  	[smem:$0x3FB2] =	sst s8  }
0x11: {  	[smem:$0x3FB3] =	sst s9;
	s0 =	simm.s32 @!p0 $0x0  }
0x12: {  	s1 =	sld [smem:$0x3F99];
	s0 =	simm.s32 @p0 $0x1  }
0x13: {  	[smem:$0x3FB4] =	sst s0;
	s0 =	simm.s32 @!p1 $0x0  }
0x14: {  	s2 =	sld [smem:$0x3F98];
	s0 =	simm.s32 @p1 $0x1  }
0x15: {  	[smem:$0x3FB5] =	sst s0;
	s0 =	simm.s32 @!p2 $0x0  }
0x16: {  	s3 =	sld [smem:$0x3FDB];
	s0 =	simm.s32 @p2 $0x1  }
0x17: {  	s4 =	simm.s32 $0x1BF5;
	[smem:$0x3FB7] =	sst s0  }
0x18: {  	s0 =	sld [smem:$0x3F9A];
	_ =	swait.ge [sflag:s4], $0x0  }
0x19: {  	s7 =	sld [smem:$0x3F9B]  }
0x1a: {  	s8 =	sadd.s32 $0xFFFFE003, lr  }
0x1b: {  	s9 =	sadd.s32 $0xFFFFFEF7, lr;
	s5 =	simm.s32 $0xFFFFFFFF;
	p2 =	slt.u32 s8, $0xFFFFF086  }
0x1c: {  	p1 =	slt.u32 s9, $0xF7A;
	s5 =	simm.s32 @!p2 $0x0  }
0x1d: {  	s5 =	simm.s32 @p1 $0x1;
	p0 =	seq.s32 s7, s2  }
0x1e: {  	s7 =	smul.u32 @!p0 $0xF7A, s2;
	p2 =	seq.s32 @!p0 s5, $0x0  }
0x1f: {  	s9 =	smul.u32 $0xF7A, s1;
	s8 =	simm.s32 @!p0 $0x1BF5;
	p2 =	por !p2, p0  }
0x20: {  	[sflag:s8] =	ssyncset.s32 @!p0 $0xFFFFF086;
	s6 =	sadd.s32 @!p0 s3, s7;
	s7 =	simm.s32 @!p0 $0x108  }
0x21: {  	s3 =	sadd.s32 s3, s9;
	s6 =	sadd.s32 @!p0 $0x88, s6;
	s7 =	simm.s32 @p2 $0x1082  }
0x22: {  	[simem:s7], [sflag:s8] =	dma.local @!p0 [hbm:s6], $0xF7A  }
0x23: {  	s9 =	sor.u32 $0xD0000000, s2;
	s6 =	simm.s32 $0x108;
	_ =	swait.ge @!p0 [sflag:s8], $0x0  }
0x24: {  	s3 =	sadd.s32 $0x88, s3;
	s6 =	simm.s32 @!p1 $0x1082;
	[sflag:s4] =	ssyncset.s32 $0xFFFFF086  }
0x25: {  	[simem:s6], [sflag:s4] =	dma.local [hbm:s3], $0xF7A  }
0x26: {  	[smem:$0x3F9B] =	sst s1;
	(tag) =	ssettag s2;
	_ =	strace s9  }
0x27: {  	s1 =	sld [smem:$0x3FAB]  }
0x28: {  	s2 =	sld [smem:$0x3FAC]  }
0x29: {  	s4 =	sld [smem:$0x3FAE]  }
0x2a: {  	p0 =	seq.s32 s5, $0x0;
	s5 =	sld [smem:$0x3FAF]  }
0x2b: {  	s6 =	sld [smem:$0x3FB0]  }
0x2c: {  	s7 =	sld [smem:$0x3FB1]  }
0x2d: {  	s3 =	simm.s32 $0x108;
	s8 =	sld [smem:$0x3FB2]  }
0x2e: {  	s3 =	simm.s32 @!p0 $0x1082;
	s9 =	sld [smem:$0x3FB3]  }
0x2f: {  	lr =	sadd.s32 s0, s3;
	s0 =	sld [smem:$0x3FAA]  }
0x30: {  	s3 =	sld [smem:$0x3FAD]  }
0x31: {  	[smem:$0x3FB6] =	sst s10  }
0x32: {  	s10 =	sld [smem:$0x3FB4];
	_ =	sdelay $0x3  }
0x33: {  	p0 =	seq.s32 s10, $0x1;
	s10 =	sld [smem:$0x3FB6];
	_ =	sdelay $0x3  }
0x34: {  	[smem:$0x3FB6] =	sst s10  }
0x35: {  	s10 =	sld [smem:$0x3FB5];
	_ =	sdelay $0x3  }
0x36: {  	p1 =	seq.s32 s10, $0x1;
	s10 =	sld [smem:$0x3FB6];
	_ =	sdelay $0x3  }
0x37: {  	[smem:$0x3FB6] =	sst s10  }
0x38: {  	s10 =	sld [smem:$0x3FB7]  }
0x39: {  	_ = 	snop;
	(pc) =	sbr.ind lr, $3  }
0x3a: {  	_ = 	snop  }
0x3b: {  	_ = 	snop  }
0x3c: {  	p2 =	seq.s32 s10, $0x1;
	s10 =	sld [smem:$0x3FB6]  }
0x3d: {  	_ =	shalt  }
0x3e: {  	_ =	shalt  }
0x3f: {  	_ =	shalt  }
0x40: {  	_ =	shalt  }
0x41: {  	_ =	shalt  }
0x42: {  	_ =	shalt  }
0x43: {  	_ =	shalt  }
0x44: {  	_ =	shalt  }
0x45: {  	_ =	shalt  }
0x46: {  	_ =	shalt  }
0x47: {  	_ =	shalt  }
0x48: {  	_ =	shalt  }
0x49: {  	_ =	shalt  }
0x4a: {  	_ =	shalt  }
0x4b: {  	_ =	shalt  }
0x4c: {  	_ =	shalt  }
0x4d: {  	_ =	shalt  }
0x4e: {  	_ =	shalt  }
0x4f: {  	_ =	shalt  }
0x50: {  	_ =	shalt  }
0x51: {  	_ =	shalt  }
0x52: {  	_ =	shalt  }
0x53: {  	_ =	shalt  }
0x54: {  	_ =	shalt  }
0x55: {  	_ =	shalt  }
0x56: {  	_ =	shalt  }
0x57: {  	_ =	shalt  }
0x58: {  	_ =	shalt  }
0x59: {  	_ =	shalt  }
0x5a: {  	_ =	shalt  }
0x5b: {  	_ =	shalt  }
0x5c: {  	_ =	shalt  }
0x5d: {  	_ =	shalt  }
0x5e: {  	_ =	shalt  }
0x5f: {  	_ =	shalt  }
0x60: {  	_ =	shalt  }
0x61: {  	_ =	shalt  }
0x62: {  	_ =	shalt  }
0x63: {  	_ =	shalt  }
0x64: {  	_ =	shalt  }
0x65: {  	_ =	shalt  }
0x66: {  	_ =	shalt  }
0x67: {  	_ =	shalt  }
0x68: {  	_ =	shalt  }
0x69: {  	_ =	shalt  }
0x6a: {  	_ =	shalt  }
0x6b: {  	_ =	shalt  }
0x6c: {  	_ =	shalt  }
0x6d: {  	_ =	shalt  }
0x6e: {  	_ =	shalt  }
0x6f: {  	_ =	shalt  }
0x70: {  	_ =	shalt  }
0x71: {  	_ =	shalt  }
0x72: {  	_ =	shalt  }
0x73: {  	_ =	shalt  }
0x74: {  	_ =	shalt  }
0x75: {  	_ =	shalt  }
0x76: {  	_ =	shalt  }
0x77: {  	_ =	shalt  }
0x78: {  	_ =	shalt  }
0x79: {  	_ =	shalt  }
0x7a: {  	_ =	shalt  }
0x7b: {  	_ =	shalt  }
0x7c: {  	_ =	shalt  }
0x7d: {  	_ =	shalt  }
0x7e: {  	_ =	shalt  }
0x7f: {  	_ =	shalt  }
0x80: {  	_ =	shalt  }
0x81: {  	_ =	shalt  }
0x82: {  	_ =	shalt  }
0x83: {  	_ =	shalt  }
0x84: {  	_ =	shalt  }
0x85: {  	_ =	shalt  }
0x86: {  	_ =	shalt  }
0x87: {  	_ =	shalt  }
.Lfunc_end0:
.L_simem_size_0:
called_computation_lowered:
.L_overlay_start_0:
0x88: {  	s2 =	sld [smem:$0x3FD9]  }
0x89: {  	s3 =	sld [smem:$0x3FFE];
	_ =	sdelay $0x1  }
0x8a: {  	s1 =	srdreg.scid  }
0x8b: {  	s0 =	sand.u32 $0x1, s1  }
0x8c: {  	s17 =	sshll.u32 s0, $0xA;
	s2 =	sadd.s32 s3, s2  }
0x8d: {  	s2 =	sadd.s32 s2, s17  }
0x8e: {  	[smem:$0x3FC2] =	sst s2  }
0x8f: {  	_ = 	snop  }
0x90: {  	s2 =	sld [smem:$0x3FC9]  }
0x91: {  	s18 =	sld [smem:$0x3FD0];
	(tm) =	ssettm $0x1  }
0x92: {  	s4 =	sld [smem:$0x3FFB];
	_ =	sdelay $0x3  }
0x93: {  	_ =	strace s4  }
0x94: {  	s4 =	sld [smem:$0x3FFC];
	_ =	sdelay $0x3  }
0x95: {  	_ =	strace s4  }
0x96: {  	s4 =	sld [smem:$0x3FFD];
	_ =	sdelay $0x3  }
0x97: {  	_ =	strace s4  }
0x98: {  	_ =	strace $0x8FFFFFFF  }
0x99: {  	s19 =	sld [smem:$0x3FDB];
	_ =	sdelay $0x1  }
0x9a: {  	s5 =	simm.s32 $_scs_section_size  }
0x9b: {  	s6 =	simm.s32 $_size__tile_overlayer_lowered;
	s7 =	simm.s32 $_tile_overlayer_lowered  }
0x9c: {  	s22 =	simm.s32 $0x1BFF;
	s21 =	sshll.u32 s7, $0x1;
	s4 =	sadd.s32 s5, s19  }
0x9d: {  	s8 =	simm.s32 $0x0;
	s20 =	sshll.u32 s6, $0x1;
	s6 =	sadd.s32 s21, s4  }
0x9e: {  	[timem:s8], [sflag:s22] =	dma.local [hbm:s6], s20  }
0x9f: {  	_ =	swait.ge [sflag:s22], s20  }
0xa0: {  	s5 =	ssub.s32 $0x0, s20;
	[sflag:s22] =	ssyncset.done $0x0  }
0xa1: {  	[sflag:s22] =	ssyncadd.s32 s5;
	_ =	sdelay $0x1  }
0xa2: {  	s23 =	simm.s32 $0x1B8B  }
0xa3: {  	_ =	swait.ge [sflag:s23], $0x1  }
0xa4: {  	[sflag:s23] =	ssyncset.done $0x0  }
0xa5: {  	s25 =	simm.s32 $0x1B8E;
	s24 =	sld [smem:$0x3FFE];
	[sflag:s23] =	ssyncadd.s32 $0xFFFFFFFF  }
0xa6: {  	s26 =	simm.s32 $execute0_lowered;
	[smem:$0x3FD2] =	sst s25  }
0xa7: {  	s6 =	sshll.u32 s26, $0x1;
	_ =	strace $0x80000046;
	[dreg:$0x1] =	wrdreg $0xFFFFFFFF  }
0xa8: {  	s28 =	simm.s32 $_size_execute0_lowered;
	s4 =	sadd.s32 s4, s6;
	[dreg:$0x0] =	wrdreg $0x0  }
0xa9: {  	s6 =	sshll.u32 s28, $0x1;
	[dreg:$0x2] =	wrdreg s4  }
0xaa: {  	[dreg:$0x3] =	wrdreg s6  }
0xab: {  	[dreg:$0x4] =	wrdreg $0xC0  }
0xac: {  	_ =	task [dreg:s8], $0x5FFFF  }
0xad: {  	[dreg:$0x1] =	wrdreg $0xFFFFFFFF  }
0xae: {  	[dreg:$0x0] =	wrdreg $0x60  }
0xaf: {  	[dreg:$0x2] =	wrdreg s2  }
0xb0: {  	[dreg:$0x3] =	wrdreg s24  }
0xb1: {  	[dreg:$0x4] =	wrdreg s18  }
0xb2: {  	[dreg:$0x5] =	wrdreg $0x9  }
0xb3: {  	_ =	task.clear_ibuf [dreg:s8], $0x6FFFF;
	_ =	strace $0x90000046  }
0xb4: {  	s29 =	simm.s32 $0x9;
	_ =	strace $0x80000048  }
0xb5: {  	_ =	swait.ge [sflag:s29], $0x1  }
0xb6: {  	[sflag:s29] =	ssyncadd.s32 $0xFFFFFFFF  }
0xb7: {  	_ =	strace $0x90000048  }
0xb8: {  	_ =	sfence  }
0xb9: {  	s30 =	sld [smem:$0x0];
	_ =	sdelay $0x2  }
0xba: {  	s31 =	sshll.u32 s1, $0xD;
	s1 =	sshrl.u32 s1, $0x2  }
0xbb: {  	s3 =	sand.u32 $0x4000, s31;
	s1 =	sadd.s32 s1, s30  }
0xbc: {  	s0 =	sor.u32 s3, s0;
	s1 =	sshll.u32 s1, $0x11  }
0xbd: {  	s0 =	sor.u32 s1, s0  }
0xbe: {  	s0 =	sadd.s32 $0x8F2B, s0  }
0xbf: {  	[sflag:s0] =	ssyncadd.remote.s32 $0x1  }
0xc0: {  	_ =	sfence.sel $0xFFFF  }
0xc1: {  	[dreg:$0x0] =	wrdreg $0xFFFFFFFF;
	(pc) =	sbr.abs _section_cstart, $3  }
0xc2: {  	[dreg:$0x1] =	wrdreg $0xFFFFFFFF  }
0xc3: {  	_ =	task.clear_ibuf [dreg:s8], $0x2FFFF;
	_ =	strace $0x9FFFFFFF  }
0xc4: {  	(tm) =	ssettm $0x7FFFFFFF  }
0xc5: {  	_ =	shalt  }
tec
execute0_lowered:
.L_overlay_start_1:
0x0: {  	(tag) =	ssettag $0x1  }
0x1: {  	v0 =	vimm.s32 $0xFEDCBA9;
	v1 =	vimm.s32 $0x87654321  }
0x2: {  	v2 =	vimm.s32 $0x10FEDCBA;
	v3 =	vimm.s32 $0x98765432;
	v4 =	vimm.s32 $0x210FEDCB  }
0x3: {  	v5 =	vimm.s32 $0xA9876543;
	v7 =	vimm.s32 $0x3210FEDC;
	v8 =	vimm.s32 $0xBA987654  }
0x4: {  	v9 =	vimm.s32 $0x43210FED;
	v10 =	vimm.s32 $0xCBA98765;
	v13 =	vimm.s32 $0xDCBA9876  }
0x5: {  	v14 =	vimm.s32 $0x6543210F;
	v15 =	vimm.s32 $0xEDCBA987;
	v16 =	vimm.s32 $0xFEDCBA98  }
0x6: {  	v17 =	vimm.s32 $0x76543210;
	vm0 =	vcmask $0x1F10;
	vm3 =	vcmask $0x300  }
0x7: {  	vm6 =	vcmask $0x704;
	vm5 =	vcmask $0xB08;
	vm4 =	vcmask $0xF0C  }
0x8: {  	vm2 =	vcmask $0x1310;
	vm1 =	vcmask $0x1714;
	v18 =	vimm.s32 $0x1080  }
0x9: {  	v19 =	vimm.s32 $0x1100;
	v20 =	vimm.s32 $0x1180;
	v21 =	vimm.s32 $0x1200  }
0xa: {  	v22 =	vimm.s32 $0x1280;
	v23 =	vimm.s32 $0x1300;
	v24 =	vimm.s32 $0x1380  }
0xb: {  	v25 =	vimm.s32 $0x1800;
	v26 =	vimm.s32 $0x1880;
	v27 =	vimm.s32 $0x1900  }
0xc: {  	v28 =	vimm.s32 $0x1980;
	v29 =	vimm.s32 $0x1A00;
	v30 =	vimm.s32 $0x1A80  }
0xd: {  	v31 =	vimm.s32 $0x1B00;
	v32 =	vimm.s32 $0x2B80;
	v33 =	vimm.s32 $0x2000  }
0xe: {  	v34 =	vimm.s32 $0x2080;
	v35 =	vimm.s32 $0x2100;
	v36 =	vimm.s32 $0x2180  }
0xf: {  	v37 =	vimm.s32 $0x2200;
	v38 =	vimm.s32 $0x2280;
	v39 =	vimm.s32 $0x2300  }
0x10: {  	v40 =	vimm.s32 $0x2380;
	v41 =	vimm.s32 $0x2800;
	v42 =	vimm.s32 $0x2880  }
0x11: {  	v43 =	vimm.s32 $0x2900;
	v44 =	vimm.s32 $0x2980;
	v45 =	vimm.s32 $0x2A00  }
0x12: {  	v46 =	vimm.s32 $0x2A80;
	v47 =	vimm.s32 $0x2B00;
	v48 =	vimm.s32 $0x3B80  }
0x13: {  	v49 =	vimm.s32 $0x3000;
	v50 =	vimm.s32 $0x3080;
	v51 =	vimm.s32 $0x3100  }
0x14: {  	v52 =	vimm.s32 $0x3180;
	v53 =	vimm.s32 $0x3200;
	v54 =	vimm.s32 $0x3280  }
0x15: {  	v55 =	vimm.s32 $0x3300;
	v56 =	vimm.s32 $0x3380;
	v57 =	vimm.s32 $0x3800  }
0x16: {  	v58 =	vimm.s32 $0x3880;
	v59 =	vimm.s32 $0x3900;
	v60 =	vimm.s32 $0x3980  }
0x17: {  	v61 =	vimm.s32 $0x3A00;
	v62 =	vimm.s32 $0x3A80;
	v63 =	vimm.s32 $0x3B00  }
0x18: {  	vm14 =	vcmask $0x1F1C;
	vm15 =	vcmask $0x2320;
	v0 =	vunpack.c.l.s4.s8 v0  }
0x19: {  	v1 =	vunpack.c.l.s4.s8 v1;
	v2 =	vunpack.c.l.s4.s8 v2;
	v3 =	vunpack.c.l.s4.s8 v3  }
0x1a: {  	v4 =	vunpack.c.l.s4.s8 v4;
	v5 =	vunpack.c.l.s4.s8 v5;
	v7 =	vunpack.c.l.s4.s8 v7  }
0x1b: {  	v8 =	vunpack.c.l.s4.s8 v8;
	v9 =	vunpack.c.l.s4.s8 v9;
	v10 =	vunpack.c.l.s4.s8 v10  }
0x1c: {  	v13 =	vunpack.c.l.s4.s8 v13;
	v14 =	vunpack.c.l.s4.s8 v14;
	v15 =	vunpack.c.l.s4.s8 v15  }
0x1d: {  	v16 =	vunpack.c.l.s4.s8 v16;
	v17 =	vunpack.c.l.s4.s8 v17;
	v18 =	vsel vm3, $0x1100, v18  }
0x1e: {  	v19 =	vsel vm3, $0x1180, v19;
	v20 =	vsel vm3, $0x1200, v20;
	v21 =	vsel vm3, $0x1280, v21  }
0x1f: {  	v22 =	vsel vm3, $0x1300, v22;
	v23 =	vsel vm3, $0x1380, v23;
	v24 =	vsel vm3, $0x1800, v24  }
0x20: {  	v25 =	vsel vm3, $0x1880, v25;
	v26 =	vsel vm3, $0x1900, v26;
	v27 =	vsel vm3, $0x1980, v27  }
0x21: {  	v28 =	vsel vm3, $0x1A00, v28;
	v29 =	vsel vm3, $0x1A80, v29;
	v30 =	vsel vm3, $0x1B00, v30  }
0x22: {  	v31 =	vsel vm3, $0x1B80, v31;
	v32 =	vsel vm3, $0x2000, v32;
	v33 =	vsel vm3, $0x2080, v33  }
0x23: {  	v34 =	vsel vm3, $0x2100, v34;
	v35 =	vsel vm3, $0x2180, v35;
	v36 =	vsel vm3, $0x2200, v36  }
0x24: {  	v37 =	vsel vm3, $0x2280, v37;
	v38 =	vsel vm3, $0x2300, v38;
	v39 =	vsel vm3, $0x2380, v39  }
0x25: {  	v40 =	vsel vm3, $0x2800, v40;
	v41 =	vsel vm3, $0x2880, v41;
	v42 =	vsel vm3, $0x2900, v42  }
0x26: {  	v43 =	vsel vm3, $0x2980, v43;
	v44 =	vsel vm3, $0x2A00, v44;
	v45 =	vsel vm3, $0x2A80, v45  }
0x27: {  	v46 =	vsel vm3, $0x2B00, v46;
	v47 =	vsel vm3, $0x2B80, v47;
	v48 =	vsel vm3, $0x3000, v48  }
0x28: {  	v49 =	vsel vm3, $0x3080, v49;
	v50 =	vsel vm3, $0x3100, v50;
	v51 =	vsel vm3, $0x3180, v51  }
0x29: {  	v52 =	vsel vm3, $0x3200, v52;
	v53 =	vsel vm3, $0x3280, v53;
	v54 =	vsel vm3, $0x3300, v54  }
0x2a: {  	v55 =	vsel vm3, $0x3380, v55;
	v56 =	vsel vm3, $0x3800, v56;
	v57 =	vsel vm3, $0x3880, v57  }
0x2b: {  	v58 =	vsel vm3, $0x3900, v58;
	v59 =	vsel vm3, $0x3980, v59;
	v60 =	vsel vm3, $0x3A00, v60  }
0x2c: {  	v61 =	vsel vm3, $0x3A80, v61;
	v62 =	vsel vm3, $0x3B00, v62;
	v63 =	vsel vm3, $0x3B80, v63  }
0x2d: {  	v18 =	vsel vm6, $0x1180, v18;
	v19 =	vsel vm6, $0x1200, v19;
	v20 =	vsel vm6, $0x1280, v20  }
0x2e: {  	v21 =	vsel vm6, $0x1300, v21;
	v22 =	vsel vm6, $0x1380, v22;
	v23 =	vsel vm6, $0x1800, v23  }
0x2f: {  	v24 =	vsel vm6, $0x1880, v24;
	v25 =	vsel vm6, $0x1900, v25;
	v26 =	vsel vm6, $0x1980, v26  }
0x30: {  	v27 =	vsel vm6, $0x1A00, v27;
	v28 =	vsel vm6, $0x1A80, v28;
	v29 =	vsel vm6, $0x1B00, v29  }
0x31: {  	v30 =	vsel vm6, $0x1B80, v30;
	v31 =	vsel vm6, $0x1000, v31;
	v32 =	vsel vm6, $0x2080, v32  }
0x32: {  	v33 =	vsel vm6, $0x2100, v33;
	v34 =	vsel vm6, $0x2180, v34;
	v35 =	vsel vm6, $0x2200, v35  }
0x33: {  	v36 =	vsel vm6, $0x2280, v36;
	v37 =	vsel vm6, $0x2300, v37;
	v38 =	vsel vm6, $0x2380, v38  }
0x34: {  	v39 =	vsel vm6, $0x2800, v39;
	v40 =	vsel vm6, $0x2880, v40;
	v41 =	vsel vm6, $0x2900, v41  }
0x35: {  	v42 =	vsel vm6, $0x2980, v42;
	v43 =	vsel vm6, $0x2A00, v43;
	v44 =	vsel vm6, $0x2A80, v44  }
0x36: {  	v45 =	vsel vm6, $0x2B00, v45;
	v46 =	vsel vm6, $0x2B80, v46;
	v47 =	vsel vm6, $0x2000, v47  }
0x37: {  	v48 =	vsel vm6, $0x3080, v48;
	v49 =	vsel vm6, $0x3100, v49;
	v50 =	vsel vm6, $0x3180, v50  }
0x38: {  	v51 =	vsel vm6, $0x3200, v51;
	v52 =	vsel vm6, $0x3280, v52;
	v53 =	vsel vm6, $0x3300, v53  }
0x39: {  	v54 =	vsel vm6, $0x3380, v54;
	v55 =	vsel vm6, $0x3800, v55;
	v56 =	vsel vm6, $0x3880, v56  }
0x3a: {  	v57 =	vsel vm6, $0x3900, v57;
	v58 =	vsel vm6, $0x3980, v58;
	v59 =	vsel vm6, $0x3A00, v59  }
0x3b: {  	v60 =	vsel vm6, $0x3A80, v60;
	v61 =	vsel vm6, $0x3B00, v61;
	v62 =	vsel vm6, $0x3B80, v62  }
0x3c: {  	v63 =	vsel vm6, $0x3000, v63;
	v0 =	vunpack.c.0.s8.s32 v0;
	v1 =	vunpack.c.0.s8.s32 v1  }
0x3d: {  	v2 =	vunpack.c.0.s8.s32 v2;
	v3 =	vunpack.c.0.s8.s32 v3;
	v4 =	vunpack.c.0.s8.s32 v4  }
0x3e: {  	v5 =	vunpack.c.0.s8.s32 v5;
	v7 =	vunpack.c.0.s8.s32 v7;
	v8 =	vunpack.c.0.s8.s32 v8  }
0x3f: {  	v13 =	vunpack.c.0.s8.s32 v13;
	v14 =	vunpack.c.0.s8.s32 v14;
	v15 =	vunpack.c.0.s8.s32 v15  }
0x40: {  	v16 =	vunpack.c.0.s8.s32 v16;
	v17 =	vunpack.c.0.s8.s32 v17;
	v18 =	vsel vm5, $0x1200, v18  }
0x41: {  	v19 =	vsel vm5, $0x1280, v19;
	v20 =	vsel vm5, $0x1300, v20;
	v21 =	vsel vm5, $0x1380, v21  }
0x42: {  	v22 =	vsel vm5, $0x1800, v22;
	v23 =	vsel vm5, $0x1880, v23;
	v24 =	vsel vm5, $0x1900, v24  }
0x43: {  	v25 =	vsel vm5, $0x1980, v25;
	v26 =	vsel vm5, $0x1A00, v26;
	v27 =	vsel vm5, $0x1A80, v27  }
0x44: {  	v28 =	vsel vm5, $0x1B00, v28;
	v29 =	vsel vm5, $0x1B80, v29;
	v30 =	vsel vm5, $0x1000, v30  }
0x45: {  	v31 =	vsel vm5, $0x1080, v31;
	v32 =	vsel vm5, $0x2100, v32;
	v33 =	vsel vm5, $0x2180, v33  }
0x46: {  	v34 =	vsel vm5, $0x2200, v34;
	v35 =	vsel vm5, $0x2280, v35;
	v36 =	vsel vm5, $0x2300, v36  }
0x47: {  	v37 =	vsel vm5, $0x2380, v37;
	v38 =	vsel vm5, $0x2800, v38;
	v39 =	vsel vm5, $0x2880, v39  }
0x48: {  	v40 =	vsel vm5, $0x2900, v40;
	v41 =	vsel vm5, $0x2980, v41;
	v42 =	vsel vm5, $0x2A00, v42  }
0x49: {  	v43 =	vsel vm5, $0x2A80, v43;
	v44 =	vsel vm5, $0x2B00, v44;
	v45 =	vsel vm5, $0x2B80, v45  }
0x4a: {  	v46 =	vsel vm5, $0x2000, v46;
	v47 =	vsel vm5, $0x2080, v47;
	v48 =	vsel vm5, $0x3100, v48  }
0x4b: {  	v49 =	vsel vm5, $0x3180, v49;
	v50 =	vsel vm5, $0x3200, v50;
	v51 =	vsel vm5, $0x3280, v51  }
0x4c: {  	v52 =	vsel vm5, $0x3300, v52;
	v53 =	vsel vm5, $0x3380, v53;
	v54 =	vsel vm5, $0x3800, v54  }
0x4d: {  	v55 =	vsel vm5, $0x3880, v55;
	v56 =	vsel vm5, $0x3900, v56;
	v57 =	vsel vm5, $0x3980, v57  }
0x4e: {  	v58 =	vsel vm5, $0x3A00, v58;
	v59 =	vsel vm5, $0x3A80, v59;
	v60 =	vsel vm5, $0x3B00, v60  }
0x4f: {  	v61 =	vsel vm5, $0x3B80, v61;
	v62 =	vsel vm5, $0x3000, v62;
	v63 =	vsel vm5, $0x3080, v63  }
0x50: {  	v18 =	vsel vm4, $0x1280, v18;
	v19 =	vsel vm4, $0x1300, v19;
	v20 =	vsel vm4, $0x1380, v20  }
0x51: {  	v21 =	vsel vm4, $0x1800, v21;
	v22 =	vsel vm4, $0x1880, v22;
	v23 =	vsel vm4, $0x1900, v23  }
0x52: {  	v24 =	vsel vm4, $0x1980, v24;
	v25 =	vsel vm4, $0x1A00, v25;
	v26 =	vsel vm4, $0x1A80, v26  }
0x53: {  	v27 =	vsel vm4, $0x1B00, v27;
	v28 =	vsel vm4, $0x1B80, v28;
	v29 =	vsel vm4, $0x1000, v29  }
0x54: {  	v30 =	vsel vm4, $0x1080, v30;
	v31 =	vsel vm4, $0x1100, v31;
	v32 =	vsel vm4, $0x2180, v32  }
0x55: {  	v33 =	vsel vm4, $0x2200, v33;
	v34 =	vsel vm4, $0x2280, v34;
	v35 =	vsel vm4, $0x2300, v35  }
0x56: {  	v36 =	vsel vm4, $0x2380, v36;
	v37 =	vsel vm4, $0x2800, v37;
	v38 =	vsel vm4, $0x2880, v38  }
0x57: {  	v39 =	vsel vm4, $0x2900, v39;
	v40 =	vsel vm4, $0x2980, v40;
	v41 =	vsel vm4, $0x2A00, v41  }
0x58: {  	v42 =	vsel vm4, $0x2A80, v42;
	v43 =	vsel vm4, $0x2B00, v43;
	v44 =	vsel vm4, $0x2B80, v44  }
0x59: {  	v45 =	vsel vm4, $0x2000, v45;
	v46 =	vsel vm4, $0x2080, v46;
	v47 =	vsel vm4, $0x2100, v47  }
0x5a: {  	v48 =	vsel vm4, $0x3180, v48;
	v49 =	vsel vm4, $0x3200, v49;
	v50 =	vsel vm4, $0x3280, v50  }
0x5b: {  	v51 =	vsel vm4, $0x3300, v51;
	v52 =	vsel vm4, $0x3380, v52;
	v53 =	vsel vm4, $0x3800, v53  }
0x5c: {  	v54 =	vsel vm4, $0x3880, v54;
	v55 =	vsel vm4, $0x3900, v55;
	v56 =	vsel vm4, $0x3980, v56  }
0x5d: {  	v57 =	vsel vm4, $0x3A00, v57;
	v58 =	vsel vm4, $0x3A80, v58;
	v59 =	vsel vm4, $0x3B00, v59  }
0x5e: {  	v60 =	vsel vm4, $0x3B80, v60;
	v61 =	vsel vm4, $0x3000, v61;
	v62 =	vsel vm4, $0x3080, v62  }
0x5f: {  	v63 =	vsel vm4, $0x3100, v63;
	v6 =	vcombine.low v1, v0;
	v11 =	vcombine.low v3, v2  }
0x60: {  	v12 =	vcombine.low v5, v4;
	v16 =	vand.u32 $0xF, v16;
	v0 =	vcombine.low v0, v1  }
0x61: {  	v18 =	vsel vm2, $0x1300, v18;
	v19 =	vsel vm2, $0x1380, v19;
	v20 =	vsel vm2, $0x1800, v20  }
0x62: {  	v21 =	vsel vm2, $0x1880, v21;
	v22 =	vsel vm2, $0x1900, v22;
	v23 =	vsel vm2, $0x1980, v23  }
0x63: {  	v24 =	vsel vm2, $0x1A00, v24;
	v25 =	vsel vm2, $0x1A80, v25;
	v26 =	vsel vm2, $0x1B00, v26  }
0x64: {  	v27 =	vsel vm2, $0x1B80, v27;
	v28 =	vsel vm2, $0x1000, v28;
	v29 =	vsel vm2, $0x1080, v29  }
0x65: {  	v30 =	vsel vm2, $0x1100, v30;
	v31 =	vsel vm2, $0x1180, v31;
	v32 =	vsel vm2, $0x2200, v32  }
0x66: {  	v33 =	vsel vm2, $0x2280, v33;
	v34 =	vsel vm2, $0x2300, v34;
	v35 =	vsel vm2, $0x2380, v35  }
0x67: {  	v36 =	vsel vm2, $0x2800, v36;
	v37 =	vsel vm2, $0x2880, v37;
	v38 =	vsel vm2, $0x2900, v38  }
0x68: {  	v39 =	vsel vm2, $0x2980, v39;
	v40 =	vsel vm2, $0x2A00, v40;
	v41 =	vsel vm2, $0x2A80, v41  }
0x69: {  	v42 =	vsel vm2, $0x2B00, v42;
	v43 =	vsel vm2, $0x2B80, v43;
	v44 =	vsel vm2, $0x2000, v44  }
0x6a: {  	v45 =	vsel vm2, $0x2080, v45;
	v46 =	vsel vm2, $0x2100, v46;
	v47 =	vsel vm2, $0x2180, v47  }
0x6b: {  	v48 =	vsel vm2, $0x3200, v48;
	v49 =	vsel vm2, $0x3280, v49;
	v50 =	vsel vm2, $0x3300, v50  }
0x6c: {  	v51 =	vsel vm2, $0x3380, v51;
	v52 =	vsel vm2, $0x3800, v52;
	v53 =	vsel vm2, $0x3880, v53  }
0x6d: {  	v54 =	vsel vm2, $0x3900, v54;
	v55 =	vsel vm2, $0x3980, v55;
	v56 =	vsel vm2, $0x3A00, v56  }
0x6e: {  	v57 =	vsel vm2, $0x3A80, v57;
	v58 =	vsel vm2, $0x3B00, v58;
	v59 =	vsel vm2, $0x3B80, v59  }
0x6f: {  	v60 =	vsel vm2, $0x3000, v60;
	v61 =	vsel vm2, $0x3080, v61;
	v62 =	vsel vm2, $0x3100, v62  }
0x70: {  	v63 =	vsel vm2, $0x3180, v63;
	v18 =	vsel vm1, $0x1380, v18;
	v19 =	vsel vm1, $0x1800, v19  }
0x71: {  	v20 =	vsel vm1, $0x1880, v20;
	v21 =	vsel vm1, $0x1900, v21;
	v22 =	vsel vm1, $0x1980, v22  }
0x72: {  	v23 =	vsel vm1, $0x1A00, v23;
	v24 =	vsel vm1, $0x1A80, v24;
	v25 =	vsel vm1, $0x1B00, v25  }
0x73: {  	v26 =	vsel vm1, $0x1B80, v26;
	v27 =	vsel vm1, $0x1000, v27;
	v28 =	vsel vm1, $0x1080, v28  }
0x74: {  	v29 =	vsel vm1, $0x1100, v29;
	v30 =	vsel vm1, $0x1180, v30;
	v31 =	vsel vm1, $0x1200, v31  }
0x75: {  	v32 =	vsel vm1, $0x2280, v32;
	v33 =	vsel vm1, $0x2300, v33;
	v34 =	vsel vm1, $0x2380, v34  }
0x76: {  	v35 =	vsel vm1, $0x2800, v35;
	v36 =	vsel vm1, $0x2880, v36;
	v37 =	vsel vm1, $0x2900, v37  }
0x77: {  	v38 =	vsel vm1, $0x2980, v38;
	v39 =	vsel vm1, $0x2A00, v39;
	v40 =	vsel vm1, $0x2A80, v40  }
0x78: {  	v41 =	vsel vm1, $0x2B00, v41;
	v42 =	vsel vm1, $0x2B80, v42;
	v43 =	vsel vm1, $0x2000, v43  }
0x79: {  	v44 =	vsel vm1, $0x2080, v44;
	v45 =	vsel vm1, $0x2100, v45;
	v46 =	vsel vm1, $0x2180, v46  }
0x7a: {  	v47 =	vsel vm1, $0x2200, v47;
	v48 =	vsel vm1, $0x3280, v48;
	v49 =	vsel vm1, $0x3300, v49  }
0x7b: {  	v50 =	vsel vm1, $0x3380, v50;
	v51 =	vsel vm1, $0x3800, v51;
	v52 =	vsel vm1, $0x3880, v52  }
0x7c: {  	v53 =	vsel vm1, $0x3900, v53;
	v54 =	vsel vm1, $0x3980, v54;
	v55 =	vsel vm1, $0x3A00, v55  }
0x7d: {  	v56 =	vsel vm1, $0x3A80, v56;
	v57 =	vsel vm1, $0x3B00, v57;
	v58 =	vsel vm1, $0x3B80, v58  }
0x7e: {  	v59 =	vsel vm1, $0x3000, v59;
	v60 =	vsel vm1, $0x3080, v60;
	v6 =	vand.u32 $0xF, v6  }
0x7f: {  	v61 =	vsel vm1, $0x3100, v61;
	v62 =	vsel vm1, $0x3180, v62;
	v0 =	vand.u32 $0xF, v0;
	[tilespmem:$0x1F7C0] =	vst v6  }
0x80: {  	v6 =	vunpack.c.0.s8.s32 v9;
	v9 =	vunpack.c.0.s8.s32 v10;
	v10 =	vand.u32 $0xF, v11;
	[tilespmem:$0x1F860] =	vst v0  }
0x81: {  	v63 =	vsel vm1, $0x3200, v63;
	v0 =	vcombine.low v7, v8;
	[tilespmem:$0x1FE30] =	vst v10;
	v10 =	vand.u32 $0xF, v12  }
0x82: {  	v12 =	vimm.s32 $0x543210FE;
	[tilespmem:$0x1F780] =	vst v10;
	v10 =	vcombine.low v8, v7;
	v11 =	vcombine.low v9, v6  }
0x83: {  	v12 =	vunpack.c.l.s4.s8 v12;
	v7 =	vimm.s32 $0x300;
	v8 =	vimm.s32 $0x380  }
0x84: {  	v0 =	vand.u32 $0xF, v0;
	v7 =	vsel vm3, $0x380, v7;
	v8 =	vsel vm3, $0x800, v8  }
0x85: {  	v12 =	vunpack.c.0.s8.s32 v12;
	v10 =	vand.u32 $0xF, v10;
	v11 =	vand.u32 $0xF, v11  }
0x86: {  	v7 =	vsel vm6, $0x800, v7;
	v8 =	vsel vm6, $0x880, v8;
	[tilespmem:$0x1F7E0] =	vst v11;
	v11 =	vcombine.low v15, v14  }
0x87: {  	[tilespmem:$0x1F7A0] =	vst v10;
	v7 =	vsel vm5, $0x880, v7;
	v8 =	vsel vm5, $0x900, v8;
	v10 =	vcombine.low v13, v12  }
0x88: {  	v7 =	vsel vm4, $0x900, v7;
	v8 =	vsel vm4, $0x980, v8;
	v1 =	vand.u32 $0xF, v11  }
0x89: {  	v11 =	vimm.s32 $0x900;
	v7 =	vsel vm2, $0x980, v7;
	v8 =	vsel vm2, $0xA00, v8  }
0x8a: {  	v10 =	vand.u32 $0xF, v10;
	[tilespmem:$0x1F840] =	vst v1;
	v1 =	vcombine.low v2, v3;
	v2 =	vcombine.low v4, v5  }
0x8b: {  	v3 =	vcombine.low v6, v9;
	v4 =	vimm.s32 $0x18171615;
	v6 =	vimm.s32 $0x19181716  }
0x8c: {  	v9 =	vimm.s32 $0x800;
	v11 =	vsel vm3, $0x980, v11;
	v7 =	vsel vm1, $0xA00, v7  }
0x8d: {  	v8 =	vsel vm1, $0xA80, v8;
	[tilespmem:$0x1F800] =	vst v10;
	v10 =	vcombine.low v16, v17;
	v4 =	vunpack.c.0.s8.s32 v4  }
0x8e: {  	v9 =	vsel vm3, $0x880, v9;
	v16 =	vimm.s32 $0x1B80;
	v17 =	vimm.s32 $0x1000  }
0x8f: {  	[tilespmem:$0x1F8C0] =	vst v0;
	v11 =	vsel vm6, $0xA00, v11;
	v1 =	vand.u32 $0xF, v1;
	v0 =	vand.u32 $0xF, v3  }
0x90: {  	v3 =	vimm.s32 $0x14131211;
	v16 =	vsel vm3, $0x1000, v16;
	v17 =	vsel vm3, $0x1080, v17  }
0x91: {  	v9 =	vsel vm6, $0x900, v9;
	v11 =	vsel vm5, $0xA80, v11;
	[tilespmem:$0x1F880] =	vst v1;
	v1 =	vand.u32 $0xF, v2  }
0x92: {  	[tilespmem:$0x1F8E0] =	vst v0;
	v0 =	vimm.s32 $0x1C1B1A19;
	v2 =	vimm.s32 $0x101F1E1D;
	v3 =	vunpack.c.0.s8.s32 v3  }
0x93: {  	[tilespmem:$0x1F820] =	vst v10;
	v10 =	vimm.s32 $0x880;
	v16 =	vsel vm6, $0x1080, v16;
	v17 =	vsel vm6, $0x1100, v17  }
0x94: {  	v9 =	vsel vm5, $0x980, v9;
	v11 =	vsel vm4, $0xB00, v11;
	[tilespmem:$0x1F8A0] =	vst v1;
	v1 =	vcombine.low v12, v13  }
0x95: {  	v0 =	vunpack.c.0.s8.s32 v0;
	v2 =	vunpack.c.0.s8.s32 v2;
	v10 =	vsel vm3, $0x900, v10  }
0x96: {  	v12 =	vimm.s32 $0x980;
	v13 =	vimm.s32 $0xA00;
	v16 =	vsel vm5, $0x1100, v16  }
0x97: {  	v17 =	vsel vm5, $0x1180, v17;
	v9 =	vsel vm4, $0xA00, v9;
	v11 =	vsel vm2, $0xB80, v11  }
0x98: {  	v12 =	vsel vm3, $0xA00, v12;
	v13 =	vsel vm3, $0xA80, v13;
	v10 =	vsel vm6, $0x980, v10  }
0x99: {  	v16 =	vsel vm4, $0x1180, v16;
	v17 =	vsel vm4, $0x1200, v17;
	v9 =	vsel vm2, $0xA80, v9  }
0x9a: {  	v11 =	vsel vm1, $0x0, v11;
	v1 =	vand.u32 $0xF, v1;
	v5 =	vsel vm0, v2, v0  }
0x9b: {  	v2 =	vsel vm0, v3, v2;
	v0 =	vsel vm0, v0, v4;
	v12 =	vsel vm6, $0xA80, v12  }
0x9c: {  	v13 =	vsel vm6, $0xB00, v13;
	v10 =	vsel vm5, $0xA00, v10;
	v16 =	vsel vm2, $0x1200, v16;
	[tilespmem:$0x1F900] =	vst v1  }
0x9d: {  	v17 =	vsel vm2, $0x1280, v17;
	v9 =	vsel vm1, $0xB00, v9;
	v1 =	vcombine.low v14, v15;
	[tilespmem:$0x1FE40] =	vst v5  }
0x9e: {  	v5 =	vsel vm0, v4, v3;
	[tilespmem:$0x1FF80] =	vst v2;
	v2 =	vimm.s32 $0x80;
	v3 =	vimm.s32 $0x100  }
0x9f: {  	v4 =	vimm.s32 $0x180;
	v14 =	vimm.s32 $0xA80;
	v15 =	vimm.s32 $0xB00  }
0xa0: {  	v12 =	vsel vm5, $0xB00, v12;
	v13 =	vsel vm5, $0xB80, v13;
	v10 =	vsel vm4, $0xA80, v10  }
0xa1: {  	v16 =	vsel vm1, $0x1280, v16;
	v17 =	vsel vm1, $0x1300, v17;
	[tilespmem:$0x1FE50] =	vst v5;
	v5 =	vimm.s32 $0x15141312  }
0xa2: {  	v2 =	vsel vm3, $0x100, v2;
	v3 =	vsel vm3, $0x180, v3;
	v4 =	vsel vm3, $0x200, v4  }
0xa3: {  	v14 =	vsel vm3, $0xB00, v14;
	v15 =	vsel vm3, $0xB80, v15;
	v12 =	vsel vm4, $0xB80, v12  }
0xa4: {  	v13 =	vsel vm4, $0x0, v13;
	v10 =	vsel vm2, $0xB00, v10;
	v1 =	vand.u32 $0xF, v1  }
0xa5: {  	v2 =	vsel vm6, $0x180, v2;
	v3 =	vsel vm6, $0x200, v3;
	[tilespmem:$0x1F920] =	vst v1;
	v1 =	vimm.s32 $0x1D1C1B1A  }
0xa6: {  	v4 =	vsel vm6, $0x280, v4;
	v14 =	vsel vm6, $0xB80, v14;
	v1 =	vunpack.c.0.s8.s32 v1  }
0xa7: {  	v15 =	vsel vm6, $0x0, v15;
	v12 =	vsel vm2, $0x0, v12;
	v13 =	vsel vm2, $0x80, v13  }
0xa8: {  	v10 =	vsel vm1, $0xB80, v10;
	v2 =	vsel vm5, $0x200, v2;
	[tilespmem:$0x1FE60] =	vst v1;
	v1 =	vimm.s32 $0x11101F1E  }
0xa9: {  	v3 =	vsel vm5, $0x280, v3;
	v4 =	vsel vm5, $0x300, v4;
	v1 =	vunpack.c.0.s8.s32 v1  }
0xaa: {  	v14 =	vsel vm5, $0x0, v14;
	v15 =	vsel vm5, $0x80, v15;
	v12 =	vsel vm1, $0x80, v12  }
0xab: {  	v13 =	vsel vm1, $0x100, v13;
	v2 =	vsel vm4, $0x280, v2;
	[tilespmem:$0x1FE70] =	vst v1;
	v1 =	vunpack.c.0.s8.s32 v5  }
0xac: {  	v3 =	vsel vm4, $0x300, v3;
	v4 =	vsel vm4, $0x380, v4;
	v14 =	vsel vm4, $0x80, v14  }
0xad: {  	v15 =	vsel vm4, $0x100, v15;
	v2 =	vsel vm2, $0x300, v2;
	[tilespmem:$0x1FE80] =	vst v1;
	v1 =	vunpack.c.0.s8.s32 v6  }
0xae: {  	v3 =	vsel vm2, $0x380, v3;
	v4 =	vsel vm2, $0x800, v4;
	v14 =	vsel vm2, $0x100, v14  }
0xaf: {  	v15 =	vsel vm2, $0x180, v15;
	v2 =	vsel vm1, $0x380, v2;
	[tilespmem:$0x1FE90] =	vst v1;
	v1 =	vimm.s32 $0x1E1D1C1B  }
0xb0: {  	v3 =	vsel vm1, $0x800, v3;
	v6 =	vimm.s32 $0x280;
	v1 =	vunpack.c.0.s8.s32 v1  }
0xb1: {  	v4 =	vsel vm1, $0x880, v4;
	v5 =	vimm.s32 $0xB80;
	v6 =	vsel vm3, $0x300, v6  }
0xb2: {  	v14 =	vsel vm1, $0x180, v14;
	v6 =	vsel vm6, $0x380, v6;
	[tilespmem:$0x1FEC0] =	vst v1;
	v1 =	vsel vm3, $0x0, v5  }
0xb3: {  	v6 =	vsel vm5, $0x800, v6;
	v5 =	vimm.s32 $0x1211101F;
	v1 =	vsel vm6, $0x80, v1  }
0xb4: {  	v6 =	vsel vm4, $0x880, v6;
	v5 =	vunpack.c.0.s8.s32 v5;
	v1 =	vsel vm5, $0x100, v1  }
0xb5: {  	[tilespmem:$0x1FF90] =	vst v0;
	v15 =	vsel vm1, $0x200, v15;
	v6 =	vsel vm2, $0x900, v6;
	v1 =	vsel vm4, $0x180, v1  }
0xb6: {  	v6 =	vsel vm1, $0x980, v6;
	[tilespmem:$0x1FED0] =	vst v5;
	v5 =	vimm.s32 $0x200;
	v0 =	vsel vm2, $0x200, v1  }
0xb7: {  	v1 =	vimm.s32 $0x0;
	v5 =	vsel vm3, $0x280, v5;
	v0 =	vsel vm1, $0x280, v0  }
0xb8: {  	v1 =	vsel vm3, $0x80, v1;
	vm3 =	vcmask $0x1B18;
	v5 =	vsel vm6, $0x300, v5  }
0xb9: {  	[tilespmem:$0x1F700] =	vst v0;
	v1 =	vsel vm6, $0x100, v1;
	v0 =	vimm.s32 $0x16151413;
	v5 =	vsel vm5, $0x380, v5  }
0xba: {  	v2 =	vsel vm3, $0x800, v2;
	v3 =	vsel vm3, $0x880, v3;
	v4 =	vsel vm3, $0x900, v4  }
0xbb: {  	v6 =	vsel vm3, $0xA00, v6;
	v7 =	vsel vm3, $0xA80, v7;
	v8 =	vsel vm3, $0xB00, v8  }
0xbc: {  	v9 =	vsel vm3, $0xB80, v9;
	v10 =	vsel vm3, $0x0, v10;
	v11 =	vsel vm3, $0x80, v11  }
0xbd: {  	v12 =	vsel vm3, $0x100, v12;
	v13 =	vsel vm3, $0x180, v13;
	v14 =	vsel vm3, $0x200, v14  }
0xbe: {  	v15 =	vsel vm3, $0x280, v15;
	v16 =	vsel vm3, $0x1300, v16;
	v17 =	vsel vm3, $0x1380, v17  }
0xbf: {  	v18 =	vsel vm3, $0x1800, v18;
	v19 =	vsel vm3, $0x1880, v19;
	v20 =	vsel vm3, $0x1900, v20  }
0xc0: {  	v21 =	vsel vm3, $0x1980, v21;
	v22 =	vsel vm3, $0x1A00, v22;
	v23 =	vsel vm3, $0x1A80, v23  }
0xc1: {  	v24 =	vsel vm3, $0x1B00, v24;
	v25 =	vsel vm3, $0x1B80, v25;
	v26 =	vsel vm3, $0x1000, v26  }
0xc2: {  	v27 =	vsel vm3, $0x1080, v27;
	v28 =	vsel vm3, $0x1100, v28;
	v29 =	vsel vm3, $0x1180, v29  }
0xc3: {  	v30 =	vsel vm3, $0x1200, v30;
	v31 =	vsel vm3, $0x1280, v31;
	v32 =	vsel vm3, $0x2300, v32  }
0xc4: {  	v33 =	vsel vm3, $0x2380, v33;
	v34 =	vsel vm3, $0x2800, v34;
	v35 =	vsel vm3, $0x2880, v35  }
0xc5: {  	v36 =	vsel vm3, $0x2900, v36;
	v37 =	vsel vm3, $0x2980, v37;
	v38 =	vsel vm3, $0x2A00, v38  }
0xc6: {  	v39 =	vsel vm3, $0x2A80, v39;
	v40 =	vsel vm3, $0x2B00, v40;
	v41 =	vsel vm3, $0x2B80, v41  }
0xc7: {  	v42 =	vsel vm3, $0x2000, v42;
	v43 =	vsel vm3, $0x2080, v43;
	v44 =	vsel vm3, $0x2100, v44  }
0xc8: {  	v45 =	vsel vm3, $0x2180, v45;
	v46 =	vsel vm3, $0x2200, v46;
	v47 =	vsel vm3, $0x2280, v47  }
0xc9: {  	v48 =	vsel vm3, $0x3300, v48;
	v49 =	vsel vm3, $0x3380, v49;
	v50 =	vsel vm3, $0x3800, v50  }
0xca: {  	v51 =	vsel vm3, $0x3880, v51;
	v52 =	vsel vm3, $0x3900, v52;
	v53 =	vsel vm3, $0x3980, v53  }
0xcb: {  	v54 =	vsel vm3, $0x3A00, v54;
	v55 =	vsel vm3, $0x3A80, v55;
	v56 =	vsel vm3, $0x3B00, v56  }
0xcc: {  	v57 =	vsel vm3, $0x3B80, v57;
	v58 =	vsel vm3, $0x3000, v58;
	v59 =	vsel vm3, $0x3080, v59  }
0xcd: {  	v60 =	vsel vm3, $0x3100, v60;
	v61 =	vsel vm3, $0x3180, v61;
	v62 =	vsel vm3, $0x3200, v62  }
0xce: {  	v63 =	vsel vm3, $0x3280, v63;
	v0 =	vunpack.c.0.s8.s32 v0;
	v1 =	vsel vm5, $0x180, v1  }
0xcf: {  	v5 =	vsel vm4, $0x800, v5;
	v2 =	vsel vm14, $0x880, v2;
	v3 =	vsel vm14, $0x900, v3  }
0xd0: {  	v4 =	vsel vm14, $0x980, v4;
	v6 =	vsel vm14, $0xA80, v6;
	v7 =	vsel vm14, $0xB00, v7  }
0xd1: {  	v8 =	vsel vm14, $0xB80, v8;
	v9 =	vsel vm14, $0x0, v9;
	v10 =	vsel vm14, $0x80, v10  }
0xd2: {  	v11 =	vsel vm14, $0x100, v11;
	v12 =	vsel vm14, $0x180, v12;
	v13 =	vsel vm14, $0x200, v13  }
0xd3: {  	v14 =	vsel vm14, $0x280, v14;
	v15 =	vsel vm14, $0x300, v15;
	v16 =	vsel vm14, $0x1380, v16  }
0xd4: {  	v17 =	vsel vm14, $0x1800, v17;
	v18 =	vsel vm14, $0x1880, v18;
	v19 =	vsel vm14, $0x1900, v19  }
0xd5: {  	v20 =	vsel vm14, $0x1980, v20;
	v21 =	vsel vm14, $0x1A00, v21;
	v22 =	vsel vm14, $0x1A80, v22  }
0xd6: {  	v23 =	vsel vm14, $0x1B00, v23;
	v24 =	vsel vm14, $0x1B80, v24;
	v25 =	vsel vm14, $0x1000, v25  }
0xd7: {  	v26 =	vsel vm14, $0x1080, v26;
	v27 =	vsel vm14, $0x1100, v27;
	v28 =	vsel vm14, $0x1180, v28  }
0xd8: {  	v29 =	vsel vm14, $0x1200, v29;
	v30 =	vsel vm14, $0x1280, v30;
	v31 =	vsel vm14, $0x1300, v31  }
0xd9: {  	v32 =	vsel vm14, $0x2380, v32;
	v33 =	vsel vm14, $0x2800, v33;
	v34 =	vsel vm14, $0x2880, v34  }
0xda: {  	v35 =	vsel vm14, $0x2900, v35;
	v36 =	vsel vm14, $0x2980, v36;
	v37 =	vsel vm14, $0x2A00, v37  }
0xdb: {  	v38 =	vsel vm14, $0x2A80, v38;
	v39 =	vsel vm14, $0x2B00, v39;
	v40 =	vsel vm14, $0x2B80, v40  }
0xdc: {  	v41 =	vsel vm14, $0x2000, v41;
	v42 =	vsel vm14, $0x2080, v42;
	v43 =	vsel vm14, $0x2100, v43  }
0xdd: {  	v44 =	vsel vm14, $0x2180, v44;
	v45 =	vsel vm14, $0x2200, v45;
	v46 =	vsel vm14, $0x2280, v46  }
0xde: {  	v47 =	vsel vm14, $0x2300, v47;
	v48 =	vsel vm14, $0x3380, v48;
	v49 =	vsel vm14, $0x3800, v49  }
0xdf: {  	v50 =	vsel vm14, $0x3880, v50;
	v51 =	vsel vm14, $0x3900, v51;
	v52 =	vsel vm14, $0x3980, v52  }
0xe0: {  	v53 =	vsel vm14, $0x3A00, v53;
	v54 =	vsel vm14, $0x3A80, v54;
	v55 =	vsel vm14, $0x3B00, v55  }
0xe1: {  	v56 =	vsel vm14, $0x3B80, v56;
	v57 =	vsel vm14, $0x3000, v57;
	v58 =	vsel vm14, $0x3080, v58  }
0xe2: {  	v59 =	vsel vm14, $0x3100, v59;
	v60 =	vsel vm14, $0x3180, v60;
	v61 =	vsel vm14, $0x3200, v61  }
0xe3: {  	v62 =	vsel vm14, $0x3280, v62;
	v63 =	vsel vm14, $0x3300, v63;
	v1 =	vsel vm4, $0x200, v1  }
0xe4: {  	v5 =	vsel vm2, $0x880, v5;
	v2 =	vsel vm15, $0x900, v2;
	v3 =	vsel vm15, $0x980, v3  }
0xe5: {  	v4 =	vsel vm15, $0xA00, v4;
	v6 =	vsel vm15, $0xB00, v6;
	v7 =	vsel vm15, $0xB80, v7  }
0xe6: {  	v8 =	vsel vm15, $0x0, v8;
	v9 =	vsel vm15, $0x80, v9;
	v10 =	vsel vm15, $0x100, v10  }
0xe7: {  	v11 =	vsel vm15, $0x180, v11;
	v12 =	vsel vm15, $0x200, v12;
	v13 =	vsel vm15, $0x280, v13  }
0xe8: {  	v14 =	vsel vm15, $0x300, v14;
	v15 =	vsel vm15, $0x380, v15;
	v16 =	vsel vm15, $0x1800, v16  }
0xe9: {  	v17 =	vsel vm15, $0x1880, v17;
	v18 =	vsel vm15, $0x1900, v18;
	v19 =	vsel vm15, $0x1980, v19  }
0xea: {  	v20 =	vsel vm15, $0x1A00, v20;
	v21 =	vsel vm15, $0x1A80, v21;
	v22 =	vsel vm15, $0x1B00, v22  }
0xeb: {  	v23 =	vsel vm15, $0x1B80, v23;
	v24 =	vsel vm15, $0x1000, v24;
	v25 =	vsel vm15, $0x1080, v25  }
0xec: {  	v26 =	vsel vm15, $0x1100, v26;
	v27 =	vsel vm15, $0x1180, v27;
	v28 =	vsel vm15, $0x1200, v28  }
0xed: {  	v29 =	vsel vm15, $0x1280, v29;
	v30 =	vsel vm15, $0x1300, v30;
	v31 =	vsel vm15, $0x1380, v31  }
0xee: {  	v32 =	vsel vm15, $0x2800, v32;
	v33 =	vsel vm15, $0x2880, v33;
	v34 =	vsel vm15, $0x2900, v34  }
0xef: {  	v35 =	vsel vm15, $0x2980, v35;
	v36 =	vsel vm15, $0x2A00, v36;
	v37 =	vsel vm15, $0x2A80, v37  }
0xf0: {  	v38 =	vsel vm15, $0x2B00, v38;
	v39 =	vsel vm15, $0x2B80, v39;
	v40 =	vsel vm15, $0x2000, v40  }
0xf1: {  	v41 =	vsel vm15, $0x2080, v41;
	v42 =	vsel vm15, $0x2100, v42;
	v43 =	vsel vm15, $0x2180, v43  }
0xf2: {  	v44 =	vsel vm15, $0x2200, v44;
	v45 =	vsel vm15, $0x2280, v45;
	v46 =	vsel vm15, $0x2300, v46  }
0xf3: {  	v47 =	vsel vm15, $0x2380, v47;
	v48 =	vsel vm15, $0x3800, v48;
	v49 =	vsel vm15, $0x3880, v49  }
0xf4: {  	v50 =	vsel vm15, $0x3900, v50;
	v51 =	vsel vm15, $0x3980, v51;
	v52 =	vsel vm15, $0x3A00, v52  }
0xf5: {  	v53 =	vsel vm15, $0x3A80, v53;
	v54 =	vsel vm15, $0x3B00, v54;
	v55 =	vsel vm15, $0x3B80, v55  }
0xf6: {  	v56 =	vsel vm15, $0x3000, v56;
	v57 =	vsel vm15, $0x3080, v57;
	v58 =	vsel vm15, $0x3100, v58  }
0xf7: {  	v59 =	vsel vm15, $0x3180, v59;
	v60 =	vsel vm15, $0x3200, v60;
	v61 =	vsel vm15, $0x3280, v61  }
0xf8: {  	v62 =	vsel vm15, $0x3300, v62;
	v63 =	vsel vm15, $0x3380, v63;
	v1 =	vsel vm2, $0x280, v1  }
0xf9: {  	v5 =	vsel vm1, $0x900, v5;
	vm2 =	vcmask $0x2B28;
	v1 =	vsel vm1, $0x300, v1  }
0xfa: {  	vm1 =	vcmask $0x2724;
	v5 =	vsel vm3, $0x980, v5;
	v1 =	vsel vm3, $0x380, v1  }
0xfb: {  	v5 =	vsel vm14, $0xA00, v5;
	v2 =	vsel vm1, $0x980, v2;
	v3 =	vsel vm1, $0xA00, v3  }
0xfc: {  	v4 =	vsel vm1, $0xA80, v4;
	v6 =	vsel vm1, $0xB80, v6;
	v7 =	vsel vm1, $0x0, v7  }
0xfd: {  	v8 =	vsel vm1, $0x80, v8;
	v9 =	vsel vm1, $0x100, v9;
	v10 =	vsel vm1, $0x180, v10  }
0xfe: {  	v11 =	vsel vm1, $0x200, v11;
	v12 =	vsel vm1, $0x280, v12;
	v13 =	vsel vm1, $0x300, v13  }
0xff: {  	v14 =	vsel vm1, $0x380, v14;
	v15 =	vsel vm1, $0x800, v15;
	v16 =	vsel vm1, $0x1880, v16  }
0x100: {  	v17 =	vsel vm1, $0x1900, v17;
	v18 =	vsel vm1, $0x1980, v18;
	v19 =	vsel vm1, $0x1A00, v19  }
0x101: {  	v20 =	vsel vm1, $0x1A80, v20;
	v21 =	vsel vm1, $0x1B00, v21;
	v22 =	vsel vm1, $0x1B80, v22  }
0x102: {  	v23 =	vsel vm1, $0x1000, v23;
	v24 =	vsel vm1, $0x1080, v24;
	v25 =	vsel vm1, $0x1100, v25  }
0x103: {  	v26 =	vsel vm1, $0x1180, v26;
	v27 =	vsel vm1, $0x1200, v27;
	v28 =	vsel vm1, $0x1280, v28  }
0x104: {  	v29 =	vsel vm1, $0x1300, v29;
	v30 =	vsel vm1, $0x1380, v30;
	v31 =	vsel vm1, $0x1800, v31  }
0x105: {  	v32 =	vsel vm1, $0x2880, v32;
	v33 =	vsel vm1, $0x2900, v33;
	v34 =	vsel vm1, $0x2980, v34  }
0x106: {  	v35 =	vsel vm1, $0x2A00, v35;
	v36 =	vsel vm1, $0x2A80, v36;
	v37 =	vsel vm1, $0x2B00, v37  }
0x107: {  	v38 =	vsel vm1, $0x2B80, v38;
	v39 =	vsel vm1, $0x2000, v39;
	v40 =	vsel vm1, $0x2080, v40  }
0x108: {  	v41 =	vsel vm1, $0x2100, v41;
	v42 =	vsel vm1, $0x2180, v42;
	v43 =	vsel vm1, $0x2200, v43  }
0x109: {  	v44 =	vsel vm1, $0x2280, v44;
	v45 =	vsel vm1, $0x2300, v45;
	v46 =	vsel vm1, $0x2380, v46  }
0x10a: {  	v47 =	vsel vm1, $0x2800, v47;
	v48 =	vsel vm1, $0x3880, v48;
	v49 =	vsel vm1, $0x3900, v49  }
0x10b: {  	v50 =	vsel vm1, $0x3980, v50;
	v51 =	vsel vm1, $0x3A00, v51;
	v52 =	vsel vm1, $0x3A80, v52  }
0x10c: {  	v53 =	vsel vm1, $0x3B00, v53;
	v54 =	vsel vm1, $0x3B80, v54;
	v55 =	vsel vm1, $0x3000, v55  }
0x10d: {  	v56 =	vsel vm1, $0x3080, v56;
	v57 =	vsel vm1, $0x3100, v57;
	v58 =	vsel vm1, $0x3180, v58  }
0x10e: {  	v59 =	vsel vm1, $0x3200, v59;
	v60 =	vsel vm1, $0x3280, v60;
	v61 =	vsel vm1, $0x3300, v61  }
0x10f: {  	v62 =	vsel vm1, $0x3380, v62;
	v63 =	vsel vm1, $0x3800, v63;
	v1 =	vsel vm14, $0x800, v1  }
0x110: {  	v5 =	vsel vm15, $0xA80, v5;
	v2 =	vsel vm2, $0xA00, v2;
	v3 =	vsel vm2, $0xA80, v3  }
0x111: {  	v4 =	vsel vm2, $0xB00, v4;
	v6 =	vsel vm2, $0x0, v6;
	v7 =	vsel vm2, $0x80, v7  }
0x112: {  	v8 =	vsel vm2, $0x100, v8;
	v9 =	vsel vm2, $0x180, v9;
	v10 =	vsel vm2, $0x200, v10  }
0x113: {  	v11 =	vsel vm2, $0x280, v11;
	v12 =	vsel vm2, $0x300, v12;
	v13 =	vsel vm2, $0x380, v13  }
0x114: {  	v14 =	vsel vm2, $0x800, v14;
	v15 =	vsel vm2, $0x880, v15;
	v16 =	vsel vm2, $0x1900, v16  }
0x115: {  	v17 =	vsel vm2, $0x1980, v17;
	v18 =	vsel vm2, $0x1A00, v18;
	v19 =	vsel vm2, $0x1A80, v19  }
0x116: {  	v20 =	vsel vm2, $0x1B00, v20;
	v21 =	vsel vm2, $0x1B80, v21;
	v22 =	vsel vm2, $0x1000, v22  }
0x117: {  	v23 =	vsel vm2, $0x1080, v23;
	v24 =	vsel vm2, $0x1100, v24;
	v25 =	vsel vm2, $0x1180, v25  }
0x118: {  	v26 =	vsel vm2, $0x1200, v26;
	v27 =	vsel vm2, $0x1280, v27;
	v28 =	vsel vm2, $0x1300, v28  }
0x119: {  	v29 =	vsel vm2, $0x1380, v29;
	v30 =	vsel vm2, $0x1800, v30;
	v31 =	vsel vm2, $0x1880, v31  }
0x11a: {  	v32 =	vsel vm2, $0x2900, v32;
	v33 =	vsel vm2, $0x2980, v33;
	v34 =	vsel vm2, $0x2A00, v34  }
0x11b: {  	v35 =	vsel vm2, $0x2A80, v35;
	v36 =	vsel vm2, $0x2B00, v36;
	v37 =	vsel vm2, $0x2B80, v37  }
0x11c: {  	v38 =	vsel vm2, $0x2000, v38;
	v39 =	vsel vm2, $0x2080, v39;
	v40 =	vsel vm2, $0x2100, v40  }
0x11d: {  	v41 =	vsel vm2, $0x2180, v41;
	v42 =	vsel vm2, $0x2200, v42;
	v43 =	vsel vm2, $0x2280, v43  }
0x11e: {  	v44 =	vsel vm2, $0x2300, v44;
	v45 =	vsel vm2, $0x2380, v45;
	v46 =	vsel vm2, $0x2800, v46  }
0x11f: {  	v47 =	vsel vm2, $0x2880, v47;
	v48 =	vsel vm2, $0x3900, v48;
	v49 =	vsel vm2, $0x3980, v49  }
0x120: {  	[tilespmem:$0x1FEE0] =	vst v0;
	v0 =	vld [tilespmem:$0x1F700];
	v50 =	vsel vm2, $0x3A00, v50;
	v51 =	vsel vm2, $0x3A80, v51;
	v52 =	vsel vm2, $0x3B00, v52  }
0x121: {  	v53 =	vsel vm2, $0x3B80, v53;
	v54 =	vsel vm2, $0x3000, v54;
	v55 =	vsel vm2, $0x3080, v55  }
0x122: {  	v56 =	vsel vm2, $0x3100, v56;
	v57 =	vsel vm2, $0x3180, v57;
	v58 =	vsel vm2, $0x3200, v58  }
0x123: {  	v59 =	vsel vm2, $0x3280, v59;
	v60 =	vsel vm2, $0x3300, v60;
	v61 =	vsel vm2, $0x3380, v61  }
0x124: {  	v62 =	vsel vm2, $0x3800, v62;
	v63 =	vsel vm2, $0x3880, v63;
	v1 =	vsel vm15, $0x880, v1  }
0x125: {  	v5 =	vsel vm1, $0xB00, v5;
	v0 =	vsel vm3, $0x300, v0;
	vm3 =	vcmask $0x2F2C  }
0x126: {  	v1 =	vsel vm1, $0x900, v1;
	v5 =	vsel vm2, $0xB80, v5;
	v0 =	vsel vm14, $0x380, v0  }
0x127: {  	v1 =	vsel vm2, $0x980, v1;
	v2 =	vsel vm3, $0xA80, v2;
	v3 =	vsel vm3, $0xB00, v3  }
0x128: {  	v4 =	vsel vm3, $0xB80, v4;
	v5 =	vsel vm3, $0x0, v5;
	v6 =	vsel vm3, $0x80, v6  }
0x129: {  	v7 =	vsel vm3, $0x100, v7;
	v8 =	vsel vm3, $0x180, v8;
	v9 =	vsel vm3, $0x200, v9  }
0x12a: {  	v10 =	vsel vm3, $0x280, v10;
	v11 =	vsel vm3, $0x300, v11;
	v12 =	vsel vm3, $0x380, v12  }
0x12b: {  	v13 =	vsel vm3, $0x800, v13;
	v14 =	vsel vm3, $0x880, v14;
	v15 =	vsel vm3, $0x900, v15  }
0x12c: {  	v16 =	vsel vm3, $0x1980, v16;
	v17 =	vsel vm3, $0x1A00, v17;
	v18 =	vsel vm3, $0x1A80, v18  }
0x12d: {  	v19 =	vsel vm3, $0x1B00, v19;
	v20 =	vsel vm3, $0x1B80, v20;
	v21 =	vsel vm3, $0x1000, v21  }
0x12e: {  	v22 =	vsel vm3, $0x1080, v22;
	v23 =	vsel vm3, $0x1100, v23;
	v24 =	vsel vm3, $0x1180, v24  }
0x12f: {  	v25 =	vsel vm3, $0x1200, v25;
	v26 =	vsel vm3, $0x1280, v26;
	v27 =	vsel vm3, $0x1300, v27  }
0x130: {  	v28 =	vsel vm3, $0x1380, v28;
	v29 =	vsel vm3, $0x1800, v29;
	v30 =	vsel vm3, $0x1880, v30  }
0x131: {  	v31 =	vsel vm3, $0x1900, v31;
	v32 =	vsel vm3, $0x2980, v32;
	[tilespmem:$0x1F710] =	vst v0;
	v0 =	vimm.s32 $0x1A191817  }
0x132: {  	v33 =	vsel vm3, $0x2A00, v33;
	v34 =	vsel vm3, $0x2A80, v34;
	v0 =	vunpack.c.0.s8.s32 v0  }
0x133: {  	v35 =	vsel vm3, $0x2B00, v35;
	v36 =	vsel vm3, $0x2B80, v36;
	v37 =	vsel vm3, $0x2000, v37  }
0x134: {  	v38 =	vsel vm3, $0x2080, v38;
	v39 =	vsel vm3, $0x2100, v39;
	v40 =	vsel vm3, $0x2180, v40;
	[tilespmem:$0x1FEF0] =	vst v0;
	v0 =	vld [tilespmem:$0x1F710]  }
0x135: {  	v41 =	vsel vm3, $0x2200, v41;
	v42 =	vsel vm3, $0x2280, v42;
	v43 =	vsel vm3, $0x2300, v43  }
0x136: {  	v44 =	vsel vm3, $0x2380, v44;
	v45 =	vsel vm3, $0x2800, v45;
	v46 =	vsel vm3, $0x2880, v46  }
0x137: {  	v47 =	vsel vm3, $0x2900, v47;
	v48 =	vsel vm3, $0x3980, v48;
	v49 =	vsel vm3, $0x3A00, v49  }
0x138: {  	v50 =	vsel vm3, $0x3A80, v50;
	v51 =	vsel vm3, $0x3B00, v51;
	v52 =	vsel vm3, $0x3B80, v52  }
0x139: {  	v53 =	vsel vm3, $0x3000, v53;
	v54 =	vsel vm3, $0x3080, v54;
	v0 =	vsel vm15, $0x800, v0  }
0x13a: {  	v55 =	vsel vm3, $0x3100, v55;
	v56 =	vsel vm3, $0x3180, v56;
	v0 =	vsel vm1, $0x880, v0  }
0x13b: {  	v57 =	vsel vm3, $0x3200, v57;
	v58 =	vsel vm3, $0x3280, v58;
	[tilespmem:$0x1F720] =	vst v0;
	v0 =	vimm.s32 $0x1F1E1D1C  }
0x13c: {  	v59 =	vsel vm3, $0x3300, v59;
	v60 =	vsel vm3, $0x3380, v60;
	v0 =	vunpack.c.0.s8.s32 v0  }
0x13d: {  	v61 =	vsel vm3, $0x3800, v61;
	v1 =	vsel vm3, $0xA00, v1;
	vm1 =	vcmask $0x3330  }
0x13e: {  	v62 =	vsel vm3, $0x3880, v62;
	v63 =	vsel vm3, $0x3900, v63;
	v1 =	vsel vm1, $0xA80, v1;
	[tilespmem:$0x1FF20] =	vst v0;
	v0 =	vld [tilespmem:$0x1F720]  }
0x13f: {  	v2 =	vsel vm1, $0xB00, v2;
	v3 =	vsel vm1, $0xB80, v3;
	v4 =	vsel vm1, $0x0, v4  }
0x140: {  	v5 =	vsel vm1, $0x80, v5;
	v6 =	vsel vm1, $0x100, v6;
	v7 =	vsel vm1, $0x180, v7  }
0x141: {  	v8 =	vsel vm1, $0x200, v8;
	v9 =	vsel vm1, $0x280, v9;
	v10 =	vsel vm1, $0x300, v10  }
0x142: {  	v11 =	vsel vm1, $0x380, v11;
	v12 =	vsel vm1, $0x800, v12;
	v13 =	vsel vm1, $0x880, v13  }
0x143: {  	v14 =	vsel vm1, $0x900, v14;
	v15 =	vsel vm1, $0x980, v15;
	v0 =	vsel vm2, $0x900, v0  }
0x144: {  	v16 =	vsel vm1, $0x1A00, v16;
	v17 =	vsel vm1, $0x1A80, v17;
	v0 =	vsel vm3, $0x980, v0  }
0x145: {  	v18 =	vsel vm1, $0x1B00, v18;
	v19 =	vsel vm1, $0x1B80, v19;
	[tilespmem:$0x1F730] =	vst v0;
	v0 =	vimm.s32 $0x13121110  }
0x146: {  	v20 =	vsel vm1, $0x1000, v20;
	v21 =	vsel vm1, $0x1080, v21;
	v0 =	vunpack.c.0.s8.s32 v0  }
0x147: {  	v22 =	vsel vm1, $0x1100, v22;
	v23 =	vsel vm1, $0x1180, v23;
	v24 =	vsel vm1, $0x1200, v24  }
0x148: {  	v25 =	vsel vm1, $0x1280, v25;
	v26 =	vsel vm1, $0x1300, v26;
	v27 =	vsel vm1, $0x1380, v27;
	[tilespmem:$0x1FF30] =	vst v0;
	v0 =	vld [tilespmem:$0x1F730]  }
0x149: {  	v28 =	vsel vm1, $0x1800, v28;
	v29 =	vsel vm1, $0x1880, v29;
	v30 =	vsel vm1, $0x1900, v30  }
0x14a: {  	v31 =	vsel vm1, $0x1980, v31;
	v32 =	vsel vm1, $0x2A00, v32;
	v33 =	vsel vm1, $0x2A80, v33  }
0x14b: {  	v34 =	vsel vm1, $0x2B00, v34;
	v35 =	vsel vm1, $0x2B80, v35;
	v36 =	vsel vm1, $0x2000, v36  }
0x14c: {  	v37 =	vsel vm1, $0x2080, v37;
	v38 =	vsel vm1, $0x2100, v38;
	v39 =	vsel vm1, $0x2180, v39  }
0x14d: {  	v40 =	vsel vm1, $0x2200, v40;
	vm2 =	vcmask $0x3734;
	v0 =	vsel vm1, $0xA00, v0  }
0x14e: {  	v41 =	vsel vm1, $0x2280, v41;
	v42 =	vsel vm1, $0x2300, v42;
	v0 =	vsel vm2, $0xA80, v0  }
0x14f: {  	v43 =	vsel vm1, $0x2380, v43;
	v44 =	vsel vm1, $0x2800, v44;
	[tilespmem:$0x1F740] =	vst v0;
	v0 =	vimm.s32 $0x17161514  }
0x150: {  	v45 =	vsel vm1, $0x2880, v45;
	v46 =	vsel vm1, $0x2900, v46;
	v0 =	vunpack.c.0.s8.s32 v0  }
0x151: {  	v47 =	vsel vm1, $0x2980, v47;
	v48 =	vsel vm1, $0x3A00, v48;
	v49 =	vsel vm1, $0x3A80, v49  }
0x152: {  	v50 =	vsel vm1, $0x3B00, v50;
	v51 =	vsel vm1, $0x3B80, v51;
	v52 =	vsel vm1, $0x3000, v52;
	[tilespmem:$0x1FF40] =	vst v0;
	v0 =	vld [tilespmem:$0x1F740]  }
0x153: {  	v53 =	vsel vm1, $0x3080, v53;
	v54 =	vsel vm1, $0x3100, v54;
	v55 =	vsel vm1, $0x3180, v55  }
0x154: {  	v56 =	vsel vm1, $0x3200, v56;
	v57 =	vsel vm1, $0x3280, v57;
	v58 =	vsel vm1, $0x3300, v58  }
0x155: {  	v59 =	vsel vm1, $0x3380, v59;
	v60 =	vsel vm1, $0x3800, v60;
	v61 =	vsel vm1, $0x3880, v61  }
0x156: {  	v62 =	vsel vm1, $0x3900, v62;
	v63 =	vsel vm1, $0x3980, v63;
	vm1 =	vcmask $0x3B38  }
0x157: {  	v1 =	vsel vm2, $0xB00, v1;
	v0 =	vsel vm1, $0xB00, v0  }
0x158: {  	v2 =	vsel vm2, $0xB80, v2;
	[tilespmem:$0x1F750] =	vst v0;
	v0 =	vsel vm1, $0xB80, v1  }
0x159: {  	v3 =	vsel vm2, $0x0, v3;
	[tilespmem:$0x1F760] =	vst v0;
	v0 =	vsel vm1, $0x0, v2  }
0x15a: {  	v4 =	vsel vm2, $0x80, v4;
	[tilespmem:$0x1F770] =	vst v0;
	v0 =	vsel vm1, $0x80, v3  }
0x15b: {  	v5 =	vsel vm2, $0x100, v5;
	[tilespmem:$0x1F790] =	vst v0;
	v0 =	vsel vm1, $0x100, v4  }
0x15c: {  	v6 =	vsel vm2, $0x180, v6;
	[tilespmem:$0x1F7B0] =	vst v0;
	v0 =	vsel vm1, $0x180, v5  }
0x15d: {  	v7 =	vsel vm2, $0x200, v7;
	[tilespmem:$0x1F7D0] =	vst v0;
	v0 =	vsel vm1, $0x200, v6  }
0x15e: {  	v8 =	vsel vm2, $0x280, v8;
	[tilespmem:$0x1F7F0] =	vst v0;
	v0 =	vsel vm1, $0x280, v7  }
0x15f: {  	v9 =	vsel vm2, $0x300, v9;
	[tilespmem:$0x1F810] =	vst v0;
	v0 =	vsel vm1, $0x300, v8  }
0x160: {  	v10 =	vsel vm2, $0x380, v10;
	[tilespmem:$0x1F830] =	vst v0;
	v0 =	vsel vm1, $0x380, v9  }
0x161: {  	v11 =	vsel vm2, $0x800, v11;
	[tilespmem:$0x1F850] =	vst v0;
	v0 =	vsel vm1, $0x800, v10  }
0x162: {  	v12 =	vsel vm2, $0x880, v12;
	[tilespmem:$0x1F870] =	vst v0;
	v0 =	vsel vm1, $0x880, v11  }
0x163: {  	v13 =	vsel vm2, $0x900, v13;
	[tilespmem:$0x1F890] =	vst v0;
	v0 =	vsel vm1, $0x900, v12  }
0x164: {  	v14 =	vsel vm2, $0x980, v14;
	[tilespmem:$0x1F8B0] =	vst v0;
	v0 =	vsel vm1, $0x980, v13  }
0x165: {  	v15 =	vsel vm2, $0xA00, v15;
	[tilespmem:$0x1F8D0] =	vst v0;
	v0 =	vsel vm1, $0xA00, v14  }
0x166: {  	v16 =	vsel vm2, $0x1A80, v16;
	[tilespmem:$0x1F8F0] =	vst v0;
	v0 =	vsel vm1, $0xA80, v15  }
0x167: {  	v17 =	vsel vm2, $0x1B00, v17;
	[tilespmem:$0x1F910] =	vst v0;
	v0 =	vsel vm1, $0x1B00, v16  }
0x168: {  	v18 =	vsel vm2, $0x1B80, v18;
	[tilespmem:$0x1F930] =	vst v0;
	v0 =	vsel vm1, $0x1B80, v17  }
0x169: {  	v19 =	vsel vm2, $0x1000, v19;
	[tilespmem:$0x1F940] =	vst v0;
	v0 =	vsel vm1, $0x1000, v18  }
0x16a: {  	v20 =	vsel vm2, $0x1080, v20;
	[tilespmem:$0x1F950] =	vst v0;
	v0 =	vsel vm1, $0x1080, v19  }
0x16b: {  	v21 =	vsel vm2, $0x1100, v21;
	[tilespmem:$0x1F960] =	vst v0;
	v0 =	vsel vm1, $0x1100, v20  }
0x16c: {  	v22 =	vsel vm2, $0x1180, v22;
	[tilespmem:$0x1F970] =	vst v0;
	v0 =	vsel vm1, $0x1180, v21  }
0x16d: {  	v23 =	vsel vm2, $0x1200, v23;
	[tilespmem:$0x1F980] =	vst v0;
	v0 =	vsel vm1, $0x1200, v22  }
0x16e: {  	v24 =	vsel vm2, $0x1280, v24;
	[tilespmem:$0x1F990] =	vst v0;
	v0 =	vsel vm1, $0x1280, v23  }
0x16f: {  	v25 =	vsel vm2, $0x1300, v25;
	[tilespmem:$0x1F9A0] =	vst v0;
	v0 =	vsel vm1, $0x1300, v24  }
0x170: {  	v26 =	vsel vm2, $0x1380, v26;
	[tilespmem:$0x1F9B0] =	vst v0;
	v0 =	vsel vm1, $0x1380, v25  }
0x171: {  	v27 =	vsel vm2, $0x1800, v27;
	[tilespmem:$0x1F9C0] =	vst v0;
	v0 =	vsel vm1, $0x1800, v26  }
0x172: {  	v28 =	vsel vm2, $0x1880, v28;
	[tilespmem:$0x1F9D0] =	vst v0;
	v0 =	vsel vm1, $0x1880, v27  }
0x173: {  	v29 =	vsel vm2, $0x1900, v29;
	[tilespmem:$0x1F9E0] =	vst v0;
	v0 =	vsel vm1, $0x1900, v28  }
0x174: {  	v30 =	vsel vm2, $0x1980, v30;
	[tilespmem:$0x1F9F0] =	vst v0;
	v0 =	vsel vm1, $0x1980, v29  }
0x175: {  	v31 =	vsel vm2, $0x1A00, v31;
	[tilespmem:$0x1FA00] =	vst v0;
	v0 =	vsel vm1, $0x1A00, v30  }
0x176: {  	v32 =	vsel vm2, $0x2A80, v32;
	[tilespmem:$0x1FA10] =	vst v0;
	v0 =	vsel vm1, $0x1A80, v31  }
0x177: {  	v33 =	vsel vm2, $0x2B00, v33;
	[tilespmem:$0x1FA20] =	vst v0;
	v0 =	vsel vm1, $0x2B00, v32  }
0x178: {  	v34 =	vsel vm2, $0x2B80, v34;
	[tilespmem:$0x1FA30] =	vst v0;
	v0 =	vsel vm1, $0x2B80, v33  }
0x179: {  	v35 =	vsel vm2, $0x2000, v35;
	[tilespmem:$0x1FA40] =	vst v0;
	v0 =	vsel vm1, $0x2000, v34  }
0x17a: {  	v36 =	vsel vm2, $0x2080, v36;
	[tilespmem:$0x1FA50] =	vst v0;
	v0 =	vsel vm1, $0x2080, v35  }
0x17b: {  	v37 =	vsel vm2, $0x2100, v37;
	[tilespmem:$0x1FA60] =	vst v0;
	v0 =	vsel vm1, $0x2100, v36  }
0x17c: {  	v38 =	vsel vm2, $0x2180, v38;
	[tilespmem:$0x1FA70] =	vst v0;
	v0 =	vsel vm1, $0x2180, v37  }
0x17d: {  	v39 =	vsel vm2, $0x2200, v39;
	[tilespmem:$0x1FA80] =	vst v0;
	v0 =	vsel vm1, $0x2200, v38  }
0x17e: {  	v40 =	vsel vm2, $0x2280, v40;
	[tilespmem:$0x1FA90] =	vst v0;
	v0 =	vsel vm1, $0x2280, v39  }
0x17f: {  	v41 =	vsel vm2, $0x2300, v41;
	[tilespmem:$0x1FAA0] =	vst v0;
	v0 =	vsel vm1, $0x2300, v40  }
0x180: {  	v42 =	vsel vm2, $0x2380, v42;
	[tilespmem:$0x1FAB0] =	vst v0;
	v0 =	vsel vm1, $0x2380, v41  }
0x181: {  	v43 =	vsel vm2, $0x2800, v43;
	[tilespmem:$0x1FAC0] =	vst v0;
	v0 =	vsel vm1, $0x2800, v42  }
0x182: {  	v44 =	vsel vm2, $0x2880, v44;
	[tilespmem:$0x1FAD0] =	vst v0;
	v0 =	vsel vm1, $0x2880, v43  }
0x183: {  	v45 =	vsel vm2, $0x2900, v45;
	[tilespmem:$0x1FAE0] =	vst v0;
	v0 =	vsel vm1, $0x2900, v44  }
0x184: {  	v46 =	vsel vm2, $0x2980, v46;
	[tilespmem:$0x1FAF0] =	vst v0;
	v0 =	vsel vm1, $0x2980, v45  }
0x185: {  	v47 =	vsel vm2, $0x2A00, v47;
	[tilespmem:$0x1FB00] =	vst v0;
	v0 =	vsel vm1, $0x2A00, v46  }
0x186: {  	v48 =	vsel vm2, $0x3A80, v48;
	[tilespmem:$0x1FB10] =	vst v0;
	v0 =	vsel vm1, $0x2A80, v47  }
0x187: {  	v49 =	vsel vm2, $0x3B00, v49;
	[tilespmem:$0x1FB20] =	vst v0;
	v0 =	vsel vm1, $0x3B00, v48  }
0x188: {  	v50 =	vsel vm2, $0x3B80, v50;
	[tilespmem:$0x1FB30] =	vst v0;
	v0 =	vsel vm1, $0x3B80, v49  }
0x189: {  	v51 =	vsel vm2, $0x3000, v51;
	[tilespmem:$0x1FB40] =	vst v0;
	v0 =	vsel vm1, $0x3000, v50  }
0x18a: {  	v52 =	vsel vm2, $0x3080, v52;
	[tilespmem:$0x1FB50] =	vst v0;
	v0 =	vsel vm1, $0x3080, v51  }
0x18b: {  	v53 =	vsel vm2, $0x3100, v53;
	[tilespmem:$0x1FB60] =	vst v0;
	v0 =	vsel vm1, $0x3100, v52  }
0x18c: {  	v54 =	vsel vm2, $0x3180, v54;
	[tilespmem:$0x1FB70] =	vst v0;
	v0 =	vsel vm1, $0x3180, v53  }
0x18d: {  	v55 =	vsel vm2, $0x3200, v55;
	[tilespmem:$0x1FB80] =	vst v0;
	v0 =	vsel vm1, $0x3200, v54  }
0x18e: {  	v56 =	vsel vm2, $0x3280, v56;
	[tilespmem:$0x1FB90] =	vst v0;
	v0 =	vsel vm1, $0x3280, v55  }
0x18f: {  	v57 =	vsel vm2, $0x3300, v57;
	[tilespmem:$0x1FBA0] =	vst v0;
	v0 =	vsel vm1, $0x3300, v56  }
0x190: {  	v58 =	vsel vm2, $0x3380, v58;
	[tilespmem:$0x1FBB0] =	vst v0;
	v0 =	vsel vm1, $0x3380, v57  }
0x191: {  	v59 =	vsel vm2, $0x3800, v59;
	[tilespmem:$0x1FBC0] =	vst v0;
	v0 =	vsel vm1, $0x3800, v58  }
0x192: {  	v60 =	vsel vm2, $0x3880, v60;
	[tilespmem:$0x1FBD0] =	vst v0;
	v0 =	vsel vm1, $0x3880, v59  }
0x193: {  	v61 =	vsel vm2, $0x3900, v61;
	[tilespmem:$0x1FBE0] =	vst v0;
	v0 =	vsel vm1, $0x3900, v60  }
0x194: {  	v62 =	vsel vm2, $0x3980, v62;
	[tilespmem:$0x1FBF0] =	vst v0;
	v0 =	vsel vm1, $0x3980, v61  }
0x195: {  	v63 =	vsel vm2, $0x3A00, v63;
	[tilespmem:$0x1FC00] =	vst v0;
	v0 =	vsel vm1, $0x3A00, v62  }
0x196: {  	[tilespmem:$0x1FC10] =	vst v0;
	v0 =	vsel vm1, $0x3A80, v63  }
0x197: {  	[tilespmem:$0x1FC20] =	vst v0;
	v0 =	vimm.s32 $0x1B1A1918  }
0x198: {  	v16 =	vunpack.c.0.s8.s32 v0;
	v0 =	vimm.s32 $0x2C2B2A29  }
0x199: {  	v0 =	vunpack.c.0.s8.s32 v0  }
0x19a: {  	v1 =	vimm.s32 $0x202F2E2D  }
0x19b: {  	[tilespmem:$0x1FC30] =	vst v0;
	v0 =	vunpack.c.0.s8.s32 v1;
	_ =	sdelay $0x1  }
0x19c: {  	[tilespmem:$0x1FC40] =	vst v0;
	v0 =	vimm.s32 $0x24232221  }
0x19d: {  	v0 =	vunpack.c.0.s8.s32 v0;
	_ =	sdelay $0x1  }
0x19e: {  	[tilespmem:$0x1FC50] =	vst v0;
	v0 =	vimm.s32 $0x28272625  }
0x19f: {  	v0 =	vunpack.c.0.s8.s32 v0  }
0x1a0: {  	v1 =	vimm.s32 $0x2D2C2B2A  }
0x1a1: {  	[tilespmem:$0x1FC60] =	vst v0;
	v0 =	vunpack.c.0.s8.s32 v1;
	_ =	sdelay $0x1  }
0x1a2: {  	[tilespmem:$0x1FC70] =	vst v0;
	v0 =	vimm.s32 $0x21202F2E  }
0x1a3: {  	v0 =	vunpack.c.0.s8.s32 v0;
	_ =	sdelay $0x1  }
0x1a4: {  	[tilespmem:$0x1FC80] =	vst v0;
	v0 =	vimm.s32 $0x25242322  }
0x1a5: {  	v0 =	vunpack.c.0.s8.s32 v0  }
0x1a6: {  	v1 =	vimm.s32 $0x29282726  }
0x1a7: {  	[tilespmem:$0x1FC90] =	vst v0;
	v0 =	vunpack.c.0.s8.s32 v1;
	_ =	sdelay $0x1  }
0x1a8: {  	[tilespmem:$0x1FCA0] =	vst v0;
	v0 =	vimm.s32 $0x2E2D2C2B  }
0x1a9: {  	v0 =	vunpack.c.0.s8.s32 v0;
	_ =	sdelay $0x1  }
0x1aa: {  	[tilespmem:$0x1FCB0] =	vst v0;
	v0 =	vimm.s32 $0x2221202F  }
0x1ab: {  	v0 =	vunpack.c.0.s8.s32 v0  }
0x1ac: {  	v1 =	vimm.s32 $0x26252423  }
0x1ad: {  	[tilespmem:$0x1FCC0] =	vst v0;
	v0 =	vunpack.c.0.s8.s32 v1;
	_ =	sdelay $0x1  }
0x1ae: {  	[tilespmem:$0x1FCD0] =	vst v0;
	v0 =	vimm.s32 $0x2A292827  }
0x1af: {  	v0 =	vunpack.c.0.s8.s32 v0;
	_ =	sdelay $0x1  }
0x1b0: {  	[tilespmem:$0x1FCE0] =	vst v0;
	v0 =	vimm.s32 $0x2F2E2D2C  }
0x1b1: {  	v0 =	vunpack.c.0.s8.s32 v0  }
0x1b2: {  	v1 =	vimm.s32 $0x23222120  }
0x1b3: {  	[tilespmem:$0x1FCF0] =	vst v0;
	v0 =	vunpack.c.0.s8.s32 v1;
	_ =	sdelay $0x1  }
0x1b4: {  	[tilespmem:$0x1FD00] =	vst v0;
	v0 =	vimm.s32 $0x27262524  }
0x1b5: {  	v0 =	vunpack.c.0.s8.s32 v0;
	_ =	sdelay $0x1  }
0x1b6: {  	[tilespmem:$0x1FD10] =	vst v0;
	v0 =	vimm.s32 $0x2B2A2928  }
0x1b7: {  	v0 =	vunpack.c.0.s8.s32 v0  }
0x1b8: {  	v1 =	vimm.s32 $0x3C3B3A39  }
0x1b9: {  	[tilespmem:$0x1FD20] =	vst v0;
	v0 =	vunpack.c.0.s8.s32 v1;
	_ =	sdelay $0x1  }
0x1ba: {  	[tilespmem:$0x1FD30] =	vst v0;
	v0 =	vimm.s32 $0x303F3E3D  }
0x1bb: {  	v0 =	vunpack.c.0.s8.s32 v0;
	_ =	sdelay $0x1  }
0x1bc: {  	[tilespmem:$0x1FD40] =	vst v0;
	v0 =	vimm.s32 $0x34333231  }
0x1bd: {  	v0 =	vunpack.c.0.s8.s32 v0  }
0x1be: {  	v1 =	vimm.s32 $0x38373635  }
0x1bf: {  	[tilespmem:$0x1FD50] =	vst v0;
	v0 =	vunpack.c.0.s8.s32 v1;
	_ =	sdelay $0x1  }
0x1c0: {  	[tilespmem:$0x1FD60] =	vst v0;
	v0 =	vimm.s32 $0x3D3C3B3A  }
0x1c1: {  	v2 =	vld [tilespmem:$0x1F780];
	v0 =	vunpack.c.0.s8.s32 v0  }
0x1c2: {  	v3 =	vld [tilespmem:$0x1F7A0]  }
0x1c3: {  	v4 =	vld [tilespmem:$0x1F7C0];
	[tilespmem:$0x1FD70] =	vst v0;
	v0 =	vimm.s32 $0x31303F3E  }
0x1c4: {  	v5 =	vld [tilespmem:$0x1F7E0];
	v0 =	vunpack.c.0.s8.s32 v0  }
0x1c5: {  	v6 =	vld [tilespmem:$0x1F800];
	v1 =	vimm.s32 $0x35343332  }
0x1c6: {  	v7 =	vld [tilespmem:$0x1F820];
	[tilespmem:$0x1FD80] =	vst v0;
	v0 =	vunpack.c.0.s8.s32 v1  }
0x1c7: {  	v8 =	vld [tilespmem:$0x1F840]  }
0x1c8: {  	v9 =	vld [tilespmem:$0x1F860];
	[tilespmem:$0x1FD90] =	vst v0;
	v0 =	vimm.s32 $0x39383736  }
0x1c9: {  	v10 =	vld [tilespmem:$0x1F880];
	v0 =	vunpack.c.0.s8.s32 v0  }
0x1ca: {  	v11 =	vld [tilespmem:$0x1F8A0]  }
0x1cb: {  	s0 =	rddreg [dreg:$0x0];
	v12 =	vld [tilespmem:$0x1F8C0];
	[tilespmem:$0x1FDA0] =	vst v0;
	v0 =	vimm.s32 $0x3E3D3C3B  }
0x1cc: {  	s2 =	rddreg [dreg:$0x1];
	s1 =	simm.s32 $0x0;
	v13 =	vld [tilespmem:$0x1F8E0];
	v0 =	vunpack.c.0.s8.s32 v0  }
0x1cd: {  	[smem:$0x7FF] =	sst s1;
	v14 =	vld [tilespmem:$0x1F900];
	v1 =	vimm.s32 $0x3231303F  }
0x1ce: {  	s4 =	rddreg [dreg:$0x2];
	v15 =	vld [tilespmem:$0x1F920];
	_ =	strace $0x80000047;
	[tilespmem:$0x1FDB0] =	vst v0;
	v0 =	vunpack.c.0.s8.s32 v1;
	_ =	sdelay $0x1  }
0x1cf: {  	[tilespmem:$0x1FDC0] =	vst v0;
	v0 =	vimm.s32 $0x36353433  }
0x1d0: {  	v0 =	vunpack.c.0.s8.s32 v0;
	_ =	sdelay $0x1  }
0x1d1: {  	[tilespmem:$0x1FDD0] =	vst v0;
	v0 =	vimm.s32 $0x3A393837  }
0x1d2: {  	v0 =	vunpack.c.0.s8.s32 v0  }
0x1d3: {  	v1 =	vimm.s32 $0x3F3E3D3C  }
0x1d4: {  	[tilespmem:$0x1FDE0] =	vst v0;
	v0 =	vunpack.c.0.s8.s32 v1;
	_ =	sdelay $0x1  }
0x1d5: {  	[tilespmem:$0x1FDF0] =	vst v0;
	v0 =	vimm.s32 $0x33323130  }
0x1d6: {  	v0 =	vunpack.c.0.s8.s32 v0;
	_ =	sdelay $0x1  }
0x1d7: {  	[tilespmem:$0x1FE00] =	vst v0;
	v0 =	vimm.s32 $0x37363534  }
0x1d8: {  	v0 =	vunpack.c.0.s8.s32 v0  }
0x1d9: {  	v1 =	vimm.s32 $0x3B3A3938  }
0x1da: {  	[tilespmem:$0x1FE10] =	vst v0;
	v0 =	vunpack.c.0.s8.s32 v1  }
0x1db: {  	v17 =	vld [tilespmem:$0x1FE50]  }
0x1dc: {  	[tilespmem:$0x1FE20] =	vst v0;
	v0 =	vld [tilespmem:$0x1FE40];
	_ =	sdelay $0x3  }
0x1dd: {  	v18 =	vld [tilespmem:$0x1FE70]  }
0x1de: {  	v17 =	vcombine.low v17, v0;
	v0 =	vld [tilespmem:$0x1FE60];
	_ =	sdelay $0x3  }
0x1df: {  	v19 =	vld [tilespmem:$0x1FE90]  }
0x1e0: {  	v0 =	vsel vm0, v18, v0;
	v18 =	vld [tilespmem:$0x1FE80];
	_ =	sdelay $0x4  }
0x1e1: {  	[tilespmem:$0x1FEA0] =	vst v0;
	v18 =	vsel vm0, v19, v18;
	v19 =	vld [tilespmem:$0x1FED0]  }
0x1e2: {  	[tilespmem:$0x1FEB0] =	vst v18;
	v18 =	vcombine.low v18, v0;
	v0 =	vld [tilespmem:$0x1FEC0];
	_ =	sdelay $0x3  }
0x1e3: {  	v20 =	vld [tilespmem:$0x1FEF0]  }
0x1e4: {  	v0 =	vsel vm0, v19, v0;
	v19 =	vld [tilespmem:$0x1FEE0];
	_ =	sdelay $0x4  }
0x1e5: {  	[tilespmem:$0x1FF00] =	vst v0;
	v19 =	vsel vm0, v20, v19;
	v20 =	vld [tilespmem:$0x1FF30]  }
0x1e6: {  	[tilespmem:$0x1FF10] =	vst v19;
	v19 =	vcombine.low v19, v0;
	v0 =	vld [tilespmem:$0x1FF20];
	_ =	sdelay $0x4  }
0x1e7: {  	v0 =	vsel vm0, v20, v0;
	v20 =	vld [tilespmem:$0x1FF40];
	_ =	sdelay $0x3  }
0x1e8: {  	[tilespmem:$0x1FF50] =	vst v16  }
0x1e9: {  	s3 =	srdreg.scid;
	s6 =	stileid.u32;
	v21 =	vld [tilespmem:$0x1FF90];
	[tilespmem:$0x1FF60] =	vst v0;
	v16 =	vsel vm0, v16, v20  }
0x1ea: {  	s15 =	simm.s32 $0x13000;
	s19 =	simm.s32 $0xB000;
	s5 =	sand.u32 $0x1, s3;
	[tilespmem:$0x1FF70] =	vst v16;
	v16 =	vcombine.low v16, v0;
	v0 =	vld [tilespmem:$0x1FF80]  }
0x1eb: {  	s6 =	sshll.u32 s6, $0xA;
	s3 =	sadd.s32 $0xE00, s2;
	s7 =	sshll.u32 s5, $0x9  }
0x1ec: {  	s2 =	sadd.s32 $0xF43200, s2;
	s5 =	ssub.s32 $0x2, s5;
	s6 =	sor.u32 s7, s6;
	[tilespmem:$0x1FFA0] =	vst v17  }
.Ltmp0:
0x1ed: {  	s0 =	sadd.s32 s0, s6;
	v35 =	vlaneseq.u32;
	[dreg:$0x7] =	wrdreg s2;
	[tilespmem:$0x1FFB0] =	vst v18;
	(pc) =	sbr.rel .LBB2_1-.Ltmp0, $4  }
0x1ee: {  	s29 =	sshrl.u32 s5, $0x1;
	s4 =	sadd.s32 s4, s6;
	[dreg:$0x9] =	wrdreg s0;
	[tilespmem:$0x1FFC0] =	vst v19;
	v20 =	vor.u32 $0x10, v35  }
0x1ef: {  	s30 =	sadd.s32 $0x100, s4;
	s2 =	ssub.s32 s5, s29;
	[dreg:$0x8] =	wrdreg s4;
	[tilespmem:$0x1FFD0] =	vst v20;
	v21 =	vcombine.low v21, v0  }
0x1f0: {  	s20 =	simm.s32 $0x17000;
	[dreg:$0xa] =	wrdreg s30;
	s31 =	smax.u32 s2, $0x1;
	[tilespmem:$0x1FFE0] =	vst v16  }
0x1f1: {  	s5 =	simm.s32 $0x0;
	s2 =	simm.s32 $0x1B000;
	[dreg:$0xb] =	wrdreg s31;
	v1 =	vld [tilespmem:$0x1FE30];
	[tilespmem:$0x1FFF0] =	vst v21  }
.LBB2_21:
0x1f2: {  	s0 =	simm.s32 $0x3  }
0x1f3: {  	_ =	swait.ge [sflag:s0], $0x4000  }
0x1f4: {  	[sflag:s0] =	ssyncset.done $0x0  }
0x1f5: {  	s4 =	simm.s32 $0x4;
	[sflag:s0] =	ssyncadd.s32 $0xFFFFC000  }
0x1f6: {  	_ =	swait.ge [sflag:s4], $0x4000  }
0x1f7: {  	s5 =	rddreg [dreg:$0xc]  }
0x1f8: {  	s31 =	rddreg [dreg:$0xb];
	s5 =	sadd.s32 $0x1, s5  }
0x1f9: {  	p0 =	sne.s32 s5, s31  }
.Ltmp1:
0x1fa: {  	_ = 	snop;
	(pc) =	sbr.rel @!p0 .LBB2_22-.Ltmp1, $3  }
0x1fb: {  	_ =	sdelay $0x1  }
0x1fc: {  	[sflag:s4] =	ssyncset.done $0x0  }
0x1fd: {  	[sflag:s4] =	ssyncadd.s32 $0xFFFFC000  }
.LBB2_1:
0x1fe: {  	[dreg:$0xc] =	wrdreg s5  }
0x1ff: {  	s0 =	rddreg [dreg:$0x7];
	s4 =	simm.s32 $0x5  }
0x200: {  	[tilespmem:s2], [sflag:$0x5] =	stream.linear.gather [hbm4b:s0+s1], $0xA00, $0x38;
	[tilespmem:$0x1BC00] =	vst v63  }
0x201: {  	_ =	swait.ge [sflag:s4], $0xA00  }
0x202: {  	s5 =	simm.s32 $0x1000;
	[sflag:s4] =	ssyncset.done $0x0  }
0x203: {  	s6 =	simm.s32 $0x20000;
	s2 =	rddreg [dreg:$0x9];
	[sflag:s4] =	ssyncadd.s32 $0xFFFFF600  }
0x204: {  	[tilespmem:s1], [sflag:$0x5] =	stream.strided.gather [hbm4b:s2+s5], $0x3000, s6, s5, $0x38;
	[tilespmem:$0x1BC00] =	vst v63  }
0x205: {  	_ =	swait.ge [sflag:s4], $0x3000  }
0x206: {  	s7 =	sand.u32 $0x70, s1;
	s8 =	sand.u32 $0x400, s1;
	[sflag:s4] =	ssyncset.done $0x0  }
0x207: {  	s0 =	sor.u32 s7, s8;
	[sflag:s4] =	ssyncadd.s32 $0xFFFFD000  }
0x208: {  	v0 =	vld [tilespmem:s0+$0x0];
	_ =	sdelay $0x4  }
0x209: {  	v0 =	vshll.u32 v0, $0x4  }
0x20a: {  	(v2sf) =	vpush v0, $0x0  }
0x20b: {  	(v2sf) =	vpush v0, $0x1  }
0x20c: {  	(v2sf) =	vpush v0, $0x2;
	_ =	sdelay $0x1  }
0x20d: {  	(v2sf) =	vpush v0, $0x3  }
0x20e: {  	(v2sf) =	vpush v0, $0x4;
	_ =	sdelay $0x1  }
0x20f: {  	(v2sf) =	vpush v0, $0x5;
	_ =	sdelay $0x2  }
0x210: {  	s25 =	simm.s32 $0x2000;
	s26 =	simm.s32 $0x10;
	(v2sf) =	vpush v0, $0x6  }
0x211: {  	s14 =	simm.s32 $0x80;
	s29 =	simm.s32 $0x4000;
	s30 =	simm.s32 $0x20  }
0x212: {  	s28 =	simm.s32 $0x0;
	s31 =	simm.s32 $0x100;
	s9 =	simm.s32 $0x3080  }
0x213: {  	s11 =	simm.s32 $0x3580;
	s21 =	simm.s32 $0x3400;
	s10 =	simm.s32 $0x3100  }
0x214: {  	s13 =	simm.s32 $0x3180;
	s8 =	simm.s32 $0x3480;
	s6 =	simm.s32 $0x3000;
	(v2sf) =	vpush v0, $0x7  }
0x215: {  	s2 =	simm.s32 $0x3600;
	s4 =	simm.s32 $0x3500;
	s7 =	spop (v2sf)  }
0x216: {  	s0 =	simm.s32 $0x3680;
	s7 =	sand.u32 $0x1FFFFFF0, s7;
	s12 =	spop (v2sf)  }
0x217: {  	(v2sf) =	vpush v0, $0x8;
	s7 =	sadd.s32 s3, s7;
	s17 =	sand.u32 $0x1FFFFFF0, s12;
	s18 =	spop (v2sf)  }
0x218: {  	[tilespmem:s6], [sflag:$0x1] =	stream.linear.gather [hbm4b:s7+s1], $0x80, $0x38;
	[tilespmem:$0x1BC00] =	vst v63  }
0x219: {  	(v2sf) =	vpush v0, $0x9;
	s7 =	sadd.s32 s3, s17;
	s12 =	sand.u32 $0x1FFFFFF0, s18;
	s16 =	spop (v2sf)  }
0x21a: {  	s18 =	simm.s32 $0x3280;
	s6 =	simm.s32 $0x3780;
	s24 =	spop (v2sf)  }
0x21b: {  	(v2sf) =	vpush v0, $0xA;
	[tilespmem:s9], [sflag:$0x1] =	stream.linear.gather [hbm4b:s7+s1], $0x80, $0x38;
	[tilespmem:$0x1BC00] =	vst v63  }
0x21c: {  	s22 =	sadd.s32 s3, s12;
	s23 =	sand.u32 $0x1FFFFFF0, s16;
	s12 =	spop (v2sf)  }
0x21d: {  	(v2sf) =	vpush v0, $0xB;
	[tilespmem:s10], [sflag:$0x1] =	stream.linear.gather [hbm4b:s22+s1], $0x80, $0x38;
	[tilespmem:$0x1BC00] =	vst v63  }
0x21e: {  	s9 =	sadd.s32 s3, s23;
	s17 =	sand.u32 $0x1FFFFFF0, s12;
	s10 =	sand.u32 $0x1FFFFFF0, s24  }
0x21f: {  	(v2sf) =	vpush v0, $0xC;
	s22 =	simm.s32 $0x3300;
	s23 =	sadd.s32 s3, s17;
	s24 =	spop (v2sf)  }
0x220: {  	[tilespmem:s13], [sflag:$0x1] =	stream.linear.gather [hbm4b:s9+s1], $0x80, $0x38;
	[tilespmem:$0x1BC00] =	vst v63  }
0x221: {  	(v2sf) =	vpush v0, $0xD;
	s16 =	sadd.s32 s3, s10;
	s10 =	simm.s32 $0x3380;
	s13 =	simm.s32 $0x3200  }
0x222: {  	[tilespmem:s13], [sflag:$0x1] =	stream.linear.gather [hbm4b:s16+s1], $0x80, $0x38;
	[tilespmem:$0x1BC00] =	vst v63  }
0x223: {  	(v2sf) =	vpush v0, $0xE;
	s7 =	sand.u32 $0x1FFFFFF0, s24;
	s12 =	spop (v2sf);
	s13 =	simm.s32 $0x0  }
0x224: {  	(v2sf) =	vpush v0, $0xF;
	[tilespmem:s18], [sflag:$0x1] =	stream.linear.gather [hbm4b:s23+s1], $0x80, $0x38;
	[tilespmem:$0x1BC00] =	vst v63  }
.LBB2_2:
0x225: {  	s7 =	sadd.s32 s3, s7  }
0x226: {  	s12 =	sand.u32 $0x1FFFFFF0, s12;
	s16 =	spop (v2sf);
	s5 =	smov.u32 s29  }
0x227: {  	[tilespmem:s22], [sflag:$0x1] =	stream.linear.gather [hbm4b:s7+s13], $0x80, $0x38;
	[tilespmem:$0x1BC00] =	vst v63  }
0x228: {  	s7 =	sadd.s32 s3, s12;
	s12 =	sand.u32 $0x1FFFFFF0, s16;
	s16 =	spop (v2sf)  }
0x229: {  	[tilespmem:s10], [sflag:$0x1] =	stream.linear.gather [hbm4b:s7+s13], $0x80, $0x38;
	[tilespmem:$0x1BC00] =	vst v63  }
0x22a: {  	s7 =	sadd.s32 s3, s12;
	s10 =	sand.u32 $0x1FFFFFF0, s16;
	s12 =	spop (v2sf)  }
0x22b: {  	[tilespmem:s21], [sflag:$0x1] =	stream.linear.gather [hbm4b:s7+s13], $0x80, $0x38;
	[tilespmem:$0x1BC00] =	vst v63  }
0x22c: {  	s7 =	sadd.s32 s3, s10;
	s10 =	sand.u32 $0x1FFFFFF0, s12;
	s12 =	spop (v2sf)  }
0x22d: {  	[tilespmem:s8], [sflag:$0x1] =	stream.linear.gather [hbm4b:s7+s13], $0x80, $0x38;
	[tilespmem:$0x1BC00] =	vst v63  }
0x22e: {  	s7 =	sadd.s32 s3, s10;
	s8 =	sand.u32 $0x1FFFFFF0, s12;
	s10 =	spop (v2sf)  }
0x22f: {  	[tilespmem:s4], [sflag:$0x1] =	stream.linear.gather [hbm4b:s7+s13], $0x80, $0x38;
	[tilespmem:$0x1BC00] =	vst v63  }
0x230: {  	s4 =	sadd.s32 s3, s8;
	s7 =	sand.u32 $0x1FFFFFF0, s10;
	s8 =	spop (v2sf)  }
0x231: {  	[tilespmem:s11], [sflag:$0x1] =	stream.linear.gather [hbm4b:s4+s13], $0x80, $0x38;
	[tilespmem:$0x1BC00] =	vst v63  }
0x232: {  	s4 =	sadd.s32 s3, s7;
	s7 =	sand.u32 $0x1FFFFFF0, s8;
	s8 =	spop (v2sf)  }
0x233: {  	[tilespmem:s2], [sflag:$0x1] =	stream.linear.gather [hbm4b:s4+s13], $0x80, $0x38;
	[tilespmem:$0x1BC00] =	vst v63  }
0x234: {  	s2 =	sadd.s32 s3, s7;
	s4 =	sand.u32 $0x1FFFFFF0, s8;
	s7 =	spop (v2sf)  }
0x235: {  	[tilespmem:s0], [sflag:$0x1] =	stream.linear.gather [hbm4b:s2+s13], $0x80, $0x38;
	[tilespmem:$0x1BC00] =	vst v63  }
0x236: {  	s0 =	sadd.s32 $0x3700, s28;
	s2 =	sadd.s32 s3, s4;
	s4 =	sand.u32 $0x1FFFFFF0, s7  }
0x237: {  	[tilespmem:s0], [sflag:$0x1] =	stream.linear.gather [hbm4b:s2+s13], $0x80, $0x38;
	[tilespmem:$0x1BC00] =	vst v63  }
0x238: {  	s4 =	sadd.s32 s3, s4;
	s0 =	sand.u32 $0x70, s26;
	s2 =	sand.u32 $0x400, s14  }
0x239: {  	[tilespmem:s6], [sflag:$0x1] =	stream.linear.gather [hbm4b:s4+s13], $0x80, $0x38;
	[tilespmem:$0x1BC00] =	vst v63  }
0x23a: {  	p0 =	sne.s32 s29, $0x1E000;
	s29 =	sadd.s32 $0x2000, s29;
	s0 =	sor.u32 s0, s2  }
0x23b: {  	s26 =	smov.u32 s30;
	s14 =	smov.u32 s31;
	v0 =	vld [tilespmem:s0+$0x0];
	_ =	sdelay $0x4  }
0x23c: {  	s28 =	sshra.s32 s25, $0x2;
	s25 =	smov.u32 s5;
	s30 =	sadd.s32 $0x10, s30;
	v0 =	vshll.u32 v0, $0x4  }
0x23d: {  	s7 =	sadd.s32 $0x3080, s28;
	s31 =	sadd.s32 $0x80, s31;
	s0 =	sadd.s32 $0x3680, s28;
	(v2sf) =	vpush v0, $0x0  }
0x23e: {  	s12 =	sadd.s32 $0x3000, s28;
	s11 =	sadd.s32 $0x3580, s28;
	s2 =	sadd.s32 $0x3600, s28;
	(v2sf) =	vpush v0, $0x1  }
0x23f: {  	s21 =	sadd.s32 $0x3400, s28;
	s8 =	sadd.s32 $0x3480, s28;
	s4 =	sadd.s32 $0x3500, s28;
	(v2sf) =	vpush v0, $0x2  }
0x240: {  	s22 =	sadd.s32 $0x3300, s28;
	s10 =	sadd.s32 $0x3380, s28  }
0x241: {  	s5 =	sadd.s32 $0x3280, s28;
	(v2sf) =	vpush v0, $0x3  }
0x242: {  	s16 =	sadd.s32 $0x3200, s28  }
0x243: {  	(v2sf) =	vpush v0, $0x4  }
0x244: {  	s6 =	sadd.s32 $0x3780, s28  }
0x245: {  	(v2sf) =	vpush v0, $0x5;
	_ =	sdelay $0x1  }
0x246: {  	s18 =	sadd.s32 $0x3100, s28;
	(v2sf) =	vpush v0, $0x6;
	_ =	sdelay $0x1  }
0x247: {  	s13 =	sadd.s32 $0x3180, s28;
	(v2sf) =	vpush v0, $0x7;
	_ =	sdelay $0x1  }
0x248: {  	(v2sf) =	vpush v0, $0x8  }
0x249: {  	s23 =	spop (v2sf)  }
0x24a: {  	s24 =	simm.s32 $0x0;
	s17 =	sand.u32 $0x1FFFFFF0, s23;
	s9 =	spop (v2sf);
	(v2sf) =	vpush v0, $0x9  }
0x24b: {  	s17 =	sadd.s32 s3, s17;
	s9 =	sand.u32 $0x1FFFFFF0, s9;
	s23 =	spop (v2sf)  }
0x24c: {  	[tilespmem:s12], [sflag:$0x1] =	stream.linear.gather [hbm4b:s17+s24], $0x80, $0x38;
	(v2sf) =	vpush v0, $0xA;
	[tilespmem:$0x1BC00] =	vst v63  }
0x24d: {  	s9 =	sadd.s32 s3, s9;
	s12 =	sand.u32 $0x1FFFFFF0, s23;
	s17 =	spop (v2sf)  }
0x24e: {  	[tilespmem:s7], [sflag:$0x1] =	stream.linear.gather [hbm4b:s9+s24], $0x80, $0x38;
	(v2sf) =	vpush v0, $0xB;
	[tilespmem:$0x1BC00] =	vst v63  }
0x24f: {  	s7 =	sadd.s32 s3, s12;
	s9 =	sand.u32 $0x1FFFFFF0, s17;
	s12 =	spop (v2sf)  }
0x250: {  	[tilespmem:s18], [sflag:$0x1] =	stream.linear.gather [hbm4b:s7+s24], $0x80, $0x38;
	(v2sf) =	vpush v0, $0xC;
	[tilespmem:$0x1BC00] =	vst v63  }
0x251: {  	s7 =	sadd.s32 s3, s9;
	s9 =	sand.u32 $0x1FFFFFF0, s12;
	s12 =	spop (v2sf)  }
0x252: {  	[tilespmem:s13], [sflag:$0x1] =	stream.linear.gather [hbm4b:s7+s24], $0x80, $0x38;
	[tilespmem:$0x1BC00] =	vst v63  }
.Ltmp2:
0x253: {  	s13 =	simm.s32 $0x0;
	(v2sf) =	vpush v0, $0xD;
	(pc) =	sbr.rel @p0 .LBB2_2-.Ltmp2, $4  }
0x254: {  	s7 =	sadd.s32 s3, s9;
	s9 =	sand.u32 $0x1FFFFFF0, s12;
	s12 =	spop (v2sf)  }
0x255: {  	[tilespmem:s16], [sflag:$0x1] =	stream.linear.gather [hbm4b:s7+s13], $0x80, $0x38;
	(v2sf) =	vpush v0, $0xE;
	[tilespmem:$0x1BC00] =	vst v63  }
0x256: {  	s9 =	sadd.s32 s3, s9;
	s7 =	sand.u32 $0x1FFFFFF0, s12;
	s12 =	spop (v2sf)  }
0x257: {  	[tilespmem:s5], [sflag:$0x1] =	stream.linear.gather [hbm4b:s9+s13], $0x80, $0x38;
	(v2sf) =	vpush v0, $0xF;
	[tilespmem:$0x1BC00] =	vst v63  }
0x258: {  	s5 =	sadd.s32 s3, s7;
	s31 =	sand.u32 $0x1FFFFFF0, s12;
	s9 =	spop (v2sf)  }
0x259: {  	[tilespmem:s22], [sflag:$0x1] =	stream.linear.gather [hbm4b:s5+s13], $0x80, $0x38;
	[tilespmem:$0x1BC00] =	vst v63  }
0x25a: {  	s7 =	sadd.s32 s3, s31;
	s9 =	sand.u32 $0x1FFFFFF0, s9;
	s12 =	spop (v2sf)  }
0x25b: {  	[tilespmem:s10], [sflag:$0x1] =	stream.linear.gather [hbm4b:s7+s13], $0x80, $0x38;
	[tilespmem:$0x1BC00] =	vst v63  }
0x25c: {  	s16 =	sadd.s32 s3, s9;
	s18 =	spop (v2sf)  }
0x25d: {  	[tilespmem:s21], [sflag:$0x1] =	stream.linear.gather [hbm4b:s16+s13], $0x80, $0x38;
	[tilespmem:$0x1BC00] =	vst v63  }
0x25e: {  	s17 =	sand.u32 $0x1FFFFFF0, s12;
	s23 =	sand.u32 $0x1FFFFFF0, s18;
	s24 =	spop (v2sf)  }
0x25f: {  	s22 =	sadd.s32 s3, s17;
	s29 =	sadd.s32 s3, s23;
	s30 =	sand.u32 $0x1FFFFFF0, s24  }
0x260: {  	[tilespmem:s8], [sflag:$0x1] =	stream.linear.gather [hbm4b:s22+s13], $0x80, $0x38;
	[tilespmem:$0x1BC00] =	vst v63  }
0x261: {  	s23 =	sadd.s32 $0x3700, s28;
	s31 =	spop (v2sf);
	s7 =	sadd.s32 s3, s30  }
0x262: {  	[tilespmem:s4], [sflag:$0x1] =	stream.linear.gather [hbm4b:s29+s13], $0x80, $0x38;
	[tilespmem:$0x1BC00] =	vst v63  }
0x263: {  	s30 =	sand.u32 $0x400, s14;
	s9 =	sand.u32 $0x1FFFFFF0, s31;
	s10 =	spop (v2sf)  }
0x264: {  	[tilespmem:s11], [sflag:$0x1] =	stream.linear.gather [hbm4b:s7+s13], $0x80, $0x38;
	[tilespmem:$0x1BC00] =	vst v63  }
0x265: {  	s12 =	sadd.s32 s3, s9;
	s16 =	sand.u32 $0x1FFFFFF0, s10;
	s17 =	spop (v2sf)  }
0x266: {  	[tilespmem:s2], [sflag:$0x1] =	stream.linear.gather [hbm4b:s12+s13], $0x80, $0x38;
	[tilespmem:$0x1BC00] =	vst v63  }
0x267: {  	s18 =	sadd.s32 s3, s16;
	s21 =	sand.u32 $0x1FFFFFF0, s17;
	s22 =	spop (v2sf)  }
0x268: {  	[tilespmem:s0], [sflag:$0x1] =	stream.linear.gather [hbm4b:s18+s13], $0x80, $0x38;
	[tilespmem:$0x1BC00] =	vst v63  }
0x269: {  	s29 =	sand.u32 $0x70, s26;
	s24 =	sadd.s32 s3, s21;
	s28 =	sand.u32 $0x1FFFFFF0, s22  }
0x26a: {  	[tilespmem:s23], [sflag:$0x1] =	stream.linear.gather [hbm4b:s24+s13], $0x80, $0x38;
	[tilespmem:$0x1BC00] =	vst v63  }
0x26b: {  	s0 =	sor.u32 s29, s30;
	s4 =	sadd.s32 s3, s28  }
0x26c: {  	[tilespmem:s6], [sflag:$0x1] =	stream.linear.gather [hbm4b:s4+s13], $0x80, $0x38;
	[tilespmem:$0x1BC00] =	vst v63  }
0x26d: {  	v0 =	vld [tilespmem:s0+$0x0];
	_ =	sdelay $0x4  }
0x26e: {  	v0 =	vshll.u32 v0, $0x4  }
0x26f: {  	(v2sf) =	vpush v0, $0x0  }
0x270: {  	(v2sf) =	vpush v0, $0x1  }
0x271: {  	(v2sf) =	vpush v0, $0x2;
	_ =	sdelay $0x1  }
0x272: {  	(v2sf) =	vpush v0, $0x3;
	_ =	sdelay $0x1  }
0x273: {  	(v2sf) =	vpush v0, $0x4;
	_ =	sdelay $0x1  }
0x274: {  	(v2sf) =	vpush v0, $0x5;
	_ =	sdelay $0x1  }
0x275: {  	s0 =	sshra.s32 s25, $0x2;
	(v2sf) =	vpush v0, $0x6  }
0x276: {  	s24 =	simm.s32 $0x0;
	s31 =	sadd.s32 $0x3080, s0  }
0x277: {  	s2 =	sadd.s32 $0x3680, s0;
	s14 =	sadd.s32 $0x3000, s0;
	s5 =	sadd.s32 $0x3580, s0;
	(v2sf) =	vpush v0, $0x7  }
0x278: {  	s4 =	sadd.s32 $0x3600, s0;
	s8 =	sadd.s32 $0x3400, s0;
	s9 =	sadd.s32 $0x3480, s0  }
0x279: {  	s10 =	sadd.s32 $0x3500, s0;
	s11 =	sadd.s32 $0x3300, s0;
	s13 =	sadd.s32 $0x3280, s0;
	(v2sf) =	vpush v0, $0x8  }
0x27a: {  	s16 =	sadd.s32 $0x3200, s0;
	s17 =	sadd.s32 $0x3100, s0;
	s18 =	spop (v2sf)  }
0x27b: {  	s21 =	sadd.s32 $0x3180, s0;
	(v2sf) =	vpush v0, $0x9;
	s18 =	sand.u32 $0x1FFFFFF0, s18;
	s25 =	spop (v2sf)  }
0x27c: {  	s18 =	sadd.s32 s3, s18;
	s22 =	sand.u32 $0x1FFFFFF0, s25;
	s23 =	spop (v2sf)  }
0x27d: {  	[tilespmem:s14], [sflag:$0x1] =	stream.linear.gather [hbm4b:s18+s24], $0x80, $0x38;
	[tilespmem:$0x1BC00] =	vst v63  }
0x27e: {  	(v2sf) =	vpush v0, $0xA;
	s26 =	sadd.s32 s3, s22;
	s28 =	sand.u32 $0x1FFFFFF0, s23;
	s29 =	spop (v2sf)  }
0x27f: {  	[tilespmem:s31], [sflag:$0x1] =	stream.linear.gather [hbm4b:s26+s24], $0x80, $0x38;
	[tilespmem:$0x1BC00] =	vst v63  }
0x280: {  	(v2sf) =	vpush v0, $0xB;
	s30 =	sadd.s32 s3, s28;
	s14 =	spop (v2sf);
	s31 =	sand.u32 $0x1FFFFFF0, s29  }
0x281: {  	[tilespmem:s17], [sflag:$0x1] =	stream.linear.gather [hbm4b:s30+s24], $0x80, $0x38;
	[tilespmem:$0x1BC00] =	vst v63  }
0x282: {  	(v2sf) =	vpush v0, $0xC;
	s23 =	sand.u32 $0x1FFFFFF0, s14;
	s25 =	spop (v2sf);
	s22 =	sadd.s32 s3, s31  }
0x283: {  	[tilespmem:s21], [sflag:$0x1] =	stream.linear.gather [hbm4b:s22+s24], $0x80, $0x38;
	[tilespmem:$0x1BC00] =	vst v63  }
0x284: {  	(v2sf) =	vpush v0, $0xD;
	s26 =	sadd.s32 s3, s23;
	s28 =	sand.u32 $0x1FFFFFF0, s25;
	s29 =	spop (v2sf)  }
0x285: {  	[tilespmem:s16], [sflag:$0x1] =	stream.linear.gather [hbm4b:s26+s24], $0x80, $0x38;
	[tilespmem:$0x1BC00] =	vst v63  }
0x286: {  	(v2sf) =	vpush v0, $0xE;
	s30 =	sadd.s32 s3, s28;
	s31 =	sand.u32 $0x1FFFFFF0, s29;
	s14 =	spop (v2sf)  }
0x287: {  	[tilespmem:s13], [sflag:$0x1] =	stream.linear.gather [hbm4b:s30+s24], $0x80, $0x38;
	[tilespmem:$0x1BC00] =	vst v63  }
0x288: {  	(v2sf) =	vpush v0, $0xF;
	s17 =	sadd.s32 s3, s31;
	s18 =	sand.u32 $0x1FFFFFF0, s14;
	s21 =	spop (v2sf)  }
0x289: {  	[tilespmem:s11], [sflag:$0x1] =	stream.linear.gather [hbm4b:s17+s24], $0x80, $0x38;
	[tilespmem:$0x1BC00] =	vst v63  }
0x28a: {  	s12 =	sadd.s32 $0x3380, s0;
	s22 =	sadd.s32 s3, s18;
	s24 =	spop (v2sf)  }
0x28b: {  	s23 =	sand.u32 $0x1FFFFFF0, s21;
	s13 =	simm.s32 $0x0;
	s26 =	sand.u32 $0x1FFFFFF0, s24  }
0x28c: {  	[tilespmem:s12], [sflag:$0x1] =	stream.linear.gather [hbm4b:s22+s13], $0x80, $0x38;
	[tilespmem:$0x1BC00] =	vst v63  }
0x28d: {  	s25 =	sadd.s32 s3, s23;
	s28 =	spop (v2sf);
	s29 =	sadd.s32 s3, s26  }
0x28e: {  	[tilespmem:s8], [sflag:$0x1] =	stream.linear.gather [hbm4b:s25+s13], $0x80, $0x38;
	[tilespmem:$0x1BC00] =	vst v63  }
0x28f: {  	s30 =	sand.u32 $0x1FFFFFF0, s28;
	s31 =	spop (v2sf);
	s28 =	sadd.s32 $0x3700, s0  }
0x290: {  	[tilespmem:s9], [sflag:$0x1] =	stream.linear.gather [hbm4b:s29+s13], $0x80, $0x38;
	[tilespmem:$0x1BC00] =	vst v63  }
0x291: {  	s11 =	sadd.s32 s3, s30;
	s12 =	sand.u32 $0x1FFFFFF0, s31;
	s14 =	spop (v2sf)  }
0x292: {  	[tilespmem:s10], [sflag:$0x1] =	stream.linear.gather [hbm4b:s11+s13], $0x80, $0x38;
	[tilespmem:$0x1BC00] =	vst v63  }
0x293: {  	s16 =	sadd.s32 s3, s12;
	s17 =	sand.u32 $0x1FFFFFF0, s14;
	s18 =	spop (v2sf)  }
0x294: {  	[tilespmem:s5], [sflag:$0x1] =	stream.linear.gather [hbm4b:s16+s13], $0x80, $0x38;
	[tilespmem:$0x1BC00] =	vst v63  }
0x295: {  	s21 =	sadd.s32 s3, s17;
	s22 =	sand.u32 $0x1FFFFFF0, s18;
	s23 =	spop (v2sf)  }
0x296: {  	[tilespmem:s4], [sflag:$0x1] =	stream.linear.gather [hbm4b:s21+s13], $0x80, $0x38;
	[tilespmem:$0x1BC00] =	vst v63  }
0x297: {  	s24 =	sadd.s32 s3, s22;
	s25 =	sand.u32 $0x1FFFFFF0, s23;
	s26 =	spop (v2sf)  }
0x298: {  	[tilespmem:s2], [sflag:$0x1] =	stream.linear.gather [hbm4b:s24+s13], $0x80, $0x38;
	[tilespmem:$0x1BC00] =	vst v63  }
0x299: {  	s0 =	sadd.s32 $0x3780, s0;
	s29 =	sadd.s32 s3, s25;
	s30 =	sand.u32 $0x1FFFFFF0, s26  }
0x29a: {  	[tilespmem:s28], [sflag:$0x1] =	stream.linear.gather [hbm4b:s29+s13], $0x80, $0x38;
	[tilespmem:$0x1BC00] =	vst v63  }
0x29b: {  	s14 =	simm.s32 $0x3000;
	s23 =	simm.s32 $0x0;
	s31 =	sadd.s32 s3, s30  }
0x29c: {  	[tilespmem:s0], [sflag:$0x1] =	stream.linear.gather [hbm4b:s31+s13], $0x80, $0x38;
	[tilespmem:$0x1BC00] =	vst v63  }
.LBB2_4:
0x29d: {  	s0 =	sshll.u32 s23, $0x9  }
0x29e: {  	s25 =	sshll.u32 s23, $0x7;
	p1 =	por $0x1, $0x1;
	s0 =	sand.u32 $0x3000, s0  }
.Ltmp3:
0x29f: {  	s30 =	sand.u32 $0x380, s25;
	[dreg:$0x4] =	wrdreg s0;
	(pc) =	sbr.rel @!p1 .LBB2_5-.Ltmp3, $4  }
0x2a0: {  	[dreg:$0x5] =	wrdreg s30  }
0x2a1: {  	s4 =	sand.u32 $0x400, s13;
	s26 =	simm.s32 $0x2000;
	s31 =	rddreg [dreg:$0x4]  }
0x2a2: {  	s6 =	sand.u32 $0x70, s13;
	s2 =	rddreg [dreg:$0x5];
	s0 =	sadd.s32 s4, s31  }
0x2a3: {  	p0 =	por $0x0, $0x0;
	[dreg:$0xd] =	wrdreg s23;
	s4 =	sadd.s32 s2, s0  }
0x2a4: {  	s0 =	sadd.s32 s6, s4  }
0x2a5: {  	v0 =	vld [tilespmem:s0+$0x800];
	_ =	sdelay $0x4  }
0x2a6: {  	v0 =	vshll.u32 v0, $0x4  }
0x2a7: {  	(v2sf) =	vpush v0, $0x1  }
0x2a8: {  	(v2sf) =	vpush v0, $0x0;
	_ =	sdelay $0x1  }
0x2a9: {  	(v2sf) =	vpush v0, $0x2;
	_ =	sdelay $0x1  }
0x2aa: {  	(v2sf) =	vpush v0, $0x3;
	_ =	sdelay $0x1  }
0x2ab: {  	(v2sf) =	vpush v0, $0x4;
	_ =	sdelay $0x1  }
0x2ac: {  	p1 =	por $0x1, $0x1;
	(v2sf) =	vpush v0, $0x5  }
0x2ad: {  	s28 =	simm.s32 $0x4000;
	s29 =	simm.s32 $0x80;
	s7 =	rddreg [dreg:$0x4]  }
0x2ae: {  	s30 =	simm.s32 $0x0;
	s4 =	rddreg [dreg:$0x5];
	s8 =	simm.s32 $0xB200;
	(v2sf) =	vpush v0, $0x6  }
0x2af: {  	s5 =	simm.s32 $0xB500;
	s2 =	simm.s32 $0xB580;
	s9 =	simm.s32 $0xB000  }
0x2b0: {  	s10 =	simm.s32 $0xB180;
	s12 =	simm.s32 $0xB480;
	s11 =	simm.s32 $0xB380;
	(v2sf) =	vpush v0, $0x7  }
0x2b1: {  	s16 =	simm.s32 $0xB080;
	s17 =	simm.s32 $0xB280;
	p0 =	por $0x1, $0x1  }
0x2b2: {  	s22 =	sand.u32 $0x400, s29;
	s0 =	simm.s32 $0xB600;
	s13 =	spop (v2sf);
	(v2sf) =	vpush v0, $0x8  }
0x2b3: {  	s6 =	sadd.s32 s22, s7;
	s7 =	simm.s32 $0xB100;
	s18 =	spop (v2sf)  }
0x2b4: {  	s4 =	sadd.s32 s4, s6;
	s13 =	sand.u32 $0x1FFFFFF0, s13;
	(v2sf) =	vpush v0, $0x9;
	s18 =	sand.u32 $0x1FFFFFF0, s18  }
0x2b5: {  	s21 =	spop (v2sf);
	s23 =	sadd.s32 s3, s13;
	s18 =	sadd.s32 s3, s18  }
0x2b6: {  	[tilespmem:s9], [sflag:$0x2] =	stream.linear.gather [hbm4b:s18+s1], $0x80, $0x38;
	[tilespmem:$0x1BC00] =	vst v63  }
0x2b7: {  	(v2sf) =	vpush v0, $0xA;
	s13 =	simm.s32 $0xB400;
	s21 =	sand.u32 $0x1FFFFFF0, s21;
	s22 =	spop (v2sf)  }
0x2b8: {  	[tilespmem:s16], [sflag:$0x2] =	stream.linear.gather [hbm4b:s23+s1], $0x80, $0x38;
	[tilespmem:$0x1BC00] =	vst v63  }
0x2b9: {  	s24 =	sand.u32 $0x1FFFFFF0, s22;
	s31 =	spop (v2sf);
	s16 =	sadd.s32 s3, s21  }
0x2ba: {  	[tilespmem:s7], [sflag:$0x2] =	stream.linear.gather [hbm4b:s16+s1], $0x80, $0x38;
	[tilespmem:$0x1BC00] =	vst v63  }
0x2bb: {  	(v2sf) =	vpush v0, $0xB;
	s22 =	spop (v2sf);
	s21 =	sand.u32 $0x1FFFFFF0, s31;
	s23 =	sadd.s32 s3, s24  }
0x2bc: {  	[tilespmem:s10], [sflag:$0x2] =	stream.linear.gather [hbm4b:s23+s1], $0x80, $0x38;
	[tilespmem:$0x1BC00] =	vst v63  }
0x2bd: {  	(v2sf) =	vpush v0, $0xC;
	s24 =	sand.u32 $0x1FFFFFF0, s22;
	s31 =	spop (v2sf);
	s10 =	sadd.s32 s3, s21  }
0x2be: {  	[tilespmem:s8], [sflag:$0x2] =	stream.linear.gather [hbm4b:s10+s1], $0x80, $0x38;
	[tilespmem:$0x1BC00] =	vst v63  }
0x2bf: {  	s18 =	spop (v2sf);
	s16 =	sand.u32 $0x1FFFFFF0, s31;
	s21 =	sadd.s32 s3, s24  }
0x2c0: {  	[tilespmem:s17], [sflag:$0x2] =	stream.linear.gather [hbm4b:s21+s1], $0x80, $0x38;
	[tilespmem:$0x1BC00] =	vst v63  }
0x2c1: {  	s22 =	simm.s32 $0xB300;
	s24 =	sadd.s32 s3, s16;
	s31 =	spop (v2sf)  }
0x2c2: {  	[tilespmem:s22], [sflag:$0x2] =	stream.linear.gather [hbm4b:s24+s1], $0x80, $0x38;
	[tilespmem:$0x1BC00] =	vst v63  }
0x2c3: {  	s23 =	sand.u32 $0x1FFFFFF0, s18;
	s16 =	sand.u32 $0x1FFFFFF0, s31;
	s17 =	spop (v2sf)  }
0x2c4: {  	s9 =	sadd.s32 s3, s23;
	s8 =	sadd.s32 s3, s16;
	s18 =	sand.u32 $0x1FFFFFF0, s17  }
0x2c5: {  	[tilespmem:s11], [sflag:$0x2] =	stream.linear.gather [hbm4b:s9+s1], $0x80, $0x38;
	[tilespmem:$0x1BC00] =	vst v63  }
0x2c6: {  	s21 =	spop (v2sf);
	s11 =	simm.s32 $0x10;
	s22 =	sadd.s32 s3, s18  }
0x2c7: {  	[tilespmem:s13], [sflag:$0x2] =	stream.linear.gather [hbm4b:s8+s1], $0x80, $0x38;
	[tilespmem:$0x1BC00] =	vst v63  }
.Ltmp4:
0x2c8: {  	s23 =	sand.u32 $0x1FFFFFF0, s21;
	s21 =	simm.s32 $0xB680;
	(pc) =	sbr.rel @!p1 .LBB2_7-.Ltmp4, $4  }
0x2c9: {  	[tilespmem:s12], [sflag:$0x2] =	stream.linear.gather [hbm4b:s22+s1], $0x80, $0x38;
	[tilespmem:$0x1BC00] =	vst v63  }
0x2ca: {  	(v2sf) =	vpush v0, $0xD;
	s31 =	spop (v2sf);
	s6 =	sand.u32 $0x70, s11;
	s24 =	sadd.s32 s3, s23  }
0x2cb: {  	(v2sf) =	vpush v0, $0xE;
	[tilespmem:s5], [sflag:$0x2] =	stream.linear.gather [hbm4b:s24+s1], $0x80, $0x38;
	[tilespmem:$0x1BC00] =	vst v63  }
0x2cc: {  	(v2sf) =	vpush v0, $0xF;
	s7 =	spop (v2sf);
	s8 =	simm.s32 $0xB780;
	s5 =	sand.u32 $0x1FFFFFF0, s31  }
.LBB2_8:
0x2cd: {  	_ =	sdelay $0x7  }
0x2ce: {  	s5 =	sadd.s32 s3, s5;
	s7 =	sand.u32 $0x1FFFFFF0, s7  }
0x2cf: {  	[tilespmem:s2], [sflag:$0x2] =	stream.linear.gather [hbm4b:s5+s1], $0x80, $0x38;
	[tilespmem:$0x1BC00] =	vst v63  }
0x2d0: {  	s23 =	sadd.s32 s3, s7  }
0x2d1: {  	[tilespmem:s0], [sflag:$0x2] =	stream.linear.gather [hbm4b:s23+s1], $0x80, $0x38;
	[tilespmem:$0x1BC00] =	vst v63  }
0x2d2: {  	s9 =	spop (v2sf)  }
0x2d3: {  	s24 =	sand.u32 $0x1FFFFFF0, s9;
	s31 =	spop (v2sf)  }
0x2d4: {  	s2 =	sadd.s32 s3, s24;
	s5 =	sand.u32 $0x1FFFFFF0, s31;
	s7 =	spop (v2sf)  }
0x2d5: {  	[tilespmem:s21], [sflag:$0x2] =	stream.linear.gather [hbm4b:s2+s1], $0x80, $0x38;
	[tilespmem:$0x1BC00] =	vst v63  }
0x2d6: {  	s9 =	sadd.s32 $0xB700, s30;
	s2 =	sadd.s32 s3, s5;
	s5 =	sand.u32 $0x1FFFFFF0, s7  }
0x2d7: {  	[tilespmem:s9], [sflag:$0x2] =	stream.linear.gather [hbm4b:s2+s1], $0x80, $0x38;
	[tilespmem:$0x1BC00] =	vst v63  }
0x2d8: {  	s10 =	sadd.s32 s6, s4;
	s12 =	sadd.s32 s3, s5  }
0x2d9: {  	[tilespmem:s8], [sflag:$0x2] =	stream.linear.gather [hbm4b:s12+s1], $0x80, $0x38;
	[tilespmem:$0x1BC00] =	vst v63  }
0x2da: {  	v0 =	vld [tilespmem:s10+$0x800];
	_ =	sdelay $0x4  }
0x2db: {  	v0 =	vshll.u32 v0, $0x4  }
0x2dc: {  	(v2sf) =	vpush v0, $0x1  }
0x2dd: {  	(v2sf) =	vpush v0, $0x0  }
0x2de: {  	(v2sf) =	vpush v0, $0x2  }
0x2df: {  	(v2sf) =	vpush v0, $0x3;
	_ =	sdelay $0x1  }
0x2e0: {  	(v2sf) =	vpush v0, $0x4;
	_ =	sdelay $0x1  }
0x2e1: {  	(v2sf) =	vpush v0, $0x5  }
0x2e2: {  	p1 =	sne.s32 s28, $0x1E000;
	s13 =	smov.u32 s28  }
0x2e3: {  	s28 =	sadd.s32 $0x2000, s28;
	s29 =	sadd.s32 $0x80, s29;
	s17 =	rddreg [dreg:$0x5]  }
0x2e4: {  	s18 =	rddreg [dreg:$0x4];
	s11 =	sadd.s32 $0x10, s11;
	s16 =	sand.u32 $0x400, s29  }
0x2e5: {  	s6 =	sand.u32 $0x70, s11;
	s4 =	sadd.s32 s16, s18;
	s30 =	sshra.s32 s26, $0x2;
	(v2sf) =	vpush v0, $0x6  }
0x2e6: {  	s4 =	sadd.s32 s17, s4;
	s26 =	smov.u32 s13;
	s0 =	sadd.s32 $0xB600, s30  }
0x2e7: {  	s22 =	sadd.s32 $0xB480, s30;
	s13 =	sadd.s32 $0xB100, s30;
	s16 =	sadd.s32 $0xB080, s30;
	(v2sf) =	vpush v0, $0x7  }
0x2e8: {  	s17 =	sadd.s32 $0xB280, s30;
	s7 =	sadd.s32 $0xB200, s30;
	s5 =	sadd.s32 $0xB380, s30  }
0x2e9: {  	s2 =	sadd.s32 $0xB580, s30;
	s9 =	sadd.s32 $0xB000, s30;
	s21 =	spop (v2sf);
	(v2sf) =	vpush v0, $0x8  }
0x2ea: {  	s12 =	sadd.s32 $0xB180, s30;
	s8 =	sadd.s32 $0xB780, s30;
	s23 =	spop (v2sf)  }
0x2eb: {  	s10 =	sadd.s32 $0xB500, s30;
	s23 =	sand.u32 $0x1FFFFFF0, s23;
	s31 =	spop (v2sf)  }
0x2ec: {  	s18 =	sand.u32 $0x1FFFFFF0, s21;
	s23 =	sadd.s32 s3, s23;
	s24 =	spop (v2sf)  }
0x2ed: {  	(v2sf) =	vpush v0, $0x9;
	[tilespmem:s9], [sflag:$0x2] =	stream.linear.gather [hbm4b:s23+s1], $0x80, $0x38;
	[tilespmem:$0x1BC00] =	vst v63  }
0x2ee: {  	s31 =	sand.u32 $0x1FFFFFF0, s31;
	s9 =	sadd.s32 s3, s18;
	s23 =	spop (v2sf)  }
0x2ef: {  	(v2sf) =	vpush v0, $0xA;
	[tilespmem:s16], [sflag:$0x2] =	stream.linear.gather [hbm4b:s9+s1], $0x80, $0x38;
	[tilespmem:$0x1BC00] =	vst v63  }
0x2f0: {  	s18 =	sand.u32 $0x1FFFFFF0, s24;
	(v2sf) =	vpush v0, $0xB;
	s24 =	sadd.s32 s3, s31;
	s31 =	spop (v2sf)  }
0x2f1: {  	[tilespmem:s13], [sflag:$0x2] =	stream.linear.gather [hbm4b:s24+s1], $0x80, $0x38;
	[tilespmem:$0x1BC00] =	vst v63  }
0x2f2: {  	(v2sf) =	vpush v0, $0xC;
	s18 =	sadd.s32 s3, s18;
	s16 =	sand.u32 $0x1FFFFFF0, s23;
	s24 =	sand.u32 $0x1FFFFFF0, s31  }
0x2f3: {  	[tilespmem:s12], [sflag:$0x2] =	stream.linear.gather [hbm4b:s18+s1], $0x80, $0x38;
	[tilespmem:$0x1BC00] =	vst v63  }
0x2f4: {  	s16 =	sadd.s32 s3, s16;
	s31 =	spop (v2sf);
	s23 =	sadd.s32 s3, s24  }
0x2f5: {  	[tilespmem:s7], [sflag:$0x2] =	stream.linear.gather [hbm4b:s16+s1], $0x80, $0x38;
	[tilespmem:$0x1BC00] =	vst v63  }
0x2f6: {  	s24 =	sadd.s32 $0xB300, s30;
	s12 =	sand.u32 $0x1FFFFFF0, s31;
	s18 =	spop (v2sf)  }
0x2f7: {  	[tilespmem:s17], [sflag:$0x2] =	stream.linear.gather [hbm4b:s23+s1], $0x80, $0x38;
	[tilespmem:$0x1BC00] =	vst v63  }
0x2f8: {  	s31 =	sand.u32 $0x1FFFFFF0, s18;
	s16 =	sadd.s32 s3, s12;
	s18 =	spop (v2sf)  }
0x2f9: {  	[tilespmem:s24], [sflag:$0x2] =	stream.linear.gather [hbm4b:s16+s1], $0x80, $0x38;
	[tilespmem:$0x1BC00] =	vst v63  }
0x2fa: {  	s21 =	sadd.s32 $0xB680, s30;
	s17 =	sadd.s32 s3, s31;
	s24 =	sand.u32 $0x1FFFFFF0, s18  }
0x2fb: {  	[tilespmem:s5], [sflag:$0x2] =	stream.linear.gather [hbm4b:s17+s1], $0x80, $0x38;
	[tilespmem:$0x1BC00] =	vst v63  }
0x2fc: {  	s23 =	sadd.s32 $0xB400, s30;
	s31 =	spop (v2sf);
	s16 =	sadd.s32 s3, s24  }
0x2fd: {  	[tilespmem:s23], [sflag:$0x2] =	stream.linear.gather [hbm4b:s16+s1], $0x80, $0x38;
	[tilespmem:$0x1BC00] =	vst v63  }
.Ltmp5:
0x2fe: {  	s17 =	sand.u32 $0x1FFFFFF0, s31;
	s18 =	spop (v2sf);
	(pc) =	sbr.rel @p1 .LBB2_8-.Ltmp5, $4  }
0x2ff: {  	s24 =	sand.u32 $0x1FFFFFF0, s18;
	s31 =	spop (v2sf);
	s23 =	sadd.s32 s3, s17  }
0x300: {  	(v2sf) =	vpush v0, $0xD;
	[tilespmem:s22], [sflag:$0x2] =	stream.linear.gather [hbm4b:s23+s1], $0x80, $0x38;
	[tilespmem:$0x1BC00] =	vst v63  }
0x301: {  	(v2sf) =	vpush v0, $0xE;
	s12 =	sadd.s32 s3, s24;
	s5 =	sand.u32 $0x1FFFFFF0, s31;
	s7 =	spop (v2sf)  }
0x302: {  	(v2sf) =	vpush v0, $0xF;
	[tilespmem:s10], [sflag:$0x2] =	stream.linear.gather [hbm4b:s12+s1], $0x80, $0x38;
	[tilespmem:$0x1BC00] =	vst v63  }
0x303: {  	s23 =	rddreg [dreg:$0xd]  }
.LBB2_10:
0x304: {  	_ =	sdelay $0x6  }
0x305: {  	s5 =	sadd.s32 @p0 s3, s5;
	s7 =	sand.u32 @p0 $0x1FFFFFF0, s7  }
0x306: {  	[tilespmem:s2], [sflag:$0x2] =	stream.linear.gather @p0 [hbm4b:s5+s1], $0x80, $0x38;
	[tilespmem:$0x1BC00] =	vst v63  }
0x307: {  	s2 =	sadd.s32 @p0 s3, s7  }
0x308: {  	[tilespmem:s0], [sflag:$0x2] =	stream.linear.gather @p0 [hbm4b:s2+s1], $0x80, $0x38;
	[tilespmem:$0x1BC00] =	vst v63  }
0x309: {  	s9 =	spop @p0 (v2sf)  }
0x30a: {  	s5 =	sand.u32 @p0 $0x1FFFFFF0, s9;
	s7 =	spop @p0 (v2sf)  }
0x30b: {  	s0 =	sadd.s32 @p0 s3, s5;
	s2 =	sand.u32 @p0 $0x1FFFFFF0, s7;
	s5 =	spop @p0 (v2sf)  }
0x30c: {  	[tilespmem:s21], [sflag:$0x2] =	stream.linear.gather @p0 [hbm4b:s0+s1], $0x80, $0x38;
	[tilespmem:$0x1BC00] =	vst v63  }
0x30d: {  	s0 =	sadd.s32 @p0 $0xB700, s30;
	s2 =	sadd.s32 @p0 s3, s2;
	s5 =	sand.u32 @p0 $0x1FFFFFF0, s5  }
0x30e: {  	[tilespmem:s0], [sflag:$0x2] =	stream.linear.gather @p0 [hbm4b:s2+s1], $0x80, $0x38;
	[tilespmem:$0x1BC00] =	vst v63  }
0x30f: {  	s30 =	sadd.s32 s6, s4;
	s2 =	sadd.s32 @p0 s3, s5  }
0x310: {  	[tilespmem:s8], [sflag:$0x2] =	stream.linear.gather @p0 [hbm4b:s2+s1], $0x80, $0x38;
	[tilespmem:$0x1BC00] =	vst v63  }
0x311: {  	v0 =	vld [tilespmem:s30+$0x800];
	_ =	sdelay $0x4  }
0x312: {  	v0 =	vshll.u32 v0, $0x4  }
0x313: {  	(v2sf) =	vpush v0, $0x1  }
0x314: {  	(v2sf) =	vpush v0, $0x0  }
0x315: {  	(v2sf) =	vpush v0, $0x2  }
0x316: {  	(v2sf) =	vpush v0, $0x3;
	_ =	sdelay $0x1  }
0x317: {  	(v2sf) =	vpush v0, $0x4;
	_ =	sdelay $0x1  }
0x318: {  	(v2sf) =	vpush v0, $0x5;
	_ =	sdelay $0x1  }
0x319: {  	(v2sf) =	vpush v0, $0x6;
	_ =	sdelay $0x1  }
0x31a: {  	s0 =	sshra.s32 s26, $0x2;
	(v2sf) =	vpush v0, $0x7  }
0x31b: {  	s7 =	sadd.s32 $0xB200, s0;
	s5 =	sadd.s32 $0xB500, s0  }
0x31c: {  	s4 =	sadd.s32 $0xB580, s0;
	s31 =	sadd.s32 $0xB000, s0;
	s9 =	sadd.s32 $0xB180, s0  }
0x31d: {  	s10 =	sadd.s32 $0xB480, s0;
	s11 =	sadd.s32 $0xB100, s0;
	s12 =	sadd.s32 $0xB380, s0  }
0x31e: {  	s13 =	sadd.s32 $0xB080, s0;
	s16 =	sadd.s32 $0xB280, s0;
	s18 =	spop (v2sf);
	(v2sf) =	vpush v0, $0x8  }
0x31f: {  	s6 =	sadd.s32 $0xB680, s0;
	s2 =	sadd.s32 $0xB600, s0;
	s21 =	spop (v2sf)  }
0x320: {  	s17 =	sand.u32 $0x1FFFFFF0, s18;
	(v2sf) =	vpush v0, $0x9;
	s18 =	sand.u32 $0x1FFFFFF0, s21;
	s22 =	spop (v2sf)  }
0x321: {  	s18 =	sadd.s32 s3, s18;
	s21 =	sand.u32 $0x1FFFFFF0, s22;
	s22 =	spop (v2sf)  }
0x322: {  	(v2sf) =	vpush v0, $0xA;
	[tilespmem:s31], [sflag:$0x2] =	stream.linear.gather [hbm4b:s18+s1], $0x80, $0x38;
	[tilespmem:$0x1BC00] =	vst v63  }
0x323: {  	s24 =	sadd.s32 s3, s17;
	s26 =	sand.u32 $0x1FFFFFF0, s22;
	s28 =	spop (v2sf)  }
0x324: {  	(v2sf) =	vpush v0, $0xB;
	[tilespmem:s13], [sflag:$0x2] =	stream.linear.gather [hbm4b:s24+s1], $0x80, $0x38;
	[tilespmem:$0x1BC00] =	vst v63  }
0x325: {  	s29 =	sadd.s32 s3, s21;
	s30 =	sand.u32 $0x1FFFFFF0, s28;
	s31 =	spop (v2sf)  }
0x326: {  	(v2sf) =	vpush v0, $0xC;
	[tilespmem:s11], [sflag:$0x2] =	stream.linear.gather [hbm4b:s29+s1], $0x80, $0x38;
	[tilespmem:$0x1BC00] =	vst v63  }
0x327: {  	s21 =	sadd.s32 s3, s26;
	s22 =	sand.u32 $0x1FFFFFF0, s31;
	s24 =	spop (v2sf)  }
0x328: {  	(v2sf) =	vpush v0, $0xD;
	[tilespmem:s9], [sflag:$0x2] =	stream.linear.gather [hbm4b:s21+s1], $0x80, $0x38;
	[tilespmem:$0x1BC00] =	vst v63  }
0x329: {  	s26 =	sadd.s32 s3, s30;
	s31 =	sadd.s32 $0xB300, s0;
	s29 =	spop (v2sf)  }
0x32a: {  	(v2sf) =	vpush v0, $0xE;
	[tilespmem:s7], [sflag:$0x2] =	stream.linear.gather [hbm4b:s26+s1], $0x80, $0x38;
	[tilespmem:$0x1BC00] =	vst v63  }
0x32b: {  	s28 =	sand.u32 $0x1FFFFFF0, s24;
	s30 =	sadd.s32 s3, s22;
	s13 =	sand.u32 $0x1FFFFFF0, s29  }
0x32c: {  	(v2sf) =	vpush v0, $0xF;
	[tilespmem:s16], [sflag:$0x2] =	stream.linear.gather [hbm4b:s30+s1], $0x80, $0x38;
	[tilespmem:$0x1BC00] =	vst v63  }
0x32d: {  	s17 =	sadd.s32 s3, s13;
	s16 =	sadd.s32 s3, s28;
	s18 =	spop (v2sf)  }
0x32e: {  	[tilespmem:s31], [sflag:$0x2] =	stream.linear.gather [hbm4b:s16+s1], $0x80, $0x38;
	[tilespmem:$0x1BC00] =	vst v63  }
0x32f: {  	s21 =	sadd.s32 $0xB400, s0;
	s22 =	sand.u32 $0x1FFFFFF0, s18;
	s24 =	spop (v2sf)  }
0x330: {  	[tilespmem:s12], [sflag:$0x2] =	stream.linear.gather [hbm4b:s17+s1], $0x80, $0x38;
	[tilespmem:$0x1BC00] =	vst v63  }
0x331: {  	s8 =	sadd.s32 s3, s22;
	s26 =	sand.u32 $0x1FFFFFF0, s24;
	s28 =	spop (v2sf)  }
0x332: {  	[tilespmem:s21], [sflag:$0x2] =	stream.linear.gather [hbm4b:s8+s1], $0x80, $0x38;
	[tilespmem:$0x1BC00] =	vst v63  }
0x333: {  	s29 =	sadd.s32 s3, s26;
	s30 =	sand.u32 $0x1FFFFFF0, s28;
	s31 =	spop (v2sf)  }
0x334: {  	[tilespmem:s10], [sflag:$0x2] =	stream.linear.gather [hbm4b:s29+s1], $0x80, $0x38;
	[tilespmem:$0x1BC00] =	vst v63  }
0x335: {  	s11 =	spop (v2sf);
	s8 =	sadd.s32 s3, s30;
	s10 =	sand.u32 $0x1FFFFFF0, s31  }
0x336: {  	[tilespmem:s5], [sflag:$0x2] =	stream.linear.gather [hbm4b:s8+s1], $0x80, $0x38;
	[tilespmem:$0x1BC00] =	vst v63  }
0x337: {  	s13 =	sand.u32 $0x1FFFFFF0, s11;
	s16 =	spop (v2sf);
	s12 =	sadd.s32 s3, s10  }
0x338: {  	[tilespmem:s4], [sflag:$0x2] =	stream.linear.gather [hbm4b:s12+s1], $0x80, $0x38;
	[tilespmem:$0x1BC00] =	vst v63  }
0x339: {  	s17 =	sadd.s32 s3, s13;
	s18 =	sand.u32 $0x1FFFFFF0, s16;
	s21 =	spop (v2sf)  }
0x33a: {  	[tilespmem:s2], [sflag:$0x2] =	stream.linear.gather [hbm4b:s17+s1], $0x80, $0x38;
	[tilespmem:$0x1BC00] =	vst v63  }
0x33b: {  	s22 =	sadd.s32 s3, s18;
	s24 =	sand.u32 $0x1FFFFFF0, s21;
	s26 =	spop (v2sf)  }
0x33c: {  	[tilespmem:s6], [sflag:$0x2] =	stream.linear.gather [hbm4b:s22+s1], $0x80, $0x38;
	[tilespmem:$0x1BC00] =	vst v63  }
0x33d: {  	s28 =	sadd.s32 $0xB700, s0;
	s5 =	sand.u32 $0x1FFFFFF0, s26;
	s4 =	sadd.s32 s3, s24  }
0x33e: {  	[tilespmem:s28], [sflag:$0x2] =	stream.linear.gather [hbm4b:s4+s1], $0x80, $0x38;
	[tilespmem:$0x1BC00] =	vst v63  }
0x33f: {  	s0 =	sadd.s32 $0xB780, s0;
	s30 =	simm.s32 $0x1;
	s29 =	sadd.s32 s3, s5  }
0x340: {  	[tilespmem:s0], [sflag:$0x2] =	stream.linear.gather [hbm4b:s29+s1], $0x80, $0x38;
	[tilespmem:$0x1BC00] =	vst v63  }
0x341: {  	_ =	swait.ge [sflag:s30], $0x8000  }
0x342: {  	v24 =	vor.u32 s25, v2;
	p0 =	seq.s32 s23, $0x0;
	[sflag:s30] =	ssyncset.done $0x0  }
0x343: {  	s0 =	simm.s32 @!p0 $0x3;
	[sflag:s30] =	ssyncadd.s32 $0xFFFF8000  }
0x344: {  	_ =	swait.ge @!p0 [sflag:s0], $0x4000  }
0x345: {  	[sflag:s0] =	ssyncset.done @!p0 $0x0  }
0x346: {  	s31 =	simm.s32 $0x1B000;
	[sflag:s0] =	ssyncadd.s32 @!p0 $0xFFFFC000  }
0x347: {  	[tilespmem:$0x1ECE0] =	vst v24;
	v24 =	vld.idx.msk [tilespmem:v24+s31+$0x0], $0xffff;
	_ =	sdelay $0x3  }
0x348: {  	v48 =	vor.u32 s25, v35  }
0x349: {  	[tilespmem:$0x1ECF0] =	vst v24;
	v24 =	vor.u32 s25, v7;
	_ =	sdelay $0x1  }
0x34a: {  	v23 =	vor.u32 s25, v1  }
0x34b: {  	v25 =	vor.u32 s25, v3  }
0x34c: {  	v49 =	vor.u32 s25, v5;
	v0 =	vld.idx.msk [tilespmem:v48+s31+$0x0], $0xffff  }
0x34d: {  	[tilespmem:$0x1ED80] =	vst v24;
	v24 =	vld.idx.msk [tilespmem:v24+s31+$0x0], $0xffff;
	_ =	sdelay $0x1  }
0x34e: {  	[tilespmem:$0x1ECC0] =	vst v23;
	v23 =	vld.idx.msk [tilespmem:v23+s31+$0x0], $0xffff  }
0x34f: {  	[tilespmem:$0x1ED00] =	vst v25;
	v25 =	vld.idx.msk [tilespmem:v25+s31+$0x0], $0xffff  }
0x350: {  	v50 =	vor.u32 s25, v10;
	[tilespmem:$0x1EC90] =	vst v0;
	v0 =	vld.idx.msk [tilespmem:v49+s31+$0x0], $0xffff  }
0x351: {  	[tilespmem:$0x1ED90] =	vst v24;
	v24 =	vor.u32 s25, v13;
	_ =	sdelay $0x1  }
0x352: {  	v22 =	vor.u32 s25, v4;
	[tilespmem:$0x1ECD0] =	vst v23  }
0x353: {  	v54 =	vld [tilespmem:$0x1FE70];
	v23 =	vor.u32 s25, v8;
	[tilespmem:$0x1ED10] =	vst v25  }
0x354: {  	v25 =	vor.u32 s25, v9;
	[tilespmem:$0x1ED30] =	vst v0;
	v0 =	vld.idx.msk [tilespmem:v50+s31+$0x0], $0xffff  }
0x355: {  	v53 =	vld.idx.msk [tilespmem:v24+s31+$0x0], $0xffff  }
0x356: {  	[tilespmem:$0x1EE20] =	vst v24;
	v24 =	vor.u32 s25, v16;
	v16 =	vld [tilespmem:$0x1FE80]  }
0x357: {  	[tilespmem:$0x1ECA0] =	vst v22;
	v22 =	vld.idx.msk [tilespmem:v22+s31+$0x0], $0xffff  }
0x358: {  	[tilespmem:$0x1ED60] =	vst v23;
	v23 =	vld.idx.msk [tilespmem:v23+s31+$0x0], $0xffff  }
0x359: {  	[tilespmem:$0x1EDA0] =	vst v25;
	v25 =	vld.idx.msk [tilespmem:v25+s31+$0x0], $0xffff  }
0x35a: {  	v55 =	vld [tilespmem:$0x1FE60]  }
0x35b: {  	[tilespmem:$0x1EDD0] =	vst v0;
	v0 =	vsel vm0, v16, v54;
	v16 =	vld [tilespmem:$0x1FE90]  }
0x35c: {  	[tilespmem:$0x1ECB0] =	vst v22;
	v22 =	vor.u32 s25, v6  }
0x35d: {  	[tilespmem:$0x1ED70] =	vst v23;
	v23 =	vor.u32 s25, v12  }
0x35e: {  	[tilespmem:$0x1EDB0] =	vst v25;
	v25 =	vor.u32 s25, v14  }
0x35f: {  	v26 =	vor.u32 s25, v15;
	v15 =	vld [tilespmem:$0x1FED0]  }
0x360: {  	v1 =	vsel vm0, v55, v16;
	v16 =	vld [tilespmem:$0x1FEE0]  }
0x361: {  	[tilespmem:$0x1ED40] =	vst v22;
	v22 =	vld.idx.msk [tilespmem:v22+s31+$0x0], $0xffff  }
0x362: {  	v52 =	vld.idx.msk [tilespmem:v23+s31+$0x0], $0xffff  }
0x363: {  	v6 =	vld.idx.msk [tilespmem:v25+s31+$0x0], $0xffff  }
0x364: {  	[tilespmem:$0x1EE00] =	vst v23;
	v23 =	vor.u32 s25, v17;
	v17 =	vld [tilespmem:$0x1FEF0]  }
0x365: {  	v15 =	vsel vm0, v16, v15;
	v16 =	vld [tilespmem:$0x1FEC0];
	_ =	sdelay $0x2  }
0x366: {  	v27 =	vor.u32 s25, v18;
	v18 =	vld [tilespmem:$0x1FF40];
	[tilespmem:$0x1ED50] =	vst v22;
	v22 =	vor.u32 s25, v11  }
0x367: {  	[tilespmem:$0x1EE50] =	vst v6;
	v6 =	vld.idx.msk [tilespmem:v26+s31+$0x0], $0xffff  }
0x368: {  	v16 =	vsel vm0, v16, v17;
	v17 =	vld [tilespmem:$0x1FF30];
	_ =	sdelay $0x2  }
0x369: {  	[tilespmem:$0x1EC80] =	vst v48;
	v51 =	vld.idx.msk [tilespmem:v22+s31+$0x0], $0xffff  }
0x36a: {  	[tilespmem:$0x1EE70] =	vst v6;
	v6 =	vld [tilespmem:$0x1FF50]  }
0x36b: {  	[tilespmem:$0x1EDE0] =	vst v22;
	v22 =	vor.u32 s25, v20;
	v17 =	vsel vm0, v18, v17;
	v18 =	vld [tilespmem:$0x1FF20]  }
0x36c: {  	[tilespmem:$0x1ED20] =	vst v49;
	v31 =	vld [tilespmem:$0x1FCF0]  }
0x36d: {  	[tilespmem:$0x1EDC0] =	vst v50;
	v32 =	vld [tilespmem:$0x1FD00]  }
0x36e: {  	[tilespmem:$0x1EE60] =	vst v26;
	v33 =	vld [tilespmem:$0x1FD10]  }
0x36f: {  	v28 =	vor.u32 s25, v19;
	[tilespmem:$0x1EEE0] =	vst v27;
	v34 =	vld [tilespmem:$0x1FD20]  }
0x370: {  	v60 =	vor.u32 $0x20, v35;
	[tilespmem:$0x1EF10] =	vst v28;
	v18 =	vsel vm0, v18, v6;
	v6 =	vld.idx.msk [tilespmem:v22+s31+$0x0], $0xffff  }
0x371: {  	[tilespmem:$0x1F0A0] =	vst v60  }
0x372: {  	v14 =	vor.u32 s25, v21;
	[tilespmem:$0x1EE40] =	vst v25  }
0x373: {  	[tilespmem:$0x1EF70] =	vst v14  }
0x374: {  	[tilespmem:$0x1EE80] =	vst v22  }
0x375: {  	v19 =	vsel vm0, v32, v31;
	v20 =	vsel vm0, v34, v33;
	[tilespmem:$0x1EE90] =	vst v6;
	v6 =	vld.idx.msk [tilespmem:v23+s31+$0x0], $0xffff  }
0x376: {  	[tilespmem:$0x1EEA0] =	vst v23;
	v45 =	vcombine.low v20, v19  }
0x377: {  	[tilespmem:$0x1EF40] =	vst v24  }
0x378: {  	[tilespmem:$0x1F100] =	vst v45;
	v46 =	vor.u32 s25, v45  }
0x379: {  	[tilespmem:$0x1F230] =	vst v46;
	v26 =	vcombine.low v18, v17;
	v17 =	vld [tilespmem:$0x1FE40]  }
0x37a: {  	[tilespmem:$0x1EEB0] =	vst v6;
	v6 =	vld.idx.msk [tilespmem:v27+s31+$0x0], $0xffff  }
0x37b: {  	[tilespmem:$0x1EDF0] =	vst v51;
	v18 =	vld [tilespmem:$0x1FE50]  }
0x37c: {  	[tilespmem:$0x1EE10] =	vst v52;
	v10 =	vcombine.low v1, v0  }
0x37d: {  	[tilespmem:$0x1EE30] =	vst v53  }
0x37e: {  	[tilespmem:$0x1EEC0] =	vst v10;
	v22 =	vor.u32 s25, v10;
	v10 =	vld [tilespmem:$0x1FEB0]  }
0x37f: {  	v55 =	vor.u32 $0x30, v35;
	v0 =	vcombine.low v0, v1;
	v25 =	vcombine.low v16, v15;
	[tilespmem:$0x1EEF0] =	vst v6;
	v6 =	vld [tilespmem:$0x1FEA0]  }
0x380: {  	v30 =	vld [tilespmem:$0x1FCE0];
	[tilespmem:$0x1F320] =	vst v55;
	v17 =	vcombine.low v17, v18  }
0x381: {  	[tilespmem:$0x1EFE0] =	vst v0;
	v23 =	vor.u32 s25, v25;
	v18 =	vld [tilespmem:$0x1FF90]  }
0x382: {  	v40 =	vor.u32 s25, v0;
	[tilespmem:$0x1EF30] =	vst v17;
	v29 =	vor.u32 s25, v17;
	v17 =	vld [tilespmem:$0x1FF80]  }
0x383: {  	v35 =	vld [tilespmem:$0x1FB90];
	[tilespmem:$0x1F130] =	vst v40;
	v56 =	vcombine.low v15, v16  }
0x384: {  	[tilespmem:$0x1EED0] =	vst v25;
	v27 =	vor.u32 s25, v26;
	v25 =	vcombine.low v6, v10;
	v6 =	vld [tilespmem:$0x1FF00]  }
0x385: {  	[tilespmem:$0x1EFF0] =	vst v56;
	v41 =	vor.u32 s25, v56;
	v10 =	vld [tilespmem:$0x1FF10]  }
0x386: {  	[tilespmem:$0x1F150] =	vst v41;
	v58 =	vld.idx.msk [tilespmem:v23+s31+$0x0], $0xffff  }
0x387: {  	v56 =	vor.u32 s25, v55;
	[tilespmem:$0x1F000] =	vst v23;
	v23 =	vld [tilespmem:$0x1FC80];
	v17 =	vcombine.low v17, v18  }
0x388: {  	[tilespmem:$0x1F480] =	vst v56;
	v18 =	vld.idx.msk [tilespmem:v29+s31+$0x0], $0xffff  }
0x389: {  	[tilespmem:$0x1EFB0] =	vst v17;
	v39 =	vor.u32 s25, v17;
	v17 =	vld.idx.msk [tilespmem:v27+s31+$0x0], $0xffff  }
0x38a: {  	[tilespmem:$0x1EF00] =	vst v26;
	v26 =	vcombine.low v6, v10;
	v6 =	vld.idx.msk [tilespmem:v28+s31+$0x0], $0xffff  }
0x38b: {  	[tilespmem:$0x1F040] =	vst v29;
	v29 =	vld [tilespmem:$0x1FCD0]  }
0x38c: {  	[tilespmem:$0x1F020] =	vst v27;
	v27 =	vld [tilespmem:$0x1FCB0]  }
0x38d: {  	[tilespmem:$0x1F050] =	vst v18;
	v36 =	vor.u32 s25, v25;
	v10 =	vld [tilespmem:$0x1FF70]  }
0x38e: {  	[tilespmem:$0x1F030] =	vst v17;
	v28 =	vld [tilespmem:$0x1FCC0];
	v37 =	vor.u32 s25, v26  }
0x38f: {  	[tilespmem:$0x1EF20] =	vst v6;
	v6 =	vld [tilespmem:$0x1FF60]  }
0x390: {  	[tilespmem:$0x1EF60] =	vst v25;
	v25 =	vld [tilespmem:$0x1FC90]  }
0x391: {  	[tilespmem:$0x1EF90] =	vst v26;
	v26 =	vld [tilespmem:$0x1FCA0]  }
0x392: {  	[tilespmem:$0x1F060] =	vst v36;
	v36 =	vld.idx.msk [tilespmem:v36+s31+$0x0], $0xffff  }
0x393: {  	v18 =	vsel vm0, v30, v29;
	[tilespmem:$0x1F080] =	vst v37;
	v17 =	vsel vm0, v28, v27;
	v37 =	vld.idx.msk [tilespmem:v37+s31+$0x0], $0xffff  }
0x394: {  	[tilespmem:$0x1EFC0] =	vst v22;
	v44 =	vcombine.low v18, v17;
	v6 =	vcombine.low v6, v10;
	v10 =	vld.idx.msk [tilespmem:v24+s31+$0x0], $0xffff  }
0x395: {  	[tilespmem:$0x1F010] =	vst v58;
	v24 =	vld [tilespmem:$0x1FC70]  }
0x396: {  	[tilespmem:$0x1F0F0] =	vst v44;
	v63 =	vor.u32 s25, v44;
	v44 =	vld [tilespmem:$0x1FC20]  }
0x397: {  	[tilespmem:$0x1EFA0] =	vst v6;
	v38 =	vor.u32 s25, v6;
	v6 =	vld.idx.msk [tilespmem:v22+s31+$0x0], $0xffff  }
0x398: {  	[tilespmem:$0x1F110] =	vst v39;
	v22 =	vld [tilespmem:$0x1FC60]  }
0x399: {  	[tilespmem:$0x1EF50] =	vst v10;
	v10 =	vld.idx.msk [tilespmem:v14+s31+$0x0], $0xffff  }
0x39a: {  	v16 =	vsel vm0, v26, v25;
	[tilespmem:$0x1F090] =	vst v37;
	v37 =	vld [tilespmem:$0x1FBB0];
	v15 =	vsel vm0, v23, v24  }
0x39b: {  	[tilespmem:$0x1F070] =	vst v36;
	v36 =	vor.u32 s25, v60;
	v14 =	vld [tilespmem:$0x1FC50];
	v43 =	vcombine.low v16, v15  }
0x39c: {  	[tilespmem:$0x1F170] =	vst v36;
	v23 =	vsel vm0, v25, v23;
	v25 =	vsel vm0, v29, v28;
	v29 =	vld [tilespmem:$0x1FDC0]  }
0x39d: {  	[tilespmem:$0x1EFD0] =	vst v6;
	v6 =	vld [tilespmem:$0x1FC30];
	v62 =	vor.u32 s25, v43  }
0x39e: {  	[tilespmem:$0x1EF80] =	vst v10;
	v10 =	vld [tilespmem:$0x1FC40]  }
0x39f: {  	[tilespmem:$0x1F200] =	vst v63;
	v15 =	vcombine.low v15, v16;
	v16 =	vld.idx.msk [tilespmem:v63+s31+$0x0], $0xffff  }
0x3a0: {  	[tilespmem:$0x1F0D0] =	vst v38;
	v38 =	vld.idx.msk [tilespmem:v38+s31+$0x0], $0xffff  }
0x3a1: {  	v24 =	vsel vm0, v24, v26;
	v26 =	vsel vm0, v27, v30;
	v30 =	vld [tilespmem:$0x1FDD0];
	[tilespmem:$0x1F0C0] =	vst v43  }
0x3a2: {  	[tilespmem:$0x1F260] =	vst v15;
	v49 =	vld.idx.msk [tilespmem:v62+s31+$0x0], $0xffff  }
0x3a3: {  	v28 =	vsel vm0, v31, v34;
	v31 =	vld [tilespmem:$0x1FDE0];
	[tilespmem:$0x1F1D0] =	vst v62;
	v59 =	vsel vm0, v22, v14;
	v57 =	vsel vm0, v10, v6  }
0x3a4: {  	[tilespmem:$0x1F210] =	vst v16;
	v21 =	vsel vm0, v14, v10;
	v10 =	vld.idx.msk [tilespmem:v39+s31+$0x0], $0xffff;
	v42 =	vcombine.low v59, v57  }
0x3a5: {  	[tilespmem:$0x1F0E0] =	vst v38;
	v22 =	vsel vm0, v6, v22;
	v6 =	vld.idx.msk [tilespmem:v40+s31+$0x0], $0xffff  }
0x3a6: {  	v14 =	vld.idx.msk [tilespmem:v41+s31+$0x0], $0xffff;
	[tilespmem:$0x1F0B0] =	vst v42  }
0x3a7: {  	v34 =	vld [tilespmem:$0x1FB70];
	v61 =	vor.u32 s25, v42;
	[tilespmem:$0x1F1E0] =	vst v49  }
0x3a8: {  	v63 =	vld [tilespmem:$0x1FE00];
	[tilespmem:$0x1F1A0] =	vst v61  }
0x3a9: {  	v43 =	vld [tilespmem:$0x1FC10];
	[tilespmem:$0x1F120] =	vst v10  }
0x3aa: {  	v38 =	vld [tilespmem:$0x1FBC0];
	[tilespmem:$0x1F140] =	vst v6;
	v6 =	vcombine.low v22, v21  }
0x3ab: {  	v27 =	vsel vm0, v33, v32;
	v62 =	vld [tilespmem:$0x1FDF0];
	v10 =	vcombine.low v24, v23;
	[tilespmem:$0x1F160] =	vst v14  }
0x3ac: {  	v39 =	vld [tilespmem:$0x1FBD0];
	v14 =	vcombine.low v28, v27;
	[tilespmem:$0x1F190] =	vst v6  }
0x3ad: {  	v40 =	vld [tilespmem:$0x1FBE0];
	v28 =	vcombine.low v57, v59;
	[tilespmem:$0x1F1C0] =	vst v10  }
0x3ae: {  	v41 =	vld [tilespmem:$0x1FBF0];
	[tilespmem:$0x1F220] =	vst v14  }
0x3af: {  	v49 =	vld [tilespmem:$0x1FE20];
	v6 =	vor.u32 s25, v6;
	[tilespmem:$0x1F250] =	vst v28  }
0x3b0: {  	v42 =	vld [tilespmem:$0x1FC00];
	v48 =	vor.u32 s25, v10;
	[tilespmem:$0x1F270] =	vst v6  }
0x3b1: {  	v27 =	vld.idx.msk [tilespmem:v36+s31+$0x0], $0xffff;
	v16 =	vor.u32 s25, v14;
	[tilespmem:$0x1F2C0] =	vst v48  }
0x3b2: {  	v36 =	vld [tilespmem:$0x1FBA0];
	v10 =	vcombine.low v17, v18;
	v18 =	vcombine.low v21, v22;
	v21 =	vor.u32 s25, v15;
	[tilespmem:$0x1F330] =	vst v16  }
0x3b3: {  	v17 =	vcombine.low v19, v20;
	v19 =	vld.idx.msk [tilespmem:v46+s31+$0x0], $0xffff;
	[tilespmem:$0x1F370] =	vst v21  }
0x3b4: {  	v15 =	vld [tilespmem:$0x1FD60];
	[tilespmem:$0x1F290] =	vst v10  }
0x3b5: {  	v14 =	vcombine.low v25, v26;
	v47 =	vld.idx.msk [tilespmem:v61+s31+$0x0], $0xffff;
	[tilespmem:$0x1F2A0] =	vst v17  }
0x3b6: {  	v20 =	vcombine.low v23, v24;
	v23 =	vor.u32 s25, v10;
	[tilespmem:$0x1F2B0] =	vst v18;
	v10 =	vld [tilespmem:$0x1FD40]  }
0x3b7: {  	[tilespmem:$0x1F2F0] =	vst v14;
	v54 =	vor.u32 s25, v14;
	v14 =	vld [tilespmem:$0x1FD50]  }
0x3b8: {  	[tilespmem:$0x1F180] =	vst v27;
	v27 =	vcombine.low v26, v25;
	v25 =	vld [tilespmem:$0x1FD80]  }
0x3b9: {  	[tilespmem:$0x1F2E0] =	vst v20;
	v26 =	vld [tilespmem:$0x1FD90]  }
0x3ba: {  	v51 =	vor.u32 s25, v17;
	[tilespmem:$0x1F390] =	vst v23;
	v6 =	vld.idx.msk [tilespmem:v6+s31+$0x0], $0xffff  }
0x3bb: {  	v52 =	vor.u32 s25, v18;
	[tilespmem:$0x1F3B0] =	vst v51;
	v0 =	vld.idx.msk [tilespmem:v48+s31+$0x0], $0xffff  }
0x3bc: {  	[tilespmem:$0x1F3E0] =	vst v52;
	v16 =	vld.idx.msk [tilespmem:v16+s31+$0x0], $0xffff  }
0x3bd: {  	[tilespmem:$0x1F1F0] =	vst v27;
	v50 =	vor.u32 s25, v27;
	v27 =	vld [tilespmem:$0x1FDA0]  }
0x3be: {  	v53 =	vor.u32 s25, v20;
	[tilespmem:$0x1F240] =	vst v19;
	v19 =	vor.u32 s25, v28;
	v28 =	vld [tilespmem:$0x1FDB0]  }
0x3bf: {  	[tilespmem:$0x1F430] =	vst v53;
	v21 =	vld.idx.msk [tilespmem:v21+s31+$0x0], $0xffff  }
0x3c0: {  	[tilespmem:$0x1F460] =	vst v54;
	v48 =	vld [tilespmem:$0x1FE10]  }
0x3c1: {  	[tilespmem:$0x1F280] =	vst v6;
	v6 =	vld [tilespmem:$0x1FD30]  }
0x3c2: {  	[tilespmem:$0x1F300] =	vst v50;
	v23 =	vld.idx.msk [tilespmem:v23+s31+$0x0], $0xffff  }
0x3c3: {  	[tilespmem:$0x1F340] =	vst v16;
	v16 =	vld [tilespmem:$0x1FD70]  }
0x3c4: {  	[tilespmem:$0x1F350] =	vst v19;
	v1 =	vld.idx.msk [tilespmem:v50+s31+$0x0], $0xffff  }
0x3c5: {  	v58 =	vsel vm0, v15, v14;
	v19 =	vld.idx.msk [tilespmem:v19+s31+$0x0], $0xffff;
	[tilespmem:$0x1F380] =	vst v21;
	v21 =	vsel vm0, v63, v62  }
0x3c6: {  	v22 =	vsel vm0, v49, v48;
	v57 =	vsel vm0, v10, v6;
	v24 =	vsel vm0, v6, v15;
	v6 =	vld.idx.msk [tilespmem:v51+s31+$0x0], $0xffff  }
0x3c7: {  	v50 =	vcombine.low v22, v21;
	[tilespmem:$0x1F3A0] =	vst v23;
	v23 =	vsel vm0, v14, v10;
	v10 =	vld.idx.msk [tilespmem:v52+s31+$0x0], $0xffff  }
0x3c8: {  	v18 =	vsel vm0, v27, v26;
	v17 =	vsel vm0, v25, v16;
	v52 =	vld.idx.msk [tilespmem:v53+s31+$0x0], $0xffff;
	v15 =	vcombine.low v24, v23  }
0x3c9: {  	[tilespmem:$0x1F420] =	vst v50;
	v25 =	vsel vm0, v26, v25;
	v26 =	vsel vm0, v16, v27;
	v16 =	vsel vm0, v62, v49;
	v49 =	vld [tilespmem:$0x1F960]  }
0x3ca: {  	v59 =	vcombine.low v58, v57;
	[tilespmem:$0x1F450] =	vst v15;
	v53 =	vor.u32 s25, v15;
	v15 =	vld.idx.msk [tilespmem:v54+s31+$0x0], $0xffff  }
0x3cb: {  	v20 =	vsel vm0, v31, v30;
	[tilespmem:$0x1F360] =	vst v19;
	v51 =	vor.u32 s25, v50;
	v50 =	vld [tilespmem:$0x1F970];
	v60 =	vcombine.low v18, v17  }
0x3cc: {  	v19 =	vsel vm0, v29, v28;
	v27 =	vsel vm0, v30, v29;
	v30 =	vld [tilespmem:$0x1FB80];
	[tilespmem:$0x1F3C0] =	vst v6;
	v6 =	vor.u32 s25, v59  }
0x3cd: {  	v28 =	vsel vm0, v28, v31;
	v17 =	vcombine.low v17, v18;
	v18 =	vld [tilespmem:$0x1FA80];
	[tilespmem:$0x1F3F0] =	vst v10;
	v10 =	vor.u32 s25, v60  }
0x3ce: {  	v29 =	vcombine.low v28, v27;
	[tilespmem:$0x1F440] =	vst v52;
	v52 =	vld [tilespmem:$0x1F990]  }
0x3cf: {  	[tilespmem:$0x1F470] =	vst v15;
	v15 =	vld.idx.msk [tilespmem:v56+s31+$0x0], $0xffff  }
0x3d0: {  	[tilespmem:$0x1F4F0] =	vst v29;
	v56 =	vor.u32 s25, v29;
	v29 =	vld [tilespmem:$0x1FB30]  }
0x3d1: {  	v61 =	vcombine.low v20, v19;
	[tilespmem:$0x1F4A0] =	vst v6;
	v6 =	vld.idx.msk [tilespmem:v6+s31+$0x0], $0xffff  }
0x3d2: {  	[tilespmem:$0x1F2D0] =	vst v0;
	v55 =	vld.idx.msk [tilespmem:v10+s31+$0x0], $0xffff  }
0x3d3: {  	v14 =	vor.u32 s25, v61;
	[tilespmem:$0x1F4D0] =	vst v10;
	v10 =	vld.idx.msk [tilespmem:v51+s31+$0x0], $0xffff  }
0x3d4: {  	[tilespmem:$0x1F530] =	vst v51;
	v51 =	vld [tilespmem:$0x1F980]  }
0x3d5: {  	[tilespmem:$0x1F310] =	vst v1;
	v0 =	vld.idx.msk [tilespmem:v56+s31+$0x0], $0xffff  }
0x3d6: {  	[tilespmem:$0x1F490] =	vst v15;
	v15 =	vsel vm0, v48, v63;
	v48 =	vld [tilespmem:$0x1F950]  }
0x3d7: {  	v54 =	vcombine.low v26, v25;
	[tilespmem:$0x1F5C0] =	vst v56;
	v56 =	vld [tilespmem:$0x1F9D0]  }
0x3d8: {  	[tilespmem:$0x1F500] =	vst v14;
	v15 =	vcombine.low v16, v15;
	v16 =	vcombine.low v57, v58;
	v57 =	vld.idx.msk [tilespmem:v14+s31+$0x0], $0xffff  }
0x3d9: {  	[tilespmem:$0x1F560] =	vst v53;
	v14 =	vld.idx.msk [tilespmem:v53+s31+$0x0], $0xffff  }
0x3da: {  	[tilespmem:$0x1F4C0] =	vst v54;
	v53 =	vld [tilespmem:$0x1F9A0]  }
0x3db: {  	[tilespmem:$0x1F4B0] =	vst v6;
	v6 =	vor.u32 s25, v54;
	v54 =	vld [tilespmem:$0x1F9B0]  }
0x3dc: {  	[tilespmem:$0x1F4E0] =	vst v55;
	v55 =	vld [tilespmem:$0x1F9C0]  }
0x3dd: {  	[tilespmem:$0x1F520] =	vst v15;
	v58 =	vor.u32 s25, v15;
	v15 =	vcombine.low v19, v20;
	v19 =	vld [tilespmem:$0x1FA90]  }
0x3de: {  	[tilespmem:$0x1F540] =	vst v10;
	v20 =	vld [tilespmem:$0x1FAA0]  }
0x3df: {  	[tilespmem:$0x1F550] =	vst v16;
	v10 =	vor.u32 s25, v16;
	v16 =	vcombine.low v21, v22;
	v21 =	vld [tilespmem:$0x1FAB0]  }
0x3e0: {  	[tilespmem:$0x1F3D0] =	vst v59;
	v22 =	vld [tilespmem:$0x1FAC0]  }
0x3e1: {  	[tilespmem:$0x1F5E0] =	vst v16;
	v59 =	vor.u32 s25, v16;
	v16 =	vcombine.low v27, v28;
	v27 =	vld [tilespmem:$0x1FB10]  }
0x3e2: {  	[tilespmem:$0x1F580] =	vst v17;
	v28 =	vld [tilespmem:$0x1FB20]  }
0x3e3: {  	[tilespmem:$0x1F510] =	vst v57;
	v57 =	vld [tilespmem:$0x1F9E0]  }
0x3e4: {  	[tilespmem:$0x1F570] =	vst v14;
	v14 =	vor.u32 s25, v17;
	v17 =	vcombine.low v23, v24;
	v23 =	vld [tilespmem:$0x1FAD0]  }
0x3e5: {  	[tilespmem:$0x1F400] =	vst v60;
	v24 =	vld [tilespmem:$0x1FAE0]  }
0x3e6: {  	[tilespmem:$0x1F590] =	vst v6;
	v6 =	vld.idx.msk [tilespmem:v6+s31+$0x0], $0xffff  }
0x3e7: {  	[tilespmem:$0x1F5F0] =	vst v58;
	v1 =	vld.idx.msk [tilespmem:v58+s31+$0x0], $0xffff  }
0x3e8: {  	[tilespmem:$0x1F620] =	vst v10;
	v10 =	vld.idx.msk [tilespmem:v10+s31+$0x0], $0xffff  }
0x3e9: {  	[tilespmem:$0x1F5B0] =	vst v15;
	v58 =	vld [tilespmem:$0x1F9F0]  }
0x3ea: {  	[tilespmem:$0x1F610] =	vst v17;
	v60 =	vor.u32 s25, v17;
	v17 =	vld [tilespmem:$0x1FA70]  }
0x3eb: {  	[tilespmem:$0x1F5D0] =	vst v0;
	v0 =	vld.idx.msk [tilespmem:v59+s31+$0x0], $0xffff  }
0x3ec: {  	[tilespmem:$0x1F680] =	vst v59;
	v59 =	vld [tilespmem:$0x1FA00]  }
0x3ed: {  	[tilespmem:$0x1F640] =	vst v14;
	v14 =	vld.idx.msk [tilespmem:v14+s31+$0x0], $0xffff  }
0x3ee: {  	[tilespmem:$0x1F5A0] =	vst v6;
	v6 =	vor.u32 s25, v15;
	v15 =	vcombine.low v25, v26;
	v25 =	vld [tilespmem:$0x1FAF0]  }
0x3ef: {  	[tilespmem:$0x1F410] =	vst v61;
	v26 =	vld [tilespmem:$0x1FB00]  }
0x3f0: {  	[tilespmem:$0x1F6A0] =	vst v60;
	v61 =	vld.idx.msk [tilespmem:v60+s31+$0x0], $0xffff  }
0x3f1: {  	[tilespmem:$0x1F630] =	vst v10;
	v60 =	vld [tilespmem:$0x1FA10];
	v10 =	vor.u32 s25, v15  }
0x3f2: {  	v46 =	vmov v15;
	v15 =	vld [tilespmem:$0x1FA50];
	[tilespmem:$0x1F650] =	vst v14;
	v14 =	vor.u32 s25, v16  }
0x3f3: {  	[tilespmem:$0x1F1B0] =	vst v47;
	v47 =	vmov v16;
	v16 =	vld [tilespmem:$0x1FA60]  }
0x3f4: {  	[tilespmem:$0x1F660] =	vst v6;
	v6 =	vld.idx.msk [tilespmem:v6+s31+$0x0], $0xffff  }
0x3f5: {  	[tilespmem:$0x1F6B0] =	vst v61;
	v61 =	vld [tilespmem:$0x1FA20]  }
0x3f6: {  	[tilespmem:$0x1F600] =	vst v1;
	v62 =	vld.idx.msk [tilespmem:v10+s31+$0x0], $0xffff  }
0x3f7: {  	[tilespmem:$0x1F690] =	vst v0;
	v63 =	vld.idx.msk [tilespmem:v14+s31+$0x0], $0xffff  }
0x3f8: {  	[tilespmem:$0x1F6C0] =	vst v10;
	v10 =	vld [tilespmem:$0x1FB50]  }
0x3f9: {  	[tilespmem:$0x1F6E0] =	vst v14;
	v14 =	vld [tilespmem:$0x1FB60]  }
0x3fa: {  	[tilespmem:$0x1F670] =	vst v6;
	v6 =	vld [tilespmem:$0x1FB40]  }
0x3fb: {  	[tilespmem:$0x1F6D0] =	vst v62;
	v62 =	vld [tilespmem:$0x1FA30]  }
0x3fc: {  	s26 =	sshll.u32 s23, $0x1;
	v32 =	vmovc v3;
	v33 =	vmov v5;
	v31 =	vmov v7;
	v7 =	vmov v2;
	s25 =	simm.s32 $0x0;
	[tilespmem:$0x1F6F0] =	vst v63;
	v63 =	vld [tilespmem:$0x1FA40]  }
.LBB2_11:
0x3fd: {  	v2 =	vlaneseq.u32  }
0x3fe: {  	v1 =	vor.u32 s25, v2  }
0x3ff: {  	v3 =	vmov s25;
	v0 =	vshll.u32 v1, $0x7  }
0x400: {  	v3 =	vshll.u32 v3, $0x3;
	v2 =	vor.u32 v2, v0  }
0x401: {  	v1 =	vand.u32 $0x7F, v1;
	v3 =	vand.u32 $0x400, v3  }
0x402: {  	v1 =	vor.u32 v3, v1;
	v3 =	vld [tilespmem:$0x1F750];
	_ =	sdelay $0x1  }
0x403: {  	v45 =	vld [tilespmem:$0x1EC90]  }
0x404: {  	v2 =	vld.idx.msk [tilespmem:v2+s14+$0x0], $0xffff;
	_ =	sdelay $0x1  }
0x405: {  	v3 =	vor.u32 v3, v1;
	_ =	sdelay $0x1  }
0x406: {  	v5 =	vmov v4;
	v4 =	vor.u32 v4, v0  }
0x407: {  	v2 =	vadd.f32 v2, v45;
	_ =	sdelay $0x1  }
0x408: {  	[tilespmem:v3+s15+$0x0] =	vst.idx.msk $0xffff, v2;
	v3 =	vld [tilespmem:$0x1F760]  }
0x409: {  	v45 =	vld [tilespmem:$0x1ECB0]  }
0x40a: {  	v2 =	vld.idx.msk [tilespmem:v4+s14+$0x0], $0xffff  }
0x40b: {  	v4 =	vld [tilespmem:$0x1FE30];
	_ =	sdelay $0x1  }
0x40c: {  	v3 =	vor.u32 v3, v1;
	_ =	sdelay $0x2  }
0x40d: {  	v4 =	vor.u32 v4, v0;
	v2 =	vadd.f32 v2, v45;
	_ =	sdelay $0x1  }
0x40e: {  	[tilespmem:v3+s15+$0x0] =	vst.idx.msk $0xffff, v2;
	v3 =	vld [tilespmem:$0x1F770];
	_ =	sdelay $0x1  }
0x40f: {  	v45 =	vld [tilespmem:$0x1ECD0]  }
0x410: {  	v2 =	vld.idx.msk [tilespmem:v4+s14+$0x0], $0xffff;
	_ =	sdelay $0x1  }
0x411: {  	v3 =	vor.u32 v3, v1;
	_ =	sdelay $0x2  }
0x412: {  	v4 =	vor.u32 v7, v0;
	v2 =	vadd.f32 v2, v45;
	_ =	sdelay $0x1  }
0x413: {  	[tilespmem:v3+s15+$0x0] =	vst.idx.msk $0xffff, v2;
	v3 =	vld [tilespmem:$0x1F790];
	_ =	sdelay $0x1  }
0x414: {  	v45 =	vld [tilespmem:$0x1ECF0]  }
0x415: {  	v2 =	vld.idx.msk [tilespmem:v4+s14+$0x0], $0xffff;
	_ =	sdelay $0x1  }
0x416: {  	v3 =	vor.u32 v3, v1;
	_ =	sdelay $0x2  }
0x417: {  	v4 =	vor.u32 v32, v0;
	v2 =	vadd.f32 v2, v45;
	_ =	sdelay $0x1  }
0x418: {  	[tilespmem:v3+s15+$0x0] =	vst.idx.msk $0xffff, v2;
	v3 =	vld [tilespmem:$0x1F7B0];
	_ =	sdelay $0x1  }
0x419: {  	v45 =	vld [tilespmem:$0x1ED10]  }
0x41a: {  	v2 =	vld.idx.msk [tilespmem:v4+s14+$0x0], $0xffff;
	_ =	sdelay $0x1  }
0x41b: {  	v3 =	vor.u32 v3, v1;
	_ =	sdelay $0x1  }
0x41c: {  	v4 =	vor.u32 v33, v0  }
0x41d: {  	v2 =	vadd.f32 v2, v45;
	_ =	sdelay $0x1  }
0x41e: {  	[tilespmem:v3+s15+$0x0] =	vst.idx.msk $0xffff, v2;
	v3 =	vld [tilespmem:$0x1F7D0]  }
0x41f: {  	v45 =	vld [tilespmem:$0x1ED30]  }
0x420: {  	v2 =	vld.idx.msk [tilespmem:v4+s14+$0x0], $0xffff  }
0x421: {  	v4 =	vld [tilespmem:$0x1F800];
	_ =	sdelay $0x1  }
0x422: {  	v3 =	vor.u32 v3, v1;
	_ =	sdelay $0x2  }
0x423: {  	v4 =	vor.u32 v4, v0;
	v2 =	vadd.f32 v2, v45;
	_ =	sdelay $0x1  }
0x424: {  	[tilespmem:v3+s15+$0x0] =	vst.idx.msk $0xffff, v2;
	v3 =	vld [tilespmem:$0x1F7F0];
	_ =	sdelay $0x1  }
0x425: {  	v45 =	vld [tilespmem:$0x1ED50]  }
0x426: {  	v2 =	vld.idx.msk [tilespmem:v4+s14+$0x0], $0xffff;
	_ =	sdelay $0x1  }
0x427: {  	v3 =	vor.u32 v3, v1;
	_ =	sdelay $0x2  }
0x428: {  	v4 =	vor.u32 v8, v0;
	v2 =	vadd.f32 v2, v45;
	_ =	sdelay $0x1  }
0x429: {  	[tilespmem:v3+s15+$0x0] =	vst.idx.msk $0xffff, v2;
	v3 =	vld [tilespmem:$0x1F810];
	_ =	sdelay $0x1  }
0x42a: {  	v45 =	vld [tilespmem:$0x1ED70]  }
0x42b: {  	v2 =	vld.idx.msk [tilespmem:v4+s14+$0x0], $0xffff;
	_ =	sdelay $0x1  }
0x42c: {  	v3 =	vor.u32 v3, v1;
	_ =	sdelay $0x2  }
0x42d: {  	v4 =	vor.u32 v31, v0;
	v2 =	vadd.f32 v2, v45;
	_ =	sdelay $0x1  }
0x42e: {  	[tilespmem:v3+s15+$0x0] =	vst.idx.msk $0xffff, v2;
	v3 =	vld [tilespmem:$0x1F830];
	_ =	sdelay $0x1  }
0x42f: {  	v45 =	vld [tilespmem:$0x1ED90]  }
0x430: {  	v2 =	vld.idx.msk [tilespmem:v4+s14+$0x0], $0xffff;
	_ =	sdelay $0x1  }
0x431: {  	v3 =	vor.u32 v3, v1;
	_ =	sdelay $0x1  }
0x432: {  	v4 =	vor.u32 v9, v0  }
0x433: {  	v2 =	vadd.f32 v2, v45;
	_ =	sdelay $0x1  }
0x434: {  	[tilespmem:v3+s15+$0x0] =	vst.idx.msk $0xffff, v2;
	v3 =	vld [tilespmem:$0x1F850]  }
0x435: {  	v45 =	vld [tilespmem:$0x1EDB0]  }
0x436: {  	v2 =	vld.idx.msk [tilespmem:v4+s14+$0x0], $0xffff  }
0x437: {  	v4 =	vld [tilespmem:$0x1F880];
	_ =	sdelay $0x1  }
0x438: {  	v3 =	vor.u32 v3, v1;
	_ =	sdelay $0x2  }
0x439: {  	v4 =	vor.u32 v4, v0;
	v2 =	vadd.f32 v2, v45;
	_ =	sdelay $0x1  }
0x43a: {  	[tilespmem:v3+s15+$0x0] =	vst.idx.msk $0xffff, v2;
	v3 =	vld [tilespmem:$0x1F870];
	_ =	sdelay $0x1  }
0x43b: {  	v45 =	vld [tilespmem:$0x1EDD0]  }
0x43c: {  	v2 =	vld.idx.msk [tilespmem:v4+s14+$0x0], $0xffff;
	_ =	sdelay $0x1  }
0x43d: {  	v3 =	vor.u32 v3, v1;
	_ =	sdelay $0x2  }
0x43e: {  	v4 =	vor.u32 v11, v0;
	v2 =	vadd.f32 v2, v45;
	_ =	sdelay $0x1  }
0x43f: {  	[tilespmem:v3+s15+$0x0] =	vst.idx.msk $0xffff, v2;
	v3 =	vld [tilespmem:$0x1F890];
	_ =	sdelay $0x1  }
0x440: {  	v45 =	vld [tilespmem:$0x1EDF0]  }
0x441: {  	v2 =	vld.idx.msk [tilespmem:v4+s14+$0x0], $0xffff;
	_ =	sdelay $0x1  }
0x442: {  	v3 =	vor.u32 v3, v1;
	_ =	sdelay $0x2  }
0x443: {  	v4 =	vor.u32 v12, v0;
	v2 =	vadd.f32 v2, v45;
	_ =	sdelay $0x1  }
0x444: {  	[tilespmem:v3+s15+$0x0] =	vst.idx.msk $0xffff, v2;
	v3 =	vld [tilespmem:$0x1F8B0];
	_ =	sdelay $0x1  }
0x445: {  	v45 =	vld [tilespmem:$0x1EE10]  }
0x446: {  	v2 =	vld.idx.msk [tilespmem:v4+s14+$0x0], $0xffff;
	_ =	sdelay $0x1  }
0x447: {  	v3 =	vor.u32 v3, v1  }
0x448: {  	v4 =	vor.u32 v13, v0;
	_ =	sdelay $0x1  }
0x449: {  	v2 =	vadd.f32 v2, v45;
	_ =	sdelay $0x1  }
0x44a: {  	[tilespmem:v3+s15+$0x0] =	vst.idx.msk $0xffff, v2;
	v3 =	vld [tilespmem:$0x1F8D0]  }
0x44b: {  	v2 =	vld.idx.msk [tilespmem:v4+s14+$0x0], $0xffff  }
0x44c: {  	v4 =	vld [tilespmem:$0x1F900];
	_ =	sdelay $0x1  }
0x44d: {  	v45 =	vld [tilespmem:$0x1EE30];
	_ =	sdelay $0x1  }
0x44e: {  	v3 =	vor.u32 v3, v1  }
0x44f: {  	v4 =	vor.u32 v4, v0;
	_ =	sdelay $0x1  }
0x450: {  	v2 =	vadd.f32 v2, v45;
	_ =	sdelay $0x1  }
0x451: {  	[tilespmem:v3+s15+$0x0] =	vst.idx.msk $0xffff, v2;
	v3 =	vld [tilespmem:$0x1F8F0]  }
0x452: {  	v2 =	vld.idx.msk [tilespmem:v4+s14+$0x0], $0xffff  }
0x453: {  	v4 =	vld [tilespmem:$0x1F920];
	_ =	sdelay $0x1  }
0x454: {  	v45 =	vld [tilespmem:$0x1EE50];
	_ =	sdelay $0x1  }
0x455: {  	v3 =	vor.u32 v3, v1  }
0x456: {  	v4 =	vor.u32 v4, v0;
	_ =	sdelay $0x1  }
0x457: {  	v2 =	vadd.f32 v2, v45;
	_ =	sdelay $0x1  }
0x458: {  	[tilespmem:v3+s15+$0x0] =	vst.idx.msk $0xffff, v2;
	v3 =	vld [tilespmem:$0x1F910]  }
0x459: {  	v2 =	vld.idx.msk [tilespmem:v4+s14+$0x0], $0xffff  }
0x45a: {  	v4 =	vld [tilespmem:$0x1FFD0];
	_ =	sdelay $0x1  }
0x45b: {  	v45 =	vld [tilespmem:$0x1EE70];
	_ =	sdelay $0x1  }
0x45c: {  	v3 =	vor.u32 v3, v1  }
0x45d: {  	v4 =	vor.u32 v4, v0;
	_ =	sdelay $0x1  }
0x45e: {  	v2 =	vadd.f32 v2, v45;
	_ =	sdelay $0x1  }
0x45f: {  	[tilespmem:v3+s15+$0x0] =	vst.idx.msk $0xffff, v2;
	v3 =	vld [tilespmem:$0x1F930]  }
0x460: {  	v2 =	vld.idx.msk [tilespmem:v4+s14+$0x0], $0xffff  }
0x461: {  	v4 =	vld [tilespmem:$0x1FFA0];
	_ =	sdelay $0x1  }
0x462: {  	v45 =	vld [tilespmem:$0x1EE90];
	_ =	sdelay $0x1  }
0x463: {  	v3 =	vor.u32 v3, v1  }
0x464: {  	v4 =	vor.u32 v4, v0;
	_ =	sdelay $0x1  }
0x465: {  	v2 =	vadd.f32 v2, v45;
	_ =	sdelay $0x1  }
0x466: {  	[tilespmem:v3+s15+$0x0] =	vst.idx.msk $0xffff, v2;
	v3 =	vld [tilespmem:$0x1F940]  }
0x467: {  	v2 =	vld.idx.msk [tilespmem:v4+s14+$0x0], $0xffff  }
0x468: {  	v4 =	vld [tilespmem:$0x1FFB0];
	_ =	sdelay $0x1  }
0x469: {  	v45 =	vld [tilespmem:$0x1EEB0];
	_ =	sdelay $0x1  }
0x46a: {  	v3 =	vor.u32 v3, v1  }
0x46b: {  	v4 =	vor.u32 v4, v0;
	_ =	sdelay $0x1  }
0x46c: {  	v2 =	vadd.f32 v2, v45;
	_ =	sdelay $0x1  }
0x46d: {  	[tilespmem:v3+s15+$0x0] =	vst.idx.msk $0xffff, v2  }
0x46e: {  	v2 =	vld.idx.msk [tilespmem:v4+s14+$0x0], $0xffff  }
0x46f: {  	v4 =	vld [tilespmem:$0x1FFC0];
	_ =	sdelay $0x1  }
0x470: {  	v45 =	vld [tilespmem:$0x1EEF0];
	_ =	sdelay $0x1  }
0x471: {  	v3 =	vor.u32 v48, v1  }
0x472: {  	v4 =	vor.u32 v4, v0;
	_ =	sdelay $0x1  }
0x473: {  	v2 =	vadd.f32 v2, v45;
	_ =	sdelay $0x1  }
0x474: {  	[tilespmem:v3+s15+$0x0] =	vst.idx.msk $0xffff, v2  }
0x475: {  	v2 =	vld.idx.msk [tilespmem:v4+s14+$0x0], $0xffff  }
0x476: {  	v4 =	vld [tilespmem:$0x1FFE0];
	_ =	sdelay $0x1  }
0x477: {  	v45 =	vld [tilespmem:$0x1EF20];
	_ =	sdelay $0x1  }
0x478: {  	v3 =	vor.u32 v49, v1  }
0x479: {  	v4 =	vor.u32 v4, v0;
	_ =	sdelay $0x1  }
0x47a: {  	v2 =	vadd.f32 v2, v45;
	_ =	sdelay $0x1  }
0x47b: {  	[tilespmem:v3+s15+$0x0] =	vst.idx.msk $0xffff, v2  }
0x47c: {  	v2 =	vld.idx.msk [tilespmem:v4+s14+$0x0], $0xffff  }
0x47d: {  	v4 =	vld [tilespmem:$0x1FFF0];
	_ =	sdelay $0x1  }
0x47e: {  	v45 =	vld [tilespmem:$0x1EF50];
	_ =	sdelay $0x1  }
0x47f: {  	v3 =	vor.u32 v50, v1  }
0x480: {  	v4 =	vor.u32 v4, v0;
	_ =	sdelay $0x1  }
0x481: {  	v2 =	vadd.f32 v2, v45;
	_ =	sdelay $0x1  }
0x482: {  	[tilespmem:v3+s15+$0x0] =	vst.idx.msk $0xffff, v2  }
0x483: {  	v2 =	vld.idx.msk [tilespmem:v4+s14+$0x0], $0xffff  }
0x484: {  	v4 =	vld [tilespmem:$0x1EEC0];
	_ =	sdelay $0x1  }
0x485: {  	v45 =	vld [tilespmem:$0x1EF80];
	_ =	sdelay $0x1  }
0x486: {  	v3 =	vor.u32 v51, v1  }
0x487: {  	v4 =	vor.u32 v4, v0;
	_ =	sdelay $0x1  }
0x488: {  	v2 =	vadd.f32 v2, v45;
	_ =	sdelay $0x1  }
0x489: {  	[tilespmem:v3+s15+$0x0] =	vst.idx.msk $0xffff, v2  }
0x48a: {  	v2 =	vld.idx.msk [tilespmem:v4+s14+$0x0], $0xffff  }
0x48b: {  	v4 =	vld [tilespmem:$0x1EED0];
	_ =	sdelay $0x1  }
0x48c: {  	v45 =	vld [tilespmem:$0x1EFD0];
	_ =	sdelay $0x1  }
0x48d: {  	v3 =	vor.u32 v52, v1  }
0x48e: {  	v4 =	vor.u32 v4, v0;
	_ =	sdelay $0x1  }
0x48f: {  	v2 =	vadd.f32 v2, v45;
	_ =	sdelay $0x1  }
0x490: {  	[tilespmem:v3+s15+$0x0] =	vst.idx.msk $0xffff, v2  }
0x491: {  	v2 =	vld.idx.msk [tilespmem:v4+s14+$0x0], $0xffff  }
0x492: {  	v4 =	vld [tilespmem:$0x1EF00];
	_ =	sdelay $0x1  }
0x493: {  	v45 =	vld [tilespmem:$0x1F010];
	_ =	sdelay $0x1  }
0x494: {  	v3 =	vor.u32 v53, v1  }
0x495: {  	v4 =	vor.u32 v4, v0;
	_ =	sdelay $0x1  }
0x496: {  	v2 =	vadd.f32 v2, v45;
	_ =	sdelay $0x1  }
0x497: {  	[tilespmem:v3+s15+$0x0] =	vst.idx.msk $0xffff, v2  }
0x498: {  	v2 =	vld.idx.msk [tilespmem:v4+s14+$0x0], $0xffff  }
0x499: {  	v4 =	vld [tilespmem:$0x1EF30];
	_ =	sdelay $0x1  }
0x49a: {  	v45 =	vld [tilespmem:$0x1F030];
	_ =	sdelay $0x1  }
0x49b: {  	v3 =	vor.u32 v54, v1  }
0x49c: {  	v4 =	vor.u32 v4, v0;
	_ =	sdelay $0x1  }
0x49d: {  	v2 =	vadd.f32 v2, v45;
	_ =	sdelay $0x1  }
0x49e: {  	[tilespmem:v3+s15+$0x0] =	vst.idx.msk $0xffff, v2  }
0x49f: {  	v2 =	vld.idx.msk [tilespmem:v4+s14+$0x0], $0xffff  }
0x4a0: {  	v4 =	vld [tilespmem:$0x1EF60];
	_ =	sdelay $0x1  }
0x4a1: {  	v45 =	vld [tilespmem:$0x1F050];
	_ =	sdelay $0x1  }
0x4a2: {  	v3 =	vor.u32 v55, v1  }
0x4a3: {  	v4 =	vor.u32 v4, v0;
	_ =	sdelay $0x1  }
0x4a4: {  	v2 =	vadd.f32 v2, v45;
	_ =	sdelay $0x1  }
0x4a5: {  	[tilespmem:v3+s15+$0x0] =	vst.idx.msk $0xffff, v2  }
0x4a6: {  	v2 =	vld.idx.msk [tilespmem:v4+s14+$0x0], $0xffff  }
0x4a7: {  	v4 =	vld [tilespmem:$0x1EF90];
	_ =	sdelay $0x1  }
0x4a8: {  	v45 =	vld [tilespmem:$0x1F070];
	_ =	sdelay $0x1  }
0x4a9: {  	v3 =	vor.u32 v56, v1  }
0x4aa: {  	v4 =	vor.u32 v4, v0;
	_ =	sdelay $0x1  }
0x4ab: {  	v2 =	vadd.f32 v2, v45;
	_ =	sdelay $0x1  }
0x4ac: {  	[tilespmem:v3+s15+$0x0] =	vst.idx.msk $0xffff, v2  }
0x4ad: {  	v2 =	vld.idx.msk [tilespmem:v4+s14+$0x0], $0xffff  }
0x4ae: {  	v4 =	vld [tilespmem:$0x1EFA0];
	_ =	sdelay $0x1  }
0x4af: {  	v45 =	vld [tilespmem:$0x1F090];
	_ =	sdelay $0x1  }
0x4b0: {  	v3 =	vor.u32 v57, v1  }
0x4b1: {  	v4 =	vor.u32 v4, v0;
	_ =	sdelay $0x1  }
0x4b2: {  	v2 =	vadd.f32 v2, v45;
	_ =	sdelay $0x1  }
0x4b3: {  	[tilespmem:v3+s15+$0x0] =	vst.idx.msk $0xffff, v2  }
0x4b4: {  	v2 =	vld.idx.msk [tilespmem:v4+s14+$0x0], $0xffff  }
0x4b5: {  	v4 =	vld [tilespmem:$0x1EFB0];
	_ =	sdelay $0x1  }
0x4b6: {  	v45 =	vld [tilespmem:$0x1F0E0];
	_ =	sdelay $0x1  }
0x4b7: {  	v3 =	vor.u32 v58, v1  }
0x4b8: {  	v4 =	vor.u32 v4, v0;
	_ =	sdelay $0x1  }
0x4b9: {  	v2 =	vadd.f32 v2, v45;
	_ =	sdelay $0x1  }
0x4ba: {  	[tilespmem:v3+s15+$0x0] =	vst.idx.msk $0xffff, v2  }
0x4bb: {  	v2 =	vld.idx.msk [tilespmem:v4+s14+$0x0], $0xffff  }
0x4bc: {  	v4 =	vld [tilespmem:$0x1EFE0];
	_ =	sdelay $0x1  }
0x4bd: {  	v45 =	vld [tilespmem:$0x1F120];
	_ =	sdelay $0x1  }
0x4be: {  	v3 =	vor.u32 v59, v1  }
0x4bf: {  	v4 =	vor.u32 v4, v0;
	_ =	sdelay $0x1  }
0x4c0: {  	v2 =	vadd.f32 v2, v45;
	_ =	sdelay $0x1  }
0x4c1: {  	[tilespmem:v3+s15+$0x0] =	vst.idx.msk $0xffff, v2  }
0x4c2: {  	v2 =	vld.idx.msk [tilespmem:v4+s14+$0x0], $0xffff  }
0x4c3: {  	v4 =	vld [tilespmem:$0x1EFF0];
	_ =	sdelay $0x1  }
0x4c4: {  	v45 =	vld [tilespmem:$0x1F140];
	_ =	sdelay $0x1  }
0x4c5: {  	v3 =	vor.u32 v60, v1  }
0x4c6: {  	v4 =	vor.u32 v4, v0;
	_ =	sdelay $0x1  }
0x4c7: {  	v2 =	vadd.f32 v2, v45;
	_ =	sdelay $0x1  }
0x4c8: {  	[tilespmem:v3+s15+$0x0] =	vst.idx.msk $0xffff, v2  }
0x4c9: {  	v2 =	vld.idx.msk [tilespmem:v4+s14+$0x0], $0xffff  }
0x4ca: {  	v4 =	vld [tilespmem:$0x1F0A0];
	_ =	sdelay $0x1  }
0x4cb: {  	v45 =	vld [tilespmem:$0x1F160];
	_ =	sdelay $0x1  }
0x4cc: {  	v3 =	vor.u32 v61, v1  }
0x4cd: {  	v4 =	vor.u32 v4, v0;
	_ =	sdelay $0x1  }
0x4ce: {  	v2 =	vadd.f32 v2, v45;
	_ =	sdelay $0x1  }
0x4cf: {  	[tilespmem:v3+s15+$0x0] =	vst.idx.msk $0xffff, v2  }
0x4d0: {  	v2 =	vld.idx.msk [tilespmem:v4+s14+$0x0], $0xffff  }
0x4d1: {  	v4 =	vld [tilespmem:$0x1F0B0];
	_ =	sdelay $0x1  }
0x4d2: {  	v45 =	vld [tilespmem:$0x1F180];
	_ =	sdelay $0x1  }
0x4d3: {  	v3 =	vor.u32 v62, v1  }
0x4d4: {  	v4 =	vor.u32 v4, v0;
	_ =	sdelay $0x1  }
0x4d5: {  	v2 =	vadd.f32 v2, v45;
	_ =	sdelay $0x1  }
0x4d6: {  	[tilespmem:v3+s15+$0x0] =	vst.idx.msk $0xffff, v2  }
0x4d7: {  	v2 =	vld.idx.msk [tilespmem:v4+s14+$0x0], $0xffff  }
0x4d8: {  	v4 =	vld [tilespmem:$0x1F0C0];
	_ =	sdelay $0x1  }
0x4d9: {  	v45 =	vld [tilespmem:$0x1F1B0];
	_ =	sdelay $0x1  }
0x4da: {  	v3 =	vor.u32 v63, v1  }
0x4db: {  	v4 =	vor.u32 v4, v0;
	_ =	sdelay $0x1  }
0x4dc: {  	v2 =	vadd.f32 v2, v45;
	_ =	sdelay $0x1  }
0x4dd: {  	[tilespmem:v3+s15+$0x0] =	vst.idx.msk $0xffff, v2  }
0x4de: {  	v2 =	vld.idx.msk [tilespmem:v4+s14+$0x0], $0xffff  }
0x4df: {  	v4 =	vld [tilespmem:$0x1F0F0];
	_ =	sdelay $0x1  }
0x4e0: {  	v45 =	vld [tilespmem:$0x1F1E0];
	_ =	sdelay $0x1  }
0x4e1: {  	v3 =	vor.u32 v15, v1  }
0x4e2: {  	v4 =	vor.u32 v4, v0;
	_ =	sdelay $0x1  }
0x4e3: {  	v2 =	vadd.f32 v2, v45;
	_ =	sdelay $0x1  }
0x4e4: {  	[tilespmem:v3+s15+$0x0] =	vst.idx.msk $0xffff, v2  }
0x4e5: {  	v2 =	vld.idx.msk [tilespmem:v4+s14+$0x0], $0xffff  }
0x4e6: {  	v4 =	vld [tilespmem:$0x1F100];
	_ =	sdelay $0x1  }
0x4e7: {  	v45 =	vld [tilespmem:$0x1F210];
	_ =	sdelay $0x1  }
0x4e8: {  	v3 =	vor.u32 v16, v1  }
0x4e9: {  	v4 =	vor.u32 v4, v0;
	_ =	sdelay $0x1  }
0x4ea: {  	v2 =	vadd.f32 v2, v45;
	_ =	sdelay $0x1  }
0x4eb: {  	[tilespmem:v3+s15+$0x0] =	vst.idx.msk $0xffff, v2  }
0x4ec: {  	v2 =	vld.idx.msk [tilespmem:v4+s14+$0x0], $0xffff  }
0x4ed: {  	v4 =	vld [tilespmem:$0x1F190];
	_ =	sdelay $0x1  }
0x4ee: {  	v45 =	vld [tilespmem:$0x1F240];
	_ =	sdelay $0x1  }
0x4ef: {  	v3 =	vor.u32 v17, v1  }
0x4f0: {  	v4 =	vor.u32 v4, v0;
	_ =	sdelay $0x1  }
0x4f1: {  	v2 =	vadd.f32 v2, v45;
	_ =	sdelay $0x1  }
0x4f2: {  	[tilespmem:v3+s15+$0x0] =	vst.idx.msk $0xffff, v2  }
0x4f3: {  	v2 =	vld.idx.msk [tilespmem:v4+s14+$0x0], $0xffff  }
0x4f4: {  	v4 =	vld [tilespmem:$0x1F1C0];
	_ =	sdelay $0x1  }
0x4f5: {  	v45 =	vld [tilespmem:$0x1F280];
	_ =	sdelay $0x1  }
0x4f6: {  	v3 =	vor.u32 v18, v1  }
0x4f7: {  	v4 =	vor.u32 v4, v0;
	_ =	sdelay $0x1  }
0x4f8: {  	v2 =	vadd.f32 v2, v45;
	_ =	sdelay $0x1  }
0x4f9: {  	[tilespmem:v3+s15+$0x0] =	vst.idx.msk $0xffff, v2  }
0x4fa: {  	v2 =	vld.idx.msk [tilespmem:v4+s14+$0x0], $0xffff  }
0x4fb: {  	v4 =	vld [tilespmem:$0x1F1F0];
	_ =	sdelay $0x1  }
0x4fc: {  	v45 =	vld [tilespmem:$0x1F2D0];
	_ =	sdelay $0x1  }
0x4fd: {  	v3 =	vor.u32 v19, v1  }
0x4fe: {  	v4 =	vor.u32 v4, v0;
	_ =	sdelay $0x1  }
0x4ff: {  	v2 =	vadd.f32 v2, v45;
	_ =	sdelay $0x1  }
0x500: {  	[tilespmem:v3+s15+$0x0] =	vst.idx.msk $0xffff, v2  }
0x501: {  	v2 =	vld.idx.msk [tilespmem:v4+s14+$0x0], $0xffff  }
0x502: {  	v4 =	vld [tilespmem:$0x1F220];
	_ =	sdelay $0x1  }
0x503: {  	v45 =	vld [tilespmem:$0x1F310];
	_ =	sdelay $0x1  }
0x504: {  	v3 =	vor.u32 v20, v1  }
0x505: {  	v4 =	vor.u32 v4, v0;
	_ =	sdelay $0x1  }
0x506: {  	v2 =	vadd.f32 v2, v45;
	_ =	sdelay $0x1  }
0x507: {  	[tilespmem:v3+s15+$0x0] =	vst.idx.msk $0xffff, v2  }
0x508: {  	v2 =	vld.idx.msk [tilespmem:v4+s14+$0x0], $0xffff  }
0x509: {  	v4 =	vld [tilespmem:$0x1F250];
	_ =	sdelay $0x1  }
0x50a: {  	v45 =	vld [tilespmem:$0x1F340];
	_ =	sdelay $0x1  }
0x50b: {  	v3 =	vor.u32 v21, v1  }
0x50c: {  	v4 =	vor.u32 v4, v0;
	_ =	sdelay $0x1  }
0x50d: {  	v2 =	vadd.f32 v2, v45;
	_ =	sdelay $0x1  }
0x50e: {  	[tilespmem:v3+s15+$0x0] =	vst.idx.msk $0xffff, v2  }
0x50f: {  	v2 =	vld.idx.msk [tilespmem:v4+s14+$0x0], $0xffff  }
0x510: {  	v4 =	vld [tilespmem:$0x1F260];
	_ =	sdelay $0x1  }
0x511: {  	v45 =	vld [tilespmem:$0x1F360];
	_ =	sdelay $0x1  }
0x512: {  	v3 =	vor.u32 v22, v1  }
0x513: {  	v4 =	vor.u32 v4, v0;
	_ =	sdelay $0x1  }
0x514: {  	v2 =	vadd.f32 v2, v45;
	_ =	sdelay $0x1  }
0x515: {  	[tilespmem:v3+s15+$0x0] =	vst.idx.msk $0xffff, v2  }
0x516: {  	v2 =	vld.idx.msk [tilespmem:v4+s14+$0x0], $0xffff  }
0x517: {  	v4 =	vld [tilespmem:$0x1F290];
	_ =	sdelay $0x1  }
0x518: {  	v45 =	vld [tilespmem:$0x1F380];
	_ =	sdelay $0x1  }
0x519: {  	v3 =	vor.u32 v23, v1  }
0x51a: {  	v4 =	vor.u32 v4, v0;
	_ =	sdelay $0x1  }
0x51b: {  	v2 =	vadd.f32 v2, v45;
	_ =	sdelay $0x1  }
0x51c: {  	[tilespmem:v3+s15+$0x0] =	vst.idx.msk $0xffff, v2  }
0x51d: {  	v2 =	vld.idx.msk [tilespmem:v4+s14+$0x0], $0xffff  }
0x51e: {  	v4 =	vld [tilespmem:$0x1F2A0];
	_ =	sdelay $0x1  }
0x51f: {  	v45 =	vld [tilespmem:$0x1F3A0];
	_ =	sdelay $0x1  }
0x520: {  	v3 =	vor.u32 v24, v1  }
0x521: {  	v4 =	vor.u32 v4, v0;
	_ =	sdelay $0x1  }
0x522: {  	v2 =	vadd.f32 v2, v45;
	_ =	sdelay $0x1  }
0x523: {  	[tilespmem:v3+s15+$0x0] =	vst.idx.msk $0xffff, v2  }
0x524: {  	v2 =	vld.idx.msk [tilespmem:v4+s14+$0x0], $0xffff  }
0x525: {  	v4 =	vld [tilespmem:$0x1F2B0];
	_ =	sdelay $0x1  }
0x526: {  	v45 =	vld [tilespmem:$0x1F3C0];
	_ =	sdelay $0x1  }
0x527: {  	v3 =	vor.u32 v25, v1  }
0x528: {  	v4 =	vor.u32 v4, v0;
	_ =	sdelay $0x1  }
0x529: {  	v2 =	vadd.f32 v2, v45;
	_ =	sdelay $0x1  }
0x52a: {  	[tilespmem:v3+s15+$0x0] =	vst.idx.msk $0xffff, v2  }
0x52b: {  	v2 =	vld.idx.msk [tilespmem:v4+s14+$0x0], $0xffff  }
0x52c: {  	v4 =	vld [tilespmem:$0x1F2E0];
	_ =	sdelay $0x1  }
0x52d: {  	v45 =	vld [tilespmem:$0x1F3F0];
	_ =	sdelay $0x1  }
0x52e: {  	v3 =	vor.u32 v26, v1  }
0x52f: {  	v4 =	vor.u32 v4, v0;
	_ =	sdelay $0x1  }
0x530: {  	v2 =	vadd.f32 v2, v45;
	_ =	sdelay $0x1  }
0x531: {  	[tilespmem:v3+s15+$0x0] =	vst.idx.msk $0xffff, v2  }
0x532: {  	v2 =	vld.idx.msk [tilespmem:v4+s14+$0x0], $0xffff  }
0x533: {  	v4 =	vld [tilespmem:$0x1F2F0];
	_ =	sdelay $0x1  }
0x534: {  	v45 =	vld [tilespmem:$0x1F440];
	_ =	sdelay $0x1  }
0x535: {  	v3 =	vor.u32 v27, v1  }
0x536: {  	v4 =	vor.u32 v4, v0;
	_ =	sdelay $0x1  }
0x537: {  	v2 =	vadd.f32 v2, v45;
	_ =	sdelay $0x1  }
0x538: {  	[tilespmem:v3+s15+$0x0] =	vst.idx.msk $0xffff, v2  }
0x539: {  	v2 =	vld.idx.msk [tilespmem:v4+s14+$0x0], $0xffff  }
0x53a: {  	v4 =	vld [tilespmem:$0x1F320];
	_ =	sdelay $0x1  }
0x53b: {  	v45 =	vld [tilespmem:$0x1F470];
	_ =	sdelay $0x1  }
0x53c: {  	v3 =	vor.u32 v28, v1  }
0x53d: {  	v4 =	vor.u32 v4, v0;
	_ =	sdelay $0x1  }
0x53e: {  	v2 =	vadd.f32 v2, v45;
	_ =	sdelay $0x1  }
0x53f: {  	[tilespmem:v3+s15+$0x0] =	vst.idx.msk $0xffff, v2  }
0x540: {  	v2 =	vld.idx.msk [tilespmem:v4+s14+$0x0], $0xffff  }
0x541: {  	v4 =	vld [tilespmem:$0x1F3D0];
	_ =	sdelay $0x1  }
0x542: {  	v45 =	vld [tilespmem:$0x1F490];
	_ =	sdelay $0x1  }
0x543: {  	v3 =	vor.u32 v29, v1  }
0x544: {  	v4 =	vor.u32 v4, v0;
	_ =	sdelay $0x1  }
0x545: {  	v2 =	vadd.f32 v2, v45;
	_ =	sdelay $0x1  }
0x546: {  	[tilespmem:v3+s15+$0x0] =	vst.idx.msk $0xffff, v2  }
0x547: {  	v2 =	vld.idx.msk [tilespmem:v4+s14+$0x0], $0xffff  }
0x548: {  	v4 =	vld [tilespmem:$0x1F400];
	_ =	sdelay $0x1  }
0x549: {  	v45 =	vld [tilespmem:$0x1F4B0];
	_ =	sdelay $0x1  }
0x54a: {  	v3 =	vor.u32 v6, v1  }
0x54b: {  	v4 =	vor.u32 v4, v0;
	_ =	sdelay $0x1  }
0x54c: {  	v2 =	vadd.f32 v2, v45;
	_ =	sdelay $0x1  }
0x54d: {  	[tilespmem:v3+s15+$0x0] =	vst.idx.msk $0xffff, v2  }
0x54e: {  	v2 =	vld.idx.msk [tilespmem:v4+s14+$0x0], $0xffff  }
0x54f: {  	v4 =	vld [tilespmem:$0x1F410];
	_ =	sdelay $0x1  }
0x550: {  	v45 =	vld [tilespmem:$0x1F4E0];
	_ =	sdelay $0x1  }
0x551: {  	v3 =	vor.u32 v10, v1  }
0x552: {  	v4 =	vor.u32 v4, v0;
	_ =	sdelay $0x1  }
0x553: {  	v2 =	vadd.f32 v2, v45;
	_ =	sdelay $0x1  }
0x554: {  	[tilespmem:v3+s15+$0x0] =	vst.idx.msk $0xffff, v2  }
0x555: {  	v2 =	vld.idx.msk [tilespmem:v4+s14+$0x0], $0xffff  }
0x556: {  	v4 =	vld [tilespmem:$0x1F420];
	_ =	sdelay $0x1  }
0x557: {  	v45 =	vld [tilespmem:$0x1F510];
	_ =	sdelay $0x1  }
0x558: {  	v3 =	vor.u32 v14, v1  }
0x559: {  	v4 =	vor.u32 v4, v0;
	_ =	sdelay $0x1  }
0x55a: {  	v2 =	vadd.f32 v2, v45;
	_ =	sdelay $0x1  }
0x55b: {  	[tilespmem:v3+s15+$0x0] =	vst.idx.msk $0xffff, v2  }
0x55c: {  	v2 =	vld.idx.msk [tilespmem:v4+s14+$0x0], $0xffff  }
0x55d: {  	v4 =	vld [tilespmem:$0x1F450];
	_ =	sdelay $0x1  }
0x55e: {  	v45 =	vld [tilespmem:$0x1F540];
	_ =	sdelay $0x1  }
0x55f: {  	v3 =	vor.u32 v34, v1  }
0x560: {  	v4 =	vor.u32 v4, v0;
	_ =	sdelay $0x1  }
0x561: {  	v2 =	vadd.f32 v2, v45;
	_ =	sdelay $0x1  }
0x562: {  	[tilespmem:v3+s15+$0x0] =	vst.idx.msk $0xffff, v2  }
0x563: {  	v2 =	vld.idx.msk [tilespmem:v4+s14+$0x0], $0xffff  }
0x564: {  	v4 =	vld [tilespmem:$0x1F4C0];
	_ =	sdelay $0x1  }
0x565: {  	v45 =	vld [tilespmem:$0x1F570];
	_ =	sdelay $0x1  }
0x566: {  	v3 =	vor.u32 v30, v1  }
0x567: {  	v4 =	vor.u32 v4, v0;
	_ =	sdelay $0x1  }
0x568: {  	v2 =	vadd.f32 v2, v45;
	_ =	sdelay $0x1  }
0x569: {  	[tilespmem:v3+s15+$0x0] =	vst.idx.msk $0xffff, v2  }
0x56a: {  	v2 =	vld.idx.msk [tilespmem:v4+s14+$0x0], $0xffff  }
0x56b: {  	v4 =	vld [tilespmem:$0x1F4F0];
	_ =	sdelay $0x1  }
0x56c: {  	v45 =	vld [tilespmem:$0x1F5A0];
	_ =	sdelay $0x1  }
0x56d: {  	v3 =	vor.u32 v35, v1  }
0x56e: {  	v4 =	vor.u32 v4, v0;
	_ =	sdelay $0x1  }
0x56f: {  	v2 =	vadd.f32 v2, v45;
	_ =	sdelay $0x1  }
0x570: {  	[tilespmem:v3+s15+$0x0] =	vst.idx.msk $0xffff, v2  }
0x571: {  	v2 =	vld.idx.msk [tilespmem:v4+s14+$0x0], $0xffff  }
0x572: {  	v4 =	vld [tilespmem:$0x1F520];
	_ =	sdelay $0x1  }
0x573: {  	v45 =	vld [tilespmem:$0x1F5D0];
	_ =	sdelay $0x1  }
0x574: {  	v3 =	vor.u32 v36, v1  }
0x575: {  	v4 =	vor.u32 v4, v0;
	_ =	sdelay $0x1  }
0x576: {  	v2 =	vadd.f32 v2, v45;
	_ =	sdelay $0x1  }
0x577: {  	[tilespmem:v3+s15+$0x0] =	vst.idx.msk $0xffff, v2  }
0x578: {  	v2 =	vld.idx.msk [tilespmem:v4+s14+$0x0], $0xffff  }
0x579: {  	v4 =	vld [tilespmem:$0x1F550];
	_ =	sdelay $0x1  }
0x57a: {  	v45 =	vld [tilespmem:$0x1F600];
	_ =	sdelay $0x1  }
0x57b: {  	v3 =	vor.u32 v37, v1  }
0x57c: {  	v4 =	vor.u32 v4, v0;
	_ =	sdelay $0x1  }
0x57d: {  	v2 =	vadd.f32 v2, v45;
	_ =	sdelay $0x1  }
0x57e: {  	[tilespmem:v3+s15+$0x0] =	vst.idx.msk $0xffff, v2  }
0x57f: {  	v2 =	vld.idx.msk [tilespmem:v4+s14+$0x0], $0xffff  }
0x580: {  	v4 =	vld [tilespmem:$0x1F580];
	_ =	sdelay $0x1  }
0x581: {  	v45 =	vld [tilespmem:$0x1F630];
	_ =	sdelay $0x1  }
0x582: {  	v3 =	vor.u32 v38, v1  }
0x583: {  	v4 =	vor.u32 v4, v0;
	_ =	sdelay $0x1  }
0x584: {  	v2 =	vadd.f32 v2, v45;
	_ =	sdelay $0x1  }
0x585: {  	[tilespmem:v3+s15+$0x0] =	vst.idx.msk $0xffff, v2  }
0x586: {  	v2 =	vld.idx.msk [tilespmem:v4+s14+$0x0], $0xffff  }
0x587: {  	v4 =	vld [tilespmem:$0x1F5B0];
	_ =	sdelay $0x1  }
0x588: {  	v45 =	vld [tilespmem:$0x1F650];
	_ =	sdelay $0x1  }
0x589: {  	v3 =	vor.u32 v39, v1  }
0x58a: {  	v4 =	vor.u32 v4, v0;
	_ =	sdelay $0x1  }
0x58b: {  	v2 =	vadd.f32 v2, v45;
	_ =	sdelay $0x1  }
0x58c: {  	[tilespmem:v3+s15+$0x0] =	vst.idx.msk $0xffff, v2  }
0x58d: {  	v2 =	vld.idx.msk [tilespmem:v4+s14+$0x0], $0xffff  }
0x58e: {  	v4 =	vld [tilespmem:$0x1F5E0];
	_ =	sdelay $0x1  }
0x58f: {  	v45 =	vld [tilespmem:$0x1F670];
	_ =	sdelay $0x1  }
0x590: {  	v3 =	vor.u32 v40, v1  }
0x591: {  	v4 =	vor.u32 v4, v0;
	_ =	sdelay $0x1  }
0x592: {  	v2 =	vadd.f32 v2, v45;
	_ =	sdelay $0x1  }
0x593: {  	[tilespmem:v3+s15+$0x0] =	vst.idx.msk $0xffff, v2  }
0x594: {  	v2 =	vld.idx.msk [tilespmem:v4+s14+$0x0], $0xffff  }
0x595: {  	v4 =	vld [tilespmem:$0x1F610];
	_ =	sdelay $0x1  }
0x596: {  	v45 =	vld [tilespmem:$0x1F690];
	_ =	sdelay $0x1  }
0x597: {  	v3 =	vor.u32 v41, v1  }
0x598: {  	v4 =	vor.u32 v4, v0;
	_ =	sdelay $0x1  }
0x599: {  	v2 =	vadd.f32 v2, v45;
	_ =	sdelay $0x1  }
0x59a: {  	v45 =	vld [tilespmem:$0x1F6B0];
	[tilespmem:v3+s15+$0x0] =	vst.idx.msk $0xffff, v2  }
0x59b: {  	v2 =	vld.idx.msk [tilespmem:v4+s14+$0x0], $0xffff;
	_ =	sdelay $0x1  }
0x59c: {  	v3 =	vor.u32 v42, v1  }
0x59d: {  	v4 =	vor.u32 v46, v0;
	_ =	sdelay $0x1  }
0x59e: {  	v2 =	vadd.f32 v2, v45;
	_ =	sdelay $0x1  }
0x59f: {  	v45 =	vld [tilespmem:$0x1F6D0];
	[tilespmem:v3+s15+$0x0] =	vst.idx.msk $0xffff, v2  }
0x5a0: {  	v2 =	vld.idx.msk [tilespmem:v4+s14+$0x0], $0xffff;
	_ =	sdelay $0x1  }
0x5a1: {  	v3 =	vor.u32 v43, v1  }
0x5a2: {  	v0 =	vor.u32 v47, v0;
	_ =	sdelay $0x1  }
0x5a3: {  	v2 =	vadd.f32 v2, v45;
	_ =	sdelay $0x1  }
0x5a4: {  	v45 =	vld [tilespmem:$0x1F6F0];
	[tilespmem:v3+s15+$0x0] =	vst.idx.msk $0xffff, v2  }
0x5a5: {  	v0 =	vld.idx.msk [tilespmem:v0+s14+$0x0], $0xffff;
	_ =	sdelay $0x1  }
0x5a6: {  	p1 =	sne.s32 s25, $0xF0;
	v1 =	vor.u32 v44, v1  }
.Ltmp6:
0x5a7: {  	_ = 	snop;
	(pc) =	sbr.rel @p1 .LBB2_11-.Ltmp6, $3  }
0x5a8: {  	_ = 	snop  }
0x5a9: {  	v0 =	vadd.f32 v0, v45;
	_ =	sdelay $0x1  }
0x5aa: {  	s25 =	sadd.s32 $0x10, s25;
	v4 =	vmov v5;
	[tilespmem:v1+s15+$0x0] =	vst.idx.msk $0xffff, v0  }
0x5ab: {  	p1 =	sne.s32 s23, $0x13  }
.Ltmp7:
0x5ac: {  	_ = 	snop;
	(pc) =	sbr.rel @p1 .LBB2_14-.Ltmp7, $4  }
0x5ad: {  	_ = 	snop  }
0x5ae: {  	[tilespmem:$0x1EC60] =	vst v47;
	s5 =	sshll.u32 s23, $0x11;
	s0 =	rddreg [dreg:$0x8]  }
0x5af: {  	[tilespmem:$0x1EC70] =	vst v46;
	s2 =	simm.s32 $0x20000;
	s4 =	simm.s32 $0x800;
	s0 =	sadd.s32 s5, s0  }
0x5b0: {  	[hbm4b:s0+s4] =	stream.strided.scatter [tilespmem:s15], [sflag:$0x3], $0x4000, s2, s4, $0x38;
	[tilespmem:$0x1BC00] =	vst v63  }
.Ltmp8:
0x5b1: {  	(pc) =	sbr.rel .LBB2_17-.Ltmp8, $4  }
0x5b2: {  	s0 =	simm.s32 $0x2  }
0x5b3: {  	_ =	swait.ge [sflag:s0], $0x8000  }
0x5b4: {  	[sflag:s0] =	ssyncset.done $0x0  }
0x5b5: {  	[sflag:s0] =	ssyncadd.s32 $0xFFFF8000  }
.LBB2_14:
0x5b6: {  	s0 =	sadd.s32 $0x2, s26  }
0x5b7: {  	s2 =	sshll.u32 s0, $0x8;
	s0 =	sshll.u32 s0, $0x6  }
0x5b8: {  	s2 =	sand.u32 $0x7000, s2;
	s0 =	sand.u32 $0x380, s0  }
0x5b9: {  	s0 =	sor.u32 s0, s2  }
0x5ba: {  	s12 =	simm.s32 $0x0;
	[dreg:$0x6] =	wrdreg s0  }
0x5bb: {  	s4 =	sand.u32 $0x400, s12;
	s0 =	rddreg [dreg:$0x6]  }
0x5bc: {  	s2 =	sand.u32 $0x70, s12;
	s0 =	sadd.s32 s4, s0  }
0x5bd: {  	s0 =	sadd.s32 s2, s0  }
0x5be: {  	v0 =	vld [tilespmem:s0+$0x0];
	_ =	sdelay $0x4  }
0x5bf: {  	v0 =	vshll.u32 v0, $0x4  }
0x5c0: {  	(v2sf) =	vpush v0, $0x0  }
0x5c1: {  	(v2sf) =	vpush v0, $0x1  }
0x5c2: {  	(v2sf) =	vpush v0, $0x2;
	_ =	sdelay $0x1  }
0x5c3: {  	(v2sf) =	vpush v0, $0x3;
	_ =	sdelay $0x1  }
0x5c4: {  	(v2sf) =	vpush v0, $0x4;
	_ =	sdelay $0x1  }
0x5c5: {  	(v2sf) =	vpush v0, $0x5;
	_ =	sdelay $0x1  }
0x5c6: {  	[dreg:$0xe] =	wrdreg s5;
	s28 =	simm.s32 $0x80;
	(v2sf) =	vpush v0, $0x6  }
0x5c7: {  	s26 =	simm.s32 $0x2000;
	s29 =	simm.s32 $0x4000;
	s6 =	simm.s32 $0x3200  }
0x5c8: {  	s7 =	simm.s32 $0x3480;
	s9 =	simm.s32 $0x3000;
	s13 =	simm.s32 $0x3080  }
0x5c9: {  	s17 =	simm.s32 $0x3100;
	s21 =	simm.s32 $0x3180;
	s30 =	simm.s32 $0x10  }
0x5ca: {  	s12 =	simm.s32 $0x3300;
	s5 =	rddreg [dreg:$0x6];
	s4 =	sand.u32 $0x400, s28  }
0x5cb: {  	s2 =	simm.s32 $0x3500;
	s4 =	sadd.s32 s4, s5;
	s8 =	spop (v2sf)  }
0x5cc: {  	s0 =	simm.s32 $0x0;
	(v2sf) =	vpush v0, $0x7;
	s8 =	sand.u32 $0x1FFFFFF0, s8;
	s10 =	spop (v2sf)  }
0x5cd: {  	(v2sf) =	vpush v0, $0x8;
	s10 =	sand.u32 $0x1FFFFFF0, s10;
	s11 =	spop (v2sf);
	s8 =	sadd.s32 s3, s8  }
0x5ce: {  	(v2sf) =	vpush v0, $0x9;
	[tilespmem:s9], [sflag:$0x1] =	stream.linear.gather [hbm4b:s8+s1], $0x80, $0x38;
	[tilespmem:$0x1BC00] =	vst v63  }
0x5cf: {  	s16 =	sand.u32 $0x1FFFFFF0, s11;
	s10 =	sadd.s32 s3, s10;
	s18 =	spop (v2sf)  }
0x5d0: {  	(v2sf) =	vpush v0, $0xA;
	[tilespmem:s13], [sflag:$0x1] =	stream.linear.gather [hbm4b:s10+s1], $0x80, $0x38;
	[tilespmem:$0x1BC00] =	vst v63  }
0x5d1: {  	s9 =	sadd.s32 s3, s16;
	s22 =	sand.u32 $0x1FFFFFF0, s18;
	s23 =	spop (v2sf)  }
0x5d2: {  	(v2sf) =	vpush v0, $0xB;
	[tilespmem:s17], [sflag:$0x1] =	stream.linear.gather [hbm4b:s9+s1], $0x80, $0x38;
	[tilespmem:$0x1BC00] =	vst v63  }
0x5d3: {  	s10 =	sand.u32 $0x1FFFFFF0, s23;
	s24 =	spop (v2sf);
	s9 =	sadd.s32 s3, s22  }
0x5d4: {  	[tilespmem:s21], [sflag:$0x1] =	stream.linear.gather [hbm4b:s9+s1], $0x80, $0x38;
	[tilespmem:$0x1BC00] =	vst v63  }
0x5d5: {  	s25 =	sand.u32 $0x1FFFFFF0, s24;
	s31 =	spop (v2sf);
	s10 =	sadd.s32 s3, s10  }
0x5d6: {  	[tilespmem:s6], [sflag:$0x1] =	stream.linear.gather [hbm4b:s10+s1], $0x80, $0x38;
	[tilespmem:$0x1BC00] =	vst v63  }
0x5d7: {  	s11 =	simm.s32 $0x3280;
	s8 =	sadd.s32 s3, s25;
	s9 =	sand.u32 $0x1FFFFFF0, s31  }
0x5d8: {  	[tilespmem:s11], [sflag:$0x1] =	stream.linear.gather [hbm4b:s8+s1], $0x80, $0x38;
	[tilespmem:$0x1BC00] =	vst v63  }
0x5d9: {  	s16 =	simm.s32 $0x3400;
	s13 =	simm.s32 $0x3380;
	s9 =	sadd.s32 s3, s9  }
0x5da: {  	[tilespmem:s12], [sflag:$0x1] =	stream.linear.gather [hbm4b:s9+s1], $0x80, $0x38;
	[tilespmem:$0x1BC00] =	vst v63  }
0x5db: {  	s6 =	simm.s32 $0x3680;
	s11 =	simm.s32 $0x3780;
	s17 =	spop (v2sf)  }
0x5dc: {  	s8 =	simm.s32 $0x3580;
	s18 =	sand.u32 $0x1FFFFFF0, s17;
	s21 =	spop (v2sf)  }
0x5dd: {  	s9 =	sand.u32 $0x1FFFFFF0, s21;
	s22 =	spop (v2sf);
	s5 =	sadd.s32 s3, s18  }
0x5de: {  	[tilespmem:s13], [sflag:$0x1] =	stream.linear.gather [hbm4b:s5+s1], $0x80, $0x38;
	[tilespmem:$0x1BC00] =	vst v63  }
0x5df: {  	s23 =	sand.u32 $0x1FFFFFF0, s22;
	s9 =	sadd.s32 s3, s9;
	s24 =	spop (v2sf)  }
0x5e0: {  	(v2sf) =	vpush v0, $0xC;
	[tilespmem:s16], [sflag:$0x1] =	stream.linear.gather [hbm4b:s9+s1], $0x80, $0x38;
	[tilespmem:$0x1BC00] =	vst v63  }
0x5e1: {  	(v2sf) =	vpush v0, $0xD;
	s5 =	sadd.s32 s3, s23;
	s25 =	sand.u32 $0x1FFFFFF0, s24;
	s31 =	spop (v2sf)  }
0x5e2: {  	(v2sf) =	vpush v0, $0xE;
	[tilespmem:s7], [sflag:$0x1] =	stream.linear.gather [hbm4b:s5+s1], $0x80, $0x38;
	[tilespmem:$0x1BC00] =	vst v63  }
0x5e3: {  	s21 =	simm.s32 $0x3600;
	(v2sf) =	vpush v0, $0xF;
	s7 =	sadd.s32 s3, s25;
	s5 =	sand.u32 $0x1FFFFFF0, s31  }
.LBB2_15:
0x5e4: {  	_ =	sdelay $0x7  }
0x5e5: {  	[tilespmem:s2], [sflag:$0x1] =	stream.linear.gather [hbm4b:s7+s1], $0x80, $0x38;
	[tilespmem:$0x1BC00] =	vst v63  }
0x5e6: {  	s23 =	sadd.s32 s3, s5  }
0x5e7: {  	[tilespmem:s8], [sflag:$0x1] =	stream.linear.gather [hbm4b:s23+s1], $0x80, $0x38;
	[tilespmem:$0x1BC00] =	vst v63  }
0x5e8: {  	s10 =	spop (v2sf)  }
0x5e9: {  	s9 =	sand.u32 $0x70, s30;
	s24 =	sand.u32 $0x1FFFFFF0, s10;
	s25 =	spop (v2sf)  }
0x5ea: {  	s5 =	sadd.s32 s3, s24;
	s8 =	sand.u32 $0x1FFFFFF0, s25;
	s10 =	spop (v2sf)  }
0x5eb: {  	[tilespmem:s21], [sflag:$0x1] =	stream.linear.gather [hbm4b:s5+s1], $0x80, $0x38;
	[tilespmem:$0x1BC00] =	vst v63  }
0x5ec: {  	s12 =	sadd.s32 s3, s8;
	s13 =	sand.u32 $0x1FFFFFF0, s10;
	s16 =	spop (v2sf)  }
0x5ed: {  	[tilespmem:s6], [sflag:$0x1] =	stream.linear.gather [hbm4b:s12+s1], $0x80, $0x38;
	[tilespmem:$0x1BC00] =	vst v63  }
0x5ee: {  	s0 =	sadd.s32 $0x3700, s0;
	s17 =	sadd.s32 s3, s13;
	s18 =	sand.u32 $0x1FFFFFF0, s16  }
0x5ef: {  	[tilespmem:s0], [sflag:$0x1] =	stream.linear.gather [hbm4b:s17+s1], $0x80, $0x38;
	[tilespmem:$0x1BC00] =	vst v63  }
0x5f0: {  	s21 =	sadd.s32 s9, s4;
	s22 =	sadd.s32 s3, s18  }
0x5f1: {  	[tilespmem:s11], [sflag:$0x1] =	stream.linear.gather [hbm4b:s22+s1], $0x80, $0x38;
	[tilespmem:$0x1BC00] =	vst v63  }
0x5f2: {  	v0 =	vld [tilespmem:s21+$0x0];
	_ =	sdelay $0x4  }
0x5f3: {  	v0 =	vshll.u32 v0, $0x4  }
0x5f4: {  	(v2sf) =	vpush v0, $0x0  }
0x5f5: {  	(v2sf) =	vpush v0, $0x1  }
0x5f6: {  	(v2sf) =	vpush v0, $0x2;
	_ =	sdelay $0x1  }
0x5f7: {  	(v2sf) =	vpush v0, $0x3;
	_ =	sdelay $0x1  }
0x5f8: {  	(v2sf) =	vpush v0, $0x4  }
0x5f9: {  	p1 =	sne.s32 s29, $0x1E000  }
0x5fa: {  	s31 =	smov.u32 s29;
	s29 =	sadd.s32 $0x2000, s29;
	s28 =	sadd.s32 $0x80, s28;
	(v2sf) =	vpush v0, $0x5  }
0x5fb: {  	s30 =	sadd.s32 $0x10, s30;
	s23 =	sand.u32 $0x400, s28;
	s24 =	rddreg [dreg:$0x6]  }
0x5fc: {  	s4 =	sadd.s32 s23, s24;
	s0 =	sshra.s32 s26, $0x2;
	s26 =	smov.u32 s31;
	(v2sf) =	vpush v0, $0x6  }
0x5fd: {  	s16 =	sadd.s32 $0x3200, s0;
	s10 =	sadd.s32 $0x3480, s0;
	s2 =	sadd.s32 $0x3500, s0  }
0x5fe: {  	s9 =	sadd.s32 $0x3000, s0;
	s7 =	sadd.s32 $0x3300, s0;
	s5 =	sadd.s32 $0x3380, s0;
	(v2sf) =	vpush v0, $0x7  }
0x5ff: {  	s12 =	sadd.s32 $0x3280, s0;
	s13 =	sadd.s32 $0x3180, s0;
	s8 =	sadd.s32 $0x3580, s0  }
0x600: {  	s17 =	sadd.s32 $0x3080, s0;
	s6 =	sadd.s32 $0x3680, s0;
	s24 =	sadd.s32 $0x3100, s0;
	(v2sf) =	vpush v0, $0x8  }
0x601: {  	s22 =	sadd.s32 $0x3400, s0;
	s11 =	sadd.s32 $0x3780, s0;
	s18 =	spop (v2sf)  }
0x602: {  	s21 =	sadd.s32 $0x3600, s0;
	(v2sf) =	vpush v0, $0x9;
	s18 =	sand.u32 $0x1FFFFFF0, s18;
	s23 =	spop (v2sf)  }
0x603: {  	s23 =	sand.u32 $0x1FFFFFF0, s23;
	s25 =	spop (v2sf);
	s18 =	sadd.s32 s3, s18  }
0x604: {  	(v2sf) =	vpush v0, $0xA;
	[tilespmem:s9], [sflag:$0x1] =	stream.linear.gather [hbm4b:s18+s1], $0x80, $0x38;
	[tilespmem:$0x1BC00] =	vst v63  }
0x605: {  	s31 =	sand.u32 $0x1FFFFFF0, s25;
	s25 =	spop (v2sf);
	(v2sf) =	vpush v0, $0xB;
	s9 =	sadd.s32 s3, s23  }
0x606: {  	[tilespmem:s17], [sflag:$0x1] =	stream.linear.gather [hbm4b:s9+s1], $0x80, $0x38;
	[tilespmem:$0x1BC00] =	vst v63  }
0x607: {  	s18 =	sand.u32 $0x1FFFFFF0, s25;
	s23 =	spop (v2sf);
	s25 =	sadd.s32 s3, s31  }
0x608: {  	[tilespmem:s24], [sflag:$0x1] =	stream.linear.gather [hbm4b:s25+s1], $0x80, $0x38;
	[tilespmem:$0x1BC00] =	vst v63  }
0x609: {  	s17 =	sand.u32 $0x1FFFFFF0, s23;
	s31 =	spop (v2sf);
	s25 =	sadd.s32 s3, s18  }
0x60a: {  	[tilespmem:s13], [sflag:$0x1] =	stream.linear.gather [hbm4b:s25+s1], $0x80, $0x38;
	[tilespmem:$0x1BC00] =	vst v63  }
0x60b: {  	s18 =	sand.u32 $0x1FFFFFF0, s31;
	s31 =	spop (v2sf);
	s24 =	sadd.s32 s3, s17  }
0x60c: {  	[tilespmem:s16], [sflag:$0x1] =	stream.linear.gather [hbm4b:s24+s1], $0x80, $0x38;
	[tilespmem:$0x1BC00] =	vst v63  }
0x60d: {  	s25 =	sand.u32 $0x1FFFFFF0, s31;
	s31 =	spop (v2sf);
	s16 =	sadd.s32 s3, s18  }
0x60e: {  	[tilespmem:s12], [sflag:$0x1] =	stream.linear.gather [hbm4b:s16+s1], $0x80, $0x38;
	[tilespmem:$0x1BC00] =	vst v63  }
0x60f: {  	s23 =	spop (v2sf);
	s18 =	sand.u32 $0x1FFFFFF0, s31;
	s24 =	sadd.s32 s3, s25  }
0x610: {  	[tilespmem:s7], [sflag:$0x1] =	stream.linear.gather [hbm4b:s24+s1], $0x80, $0x38;
	[tilespmem:$0x1BC00] =	vst v63  }
0x611: {  	s25 =	sand.u32 $0x1FFFFFF0, s23;
	s17 =	sadd.s32 s3, s18;
	s31 =	spop (v2sf)  }
0x612: {  	[tilespmem:s5], [sflag:$0x1] =	stream.linear.gather [hbm4b:s17+s1], $0x80, $0x38;
	[tilespmem:$0x1BC00] =	vst v63  }
.Ltmp9:
0x613: {  	s24 =	sadd.s32 s3, s25;
	s23 =	spop (v2sf);
	(pc) =	sbr.rel @p1 .LBB2_15-.Ltmp9, $4  }
0x614: {  	(v2sf) =	vpush v0, $0xC;
	s18 =	sand.u32 $0x1FFFFFF0, s31;
	s25 =	sand.u32 $0x1FFFFFF0, s23;
	s31 =	spop (v2sf)  }
0x615: {  	(v2sf) =	vpush v0, $0xD;
	[tilespmem:s22], [sflag:$0x1] =	stream.linear.gather [hbm4b:s24+s1], $0x80, $0x38;
	[tilespmem:$0x1BC00] =	vst v63  }
0x616: {  	(v2sf) =	vpush v0, $0xE;
	s9 =	sadd.s32 s3, s18;
	s7 =	sadd.s32 s3, s25;
	s5 =	sand.u32 $0x1FFFFFF0, s31  }
0x617: {  	(v2sf) =	vpush v0, $0xF;
	[tilespmem:s10], [sflag:$0x1] =	stream.linear.gather [hbm4b:s9+s1], $0x80, $0x38;
	[tilespmem:$0x1BC00] =	vst v63  }
0x618: {  	_ =	sdelay $0x7  }
0x619: {  	[tilespmem:s2], [sflag:$0x1] =	stream.linear.gather [hbm4b:s7+s1], $0x80, $0x38;
	[tilespmem:$0x1BC00] =	vst v63  }
0x61a: {  	s18 =	sadd.s32 s3, s5  }
0x61b: {  	[tilespmem:s8], [sflag:$0x1] =	stream.linear.gather [hbm4b:s18+s1], $0x80, $0x38;
	[tilespmem:$0x1BC00] =	vst v63  }
0x61c: {  	s10 =	spop (v2sf)  }
0x61d: {  	s9 =	sand.u32 $0x70, s30;
	s22 =	sand.u32 $0x1FFFFFF0, s10;
	s23 =	spop (v2sf)  }
0x61e: {  	s24 =	sadd.s32 s3, s22;
	s25 =	sand.u32 $0x1FFFFFF0, s23;
	s28 =	spop (v2sf)  }
0x61f: {  	[tilespmem:s21], [sflag:$0x1] =	stream.linear.gather [hbm4b:s24+s1], $0x80, $0x38;
	[tilespmem:$0x1BC00] =	vst v63  }
0x620: {  	s29 =	sadd.s32 s3, s25;
	s30 =	sand.u32 $0x1FFFFFF0, s28;
	s31 =	spop (v2sf)  }
0x621: {  	[tilespmem:s6], [sflag:$0x1] =	stream.linear.gather [hbm4b:s29+s1], $0x80, $0x38;
	[tilespmem:$0x1BC00] =	vst v63  }
0x622: {  	s0 =	sadd.s32 $0x3700, s0;
	s8 =	sand.u32 $0x1FFFFFF0, s31;
	s6 =	sadd.s32 s3, s30  }
0x623: {  	[tilespmem:s0], [sflag:$0x1] =	stream.linear.gather [hbm4b:s6+s1], $0x80, $0x38;
	[tilespmem:$0x1BC00] =	vst v63  }
0x624: {  	s9 =	sadd.s32 s9, s4;
	s10 =	sadd.s32 s3, s8  }
0x625: {  	[tilespmem:s11], [sflag:$0x1] =	stream.linear.gather [hbm4b:s10+s1], $0x80, $0x38;
	[tilespmem:$0x1BC00] =	vst v63  }
0x626: {  	v0 =	vld [tilespmem:s9+$0x0];
	_ =	sdelay $0x4  }
0x627: {  	v0 =	vshll.u32 v0, $0x4  }
0x628: {  	(v2sf) =	vpush v0, $0x0  }
0x629: {  	(v2sf) =	vpush v0, $0x1  }
0x62a: {  	(v2sf) =	vpush v0, $0x2;
	_ =	sdelay $0x1  }
0x62b: {  	(v2sf) =	vpush v0, $0x3  }
0x62c: {  	(v2sf) =	vpush v0, $0x4;
	_ =	sdelay $0x1  }
0x62d: {  	(v2sf) =	vpush v0, $0x5;
	_ =	sdelay $0x1  }
0x62e: {  	(v2sf) =	vpush v0, $0x6;
	_ =	sdelay $0x1  }
0x62f: {  	s0 =	sshra.s32 s26, $0x2;
	(v2sf) =	vpush v0, $0x7  }
0x630: {  	s5 =	sadd.s32 $0x3480, s0;
	s2 =	sadd.s32 $0x3500, s0;
	s24 =	sadd.s32 $0x3000, s0  }
0x631: {  	s25 =	sadd.s32 $0x3280, s0;
	s12 =	sadd.s32 $0x3400, s0;
	s13 =	sadd.s32 $0x3180, s0;
	(v2sf) =	vpush v0, $0x8  }
0x632: {  	s6 =	sadd.s32 $0x3580, s0;
	s17 =	sadd.s32 $0x3080, s0;
	s4 =	sadd.s32 $0x3680, s0  }
0x633: {  	s21 =	sadd.s32 $0x3600, s0;
	s22 =	sadd.s32 $0x3100, s0;
	s16 =	spop (v2sf)  }
0x634: {  	s11 =	sadd.s32 $0x3200, s0;
	s18 =	spop (v2sf);
	s16 =	sand.u32 $0x1FFFFFF0, s16  }
0x635: {  	s10 =	sadd.s32 $0x3380, s0;
	(v2sf) =	vpush v0, $0x9;
	s23 =	spop (v2sf);
	s16 =	sadd.s32 s3, s16  }
0x636: {  	[tilespmem:s24], [sflag:$0x1] =	stream.linear.gather [hbm4b:s16+s1], $0x80, $0x38;
	[tilespmem:$0x1BC00] =	vst v63  }
0x637: {  	s9 =	sadd.s32 $0x3300, s0;
	(v2sf) =	vpush v0, $0xA;
	s18 =	sand.u32 $0x1FFFFFF0, s18;
	s28 =	spop (v2sf)  }
0x638: {  	s26 =	sand.u32 $0x1FFFFFF0, s23;
	s18 =	sadd.s32 s3, s18;
	s29 =	spop (v2sf)  }
0x639: {  	(v2sf) =	vpush v0, $0xB;
	[tilespmem:s17], [sflag:$0x1] =	stream.linear.gather [hbm4b:s18+s1], $0x80, $0x38;
	[tilespmem:$0x1BC00] =	vst v63  }
0x63a: {  	s16 =	sand.u32 $0x1FFFFFF0, s28;
	s8 =	sadd.s32 s3, s26;
	s31 =	spop (v2sf)  }
0x63b: {  	(v2sf) =	vpush v0, $0xC;
	[tilespmem:s22], [sflag:$0x1] =	stream.linear.gather [hbm4b:s8+s1], $0x80, $0x38;
	[tilespmem:$0x1BC00] =	vst v63  }
0x63c: {  	s30 =	sand.u32 $0x1FFFFFF0, s29;
	s16 =	sadd.s32 s3, s16;
	s18 =	spop (v2sf)  }
0x63d: {  	(v2sf) =	vpush v0, $0xD;
	[tilespmem:s13], [sflag:$0x1] =	stream.linear.gather [hbm4b:s16+s1], $0x80, $0x38;
	[tilespmem:$0x1BC00] =	vst v63  }
0x63e: {  	s17 =	sand.u32 $0x1FFFFFF0, s31;
	s8 =	sadd.s32 s3, s30;
	s23 =	spop (v2sf)  }
0x63f: {  	(v2sf) =	vpush v0, $0xE;
	[tilespmem:s11], [sflag:$0x1] =	stream.linear.gather [hbm4b:s8+s1], $0x80, $0x38;
	[tilespmem:$0x1BC00] =	vst v63  }
0x640: {  	s22 =	sand.u32 $0x1FFFFFF0, s18;
	s24 =	spop (v2sf);
	s13 =	sadd.s32 s3, s17  }
0x641: {  	(v2sf) =	vpush v0, $0xF;
	[tilespmem:s25], [sflag:$0x1] =	stream.linear.gather [hbm4b:s13+s1], $0x80, $0x38;
	[tilespmem:$0x1BC00] =	vst v63  }
0x642: {  	s7 =	sadd.s32 s3, s22;
	s8 =	sand.u32 $0x1FFFFFF0, s23;
	s25 =	sand.u32 $0x1FFFFFF0, s24  }
0x643: {  	[tilespmem:s9], [sflag:$0x1] =	stream.linear.gather [hbm4b:s7+s1], $0x80, $0x38;
	[tilespmem:$0x1BC00] =	vst v63  }
0x644: {  	s8 =	sadd.s32 s3, s8;
	s26 =	spop (v2sf);
	s7 =	sadd.s32 s3, s25  }
0x645: {  	[tilespmem:s10], [sflag:$0x1] =	stream.linear.gather [hbm4b:s8+s1], $0x80, $0x38;
	[tilespmem:$0x1BC00] =	vst v63  }
0x646: {  	s28 =	sand.u32 $0x1FFFFFF0, s26;
	s29 =	spop (v2sf);
	s26 =	sadd.s32 $0x3700, s0  }
0x647: {  	[tilespmem:s12], [sflag:$0x1] =	stream.linear.gather [hbm4b:s7+s1], $0x80, $0x38;
	[tilespmem:$0x1BC00] =	vst v63  }
0x648: {  	s30 =	sand.u32 $0x1FFFFFF0, s29;
	s31 =	spop (v2sf);
	s8 =	sadd.s32 s3, s28  }
0x649: {  	[tilespmem:s5], [sflag:$0x1] =	stream.linear.gather [hbm4b:s8+s1], $0x80, $0x38;
	[tilespmem:$0x1BC00] =	vst v63  }
0x64a: {  	s10 =	sand.u32 $0x1FFFFFF0, s31;
	s11 =	spop (v2sf);
	s8 =	sadd.s32 s3, s30  }
0x64b: {  	[tilespmem:s2], [sflag:$0x1] =	stream.linear.gather [hbm4b:s8+s1], $0x80, $0x38;
	[tilespmem:$0x1BC00] =	vst v63  }
0x64c: {  	s12 =	sadd.s32 s3, s10;
	s13 =	sand.u32 $0x1FFFFFF0, s11;
	s16 =	spop (v2sf)  }
0x64d: {  	[tilespmem:s6], [sflag:$0x1] =	stream.linear.gather [hbm4b:s12+s1], $0x80, $0x38;
	[tilespmem:$0x1BC00] =	vst v63  }
0x64e: {  	s17 =	sadd.s32 s3, s13;
	s18 =	sand.u32 $0x1FFFFFF0, s16;
	s22 =	spop (v2sf)  }
0x64f: {  	[tilespmem:s21], [sflag:$0x1] =	stream.linear.gather [hbm4b:s17+s1], $0x80, $0x38;
	[tilespmem:$0x1BC00] =	vst v63  }
0x650: {  	s23 =	sadd.s32 s3, s18;
	s24 =	sand.u32 $0x1FFFFFF0, s22;
	s25 =	spop (v2sf)  }
0x651: {  	[tilespmem:s4], [sflag:$0x1] =	stream.linear.gather [hbm4b:s23+s1], $0x80, $0x38;
	[tilespmem:$0x1BC00] =	vst v63  }
0x652: {  	s0 =	sadd.s32 $0x3780, s0;
	s28 =	sadd.s32 s3, s24;
	s29 =	sand.u32 $0x1FFFFFF0, s25  }
0x653: {  	[tilespmem:s26], [sflag:$0x1] =	stream.linear.gather [hbm4b:s28+s1], $0x80, $0x38;
	[tilespmem:$0x1BC00] =	vst v63  }
.Ltmp10:
0x654: {  	s31 =	simm.s32 $0x2;
	s30 =	sadd.s32 s3, s29;
	(pc) =	sbr.rel @p0 .LBB2_18-.Ltmp10, $4  }
0x655: {  	[tilespmem:s0], [sflag:$0x1] =	stream.linear.gather [hbm4b:s30+s1], $0x80, $0x38;
	[tilespmem:$0x1BC00] =	vst v63  }
0x656: {  	_ =	swait.ge [sflag:s31], $0x8000  }
0x657: {  	[sflag:s31] =	ssyncset.done $0x0;
	s23 =	rddreg [dreg:$0xd]  }
0x658: {  	s5 =	rddreg [dreg:$0xe];
	[sflag:s31] =	ssyncadd.s32 $0xFFFF8000  }
.LBB2_17:
0x659: {  	s0 =	simm.s32 $0x4  }
0x65a: {  	_ =	swait.ge [sflag:s0], $0x4000  }
0x65b: {  	[sflag:s0] =	ssyncset.done $0x0  }
0x65c: {  	[sflag:s0] =	ssyncadd.s32 $0xFFFFC000  }
.LBB2_18:
0x65d: {  	v0 =	vld [tilespmem:$0x1EC80];
	_ =	sdelay $0x4  }
0x65e: {  	v33 =	vld [tilespmem:$0x1ECA0];
	_ =	sdelay $0x1  }
0x65f: {  	s0 =	simm.s32 $0x1B000  }
0x660: {  	v0 =	vld.idx.msk [tilespmem:v0+s0+$0x0], $0xffff;
	_ =	sdelay $0x1  }
0x661: {  	v34 =	vld [tilespmem:$0x1ECC0];
	_ =	sdelay $0x2  }
0x662: {  	[tilespmem:$0x1E860] =	vst v0;
	v0 =	vld.idx.msk [tilespmem:v33+s0+$0x0], $0xffff;
	_ =	sdelay $0x1  }
0x663: {  	v35 =	vld [tilespmem:$0x1ECE0];
	_ =	sdelay $0x2  }
0x664: {  	[tilespmem:$0x1E870] =	vst v0;
	v0 =	vld.idx.msk [tilespmem:v34+s0+$0x0], $0xffff;
	_ =	sdelay $0x1  }
0x665: {  	v36 =	vld [tilespmem:$0x1ED00];
	_ =	sdelay $0x2  }
0x666: {  	[tilespmem:$0x1E880] =	vst v0;
	v0 =	vld.idx.msk [tilespmem:v35+s0+$0x0], $0xffff;
	_ =	sdelay $0x1  }
0x667: {  	v37 =	vld [tilespmem:$0x1ED20];
	_ =	sdelay $0x2  }
0x668: {  	[tilespmem:$0x1E890] =	vst v0;
	v0 =	vld.idx.msk [tilespmem:v36+s0+$0x0], $0xffff;
	_ =	sdelay $0x1  }
0x669: {  	v38 =	vld [tilespmem:$0x1ED40];
	_ =	sdelay $0x2  }
0x66a: {  	[tilespmem:$0x1E8A0] =	vst v0;
	v0 =	vld.idx.msk [tilespmem:v37+s0+$0x0], $0xffff;
	_ =	sdelay $0x1  }
0x66b: {  	v39 =	vld [tilespmem:$0x1ED60];
	_ =	sdelay $0x2  }
0x66c: {  	[tilespmem:$0x1E8B0] =	vst v0;
	v0 =	vld.idx.msk [tilespmem:v38+s0+$0x0], $0xffff;
	_ =	sdelay $0x1  }
0x66d: {  	v40 =	vld [tilespmem:$0x1ED80];
	_ =	sdelay $0x2  }
0x66e: {  	[tilespmem:$0x1E8C0] =	vst v0;
	v0 =	vld.idx.msk [tilespmem:v39+s0+$0x0], $0xffff;
	_ =	sdelay $0x1  }
0x66f: {  	v41 =	vld [tilespmem:$0x1EDA0];
	_ =	sdelay $0x2  }
0x670: {  	[tilespmem:$0x1E8D0] =	vst v0;
	v0 =	vld.idx.msk [tilespmem:v40+s0+$0x0], $0xffff;
	_ =	sdelay $0x1  }
0x671: {  	v42 =	vld [tilespmem:$0x1EDC0];
	_ =	sdelay $0x2  }
0x672: {  	[tilespmem:$0x1E8E0] =	vst v0;
	v0 =	vld.idx.msk [tilespmem:v41+s0+$0x0], $0xffff;
	_ =	sdelay $0x1  }
0x673: {  	v43 =	vld [tilespmem:$0x1EDE0];
	_ =	sdelay $0x2  }
0x674: {  	[tilespmem:$0x1E8F0] =	vst v0;
	v0 =	vld.idx.msk [tilespmem:v42+s0+$0x0], $0xffff;
	_ =	sdelay $0x1  }
0x675: {  	v44 =	vld [tilespmem:$0x1EE00];
	_ =	sdelay $0x2  }
0x676: {  	[tilespmem:$0x1E900] =	vst v0;
	v0 =	vld.idx.msk [tilespmem:v43+s0+$0x0], $0xffff;
	_ =	sdelay $0x1  }
0x677: {  	v45 =	vld [tilespmem:$0x1EE20];
	_ =	sdelay $0x2  }
0x678: {  	[tilespmem:$0x1E910] =	vst v0;
	v0 =	vld.idx.msk [tilespmem:v44+s0+$0x0], $0xffff;
	_ =	sdelay $0x1  }
0x679: {  	v46 =	vld [tilespmem:$0x1EE40];
	_ =	sdelay $0x2  }
0x67a: {  	[tilespmem:$0x1E920] =	vst v0;
	v0 =	vld.idx.msk [tilespmem:v45+s0+$0x0], $0xffff;
	_ =	sdelay $0x1  }
0x67b: {  	v47 =	vld [tilespmem:$0x1EE60];
	_ =	sdelay $0x2  }
0x67c: {  	[tilespmem:$0x1E930] =	vst v0;
	v0 =	vld.idx.msk [tilespmem:v46+s0+$0x0], $0xffff;
	_ =	sdelay $0x1  }
0x67d: {  	v48 =	vld [tilespmem:$0x1EE80];
	_ =	sdelay $0x2  }
0x67e: {  	[tilespmem:$0x1E940] =	vst v0;
	v0 =	vld.idx.msk [tilespmem:v47+s0+$0x0], $0xffff;
	_ =	sdelay $0x1  }
0x67f: {  	v49 =	vld [tilespmem:$0x1EEA0];
	_ =	sdelay $0x2  }
0x680: {  	[tilespmem:$0x1E950] =	vst v0;
	v0 =	vld.idx.msk [tilespmem:v48+s0+$0x0], $0xffff;
	_ =	sdelay $0x1  }
0x681: {  	v50 =	vld [tilespmem:$0x1EEE0];
	_ =	sdelay $0x2  }
0x682: {  	[tilespmem:$0x1E960] =	vst v0;
	v0 =	vld.idx.msk [tilespmem:v49+s0+$0x0], $0xffff;
	_ =	sdelay $0x1  }
0x683: {  	v51 =	vld [tilespmem:$0x1EF10];
	_ =	sdelay $0x2  }
0x684: {  	[tilespmem:$0x1E970] =	vst v0;
	v0 =	vld.idx.msk [tilespmem:v50+s0+$0x0], $0xffff;
	_ =	sdelay $0x1  }
0x685: {  	v52 =	vld [tilespmem:$0x1EF40];
	_ =	sdelay $0x2  }
0x686: {  	[tilespmem:$0x1E980] =	vst v0;
	v0 =	vld.idx.msk [tilespmem:v51+s0+$0x0], $0xffff;
	_ =	sdelay $0x1  }
0x687: {  	v53 =	vld [tilespmem:$0x1EF70];
	_ =	sdelay $0x2  }
0x688: {  	[tilespmem:$0x1E990] =	vst v0;
	v0 =	vld.idx.msk [tilespmem:v52+s0+$0x0], $0xffff;
	_ =	sdelay $0x1  }
0x689: {  	v54 =	vld [tilespmem:$0x1EFC0];
	_ =	sdelay $0x2  }
0x68a: {  	[tilespmem:$0x1E9A0] =	vst v0;
	v0 =	vld.idx.msk [tilespmem:v53+s0+$0x0], $0xffff;
	_ =	sdelay $0x1  }
0x68b: {  	v55 =	vld [tilespmem:$0x1F000];
	_ =	sdelay $0x2  }
0x68c: {  	[tilespmem:$0x1E9B0] =	vst v0;
	v0 =	vld.idx.msk [tilespmem:v54+s0+$0x0], $0xffff;
	_ =	sdelay $0x1  }
0x68d: {  	v56 =	vld [tilespmem:$0x1F020];
	_ =	sdelay $0x2  }
0x68e: {  	[tilespmem:$0x1E9C0] =	vst v0;
	v0 =	vld.idx.msk [tilespmem:v55+s0+$0x0], $0xffff;
	_ =	sdelay $0x1  }
0x68f: {  	v57 =	vld [tilespmem:$0x1F040];
	_ =	sdelay $0x2  }
0x690: {  	[tilespmem:$0x1E9D0] =	vst v0;
	v0 =	vld.idx.msk [tilespmem:v56+s0+$0x0], $0xffff;
	_ =	sdelay $0x1  }
0x691: {  	v58 =	vld [tilespmem:$0x1F060];
	_ =	sdelay $0x2  }
0x692: {  	[tilespmem:$0x1E9E0] =	vst v0;
	v0 =	vld.idx.msk [tilespmem:v57+s0+$0x0], $0xffff;
	_ =	sdelay $0x1  }
0x693: {  	v59 =	vld [tilespmem:$0x1F080];
	_ =	sdelay $0x2  }
0x694: {  	[tilespmem:$0x1E9F0] =	vst v0;
	v0 =	vld.idx.msk [tilespmem:v58+s0+$0x0], $0xffff;
	_ =	sdelay $0x1  }
0x695: {  	v60 =	vld [tilespmem:$0x1F0D0];
	_ =	sdelay $0x2  }
0x696: {  	[tilespmem:$0x1EA00] =	vst v0;
	v0 =	vld.idx.msk [tilespmem:v59+s0+$0x0], $0xffff;
	_ =	sdelay $0x1  }
0x697: {  	v61 =	vld [tilespmem:$0x1F110];
	_ =	sdelay $0x2  }
0x698: {  	[tilespmem:$0x1EA10] =	vst v0;
	v0 =	vld.idx.msk [tilespmem:v60+s0+$0x0], $0xffff;
	_ =	sdelay $0x1  }
0x699: {  	v62 =	vld [tilespmem:$0x1F130];
	_ =	sdelay $0x2  }
0x69a: {  	[tilespmem:$0x1EA20] =	vst v0;
	v0 =	vld.idx.msk [tilespmem:v61+s0+$0x0], $0xffff;
	_ =	sdelay $0x1  }
0x69b: {  	v63 =	vld [tilespmem:$0x1F150];
	_ =	sdelay $0x2  }
0x69c: {  	[tilespmem:$0x1EA30] =	vst v0;
	v0 =	vld.idx.msk [tilespmem:v62+s0+$0x0], $0xffff;
	_ =	sdelay $0x1  }
0x69d: {  	v32 =	vld [tilespmem:$0x1F170];
	_ =	sdelay $0x2  }
0x69e: {  	[tilespmem:$0x1EA40] =	vst v0;
	v0 =	vld.idx.msk [tilespmem:v63+s0+$0x0], $0xffff;
	_ =	sdelay $0x1  }
0x69f: {  	v33 =	vld [tilespmem:$0x1F1A0];
	_ =	sdelay $0x2  }
0x6a0: {  	[tilespmem:$0x1EA50] =	vst v0;
	v0 =	vld.idx.msk [tilespmem:v32+s0+$0x0], $0xffff;
	_ =	sdelay $0x1  }
0x6a1: {  	v34 =	vld [tilespmem:$0x1F1D0];
	_ =	sdelay $0x2  }
0x6a2: {  	[tilespmem:$0x1EA60] =	vst v0;
	v0 =	vld.idx.msk [tilespmem:v33+s0+$0x0], $0xffff;
	_ =	sdelay $0x1  }
0x6a3: {  	v35 =	vld [tilespmem:$0x1F200];
	_ =	sdelay $0x2  }
0x6a4: {  	[tilespmem:$0x1EA70] =	vst v0;
	v0 =	vld.idx.msk [tilespmem:v34+s0+$0x0], $0xffff;
	_ =	sdelay $0x1  }
0x6a5: {  	v36 =	vld [tilespmem:$0x1F230];
	_ =	sdelay $0x2  }
0x6a6: {  	[tilespmem:$0x1EA80] =	vst v0;
	v0 =	vld.idx.msk [tilespmem:v35+s0+$0x0], $0xffff;
	_ =	sdelay $0x1  }
0x6a7: {  	v37 =	vld [tilespmem:$0x1F270];
	_ =	sdelay $0x2  }
0x6a8: {  	[tilespmem:$0x1EA90] =	vst v0;
	v0 =	vld.idx.msk [tilespmem:v36+s0+$0x0], $0xffff;
	_ =	sdelay $0x1  }
0x6a9: {  	v38 =	vld [tilespmem:$0x1F2C0];
	_ =	sdelay $0x2  }
0x6aa: {  	[tilespmem:$0x1EAA0] =	vst v0;
	v0 =	vld.idx.msk [tilespmem:v37+s0+$0x0], $0xffff;
	_ =	sdelay $0x1  }
0x6ab: {  	v39 =	vld [tilespmem:$0x1F300];
	_ =	sdelay $0x2  }
0x6ac: {  	[tilespmem:$0x1EAB0] =	vst v0;
	v0 =	vld.idx.msk [tilespmem:v38+s0+$0x0], $0xffff;
	_ =	sdelay $0x1  }
0x6ad: {  	v40 =	vld [tilespmem:$0x1F330];
	_ =	sdelay $0x2  }
0x6ae: {  	[tilespmem:$0x1EAC0] =	vst v0;
	v0 =	vld.idx.msk [tilespmem:v39+s0+$0x0], $0xffff;
	_ =	sdelay $0x1  }
0x6af: {  	v41 =	vld [tilespmem:$0x1F350];
	_ =	sdelay $0x2  }
0x6b0: {  	[tilespmem:$0x1EAD0] =	vst v0;
	v0 =	vld.idx.msk [tilespmem:v40+s0+$0x0], $0xffff;
	_ =	sdelay $0x1  }
0x6b1: {  	v42 =	vld [tilespmem:$0x1F370];
	_ =	sdelay $0x2  }
0x6b2: {  	[tilespmem:$0x1EAE0] =	vst v0;
	v0 =	vld.idx.msk [tilespmem:v41+s0+$0x0], $0xffff;
	_ =	sdelay $0x1  }
0x6b3: {  	v43 =	vld [tilespmem:$0x1F390];
	_ =	sdelay $0x2  }
0x6b4: {  	[tilespmem:$0x1EAF0] =	vst v0;
	v0 =	vld.idx.msk [tilespmem:v42+s0+$0x0], $0xffff;
	_ =	sdelay $0x1  }
0x6b5: {  	v44 =	vld [tilespmem:$0x1F3B0];
	_ =	sdelay $0x2  }
0x6b6: {  	[tilespmem:$0x1EB00] =	vst v0;
	v0 =	vld.idx.msk [tilespmem:v43+s0+$0x0], $0xffff;
	_ =	sdelay $0x1  }
0x6b7: {  	v45 =	vld [tilespmem:$0x1F3E0];
	_ =	sdelay $0x2  }
0x6b8: {  	[tilespmem:$0x1EB10] =	vst v0;
	v0 =	vld.idx.msk [tilespmem:v44+s0+$0x0], $0xffff;
	_ =	sdelay $0x1  }
0x6b9: {  	v46 =	vld [tilespmem:$0x1F430];
	_ =	sdelay $0x2  }
0x6ba: {  	[tilespmem:$0x1EB20] =	vst v0;
	v0 =	vld.idx.msk [tilespmem:v45+s0+$0x0], $0xffff;
	_ =	sdelay $0x1  }
0x6bb: {  	v47 =	vld [tilespmem:$0x1F460];
	_ =	sdelay $0x2  }
0x6bc: {  	[tilespmem:$0x1EB30] =	vst v0;
	v0 =	vld.idx.msk [tilespmem:v46+s0+$0x0], $0xffff  }
0x6bd: {  	v8 =	vld [tilespmem:$0x1FB40]  }
0x6be: {  	v48 =	vld [tilespmem:$0x1F480]  }
0x6bf: {  	v9 =	vld [tilespmem:$0x1FB50]  }
0x6c0: {  	v10 =	vld [tilespmem:$0x1FB60]  }
0x6c1: {  	[tilespmem:$0x1EB40] =	vst v0;
	v0 =	vld.idx.msk [tilespmem:v47+s0+$0x0], $0xffff  }
0x6c2: {  	v11 =	vld [tilespmem:$0x1FB70]  }
0x6c3: {  	v49 =	vld [tilespmem:$0x1F4A0]  }
0x6c4: {  	v12 =	vld [tilespmem:$0x1FB80]  }
0x6c5: {  	v13 =	vld [tilespmem:$0x1FB90]  }
0x6c6: {  	[tilespmem:$0x1EB50] =	vst v0;
	v0 =	vld.idx.msk [tilespmem:v48+s0+$0x0], $0xffff  }
0x6c7: {  	v14 =	vld [tilespmem:$0x1FBA0]  }
0x6c8: {  	v50 =	vld [tilespmem:$0x1F4D0]  }
0x6c9: {  	v15 =	vld [tilespmem:$0x1FBB0]  }
0x6ca: {  	v30 =	vld [tilespmem:$0x1FBC0]  }
0x6cb: {  	[tilespmem:$0x1EB60] =	vst v0;
	v0 =	vld.idx.msk [tilespmem:v49+s0+$0x0], $0xffff  }
0x6cc: {  	v31 =	vld [tilespmem:$0x1FBD0]  }
0x6cd: {  	v51 =	vld [tilespmem:$0x1F500]  }
0x6ce: {  	v16 =	vld [tilespmem:$0x1EFB0]  }
0x6cf: {  	v17 =	vld [tilespmem:$0x1F0B0]  }
0x6d0: {  	[tilespmem:$0x1EB70] =	vst v0;
	v0 =	vld.idx.msk [tilespmem:v50+s0+$0x0], $0xffff  }
0x6d1: {  	v18 =	vld [tilespmem:$0x1F0F0]  }
0x6d2: {  	v52 =	vld [tilespmem:$0x1F530]  }
0x6d3: {  	v19 =	vld [tilespmem:$0x1F1C0]  }
0x6d4: {  	v20 =	vld [tilespmem:$0x1F250]  }
0x6d5: {  	[tilespmem:$0x1EB80] =	vst v0;
	v0 =	vld.idx.msk [tilespmem:v51+s0+$0x0], $0xffff  }
0x6d6: {  	v21 =	vld [tilespmem:$0x1F2A0]  }
0x6d7: {  	v53 =	vld [tilespmem:$0x1F560]  }
0x6d8: {  	v22 =	vld [tilespmem:$0x1F2F0]  }
0x6d9: {  	v23 =	vld [tilespmem:$0x1F3D0]  }
0x6da: {  	[tilespmem:$0x1EB90] =	vst v0;
	v0 =	vld.idx.msk [tilespmem:v52+s0+$0x0], $0xffff  }
0x6db: {  	v24 =	vld [tilespmem:$0x1F410]  }
0x6dc: {  	v54 =	vld [tilespmem:$0x1F590]  }
0x6dd: {  	v25 =	vld [tilespmem:$0x1F450]  }
0x6de: {  	v26 =	vld [tilespmem:$0x1F4C0]  }
0x6df: {  	[tilespmem:$0x1EBA0] =	vst v0;
	v0 =	vld.idx.msk [tilespmem:v53+s0+$0x0], $0xffff  }
0x6e0: {  	v27 =	vld [tilespmem:$0x1F4F0]  }
0x6e1: {  	v55 =	vld [tilespmem:$0x1F5C0]  }
0x6e2: {  	v28 =	vld [tilespmem:$0x1F520]  }
0x6e3: {  	v29 =	vld [tilespmem:$0x1F5B0]  }
0x6e4: {  	[tilespmem:$0x1EBB0] =	vst v0;
	v0 =	vld.idx.msk [tilespmem:v54+s0+$0x0], $0xffff  }
0x6e5: {  	v6 =	vld [tilespmem:$0x1EC60]  }
0x6e6: {  	v56 =	vld [tilespmem:$0x1F5F0]  }
0x6e7: {  	v57 =	vld [tilespmem:$0x1F620]  }
0x6e8: {  	v58 =	vld [tilespmem:$0x1F640]  }
0x6e9: {  	[tilespmem:$0x1EBC0] =	vst v0;
	v0 =	vld.idx.msk [tilespmem:v55+s0+$0x0], $0xffff  }
0x6ea: {  	v59 =	vld [tilespmem:$0x1F660]  }
0x6eb: {  	v60 =	vld [tilespmem:$0x1F680]  }
0x6ec: {  	v61 =	vld [tilespmem:$0x1F6A0]  }
0x6ed: {  	v62 =	vld [tilespmem:$0x1F6C0]  }
0x6ee: {  	[tilespmem:$0x1EBD0] =	vst v0;
	v0 =	vld.idx.msk [tilespmem:v56+s0+$0x0], $0xffff  }
0x6ef: {  	v63 =	vld [tilespmem:$0x1F6E0]  }
0x6f0: {  	v32 =	vld [tilespmem:$0x1FBE0]  }
0x6f1: {  	v33 =	vld [tilespmem:$0x1FBF0]  }
0x6f2: {  	v34 =	vld [tilespmem:$0x1EF60]  }
0x6f3: {  	[tilespmem:$0x1EBE0] =	vst v0;
	v0 =	vld.idx.msk [tilespmem:v57+s0+$0x0], $0xffff  }
0x6f4: {  	v35 =	vld [tilespmem:$0x1F5E0]  }
0x6f5: {  	v36 =	vld [tilespmem:$0x1F610]  }
0x6f6: {  	v37 =	vld [tilespmem:$0x1EC70]  }
0x6f7: {  	v38 =	vld [tilespmem:$0x1FC00]  }
0x6f8: {  	[tilespmem:$0x1EBF0] =	vst v0;
	v0 =	vld.idx.msk [tilespmem:v58+s0+$0x0], $0xffff  }
0x6f9: {  	v39 =	vld [tilespmem:$0x1FC10]  }
0x6fa: {  	v40 =	vld [tilespmem:$0x1FC20]  }
0x6fb: {  	v41 =	vld [tilespmem:$0x1F550]  }
0x6fc: {  	v42 =	vld [tilespmem:$0x1EEC0]  }
0x6fd: {  	[tilespmem:$0x1EC00] =	vst v0;
	v0 =	vld.idx.msk [tilespmem:v59+s0+$0x0], $0xffff  }
0x6fe: {  	v43 =	vld [tilespmem:$0x1EED0]  }
0x6ff: {  	v44 =	vld [tilespmem:$0x1EF00]  }
0x700: {  	v45 =	vld [tilespmem:$0x1EF30]  }
0x701: {  	v46 =	vld [tilespmem:$0x1EF90]  }
0x702: {  	[tilespmem:$0x1EC10] =	vst v0;
	v0 =	vld.idx.msk [tilespmem:v60+s0+$0x0], $0xffff  }
0x703: {  	v47 =	vld [tilespmem:$0x1EFA0]  }
0x704: {  	v48 =	vld [tilespmem:$0x1EFE0]  }
0x705: {  	v49 =	vld [tilespmem:$0x1EFF0]  }
0x706: {  	v50 =	vld [tilespmem:$0x1F0C0]  }
0x707: {  	[tilespmem:$0x1EC20] =	vst v0;
	v0 =	vld.idx.msk [tilespmem:v61+s0+$0x0], $0xffff  }
0x708: {  	v51 =	vld [tilespmem:$0x1F0A0]  }
0x709: {  	v52 =	vld [tilespmem:$0x1F100]  }
0x70a: {  	v53 =	vld [tilespmem:$0x1F190]  }
0x70b: {  	v54 =	vld [tilespmem:$0x1F220]  }
0x70c: {  	[tilespmem:$0x1EC30] =	vst v0;
	v0 =	vld.idx.msk [tilespmem:v62+s0+$0x0], $0xffff  }
0x70d: {  	v55 =	vld [tilespmem:$0x1F1F0]  }
0x70e: {  	v56 =	vld [tilespmem:$0x1F260]  }
0x70f: {  	v57 =	vld [tilespmem:$0x1F290]  }
0x710: {  	v58 =	vld [tilespmem:$0x1F2B0]  }
0x711: {  	[tilespmem:$0x1EC40] =	vst v0;
	v0 =	vld.idx.msk [tilespmem:v63+s0+$0x0], $0xffff  }
0x712: {  	v59 =	vld [tilespmem:$0x1F2E0]  }
0x713: {  	v60 =	vld [tilespmem:$0x1F320]  }
0x714: {  	v61 =	vld [tilespmem:$0x1F400]  }
0x715: {  	v62 =	vld [tilespmem:$0x1F420]  }
0x716: {  	s2 =	simm.s32 $0x1B000;
	s26 =	simm.s32 $0x0;
	s13 =	simm.s32 $0x0;
	v63 =	vld [tilespmem:$0x1F580];
	[tilespmem:$0x1EC50] =	vst v0  }
.LBB2_19:
0x717: {  	v2 =	vlaneseq.u32  }
0x718: {  	v1 =	vor.u32 s26, v2  }
0x719: {  	v3 =	vmov s26;
	v0 =	vshll.u32 v1, $0x7  }
0x71a: {  	v3 =	vshll.u32 v3, $0x3;
	v2 =	vor.u32 v2, v0  }
0x71b: {  	v1 =	vand.u32 $0x7F, v1;
	v3 =	vand.u32 $0x400, v3  }
0x71c: {  	v1 =	vor.u32 v3, v1;
	v3 =	vld [tilespmem:$0x1F750];
	_ =	sdelay $0x1  }
0x71d: {  	v7 =	vld [tilespmem:$0x1E860]  }
0x71e: {  	v2 =	vld.idx.msk [tilespmem:v2+s19+$0x0], $0xffff;
	_ =	sdelay $0x1  }
0x71f: {  	v3 =	vor.u32 v3, v1  }
0x720: {  	v4 =	vor.u32 v5, v0;
	_ =	sdelay $0x1  }
0x721: {  	v2 =	vadd.f32 v2, v7;
	_ =	sdelay $0x1  }
0x722: {  	[tilespmem:v3+s20+$0x0] =	vst.idx.msk $0xffff, v2;
	v3 =	vld [tilespmem:$0x1F760]  }
0x723: {  	v2 =	vld.idx.msk [tilespmem:v4+s19+$0x0], $0xffff  }
0x724: {  	v4 =	vld [tilespmem:$0x1FE30];
	_ =	sdelay $0x1  }
0x725: {  	v7 =	vld [tilespmem:$0x1E870];
	_ =	sdelay $0x1  }
0x726: {  	v3 =	vor.u32 v3, v1  }
0x727: {  	v4 =	vor.u32 v4, v0;
	_ =	sdelay $0x1  }
0x728: {  	v2 =	vadd.f32 v2, v7;
	_ =	sdelay $0x1  }
0x729: {  	[tilespmem:v3+s20+$0x0] =	vst.idx.msk $0xffff, v2;
	v3 =	vld [tilespmem:$0x1F770]  }
0x72a: {  	v2 =	vld.idx.msk [tilespmem:v4+s19+$0x0], $0xffff  }
0x72b: {  	v4 =	vld [tilespmem:$0x1F780];
	_ =	sdelay $0x1  }
0x72c: {  	v7 =	vld [tilespmem:$0x1E880];
	_ =	sdelay $0x1  }
0x72d: {  	v3 =	vor.u32 v3, v1  }
0x72e: {  	v4 =	vor.u32 v4, v0;
	_ =	sdelay $0x1  }
0x72f: {  	v2 =	vadd.f32 v2, v7;
	_ =	sdelay $0x1  }
0x730: {  	[tilespmem:v3+s20+$0x0] =	vst.idx.msk $0xffff, v2;
	v3 =	vld [tilespmem:$0x1F790]  }
0x731: {  	v2 =	vld.idx.msk [tilespmem:v4+s19+$0x0], $0xffff  }
0x732: {  	v4 =	vld [tilespmem:$0x1F7A0];
	_ =	sdelay $0x1  }
0x733: {  	v7 =	vld [tilespmem:$0x1E890];
	_ =	sdelay $0x1  }
0x734: {  	v3 =	vor.u32 v3, v1  }
0x735: {  	v4 =	vor.u32 v4, v0;
	_ =	sdelay $0x1  }
0x736: {  	v2 =	vadd.f32 v2, v7;
	_ =	sdelay $0x1  }
0x737: {  	[tilespmem:v3+s20+$0x0] =	vst.idx.msk $0xffff, v2;
	v3 =	vld [tilespmem:$0x1F7B0]  }
0x738: {  	v2 =	vld.idx.msk [tilespmem:v4+s19+$0x0], $0xffff  }
0x739: {  	v4 =	vld [tilespmem:$0x1F7E0];
	_ =	sdelay $0x1  }
0x73a: {  	v7 =	vld [tilespmem:$0x1E8A0];
	_ =	sdelay $0x1  }
0x73b: {  	v3 =	vor.u32 v3, v1  }
0x73c: {  	v4 =	vor.u32 v4, v0;
	_ =	sdelay $0x1  }
0x73d: {  	v2 =	vadd.f32 v2, v7;
	_ =	sdelay $0x1  }
0x73e: {  	[tilespmem:v3+s20+$0x0] =	vst.idx.msk $0xffff, v2;
	v3 =	vld [tilespmem:$0x1F7D0]  }
0x73f: {  	v2 =	vld.idx.msk [tilespmem:v4+s19+$0x0], $0xffff  }
0x740: {  	v4 =	vld [tilespmem:$0x1F800];
	_ =	sdelay $0x1  }
0x741: {  	v7 =	vld [tilespmem:$0x1E8B0];
	_ =	sdelay $0x1  }
0x742: {  	v3 =	vor.u32 v3, v1  }
0x743: {  	v4 =	vor.u32 v4, v0;
	_ =	sdelay $0x1  }
0x744: {  	v2 =	vadd.f32 v2, v7;
	_ =	sdelay $0x1  }
0x745: {  	[tilespmem:v3+s20+$0x0] =	vst.idx.msk $0xffff, v2;
	v3 =	vld [tilespmem:$0x1F7F0]  }
0x746: {  	v2 =	vld.idx.msk [tilespmem:v4+s19+$0x0], $0xffff  }
0x747: {  	v4 =	vld [tilespmem:$0x1F840];
	_ =	sdelay $0x1  }
0x748: {  	v7 =	vld [tilespmem:$0x1E8C0];
	_ =	sdelay $0x1  }
0x749: {  	v3 =	vor.u32 v3, v1  }
0x74a: {  	v4 =	vor.u32 v4, v0;
	_ =	sdelay $0x1  }
0x74b: {  	v2 =	vadd.f32 v2, v7;
	_ =	sdelay $0x1  }
0x74c: {  	[tilespmem:v3+s20+$0x0] =	vst.idx.msk $0xffff, v2;
	v3 =	vld [tilespmem:$0x1F810]  }
0x74d: {  	v2 =	vld.idx.msk [tilespmem:v4+s19+$0x0], $0xffff  }
0x74e: {  	v4 =	vld [tilespmem:$0x1F820];
	_ =	sdelay $0x1  }
0x74f: {  	v7 =	vld [tilespmem:$0x1E8D0];
	_ =	sdelay $0x1  }
0x750: {  	v3 =	vor.u32 v3, v1  }
0x751: {  	v4 =	vor.u32 v4, v0;
	_ =	sdelay $0x1  }
0x752: {  	v2 =	vadd.f32 v2, v7;
	_ =	sdelay $0x1  }
0x753: {  	[tilespmem:v3+s20+$0x0] =	vst.idx.msk $0xffff, v2;
	v3 =	vld [tilespmem:$0x1F830]  }
0x754: {  	v2 =	vld.idx.msk [tilespmem:v4+s19+$0x0], $0xffff  }
0x755: {  	v4 =	vld [tilespmem:$0x1F860];
	_ =	sdelay $0x1  }
0x756: {  	v7 =	vld [tilespmem:$0x1E8E0];
	_ =	sdelay $0x1  }
0x757: {  	v3 =	vor.u32 v3, v1  }
0x758: {  	v4 =	vor.u32 v4, v0;
	_ =	sdelay $0x1  }
0x759: {  	v2 =	vadd.f32 v2, v7;
	_ =	sdelay $0x1  }
0x75a: {  	[tilespmem:v3+s20+$0x0] =	vst.idx.msk $0xffff, v2;
	v3 =	vld [tilespmem:$0x1F850]  }
0x75b: {  	v2 =	vld.idx.msk [tilespmem:v4+s19+$0x0], $0xffff  }
0x75c: {  	v4 =	vld [tilespmem:$0x1F880];
	_ =	sdelay $0x1  }
0x75d: {  	v7 =	vld [tilespmem:$0x1E8F0];
	_ =	sdelay $0x1  }
0x75e: {  	v3 =	vor.u32 v3, v1  }
0x75f: {  	v4 =	vor.u32 v4, v0;
	_ =	sdelay $0x1  }
0x760: {  	v2 =	vadd.f32 v2, v7;
	_ =	sdelay $0x1  }
0x761: {  	[tilespmem:v3+s20+$0x0] =	vst.idx.msk $0xffff, v2;
	v3 =	vld [tilespmem:$0x1F870]  }
0x762: {  	v2 =	vld.idx.msk [tilespmem:v4+s19+$0x0], $0xffff  }
0x763: {  	v4 =	vld [tilespmem:$0x1F8A0];
	_ =	sdelay $0x1  }
0x764: {  	v7 =	vld [tilespmem:$0x1E900];
	_ =	sdelay $0x1  }
0x765: {  	v3 =	vor.u32 v3, v1  }
0x766: {  	v4 =	vor.u32 v4, v0;
	_ =	sdelay $0x1  }
0x767: {  	v2 =	vadd.f32 v2, v7;
	_ =	sdelay $0x1  }
0x768: {  	[tilespmem:v3+s20+$0x0] =	vst.idx.msk $0xffff, v2;
	v3 =	vld [tilespmem:$0x1F890]  }
0x769: {  	v2 =	vld.idx.msk [tilespmem:v4+s19+$0x0], $0xffff  }
0x76a: {  	v4 =	vld [tilespmem:$0x1F8C0];
	_ =	sdelay $0x1  }
0x76b: {  	v7 =	vld [tilespmem:$0x1E910];
	_ =	sdelay $0x1  }
0x76c: {  	v3 =	vor.u32 v3, v1  }
0x76d: {  	v4 =	vor.u32 v4, v0;
	_ =	sdelay $0x1  }
0x76e: {  	v2 =	vadd.f32 v2, v7;
	_ =	sdelay $0x1  }
0x76f: {  	[tilespmem:v3+s20+$0x0] =	vst.idx.msk $0xffff, v2;
	v3 =	vld [tilespmem:$0x1F8B0]  }
0x770: {  	v2 =	vld.idx.msk [tilespmem:v4+s19+$0x0], $0xffff  }
0x771: {  	v4 =	vld [tilespmem:$0x1F8E0];
	_ =	sdelay $0x1  }
0x772: {  	v7 =	vld [tilespmem:$0x1E920];
	_ =	sdelay $0x1  }
0x773: {  	v3 =	vor.u32 v3, v1  }
0x774: {  	v4 =	vor.u32 v4, v0;
	_ =	sdelay $0x1  }
0x775: {  	v2 =	vadd.f32 v2, v7;
	_ =	sdelay $0x1  }
0x776: {  	[tilespmem:v3+s20+$0x0] =	vst.idx.msk $0xffff, v2;
	v3 =	vld [tilespmem:$0x1F8D0]  }
0x777: {  	v2 =	vld.idx.msk [tilespmem:v4+s19+$0x0], $0xffff  }
0x778: {  	v4 =	vld [tilespmem:$0x1F900];
	_ =	sdelay $0x1  }
0x779: {  	v7 =	vld [tilespmem:$0x1E930];
	_ =	sdelay $0x1  }
0x77a: {  	v3 =	vor.u32 v3, v1  }
0x77b: {  	v4 =	vor.u32 v4, v0;
	_ =	sdelay $0x1  }
0x77c: {  	v2 =	vadd.f32 v2, v7;
	_ =	sdelay $0x1  }
0x77d: {  	[tilespmem:v3+s20+$0x0] =	vst.idx.msk $0xffff, v2;
	v3 =	vld [tilespmem:$0x1F8F0]  }
0x77e: {  	v2 =	vld.idx.msk [tilespmem:v4+s19+$0x0], $0xffff  }
0x77f: {  	v4 =	vld [tilespmem:$0x1F920];
	_ =	sdelay $0x1  }
0x780: {  	v7 =	vld [tilespmem:$0x1E940];
	_ =	sdelay $0x1  }
0x781: {  	v3 =	vor.u32 v3, v1  }
0x782: {  	v4 =	vor.u32 v4, v0;
	_ =	sdelay $0x1  }
0x783: {  	v2 =	vadd.f32 v2, v7;
	_ =	sdelay $0x1  }
0x784: {  	[tilespmem:v3+s20+$0x0] =	vst.idx.msk $0xffff, v2;
	v3 =	vld [tilespmem:$0x1F910]  }
0x785: {  	v2 =	vld.idx.msk [tilespmem:v4+s19+$0x0], $0xffff  }
0x786: {  	v4 =	vld [tilespmem:$0x1FFD0];
	_ =	sdelay $0x1  }
0x787: {  	v7 =	vld [tilespmem:$0x1E950];
	_ =	sdelay $0x1  }
0x788: {  	v3 =	vor.u32 v3, v1  }
0x789: {  	v4 =	vor.u32 v4, v0;
	_ =	sdelay $0x1  }
0x78a: {  	v2 =	vadd.f32 v2, v7;
	_ =	sdelay $0x1  }
0x78b: {  	[tilespmem:v3+s20+$0x0] =	vst.idx.msk $0xffff, v2;
	v3 =	vld [tilespmem:$0x1F930]  }
0x78c: {  	v2 =	vld.idx.msk [tilespmem:v4+s19+$0x0], $0xffff  }
0x78d: {  	v4 =	vld [tilespmem:$0x1FFA0];
	_ =	sdelay $0x1  }
0x78e: {  	v7 =	vld [tilespmem:$0x1E960];
	_ =	sdelay $0x1  }
0x78f: {  	v3 =	vor.u32 v3, v1  }
0x790: {  	v4 =	vor.u32 v4, v0;
	_ =	sdelay $0x1  }
0x791: {  	v2 =	vadd.f32 v2, v7;
	_ =	sdelay $0x1  }
0x792: {  	[tilespmem:v3+s20+$0x0] =	vst.idx.msk $0xffff, v2;
	v3 =	vld [tilespmem:$0x1F940]  }
0x793: {  	v2 =	vld.idx.msk [tilespmem:v4+s19+$0x0], $0xffff  }
0x794: {  	v4 =	vld [tilespmem:$0x1FFB0];
	_ =	sdelay $0x1  }
0x795: {  	v7 =	vld [tilespmem:$0x1E970];
	_ =	sdelay $0x1  }
0x796: {  	v3 =	vor.u32 v3, v1  }
0x797: {  	v4 =	vor.u32 v4, v0;
	_ =	sdelay $0x1  }
0x798: {  	v2 =	vadd.f32 v2, v7;
	_ =	sdelay $0x1  }
0x799: {  	[tilespmem:v3+s20+$0x0] =	vst.idx.msk $0xffff, v2;
	v3 =	vld [tilespmem:$0x1F950]  }
0x79a: {  	v2 =	vld.idx.msk [tilespmem:v4+s19+$0x0], $0xffff  }
0x79b: {  	v4 =	vld [tilespmem:$0x1FFC0];
	_ =	sdelay $0x1  }
0x79c: {  	v7 =	vld [tilespmem:$0x1E980];
	_ =	sdelay $0x1  }
0x79d: {  	v3 =	vor.u32 v3, v1  }
0x79e: {  	v4 =	vor.u32 v4, v0;
	_ =	sdelay $0x1  }
0x79f: {  	v2 =	vadd.f32 v2, v7;
	_ =	sdelay $0x1  }
0x7a0: {  	[tilespmem:v3+s20+$0x0] =	vst.idx.msk $0xffff, v2;
	v3 =	vld [tilespmem:$0x1F960]  }
0x7a1: {  	v2 =	vld.idx.msk [tilespmem:v4+s19+$0x0], $0xffff  }
0x7a2: {  	v4 =	vld [tilespmem:$0x1FFE0]  }
0x7a3: {  	v7 =	vld [tilespmem:$0x1E990];
	_ =	sdelay $0x1  }
0x7a4: {  	v3 =	vor.u32 v3, v1;
	_ =	sdelay $0x1  }
0x7a5: {  	v4 =	vor.u32 v4, v0  }
0x7a6: {  	v2 =	vadd.f32 v2, v7;
	_ =	sdelay $0x1  }
0x7a7: {  	[tilespmem:v3+s20+$0x0] =	vst.idx.msk $0xffff, v2;
	v3 =	vld [tilespmem:$0x1F970]  }
0x7a8: {  	v7 =	vld [tilespmem:$0x1E9A0]  }
0x7a9: {  	v2 =	vld.idx.msk [tilespmem:v4+s19+$0x0], $0xffff  }
0x7aa: {  	v4 =	vld [tilespmem:$0x1FFF0];
	_ =	sdelay $0x1  }
0x7ab: {  	v3 =	vor.u32 v3, v1;
	_ =	sdelay $0x2  }
0x7ac: {  	v4 =	vor.u32 v4, v0;
	v2 =	vadd.f32 v2, v7;
	_ =	sdelay $0x1  }
0x7ad: {  	[tilespmem:v3+s20+$0x0] =	vst.idx.msk $0xffff, v2;
	v3 =	vld [tilespmem:$0x1F980];
	_ =	sdelay $0x1  }
0x7ae: {  	v7 =	vld [tilespmem:$0x1E9B0]  }
0x7af: {  	v2 =	vld.idx.msk [tilespmem:v4+s19+$0x0], $0xffff;
	_ =	sdelay $0x1  }
0x7b0: {  	v3 =	vor.u32 v3, v1;
	_ =	sdelay $0x2  }
0x7b1: {  	v4 =	vor.u32 v42, v0;
	v2 =	vadd.f32 v2, v7;
	_ =	sdelay $0x1  }
0x7b2: {  	[tilespmem:v3+s20+$0x0] =	vst.idx.msk $0xffff, v2;
	v3 =	vld [tilespmem:$0x1F990];
	_ =	sdelay $0x1  }
0x7b3: {  	v7 =	vld [tilespmem:$0x1E9C0]  }
0x7b4: {  	v2 =	vld.idx.msk [tilespmem:v4+s19+$0x0], $0xffff;
	_ =	sdelay $0x1  }
0x7b5: {  	v3 =	vor.u32 v3, v1;
	_ =	sdelay $0x2  }
0x7b6: {  	v4 =	vor.u32 v43, v0;
	v2 =	vadd.f32 v2, v7;
	_ =	sdelay $0x1  }
0x7b7: {  	[tilespmem:v3+s20+$0x0] =	vst.idx.msk $0xffff, v2;
	v3 =	vld [tilespmem:$0x1F9A0];
	_ =	sdelay $0x1  }
0x7b8: {  	v7 =	vld [tilespmem:$0x1E9D0]  }
0x7b9: {  	v2 =	vld.idx.msk [tilespmem:v4+s19+$0x0], $0xffff;
	_ =	sdelay $0x1  }
0x7ba: {  	v3 =	vor.u32 v3, v1;
	_ =	sdelay $0x2  }
0x7bb: {  	v4 =	vor.u32 v44, v0;
	v2 =	vadd.f32 v2, v7;
	_ =	sdelay $0x1  }
0x7bc: {  	[tilespmem:v3+s20+$0x0] =	vst.idx.msk $0xffff, v2;
	v3 =	vld [tilespmem:$0x1F9B0];
	_ =	sdelay $0x1  }
0x7bd: {  	v7 =	vld [tilespmem:$0x1E9E0]  }
0x7be: {  	v2 =	vld.idx.msk [tilespmem:v4+s19+$0x0], $0xffff;
	_ =	sdelay $0x1  }
0x7bf: {  	v3 =	vor.u32 v3, v1;
	_ =	sdelay $0x2  }
0x7c0: {  	v4 =	vor.u32 v45, v0;
	v2 =	vadd.f32 v2, v7;
	_ =	sdelay $0x1  }
0x7c1: {  	[tilespmem:v3+s20+$0x0] =	vst.idx.msk $0xffff, v2;
	v3 =	vld [tilespmem:$0x1F9C0];
	_ =	sdelay $0x1  }
0x7c2: {  	v7 =	vld [tilespmem:$0x1E9F0]  }
0x7c3: {  	v2 =	vld.idx.msk [tilespmem:v4+s19+$0x0], $0xffff;
	_ =	sdelay $0x1  }
0x7c4: {  	v3 =	vor.u32 v3, v1;
	_ =	sdelay $0x2  }
0x7c5: {  	v4 =	vor.u32 v34, v0;
	v2 =	vadd.f32 v2, v7;
	_ =	sdelay $0x1  }
0x7c6: {  	[tilespmem:v3+s20+$0x0] =	vst.idx.msk $0xffff, v2;
	v3 =	vld [tilespmem:$0x1F9D0];
	_ =	sdelay $0x1  }
0x7c7: {  	v7 =	vld [tilespmem:$0x1EA00]  }
0x7c8: {  	v2 =	vld.idx.msk [tilespmem:v4+s19+$0x0], $0xffff;
	_ =	sdelay $0x1  }
0x7c9: {  	v3 =	vor.u32 v3, v1;
	_ =	sdelay $0x2  }
0x7ca: {  	v4 =	vor.u32 v46, v0;
	v2 =	vadd.f32 v2, v7;
	_ =	sdelay $0x1  }
0x7cb: {  	[tilespmem:v3+s20+$0x0] =	vst.idx.msk $0xffff, v2;
	v3 =	vld [tilespmem:$0x1F9E0];
	_ =	sdelay $0x1  }
0x7cc: {  	v7 =	vld [tilespmem:$0x1EA10]  }
0x7cd: {  	v2 =	vld.idx.msk [tilespmem:v4+s19+$0x0], $0xffff;
	_ =	sdelay $0x1  }
0x7ce: {  	v3 =	vor.u32 v3, v1;
	_ =	sdelay $0x2  }
0x7cf: {  	v4 =	vor.u32 v47, v0;
	v2 =	vadd.f32 v2, v7;
	_ =	sdelay $0x1  }
0x7d0: {  	[tilespmem:v3+s20+$0x0] =	vst.idx.msk $0xffff, v2;
	v3 =	vld [tilespmem:$0x1F9F0];
	_ =	sdelay $0x1  }
0x7d1: {  	v7 =	vld [tilespmem:$0x1EA20]  }
0x7d2: {  	v2 =	vld.idx.msk [tilespmem:v4+s19+$0x0], $0xffff;
	_ =	sdelay $0x1  }
0x7d3: {  	v3 =	vor.u32 v3, v1;
	_ =	sdelay $0x2  }
0x7d4: {  	v4 =	vor.u32 v16, v0;
	v2 =	vadd.f32 v2, v7;
	_ =	sdelay $0x1  }
0x7d5: {  	[tilespmem:v3+s20+$0x0] =	vst.idx.msk $0xffff, v2;
	v3 =	vld [tilespmem:$0x1FA00];
	_ =	sdelay $0x1  }
0x7d6: {  	v7 =	vld [tilespmem:$0x1EA30]  }
0x7d7: {  	v2 =	vld.idx.msk [tilespmem:v4+s19+$0x0], $0xffff;
	_ =	sdelay $0x1  }
0x7d8: {  	v3 =	vor.u32 v3, v1;
	_ =	sdelay $0x2  }
0x7d9: {  	v4 =	vor.u32 v48, v0;
	v2 =	vadd.f32 v2, v7;
	_ =	sdelay $0x1  }
0x7da: {  	[tilespmem:v3+s20+$0x0] =	vst.idx.msk $0xffff, v2;
	v3 =	vld [tilespmem:$0x1FA10];
	_ =	sdelay $0x1  }
0x7db: {  	v7 =	vld [tilespmem:$0x1EA40]  }
0x7dc: {  	v2 =	vld.idx.msk [tilespmem:v4+s19+$0x0], $0xffff;
	_ =	sdelay $0x1  }
0x7dd: {  	v3 =	vor.u32 v3, v1;
	_ =	sdelay $0x2  }
0x7de: {  	v4 =	vor.u32 v49, v0;
	v2 =	vadd.f32 v2, v7;
	_ =	sdelay $0x1  }
0x7df: {  	[tilespmem:v3+s20+$0x0] =	vst.idx.msk $0xffff, v2;
	v3 =	vld [tilespmem:$0x1FA20];
	_ =	sdelay $0x1  }
0x7e0: {  	v7 =	vld [tilespmem:$0x1EA50]  }
0x7e1: {  	v2 =	vld.idx.msk [tilespmem:v4+s19+$0x0], $0xffff;
	_ =	sdelay $0x1  }
0x7e2: {  	v3 =	vor.u32 v3, v1;
	_ =	sdelay $0x2  }
0x7e3: {  	v4 =	vor.u32 v51, v0;
	v2 =	vadd.f32 v2, v7;
	_ =	sdelay $0x1  }
0x7e4: {  	[tilespmem:v3+s20+$0x0] =	vst.idx.msk $0xffff, v2;
	v3 =	vld [tilespmem:$0x1FA30];
	_ =	sdelay $0x1  }
0x7e5: {  	v7 =	vld [tilespmem:$0x1EA60]  }
0x7e6: {  	v2 =	vld.idx.msk [tilespmem:v4+s19+$0x0], $0xffff;
	_ =	sdelay $0x1  }
0x7e7: {  	v3 =	vor.u32 v3, v1;
	_ =	sdelay $0x2  }
0x7e8: {  	v4 =	vor.u32 v17, v0;
	v2 =	vadd.f32 v2, v7;
	_ =	sdelay $0x1  }
0x7e9: {  	[tilespmem:v3+s20+$0x0] =	vst.idx.msk $0xffff, v2;
	v3 =	vld [tilespmem:$0x1FA40];
	_ =	sdelay $0x1  }
0x7ea: {  	v7 =	vld [tilespmem:$0x1EA70]  }
0x7eb: {  	v2 =	vld.idx.msk [tilespmem:v4+s19+$0x0], $0xffff;
	_ =	sdelay $0x1  }
0x7ec: {  	v3 =	vor.u32 v3, v1;
	_ =	sdelay $0x2  }
0x7ed: {  	v4 =	vor.u32 v50, v0;
	v2 =	vadd.f32 v2, v7;
	_ =	sdelay $0x1  }
0x7ee: {  	[tilespmem:v3+s20+$0x0] =	vst.idx.msk $0xffff, v2;
	v3 =	vld [tilespmem:$0x1FA50];
	_ =	sdelay $0x1  }
0x7ef: {  	v7 =	vld [tilespmem:$0x1EA80]  }
0x7f0: {  	v2 =	vld.idx.msk [tilespmem:v4+s19+$0x0], $0xffff;
	_ =	sdelay $0x1  }
0x7f1: {  	v3 =	vor.u32 v3, v1;
	_ =	sdelay $0x2  }
0x7f2: {  	v4 =	vor.u32 v18, v0;
	v2 =	vadd.f32 v2, v7;
	_ =	sdelay $0x1  }
0x7f3: {  	[tilespmem:v3+s20+$0x0] =	vst.idx.msk $0xffff, v2;
	v3 =	vld [tilespmem:$0x1FA60];
	_ =	sdelay $0x1  }
0x7f4: {  	v7 =	vld [tilespmem:$0x1EA90]  }
0x7f5: {  	v2 =	vld.idx.msk [tilespmem:v4+s19+$0x0], $0xffff;
	_ =	sdelay $0x1  }
0x7f6: {  	v3 =	vor.u32 v3, v1;
	_ =	sdelay $0x2  }
0x7f7: {  	v4 =	vor.u32 v52, v0;
	v2 =	vadd.f32 v2, v7;
	_ =	sdelay $0x1  }
0x7f8: {  	[tilespmem:v3+s20+$0x0] =	vst.idx.msk $0xffff, v2;
	v3 =	vld [tilespmem:$0x1FA70];
	_ =	sdelay $0x1  }
0x7f9: {  	v7 =	vld [tilespmem:$0x1EAA0]  }
0x7fa: {  	v2 =	vld.idx.msk [tilespmem:v4+s19+$0x0], $0xffff;
	_ =	sdelay $0x1  }
0x7fb: {  	v3 =	vor.u32 v3, v1;
	_ =	sdelay $0x2  }
0x7fc: {  	v4 =	vor.u32 v53, v0;
	v2 =	vadd.f32 v2, v7;
	_ =	sdelay $0x1  }
0x7fd: {  	[tilespmem:v3+s20+$0x0] =	vst.idx.msk $0xffff, v2;
	v3 =	vld [tilespmem:$0x1FA80];
	_ =	sdelay $0x1  }
0x7fe: {  	v7 =	vld [tilespmem:$0x1EAB0]  }
0x7ff: {  	v2 =	vld.idx.msk [tilespmem:v4+s19+$0x0], $0xffff;
	_ =	sdelay $0x1  }
0x800: {  	v3 =	vor.u32 v3, v1;
	_ =	sdelay $0x2  }
0x801: {  	v4 =	vor.u32 v19, v0;
	v2 =	vadd.f32 v2, v7;
	_ =	sdelay $0x1  }
0x802: {  	[tilespmem:v3+s20+$0x0] =	vst.idx.msk $0xffff, v2;
	v3 =	vld [tilespmem:$0x1FA90];
	_ =	sdelay $0x1  }
0x803: {  	v7 =	vld [tilespmem:$0x1EAC0]  }
0x804: {  	v2 =	vld.idx.msk [tilespmem:v4+s19+$0x0], $0xffff;
	_ =	sdelay $0x1  }
0x805: {  	v3 =	vor.u32 v3, v1;
	_ =	sdelay $0x2  }
0x806: {  	v4 =	vor.u32 v55, v0;
	v2 =	vadd.f32 v2, v7;
	_ =	sdelay $0x1  }
0x807: {  	[tilespmem:v3+s20+$0x0] =	vst.idx.msk $0xffff, v2;
	v3 =	vld [tilespmem:$0x1FAA0];
	_ =	sdelay $0x1  }
0x808: {  	v7 =	vld [tilespmem:$0x1EAD0]  }
0x809: {  	v2 =	vld.idx.msk [tilespmem:v4+s19+$0x0], $0xffff;
	_ =	sdelay $0x1  }
0x80a: {  	v3 =	vor.u32 v3, v1;
	_ =	sdelay $0x2  }
0x80b: {  	v4 =	vor.u32 v54, v0;
	v2 =	vadd.f32 v2, v7;
	_ =	sdelay $0x1  }
0x80c: {  	[tilespmem:v3+s20+$0x0] =	vst.idx.msk $0xffff, v2;
	v3 =	vld [tilespmem:$0x1FAB0];
	_ =	sdelay $0x1  }
0x80d: {  	v7 =	vld [tilespmem:$0x1EAE0]  }
0x80e: {  	v2 =	vld.idx.msk [tilespmem:v4+s19+$0x0], $0xffff;
	_ =	sdelay $0x1  }
0x80f: {  	v3 =	vor.u32 v3, v1;
	_ =	sdelay $0x2  }
0x810: {  	v4 =	vor.u32 v20, v0;
	v2 =	vadd.f32 v2, v7;
	_ =	sdelay $0x1  }
0x811: {  	[tilespmem:v3+s20+$0x0] =	vst.idx.msk $0xffff, v2;
	v3 =	vld [tilespmem:$0x1FAC0];
	_ =	sdelay $0x1  }
0x812: {  	v7 =	vld [tilespmem:$0x1EAF0]  }
0x813: {  	v2 =	vld.idx.msk [tilespmem:v4+s19+$0x0], $0xffff;
	_ =	sdelay $0x1  }
0x814: {  	v3 =	vor.u32 v3, v1;
	_ =	sdelay $0x2  }
0x815: {  	v4 =	vor.u32 v56, v0;
	v2 =	vadd.f32 v2, v7;
	_ =	sdelay $0x1  }
0x816: {  	[tilespmem:v3+s20+$0x0] =	vst.idx.msk $0xffff, v2;
	v3 =	vld [tilespmem:$0x1FAD0];
	_ =	sdelay $0x1  }
0x817: {  	v7 =	vld [tilespmem:$0x1EB00]  }
0x818: {  	v2 =	vld.idx.msk [tilespmem:v4+s19+$0x0], $0xffff;
	_ =	sdelay $0x1  }
0x819: {  	v3 =	vor.u32 v3, v1;
	_ =	sdelay $0x2  }
0x81a: {  	v4 =	vor.u32 v57, v0;
	v2 =	vadd.f32 v2, v7;
	_ =	sdelay $0x1  }
0x81b: {  	[tilespmem:v3+s20+$0x0] =	vst.idx.msk $0xffff, v2;
	v3 =	vld [tilespmem:$0x1FAE0];
	_ =	sdelay $0x1  }
0x81c: {  	v7 =	vld [tilespmem:$0x1EB10]  }
0x81d: {  	v2 =	vld.idx.msk [tilespmem:v4+s19+$0x0], $0xffff;
	_ =	sdelay $0x1  }
0x81e: {  	v3 =	vor.u32 v3, v1;
	_ =	sdelay $0x2  }
0x81f: {  	v4 =	vor.u32 v21, v0;
	v2 =	vadd.f32 v2, v7;
	_ =	sdelay $0x1  }
0x820: {  	[tilespmem:v3+s20+$0x0] =	vst.idx.msk $0xffff, v2;
	v3 =	vld [tilespmem:$0x1FAF0];
	_ =	sdelay $0x1  }
0x821: {  	v7 =	vld [tilespmem:$0x1EB20]  }
0x822: {  	v2 =	vld.idx.msk [tilespmem:v4+s19+$0x0], $0xffff;
	_ =	sdelay $0x1  }
0x823: {  	v3 =	vor.u32 v3, v1;
	_ =	sdelay $0x2  }
0x824: {  	v4 =	vor.u32 v58, v0;
	v2 =	vadd.f32 v2, v7;
	_ =	sdelay $0x1  }
0x825: {  	[tilespmem:v3+s20+$0x0] =	vst.idx.msk $0xffff, v2;
	v3 =	vld [tilespmem:$0x1FB00];
	_ =	sdelay $0x1  }
0x826: {  	v7 =	vld [tilespmem:$0x1EB30]  }
0x827: {  	v2 =	vld.idx.msk [tilespmem:v4+s19+$0x0], $0xffff;
	_ =	sdelay $0x1  }
0x828: {  	v3 =	vor.u32 v3, v1;
	_ =	sdelay $0x2  }
0x829: {  	v4 =	vor.u32 v59, v0;
	v2 =	vadd.f32 v2, v7;
	_ =	sdelay $0x1  }
0x82a: {  	[tilespmem:v3+s20+$0x0] =	vst.idx.msk $0xffff, v2;
	v3 =	vld [tilespmem:$0x1FB10];
	_ =	sdelay $0x1  }
0x82b: {  	v7 =	vld [tilespmem:$0x1EB40]  }
0x82c: {  	v2 =	vld.idx.msk [tilespmem:v4+s19+$0x0], $0xffff;
	_ =	sdelay $0x1  }
0x82d: {  	v3 =	vor.u32 v3, v1;
	_ =	sdelay $0x2  }
0x82e: {  	v4 =	vor.u32 v22, v0;
	v2 =	vadd.f32 v2, v7;
	_ =	sdelay $0x1  }
0x82f: {  	[tilespmem:v3+s20+$0x0] =	vst.idx.msk $0xffff, v2;
	v3 =	vld [tilespmem:$0x1FB20];
	_ =	sdelay $0x1  }
0x830: {  	v7 =	vld [tilespmem:$0x1EB50]  }
0x831: {  	v2 =	vld.idx.msk [tilespmem:v4+s19+$0x0], $0xffff;
	_ =	sdelay $0x1  }
0x832: {  	v3 =	vor.u32 v3, v1;
	_ =	sdelay $0x2  }
0x833: {  	v4 =	vor.u32 v60, v0;
	v2 =	vadd.f32 v2, v7;
	_ =	sdelay $0x1  }
0x834: {  	[tilespmem:v3+s20+$0x0] =	vst.idx.msk $0xffff, v2;
	v3 =	vld [tilespmem:$0x1FB30];
	_ =	sdelay $0x1  }
0x835: {  	v7 =	vld [tilespmem:$0x1EB60]  }
0x836: {  	v2 =	vld.idx.msk [tilespmem:v4+s19+$0x0], $0xffff;
	_ =	sdelay $0x1  }
0x837: {  	v3 =	vor.u32 v3, v1  }
0x838: {  	v4 =	vor.u32 v23, v0;
	_ =	sdelay $0x1  }
0x839: {  	v2 =	vadd.f32 v2, v7;
	_ =	sdelay $0x1  }
0x83a: {  	v7 =	vld [tilespmem:$0x1EB70];
	[tilespmem:v3+s20+$0x0] =	vst.idx.msk $0xffff, v2  }
0x83b: {  	v2 =	vld.idx.msk [tilespmem:v4+s19+$0x0], $0xffff;
	_ =	sdelay $0x1  }
0x83c: {  	v3 =	vor.u32 v8, v1  }
0x83d: {  	v4 =	vor.u32 v61, v0;
	_ =	sdelay $0x1  }
0x83e: {  	v2 =	vadd.f32 v2, v7;
	_ =	sdelay $0x1  }
0x83f: {  	v7 =	vld [tilespmem:$0x1EB80];
	[tilespmem:v3+s20+$0x0] =	vst.idx.msk $0xffff, v2  }
0x840: {  	v2 =	vld.idx.msk [tilespmem:v4+s19+$0x0], $0xffff;
	_ =	sdelay $0x1  }
0x841: {  	v3 =	vor.u32 v9, v1  }
0x842: {  	v4 =	vor.u32 v24, v0;
	_ =	sdelay $0x1  }
0x843: {  	v2 =	vadd.f32 v2, v7;
	_ =	sdelay $0x1  }
0x844: {  	v7 =	vld [tilespmem:$0x1EB90];
	[tilespmem:v3+s20+$0x0] =	vst.idx.msk $0xffff, v2  }
0x845: {  	v2 =	vld.idx.msk [tilespmem:v4+s19+$0x0], $0xffff;
	_ =	sdelay $0x1  }
0x846: {  	v3 =	vor.u32 v10, v1  }
0x847: {  	v4 =	vor.u32 v62, v0;
	_ =	sdelay $0x1  }
0x848: {  	v2 =	vadd.f32 v2, v7;
	_ =	sdelay $0x1  }
0x849: {  	v7 =	vld [tilespmem:$0x1EBA0];
	[tilespmem:v3+s20+$0x0] =	vst.idx.msk $0xffff, v2  }
0x84a: {  	v2 =	vld.idx.msk [tilespmem:v4+s19+$0x0], $0xffff;
	_ =	sdelay $0x1  }
0x84b: {  	v3 =	vor.u32 v11, v1  }
0x84c: {  	v4 =	vor.u32 v25, v0;
	_ =	sdelay $0x1  }
0x84d: {  	v2 =	vadd.f32 v2, v7;
	_ =	sdelay $0x1  }
0x84e: {  	v7 =	vld [tilespmem:$0x1EBB0];
	[tilespmem:v3+s20+$0x0] =	vst.idx.msk $0xffff, v2  }
0x84f: {  	v2 =	vld.idx.msk [tilespmem:v4+s19+$0x0], $0xffff;
	_ =	sdelay $0x1  }
0x850: {  	v3 =	vor.u32 v12, v1  }
0x851: {  	v4 =	vor.u32 v26, v0;
	_ =	sdelay $0x1  }
0x852: {  	v2 =	vadd.f32 v2, v7;
	_ =	sdelay $0x1  }
0x853: {  	v7 =	vld [tilespmem:$0x1EBC0];
	[tilespmem:v3+s20+$0x0] =	vst.idx.msk $0xffff, v2  }
0x854: {  	v2 =	vld.idx.msk [tilespmem:v4+s19+$0x0], $0xffff;
	_ =	sdelay $0x1  }
0x855: {  	v3 =	vor.u32 v13, v1  }
0x856: {  	v4 =	vor.u32 v27, v0;
	_ =	sdelay $0x1  }
0x857: {  	v2 =	vadd.f32 v2, v7;
	_ =	sdelay $0x1  }
0x858: {  	v7 =	vld [tilespmem:$0x1EBD0];
	[tilespmem:v3+s20+$0x0] =	vst.idx.msk $0xffff, v2  }
0x859: {  	v2 =	vld.idx.msk [tilespmem:v4+s19+$0x0], $0xffff;
	_ =	sdelay $0x1  }
0x85a: {  	v3 =	vor.u32 v14, v1  }
0x85b: {  	v4 =	vor.u32 v28, v0;
	_ =	sdelay $0x1  }
0x85c: {  	v2 =	vadd.f32 v2, v7;
	_ =	sdelay $0x1  }
0x85d: {  	v7 =	vld [tilespmem:$0x1EBE0];
	[tilespmem:v3+s20+$0x0] =	vst.idx.msk $0xffff, v2  }
0x85e: {  	v2 =	vld.idx.msk [tilespmem:v4+s19+$0x0], $0xffff;
	_ =	sdelay $0x1  }
0x85f: {  	v3 =	vor.u32 v15, v1  }
0x860: {  	v4 =	vor.u32 v41, v0;
	_ =	sdelay $0x1  }
0x861: {  	v2 =	vadd.f32 v2, v7;
	_ =	sdelay $0x1  }
0x862: {  	v7 =	vld [tilespmem:$0x1EBF0];
	[tilespmem:v3+s20+$0x0] =	vst.idx.msk $0xffff, v2  }
0x863: {  	v2 =	vld.idx.msk [tilespmem:v4+s19+$0x0], $0xffff;
	_ =	sdelay $0x1  }
0x864: {  	v3 =	vor.u32 v30, v1  }
0x865: {  	v4 =	vor.u32 v63, v0;
	_ =	sdelay $0x1  }
0x866: {  	v2 =	vadd.f32 v2, v7;
	_ =	sdelay $0x1  }
0x867: {  	v7 =	vld [tilespmem:$0x1EC00];
	[tilespmem:v3+s20+$0x0] =	vst.idx.msk $0xffff, v2  }
0x868: {  	v2 =	vld.idx.msk [tilespmem:v4+s19+$0x0], $0xffff;
	_ =	sdelay $0x1  }
0x869: {  	v3 =	vor.u32 v31, v1  }
0x86a: {  	v4 =	vor.u32 v29, v0;
	_ =	sdelay $0x1  }
0x86b: {  	v2 =	vadd.f32 v2, v7;
	_ =	sdelay $0x1  }
0x86c: {  	v7 =	vld [tilespmem:$0x1EC10];
	[tilespmem:v3+s20+$0x0] =	vst.idx.msk $0xffff, v2  }
0x86d: {  	v2 =	vld.idx.msk [tilespmem:v4+s19+$0x0], $0xffff;
	_ =	sdelay $0x1  }
0x86e: {  	v3 =	vor.u32 v32, v1  }
0x86f: {  	v4 =	vor.u32 v35, v0;
	_ =	sdelay $0x1  }
0x870: {  	v2 =	vadd.f32 v2, v7;
	_ =	sdelay $0x1  }
0x871: {  	v7 =	vld [tilespmem:$0x1EC20];
	[tilespmem:v3+s20+$0x0] =	vst.idx.msk $0xffff, v2  }
0x872: {  	v2 =	vld.idx.msk [tilespmem:v4+s19+$0x0], $0xffff;
	_ =	sdelay $0x1  }
0x873: {  	v3 =	vor.u32 v33, v1  }
0x874: {  	v4 =	vor.u32 v36, v0;
	_ =	sdelay $0x1  }
0x875: {  	v2 =	vadd.f32 v2, v7;
	_ =	sdelay $0x1  }
0x876: {  	v7 =	vld [tilespmem:$0x1EC30];
	[tilespmem:v3+s20+$0x0] =	vst.idx.msk $0xffff, v2  }
0x877: {  	v2 =	vld.idx.msk [tilespmem:v4+s19+$0x0], $0xffff;
	_ =	sdelay $0x1  }
0x878: {  	v3 =	vor.u32 v38, v1  }
0x879: {  	v4 =	vor.u32 v37, v0;
	_ =	sdelay $0x1  }
0x87a: {  	v2 =	vadd.f32 v2, v7;
	_ =	sdelay $0x1  }
0x87b: {  	v7 =	vld [tilespmem:$0x1EC40];
	[tilespmem:v3+s20+$0x0] =	vst.idx.msk $0xffff, v2  }
0x87c: {  	v2 =	vld.idx.msk [tilespmem:v4+s19+$0x0], $0xffff;
	_ =	sdelay $0x1  }
0x87d: {  	v3 =	vor.u32 v39, v1  }
0x87e: {  	v0 =	vor.u32 v6, v0;
	_ =	sdelay $0x1  }
0x87f: {  	v2 =	vadd.f32 v2, v7;
	_ =	sdelay $0x1  }
0x880: {  	[tilespmem:v3+s20+$0x0] =	vst.idx.msk $0xffff, v2;
	v2 =	vld [tilespmem:$0x1EC50]  }
0x881: {  	v0 =	vld.idx.msk [tilespmem:v0+s19+$0x0], $0xffff;
	_ =	sdelay $0x1  }
0x882: {  	p0 =	sne.s32 s26, $0xF0;
	v1 =	vor.u32 v40, v1  }
.Ltmp11:
0x883: {  	_ = 	snop;
	(pc) =	sbr.rel @p0 .LBB2_19-.Ltmp11, $3  }
0x884: {  	_ = 	snop  }
0x885: {  	v0 =	vadd.f32 v0, v2;
	_ =	sdelay $0x1  }
0x886: {  	s26 =	sadd.s32 $0x10, s26;
	[tilespmem:v1+s20+$0x0] =	vst.idx.msk $0xffff, v0  }
0x887: {  	v1 =	vld [tilespmem:$0x1FE30]  }
0x888: {  	v2 =	vld [tilespmem:$0x1F780]  }
0x889: {  	v3 =	vld [tilespmem:$0x1F7A0]  }
0x88a: {  	v4 =	vmov v5;
	v5 =	vld [tilespmem:$0x1F7E0]  }
0x88b: {  	v6 =	vld [tilespmem:$0x1F800]  }
0x88c: {  	v7 =	vld [tilespmem:$0x1F820]  }
0x88d: {  	v8 =	vld [tilespmem:$0x1F840]  }
0x88e: {  	v9 =	vld [tilespmem:$0x1F860]  }
0x88f: {  	v10 =	vld [tilespmem:$0x1F880]  }
0x890: {  	v11 =	vld [tilespmem:$0x1F8A0]  }
0x891: {  	v12 =	vld [tilespmem:$0x1F8C0]  }
0x892: {  	v13 =	vld [tilespmem:$0x1F8E0]  }
0x893: {  	v14 =	vld [tilespmem:$0x1F900]  }
0x894: {  	s23 =	sadd.s32 $0x1, s23;
	v15 =	vld [tilespmem:$0x1F920]  }
0x895: {  	v17 =	vld [tilespmem:$0x1FFA0];
	p0 =	sne.s32 s23, $0x14  }
.Ltmp12:
0x896: {  	v18 =	vld [tilespmem:$0x1FFB0];
	(pc) =	sbr.rel @p0 .LBB2_4-.Ltmp12, $4  }
.Ltmp13:
0x897: {  	v19 =	vld [tilespmem:$0x1FFC0];
	(pc) =	sbr.rel @!p0 .LBB2_21-.Ltmp13, $4  }
0x898: {  	s0 =	rddreg [dreg:$0xa];
	v20 =	vld [tilespmem:$0x1FFD0]  }
0x899: {  	s4 =	simm.s32 $0x20000;
	s31 =	simm.s32 $0x800;
	v16 =	vld [tilespmem:$0x1FFE0];
	s0 =	sadd.s32 s5, s0  }
0x89a: {  	v35 =	vlaneseq.u32;
	v21 =	vld [tilespmem:$0x1FFF0];
	[hbm4b:s0+s31] =	stream.strided.scatter [tilespmem:s20], [sflag:$0x4], $0x4000, s4, s31, $0x38  }
0x89b: {  	_ = 	snop  }
.LBB2_5:
.Ltmp14:
0x89c: {  	(pc) =	sbr.rel .LBB2_10-.Ltmp14, $2  }
0x89d: {  	_ =	sdelay $0x2  }
0x89e: {  	s26 =	simm.s32 $0x0  }
.LBB2_7:
.Ltmp15:
0x89f: {  	(pc) =	sbr.rel .LBB2_10-.Ltmp15, $2  }
0x8a0: {  	_ =	sdelay $0x2  }
0x8a1: {  	s23 =	rddreg [dreg:$0xd]  }
.LBB2_22:
0x8a2: {  	_ =	sfence.sel $0x180000  }
0x8a3: {  	[bflag:$0x0] =	sbarrier.arrive $0xFFFF  }
0x8a4: {  	_ =	strace $0x90000047  }
0x8a5: {  	s0 =	stileid.u32;
	[bflag:$0x2] =	sbarrier.arrive $0xFFFF  }
0x8a6: {  	p0 =	sne.s32 s0, $0x0;
	s0 =	rddreg [dreg:$0x3]  }
0x8a7: {  	s0 =	sadd.s32 @!p0 $0x100000, s0  }
0x8a8: {  	[sflag:s0] =	ssyncadd.tile.s32 @!p0 $0x1;
	_ =	shalt  }
.Lfunc_end2:
_tile_overlayer_lowered:
.L_overlay_start_2:
0x8a9: {  	(tag) =	ssettag $0x2  }
0x8aa: {  	s0 =	rddreg [dreg:$0x0];
	s2 =	stileid.u32  }
0x8ab: {  	s1 =	rddreg [dreg:$0x1];
	p0 =	sne.s32 s2, $0x0  }
0x8ac: {  	s3 =	rddreg [dreg:$0x2];
	[bflag:$0x3] =	sbarrier.arrive $0xFFFF;
	s2 =	simm.s32 @!p0 $0x1C05  }
0x8ad: {  	[timem:s3], [sflag:s2] =	dma.local @!p0 [hbm:s0], s1  }
0x8ae: {  	s0 =	simm.s32 @!p0 $0x5  }
0x8af: {  	_ =	swait.ge @!p0 [sflag:s0], s1  }
0x8b0: {  	s1 =	ssub.s32 @!p0 $0x0, s1;
	[sflag:s0] =	ssyncset.done @!p0 $0x0  }
0x8b1: {  	[sflag:s0] =	ssyncadd.s32 @!p0 s1  }
0x8b2: {  	[bflag:$0x3] =	sbarrier.arrive $0xFFFF  }
0x8b3: {  	_ =	shalt  }

</sc_bundles>
